<compile_context>
chip_gen: v7x
topology: tpu7x:2x2x1
jax: 0.10.2.dev20260603
libtpu: 0.0.44.dev20260713+nightly
codegen_flags: <defaults>
</compile_context>

<pallas_src>
import jax
import jax.numpy as jnp
from jax import lax
from jax.experimental import pallas as pl
from jax.experimental.pallas import tpu as pltpu
from jax.experimental.pallas import tpu_sc as plsc

_N, _P, _G, _C = 8, 8732, 64, 21
_P_TILE = 1792
_INT_MIN = -(2 ** 31)


def _stage1_body(pred_ref, gtx_ref, dfx_ref, lconf_ref, lloc_ref, many_ref,
                 mf_ref):
    predT = pred_ref[0].T
    logits = predT[4:25, :]
    m = jnp.max(logits, axis=0, keepdims=True)
    lse = jnp.log(jnp.sum(jnp.exp(logits - m), axis=0, keepdims=True)) + m
    logp = logits - lse

    gtx = gtx_ref[0]
    gclsT = gtx[:, 9:30].T

    d_l = dfx_ref[0:1, :]
    d_r = dfx_ref[1:2, :]
    d_b = dfx_ref[2:3, :]
    d_t = dfx_ref[3:4, :]
    d_area = dfx_ref[4:5, :]
    inv_dw = dfx_ref[5:6, :]
    inv_dh = dfx_ref[6:7, :]

    a_cx = predT[0:1, :] + dfx_ref[7:8, :]
    a_cy = predT[1:2, :] + dfx_ref[8:9, :]
    a_w = predT[2:3, :] + dfx_ref[9:10, :]
    a_h = predT[3:4, :] + dfx_ref[10:11, :]

    def sl1(x):
        ax = jnp.abs(x)
        mm = jnp.minimum(ax, 1.0)
        return (ax - mm) + (0.5 * mm) * mm

    acc = jnp.zeros((8, _P_TILE), jnp.float32)
    for c in range(_G // 8):
        sl = slice(c * 8, c * 8 + 8)
        g_cx = gtx[sl, 0:1]
        g_cy = gtx[sl, 1:2]
        g_l = gtx[sl, 2:3]
        g_r = gtx[sl, 3:4]
        g_b = gtx[sl, 4:5]
        g_t = gtx[sl, 5:6]
        g_area = gtx[sl, 6:7]
        log_gw = gtx[sl, 7:8]
        log_gh = gtx[sl, 8:9]
        w = jnp.maximum(jnp.minimum(g_r, d_r) - jnp.maximum(g_l, d_l), 0.0)
        h = jnp.maximum(jnp.minimum(g_t, d_t) - jnp.maximum(g_b, d_b), 0.0)
        inter = w * h
        match = (3.0 * inter) > (g_area + d_area)
        mf_ref[sl, :] = match.astype(jnp.float32)
        x1 = a_cx - g_cx * inv_dw
        x2 = a_cy - g_cy * inv_dh
        x3 = a_w - log_gw
        x4 = a_h - log_gh
        s = sl1(x1) + sl1(x2) + sl1(x3) + sl1(x4)
        acc = acc + jnp.where(match, s, 0.0)

    lloc = jnp.sum(acc, axis=0, keepdims=True)
    mm_ = jnp.dot(gclsT, mf_ref[...], preferred_element_type=jnp.float32)
    cnt = jnp.sum(mm_, axis=0, keepdims=True)
    lcp = jnp.sum(logp * mm_, axis=0, keepdims=True)
    lc = jnp.where(cnt > 0.0, -lcp, logp[0:1, :])

    lconf_ref[0] = lc
    lloc_ref[0] = lloc
    many_ref[0] = (cnt > 0.0).astype(jnp.float32)


_P_PAD = 8736
_NV = _P_PAD // 16


def _sc_stage2_body(lconf_hbm, lloc_hbm, many_hbm, a_hbm, out_hbm,
                    lc_v, ll_v, my_v, uk_v, av_v, hist_v, res_v):
    imin = jnp.int32(_INT_MIN)
    wid = lax.axis_index("s") * 2 + lax.axis_index("c")

    @pl.when(wid < _N)
    def _work():
        lanes = lax.iota(jnp.int32, 16)
        pltpu.sync_copy(lconf_hbm.at[wid], lc_v)
        pltpu.sync_copy(lloc_hbm.at[wid], ll_v)
        pltpu.sync_copy(many_hbm.at[wid], my_v)
        pltpu.sync_copy(a_hbm, av_v)

        def build(v, _):
            f = lax.bitcast_convert_type(lc_v[pl.ds(v * 16, 16)], jnp.int32)
            u = jnp.where(f < 0, ~f, f ^ imin)
            u = jnp.where(v * 16 + lanes < _P, u, jnp.int32(-1))
            uk_v[pl.ds(v * 16, 16)] = u
            return 0
        lax.fori_loop(0, _NV, build, 0, unroll=13)

        def cntm(v, acc):
            mv = my_v[pl.ds(v * 16, 16)]
            return acc + jnp.where(v * 16 + lanes < _P, mv, 0.0)
        posf = jnp.sum(lax.fori_loop(0, _NV, cntm, jnp.zeros((16,), jnp.float32), unroll=13))
        pos_orig = posf.astype(jnp.int32)
        pos = jnp.maximum(pos_orig, 1)
        neg = jnp.maximum(jnp.minimum(_P - pos_orig, 3 * pos), 1)

        ones_i = jnp.ones((16,), jnp.int32)

        def select2(k_lo0, k_hi0):
            def refine(k, hoff):
                bincnt = jnp.zeros((16,), jnp.int32)
                for b in range(16):
                    cb = jnp.sum(hist_v[pl.ds(hoff + b * 16, 16)])
                    bincnt = jnp.where(lanes == b, cb, bincnt)
                incl = plsc.cumsum(bincnt)
                excl = incl - bincnt
                bsel = plsc.all_reduce_ffs(incl >= k)
                bs = bsel if getattr(bsel, "ndim", 0) == 0 else jnp.max(bsel)
                below = jnp.sum(jnp.where(lanes == bs, excl, 0))
                return bs, below

            def pass_body(p, carry):
                p_lo, k_lo, p_hi, k_hi, hmask = carry
                shift = 28 - p * 4
                for b in range(32):
                    hist_v[pl.ds(b * 16, 16)] = jnp.zeros((16,), jnp.int32)

                def scan(v, _):
                    u = uk_v[pl.ds(v * 16, 16)]
                    shv = jnp.full((16,), shift, jnp.int32)
                    idx = (lax.shift_right_logical(u, shv) & 15) * 16 + lanes
                    masked = u & hmask
                    plsc.addupdate_scatter(hist_v, [idx], ones_i,
                                           mask=masked == p_lo)
                    plsc.addupdate_scatter(hist_v, [idx + 256], ones_i,
                                           mask=masked == p_hi)
                    return 0
                lax.fori_loop(0, _NV, scan, 0, unroll=13)

                bs_lo, below_lo = refine(k_lo, 0)
                bs_hi, below_hi = refine(k_hi, 256)
                p_lo = p_lo | lax.shift_left(bs_lo, shift)
                p_hi = p_hi | lax.shift_left(bs_hi, shift)
                hmask = hmask | lax.shift_left(jnp.int32(15), shift)
                return p_lo, k_lo - below_lo, p_hi, k_hi - below_hi, hmask

            p_lo, _, p_hi, _, _ = lax.fori_loop(
                0, 8, pass_body,
                (jnp.int32(0), k_lo0, jnp.int32(0), k_hi0, jnp.int32(0)))
            return p_lo, p_hi

        uk_lo, uk_hi = select2(neg, _P - pos + 1)
        slo = uk_lo ^ imin
        shi = uk_hi ^ imin

        av = av_v[...]

        def csum(v, acc):
            sk = uk_v[pl.ds(v * 16, 16)] ^ imin
            va = ((sk < slo) | (sk > shi)) & (v * 16 + lanes < _P)
            lcv = lc_v[pl.ds(v * 16, 16)]
            llv = ll_v[pl.ds(v * 16, 16)]
            return acc + jnp.where(va, llv + av * jnp.abs(lcv), 0.0)
        accc = lax.fori_loop(0, _NV, csum, jnp.zeros((16,), jnp.float32), unroll=13)
        row = jnp.sum(accc)
        posv = jnp.full((16,), pos.astype(jnp.float32))
        res_v[...] = jnp.where(lanes == 0, row, 0.0) / posv
        pltpu.sync_copy(res_v, out_hbm.at[wid])


def kernel(pred_bboxes, default_bboxes, gt_bboxes, a=1):
    dcx = default_bboxes[:, 0]
    dcy = default_bboxes[:, 1]
    dw = default_bboxes[:, 2]
    dh = default_bboxes[:, 3]
    dfx = jnp.stack([
        dcx - dw * 0.5, dcx + dw * 0.5, dcy - dh * 0.5, dcy + dh * 0.5,
        dw * dh, 1.0 / dw, 1.0 / dh, dcx / dw, dcy / dh,
        jnp.log(dw), jnp.log(dh)], axis=0)

    gcx = gt_bboxes[..., 0]
    gcy = gt_bboxes[..., 1]
    gw = gt_bboxes[..., 2]
    gh = gt_bboxes[..., 3]
    gtx = jnp.concatenate([
        jnp.stack([gcx, gcy, gcx - gw * 0.5, gcx + gw * 0.5,
                   gcy - gh * 0.5, gcy + gh * 0.5, gw * gh,
                   jnp.log(gw), jnp.log(gh)], axis=-1),
        gt_bboxes[..., 4:25],
        jnp.zeros((_N, _G, 2), jnp.float32)], axis=-1)

    n_tiles = (_P + _P_TILE - 1) // _P_TILE
    out2 = jax.ShapeDtypeStruct((_N, 1, _P_PAD), jnp.float32)
    lconf, lloc, many = pl.pallas_call(
        _stage1_body,
        grid=(_N, n_tiles),
        in_specs=[
            pl.BlockSpec((1, _P_TILE, 25), lambda n, t: (n, t, 0)),
            pl.BlockSpec((1, _G, 32), lambda n, t: (n, 0, 0)),
            pl.BlockSpec((11, _P_TILE), lambda n, t: (0, t)),
        ],
        out_specs=[
            pl.BlockSpec((1, 1, _P_TILE), lambda n, t: (n, 0, t)),
            pl.BlockSpec((1, 1, _P_TILE), lambda n, t: (n, 0, t)),
            pl.BlockSpec((1, 1, _P_TILE), lambda n, t: (n, 0, t)),
        ],
        out_shape=[out2, out2, out2],
        scratch_shapes=[pltpu.VMEM((_G, _P_TILE), jnp.float32)],
    )(pred_bboxes, gtx, dfx)

    a_arr = jnp.full((16,), a, jnp.float32)
    import functools
    sc_call = functools.partial(
        pl.kernel,
        out_type=jax.ShapeDtypeStruct((_N, 16), jnp.float32),
        mesh=plsc.VectorSubcoreMesh(core_axis_name="c", subcore_axis_name="s"),
        compiler_params=pltpu.CompilerParams(needs_layout_passes=False),
        scratch_types=[
            pltpu.VMEM((_P_PAD,), jnp.float32),
            pltpu.VMEM((_P_PAD,), jnp.float32),
            pltpu.VMEM((_P_PAD,), jnp.float32),
            pltpu.VMEM((_P_PAD,), jnp.int32),
            pltpu.VMEM((16,), jnp.float32),
            pltpu.VMEM((512,), jnp.int32),
            pltpu.VMEM((16,), jnp.float32),
        ],
    )(_sc_stage2_body)
    out = sc_call(lconf.reshape(_N, _P_PAD), lloc.reshape(_N, _P_PAD),
                  many.reshape(_N, _P_PAD), a_arr)
    return jnp.sum(out) / float(_N)

# --- scband reference (transcript-rebuilt; emitter-appended) ---
"""Pipeline reference for scband-ssdloss-56032143344093 (READ-ONLY COPY).

The authoritative reference and input builder live on the scoring server;
editing this copy changes nothing except your own understanding.
"""

import jax, jax.numpy as jnp
import numpy as np

N, P, G, C = 8, 8732, 64, 21


def smooth_l1(x):
    # elementwise smooth-L1 summed over the last (coordinate) axis -> (N,P,G)
    ax = jnp.abs(x)
    return jnp.where(ax < 1.0, 0.5 * x * x, ax - 0.5).sum(axis=-1)


def match(gt, df, threshold=0.5):
    gt = gt[:, None, :, :]
    df = df[None, :, None, :]
    g_cx, g_cy, g_w, g_h = gt[..., 0], gt[..., 1], gt[..., 2], gt[..., 3]
    d_cx, d_cy, d_w, d_h = df[..., 0], df[..., 1], df[..., 2], df[..., 3]
    w = jnp.clip(jnp.minimum(g_cx + g_w / 2, d_cx + d_w / 2) - jnp.maximum(g_cx - g_w / 2, d_cx - d_w / 2), 0.0, None)
    h = jnp.clip(jnp.minimum(g_cy + g_h / 2, d_cy + d_h / 2) - jnp.maximum(g_cy - g_h / 2, d_cy - d_h / 2), 0.0, None)
    return (w * h / (g_w * g_h + d_w * d_h - w * h)) > threshold


def calc_delta(gt, df):
    # standard SSD box encoding -> (N,P,G,4)
    gtb = gt[:, None, :, :4]
    dfb = df[None, :, None, :]
    dcx = (gtb[..., 0] - dfb[..., 0]) / dfb[..., 2]
    dcy = (gtb[..., 1] - dfb[..., 1]) / dfb[..., 3]
    dw = jnp.log(gtb[..., 2] / dfb[..., 2])
    dh = jnp.log(gtb[..., 3] / dfb[..., 3])
    return jnp.stack([dcx, dcy, dw, dh], axis=-1)


def softmax_cross_entropy(pr, gt):
    # pr: (N,P,C), gt: (N or 1, G, C) -> (N,P,G)
    logp = jax.nn.log_softmax(pr, axis=-1)
    gt_b = jnp.broadcast_to(gt, (logp.shape[0], gt.shape[1], gt.shape[2]))
    return -jnp.einsum('npc,ngc->npg', logp, gt_b)


def split_pos_neg(pos_num, neg_num):
    # hard-negative mining at 3:1 ratio; clamp to >=1 for kthvalue/div safety
    pos_num = jnp.clip(pos_num, 1, None)
    neg_num = jnp.clip(jnp.minimum(neg_num, 3 * pos_num), 1, None)
    return pos_num, neg_num


def ssd_loss(pred_bboxes, default_bboxes, gt_bboxes, a=1):
    n = pred_bboxes.shape[0]
    p = pred_bboxes.shape[1]
    c = pred_bboxes.shape[2] - 4
    is_match = match(gt_bboxes, default_bboxes)
    l = pred_bboxes[:, :, :4][:, :, None, :]
    g = calc_delta(gt_bboxes, default_bboxes)
    l_loc = (smooth_l1(l - g) * is_match).sum(axis=2)
    softmax_pos = softmax_cross_entropy(pred_bboxes[:, :, 4:], gt_bboxes[:, :, 4:])
    l_conf = (softmax_pos * is_match).sum(axis=2)
    gt_neg = jnp.eye(c, dtype=pred_bboxes.dtype)[0][None, None, :]
    softmax_neg = softmax_cross_entropy(pred_bboxes[:, :, 4:], gt_neg)
    l_conf = l_conf + jnp.squeeze(softmax_neg, axis=2) * ((is_match.sum(axis=2) == 0) * -1)
    pos_num = (is_match.sum(axis=2) != 0).sum(axis=1)
    neg_num = p - pos_num
    pos_num, neg_num = split_pos_neg(pos_num, neg_num)
    # kthvalue(l_conf[i], k=neg_num[i]) == sort ascending, take index neg_num-1
    sorted_asc = jnp.sort(l_conf, axis=1)
    kth_neg = jnp.take_along_axis(sorted_asc, (neg_num - 1)[:, None], axis=1)
    valid_mask = kth_neg > l_conf
    sorted_neg = jnp.sort(-l_conf, axis=1)
    kth_pos = jnp.take_along_axis(sorted_neg, (pos_num - 1)[:, None], axis=1)
    valid_mask = valid_mask | ((-kth_pos) < l_conf)
    loss = (((l_loc + a * jnp.abs(l_conf)) * valid_mask).sum(axis=1) / pos_num.astype(jnp.float32)).mean()
    return loss


def setup_inputs(seed: int = 0) -> dict:
    key = jax.random.key(seed)
    k1, k2, k3, k4, k5, k6 = jax.random.split(key, 6)
    pred_bboxes = jax.random.normal(k1, (N, P, 4 + C), dtype=jnp.float32)
    df_cxcy = jax.random.uniform(k2, (P, 2), dtype=jnp.float32)
    df_wh = jax.random.uniform(k3, (P, 2), dtype=jnp.float32, minval=0.05, maxval=1.0)
    default_bboxes = jnp.concatenate([df_cxcy, df_wh], axis=1)
    gt_cxcy = jax.random.uniform(k4, (N, G, 2), dtype=jnp.float32)
    gt_wh = jax.random.uniform(k5, (N, G, 2), dtype=jnp.float32, minval=0.05, maxval=1.0)
    gt_cls = jax.nn.one_hot(jax.random.randint(k6, (N, G), 1, C), C, dtype=jnp.float32)
    gt_bboxes = jnp.concatenate([gt_cxcy, gt_wh, gt_cls], axis=2)
    return {"pred_bboxes": pred_bboxes, "default_bboxes": default_bboxes, "gt_bboxes": gt_bboxes, "a": 1}


def reference(pred_bboxes, default_bboxes, gt_bboxes, a=1):
    return ssd_loss(pred_bboxes, default_bboxes, gt_bboxes, a)

if __name__ == "__main__":
    import jax
    _d = setup_inputs()
    print(jax.jit(kernel)(*tuple(_d.values())))

</pallas_src>

<mosaic_0001>
#map = affine_map<(d0, d1) -> (0, 0)>
#map1 = affine_map<(d0, d1) -> (0)>
module attributes {stable_mosaic.version = 14 : i64} {
  func.func @_sc_stage2_body(%arg0: i32, %arg1: i32, %arg2: memref<8x8736xf32, #tpu.memory_space<hbm>>, %arg3: memref<8x8736xf32, #tpu.memory_space<hbm>>, %arg4: memref<8x8736xf32, #tpu.memory_space<hbm>>, %arg5: memref<16xf32, #tpu.memory_space<hbm>>, %arg6: memref<8x16xf32, #tpu.memory_space<hbm>>, %arg7: memref<8736xf32, #tpu.memory_space<vmem>>, %arg8: memref<8736xf32, #tpu.memory_space<vmem>>, %arg9: memref<8736xf32, #tpu.memory_space<vmem>>, %arg10: memref<8736xi32, #tpu.memory_space<vmem>>, %arg11: memref<16xf32, #tpu.memory_space<vmem>>, %arg12: memref<512xi32, #tpu.memory_space<vmem>>, %arg13: memref<16xf32, #tpu.memory_space<vmem>>) attributes {dimension_semantics = [#tpu.dimension_semantics<core_parallel>, #tpu.dimension_semantics<subcore_parallel>], iteration_bounds = array<i64: 2, 16>, scalar_prefetch = 0 : i64, scratch_operands = 7 : i64, tpu.core_type = #tpu.core_type<sc_vector_subcore>, window_params = [{transform_indices = #map}, {transform_indices = #map}, {transform_indices = #map}, {transform_indices = #map1}, {transform_indices = #map}]} {
    %mul3A = arith.constant 2 : i32
    %mul3A_0 = arith.muli %arg1, %mul3A : i32
    %add3A = arith.addi %mul3A_0, %arg0 : i32
    %lt3A = arith.constant 8 : i32
    %lt3A_1 = arith.cmpi slt, %add3A, %lt3A : i32
    %convert_element_type3A = arith.extui %lt3A_1 : i1 to i32
    %cond3A = arith.constant -2147483648 : i32
    %cond3A_2 = arith.constant 0 : i32
    %cond3A_3 = arith.cmpi ne, %convert_element_type3A, %cond3A_2 : i32
    scf.if %cond3A_3 {
      %iota3A = tpu.iota {dimensions = array<i32: 0>} : vector<16xi32>
      "tpu.region"() ({
        %run_scoped3A = tpu.sem_alloc : memref<!tpu.dma_semaphore, #tpu.memory_space<semaphore_mem>>
        %dma_start3A = arith.constant 0 : i32
        %dma_start3A_63 = tpu.memref_slice %arg2[%add3A, %dma_start3A] : memref<8x8736xf32, #tpu.memory_space<hbm>> -> memref<1x8736xf32, #tpu.memory_space<hbm>>
        %dma_start3A_64 = tpu.memref_squeeze %dma_start3A_63 : memref<1x8736xf32, #tpu.memory_space<hbm>> -> memref<8736xf32, #tpu.memory_space<hbm>>
        %dma_start3A_65 = arith.constant 0 : i32
        %dma_start3A_66 = tpu.memref_slice %arg2[%add3A, %dma_start3A_65] : memref<8x8736xf32, #tpu.memory_space<hbm>> -> memref<1x8736xf32, #tpu.memory_space<hbm>>
        %dma_start3A_67 = tpu.memref_squeeze %dma_start3A_66 : memref<1x8736xf32, #tpu.memory_space<hbm>> -> memref<8736xf32, #tpu.memory_space<hbm>>
        tpu.enqueue_dma source(%dma_start3A_67 : memref<8736xf32, #tpu.memory_space<hbm>>) target(%arg7 : memref<8736xf32, #tpu.memory_space<vmem>>) target_semaphore(%run_scoped3A : memref<!tpu.dma_semaphore, #tpu.memory_space<semaphore_mem>>)
        %dma_wait3A = arith.constant 0 : i32
        %dma_wait3A_68 = tpu.memref_slice %arg2[%add3A, %dma_wait3A] : memref<8x8736xf32, #tpu.memory_space<hbm>> -> memref<1x8736xf32, #tpu.memory_space<hbm>>
        %dma_wait3A_69 = tpu.memref_squeeze %dma_wait3A_68 : memref<1x8736xf32, #tpu.memory_space<hbm>> -> memref<8736xf32, #tpu.memory_space<hbm>>
        %dma_wait3A_70 = arith.constant 0 : i32
        %dma_wait3A_71 = tpu.memref_slice %arg2[%add3A, %dma_wait3A_70] : memref<8x8736xf32, #tpu.memory_space<hbm>> -> memref<1x8736xf32, #tpu.memory_space<hbm>>
        %dma_wait3A_72 = tpu.memref_squeeze %dma_wait3A_71 : memref<1x8736xf32, #tpu.memory_space<hbm>> -> memref<8736xf32, #tpu.memory_space<hbm>>
        tpu.wait_dma2 semaphore(%run_scoped3A : memref<!tpu.dma_semaphore, #tpu.memory_space<semaphore_mem>>) src(%dma_wait3A_72 : memref<8736xf32, #tpu.memory_space<hbm>>) dst(%arg7 : memref<8736xf32, #tpu.memory_space<vmem>>)
        tpu.yield
      }) : () -> ()
      "tpu.region"() ({
        %run_scoped3A = tpu.sem_alloc : memref<!tpu.dma_semaphore, #tpu.memory_space<semaphore_mem>>
        %dma_start3A = arith.constant 0 : i32
        %dma_start3A_63 = tpu.memref_slice %arg3[%add3A, %dma_start3A] : memref<8x8736xf32, #tpu.memory_space<hbm>> -> memref<1x8736xf32, #tpu.memory_space<hbm>>
        %dma_start3A_64 = tpu.memref_squeeze %dma_start3A_63 : memref<1x8736xf32, #tpu.memory_space<hbm>> -> memref<8736xf32, #tpu.memory_space<hbm>>
        %dma_start3A_65 = arith.constant 0 : i32
        %dma_start3A_66 = tpu.memref_slice %arg3[%add3A, %dma_start3A_65] : memref<8x8736xf32, #tpu.memory_space<hbm>> -> memref<1x8736xf32, #tpu.memory_space<hbm>>
        %dma_start3A_67 = tpu.memref_squeeze %dma_start3A_66 : memref<1x8736xf32, #tpu.memory_space<hbm>> -> memref<8736xf32, #tpu.memory_space<hbm>>
        tpu.enqueue_dma source(%dma_start3A_67 : memref<8736xf32, #tpu.memory_space<hbm>>) target(%arg8 : memref<8736xf32, #tpu.memory_space<vmem>>) target_semaphore(%run_scoped3A : memref<!tpu.dma_semaphore, #tpu.memory_space<semaphore_mem>>)
        %dma_wait3A = arith.constant 0 : i32
        %dma_wait3A_68 = tpu.memref_slice %arg3[%add3A, %dma_wait3A] : memref<8x8736xf32, #tpu.memory_space<hbm>> -> memref<1x8736xf32, #tpu.memory_space<hbm>>
        %dma_wait3A_69 = tpu.memref_squeeze %dma_wait3A_68 : memref<1x8736xf32, #tpu.memory_space<hbm>> -> memref<8736xf32, #tpu.memory_space<hbm>>
        %dma_wait3A_70 = arith.constant 0 : i32
        %dma_wait3A_71 = tpu.memref_slice %arg3[%add3A, %dma_wait3A_70] : memref<8x8736xf32, #tpu.memory_space<hbm>> -> memref<1x8736xf32, #tpu.memory_space<hbm>>
        %dma_wait3A_72 = tpu.memref_squeeze %dma_wait3A_71 : memref<1x8736xf32, #tpu.memory_space<hbm>> -> memref<8736xf32, #tpu.memory_space<hbm>>
        tpu.wait_dma2 semaphore(%run_scoped3A : memref<!tpu.dma_semaphore, #tpu.memory_space<semaphore_mem>>) src(%dma_wait3A_72 : memref<8736xf32, #tpu.memory_space<hbm>>) dst(%arg8 : memref<8736xf32, #tpu.memory_space<vmem>>)
        tpu.yield
      }) : () -> ()
      "tpu.region"() ({
        %run_scoped3A = tpu.sem_alloc : memref<!tpu.dma_semaphore, #tpu.memory_space<semaphore_mem>>
        %dma_start3A = arith.constant 0 : i32
        %dma_start3A_63 = tpu.memref_slice %arg4[%add3A, %dma_start3A] : memref<8x8736xf32, #tpu.memory_space<hbm>> -> memref<1x8736xf32, #tpu.memory_space<hbm>>
        %dma_start3A_64 = tpu.memref_squeeze %dma_start3A_63 : memref<1x8736xf32, #tpu.memory_space<hbm>> -> memref<8736xf32, #tpu.memory_space<hbm>>
        %dma_start3A_65 = arith.constant 0 : i32
        %dma_start3A_66 = tpu.memref_slice %arg4[%add3A, %dma_start3A_65] : memref<8x8736xf32, #tpu.memory_space<hbm>> -> memref<1x8736xf32, #tpu.memory_space<hbm>>
        %dma_start3A_67 = tpu.memref_squeeze %dma_start3A_66 : memref<1x8736xf32, #tpu.memory_space<hbm>> -> memref<8736xf32, #tpu.memory_space<hbm>>
        tpu.enqueue_dma source(%dma_start3A_67 : memref<8736xf32, #tpu.memory_space<hbm>>) target(%arg9 : memref<8736xf32, #tpu.memory_space<vmem>>) target_semaphore(%run_scoped3A : memref<!tpu.dma_semaphore, #tpu.memory_space<semaphore_mem>>)
        %dma_wait3A = arith.constant 0 : i32
        %dma_wait3A_68 = tpu.memref_slice %arg4[%add3A, %dma_wait3A] : memref<8x8736xf32, #tpu.memory_space<hbm>> -> memref<1x8736xf32, #tpu.memory_space<hbm>>
        %dma_wait3A_69 = tpu.memref_squeeze %dma_wait3A_68 : memref<1x8736xf32, #tpu.memory_space<hbm>> -> memref<8736xf32, #tpu.memory_space<hbm>>
        %dma_wait3A_70 = arith.constant 0 : i32
        %dma_wait3A_71 = tpu.memref_slice %arg4[%add3A, %dma_wait3A_70] : memref<8x8736xf32, #tpu.memory_space<hbm>> -> memref<1x8736xf32, #tpu.memory_space<hbm>>
        %dma_wait3A_72 = tpu.memref_squeeze %dma_wait3A_71 : memref<1x8736xf32, #tpu.memory_space<hbm>> -> memref<8736xf32, #tpu.memory_space<hbm>>
        tpu.wait_dma2 semaphore(%run_scoped3A : memref<!tpu.dma_semaphore, #tpu.memory_space<semaphore_mem>>) src(%dma_wait3A_72 : memref<8736xf32, #tpu.memory_space<hbm>>) dst(%arg9 : memref<8736xf32, #tpu.memory_space<vmem>>)
        tpu.yield
      }) : () -> ()
      "tpu.region"() ({
        %run_scoped3A = tpu.sem_alloc : memref<!tpu.dma_semaphore, #tpu.memory_space<semaphore_mem>>
        tpu.enqueue_dma source(%arg5 : memref<16xf32, #tpu.memory_space<hbm>>) target(%arg11 : memref<16xf32, #tpu.memory_space<vmem>>) target_semaphore(%run_scoped3A : memref<!tpu.dma_semaphore, #tpu.memory_space<semaphore_mem>>)
        tpu.wait_dma2 semaphore(%run_scoped3A : memref<!tpu.dma_semaphore, #tpu.memory_space<semaphore_mem>>) src(%arg5 : memref<16xf32, #tpu.memory_space<hbm>>) dst(%arg11 : memref<16xf32, #tpu.memory_space<vmem>>)
        tpu.yield
      }) : () -> ()
      %scan3A = arith.constant 0 : i32
      %scan3A_4 = arith.constant 0 : i32
      %scan3A_5 = arith.constant 546 : i32
      %scan3A_6 = arith.addi %scan3A_4, %scan3A_5 : i32
      %scan3A_7 = arith.constant 13 : i32
      %scan3A_8 = scf.for %scan3A_63 = %scan3A_4 to %scan3A_6 step %scan3A_7 iter_args(%scan3A_64 = %scan3A) -> (i32)  : i32 {
        %mul3A_65 = arith.constant 16 : i32
        %mul3A_66 = arith.muli %scan3A_63, %mul3A_65 : i32
        %get3A_67 = arith.index_cast %mul3A_66 : i32 to index
        %get3A_68 = tpu.vector_load %arg7[%get3A_67] {strides = array<i32>} : memref<8736xf32, #tpu.memory_space<vmem>>, vector<16xf32>,
        %bitcast_convert_type3A = tpu.bitcast %get3A_68 : vector<16xf32> -> vector<16xi32>
        %lt3A_69 = arith.constant 0 : i32
        %lt3A_70 = vector.broadcast %lt3A_69 : i32 to vector<16xi32>
        %lt3A_71 = arith.cmpi slt, %bitcast_convert_type3A, %lt3A_70 : vector<16xi32>
        %not3A = arith.constant dense<-1> : vector<16xi32>
        %not3A_72 = arith.xori %bitcast_convert_type3A, %not3A : vector<16xi32>
        %xor3A_73 = vector.broadcast %cond3A : i32 to vector<16xi32>
        %xor3A_74 = arith.xori %bitcast_convert_type3A, %xor3A_73 : vector<16xi32>
        %select_n3A_75 = arith.select %lt3A_71, %not3A_72, %xor3A_74 : vector<16xi1>, vector<16xi32>
        %mul3A_76 = arith.constant 16 : i32
        %mul3A_77 = arith.muli %scan3A_63, %mul3A_76 : i32
        %add3A_78 = vector.broadcast %mul3A_77 : i32 to vector<16xi32>
        %add3A_79 = arith.addi %add3A_78, %iota3A : vector<16xi32>
        %lt3A_80 = arith.constant 8732 : i32
        %lt3A_81 = vector.broadcast %lt3A_80 : i32 to vector<16xi32>
        %lt3A_82 = arith.cmpi slt, %add3A_79, %lt3A_81 : vector<16xi32>
        %jit3A_83 = arith.constant -1 : i32
        %broadcast_in_dim3A_84 = vector.broadcast %jit3A_83 : i32 to vector<16xi32>
        %select_n3A_85 = arith.select %lt3A_82, %select_n3A_75, %broadcast_in_dim3A_84 : vector<16xi1>, vector<16xi32>
        %mul3A_86 = arith.constant 16 : i32
        %mul3A_87 = arith.muli %scan3A_63, %mul3A_86 : i32
        %swap3A_88 = arith.index_cast %mul3A_87 : i32 to index
        %swap3A_89 = tpu.vector_load %arg10[%swap3A_88] {strides = array<i32>} : memref<8736xi32, #tpu.memory_space<vmem>>, vector<16xi32>,
        tpu.vector_store %arg10[%swap3A_88], %select_n3A_85 {strides = array<i32>} : memref<8736xi32, #tpu.memory_space<vmem>>, vector<16xi32>,
        %scan3A_90 = arith.constant 0 : i32
        %scan3A_91 = arith.constant 1 : i32
        %scan3A_92 = arith.addi %scan3A_63, %scan3A_91 : i32
        %mul3A_93 = arith.constant 16 : i32
        %mul3A_94 = arith.muli %scan3A_92, %mul3A_93 : i32
        %get3A_95 = arith.index_cast %mul3A_94 : i32 to index
        %get3A_96 = tpu.vector_load %arg7[%get3A_95] {strides = array<i32>} : memref<8736xf32, #tpu.memory_space<vmem>>, vector<16xf32>,
        %bitcast_convert_type3A_97 = tpu.bitcast %get3A_96 : vector<16xf32> -> vector<16xi32>
        %lt3A_98 = arith.constant 0 : i32
        %lt3A_99 = vector.broadcast %lt3A_98 : i32 to vector<16xi32>
        %lt3A_100 = arith.cmpi slt, %bitcast_convert_type3A_97, %lt3A_99 : vector<16xi32>
        %not3A_101 = arith.constant dense<-1> : vector<16xi32>
        %not3A_102 = arith.xori %bitcast_convert_type3A_97, %not3A_101 : vector<16xi32>
        %xor3A_103 = vector.broadcast %cond3A : i32 to vector<16xi32>
        %xor3A_104 = arith.xori %bitcast_convert_type3A_97, %xor3A_103 : vector<16xi32>
        %select_n3A_105 = arith.select %lt3A_100, %not3A_102, %xor3A_104 : vector<16xi1>, vector<16xi32>
        %mul3A_106 = arith.constant 16 : i32
        %mul3A_107 = arith.muli %scan3A_92, %mul3A_106 : i32
        %add3A_108 = vector.broadcast %mul3A_107 : i32 to vector<16xi32>
        %add3A_109 = arith.addi %add3A_108, %iota3A : vector<16xi32>
        %lt3A_110 = arith.constant 8732 : i32
        %lt3A_111 = vector.broadcast %lt3A_110 : i32 to vector<16xi32>
        %lt3A_112 = arith.cmpi slt, %add3A_109, %lt3A_111 : vector<16xi32>
        %jit3A_113 = arith.constant -1 : i32
        %broadcast_in_dim3A_114 = vector.broadcast %jit3A_113 : i32 to vector<16xi32>
        %select_n3A_115 = arith.select %lt3A_112, %select_n3A_105, %broadcast_in_dim3A_114 : vector<16xi1>, vector<16xi32>
        %mul3A_116 = arith.constant 16 : i32
        %mul3A_117 = arith.muli %scan3A_92, %mul3A_116 : i32
        %swap3A_118 = arith.index_cast %mul3A_117 : i32 to index
        %swap3A_119 = tpu.vector_load %arg10[%swap3A_118] {strides = array<i32>} : memref<8736xi32, #tpu.memory_space<vmem>>, vector<16xi32>,
        tpu.vector_store %arg10[%swap3A_118], %select_n3A_115 {strides = array<i32>} : memref<8736xi32, #tpu.memory_space<vmem>>, vector<16xi32>,
        %scan3A_120 = arith.constant 0 : i32
        %scan3A_121 = arith.constant 2 : i32
        %scan3A_122 = arith.addi %scan3A_63, %scan3A_121 : i32
        %mul3A_123 = arith.constant 16 : i32
        %mul3A_124 = arith.muli %scan3A_122, %mul3A_123 : i32
        %get3A_125 = arith.index_cast %mul3A_124 : i32 to index
        %get3A_126 = tpu.vector_load %arg7[%get3A_125] {strides = array<i32>} : memref<8736xf32, #tpu.memory_space<vmem>>, vector<16xf32>,
        %bitcast_convert_type3A_127 = tpu.bitcast %get3A_126 : vector<16xf32> -> vector<16xi32>
        %lt3A_128 = arith.constant 0 : i32
        %lt3A_129 = vector.broadcast %lt3A_128 : i32 to vector<16xi32>
        %lt3A_130 = arith.cmpi slt, %bitcast_convert_type3A_127, %lt3A_129 : vector<16xi32>
        %not3A_131 = arith.constant dense<-1> : vector<16xi32>
        %not3A_132 = arith.xori %bitcast_convert_type3A_127, %not3A_131 : vector<16xi32>
        %xor3A_133 = vector.broadcast %cond3A : i32 to vector<16xi32>
        %xor3A_134 = arith.xori %bitcast_convert_type3A_127, %xor3A_133 : vector<16xi32>
        %select_n3A_135 = arith.select %lt3A_130, %not3A_132, %xor3A_134 : vector<16xi1>, vector<16xi32>
        %mul3A_136 = arith.constant 16 : i32
        %mul3A_137 = arith.muli %scan3A_122, %mul3A_136 : i32
        %add3A_138 = vector.broadcast %mul3A_137 : i32 to vector<16xi32>
        %add3A_139 = arith.addi %add3A_138, %iota3A : vector<16xi32>
        %lt3A_140 = arith.constant 8732 : i32
        %lt3A_141 = vector.broadcast %lt3A_140 : i32 to vector<16xi32>
        %lt3A_142 = arith.cmpi slt, %add3A_139, %lt3A_141 : vector<16xi32>
        %jit3A_143 = arith.constant -1 : i32
        %broadcast_in_dim3A_144 = vector.broadcast %jit3A_143 : i32 to vector<16xi32>
        %select_n3A_145 = arith.select %lt3A_142, %select_n3A_135, %broadcast_in_dim3A_144 : vector<16xi1>, vector<16xi32>
        %mul3A_146 = arith.constant 16 : i32
        %mul3A_147 = arith.muli %scan3A_122, %mul3A_146 : i32
        %swap3A_148 = arith.index_cast %mul3A_147 : i32 to index
        %swap3A_149 = tpu.vector_load %arg10[%swap3A_148] {strides = array<i32>} : memref<8736xi32, #tpu.memory_space<vmem>>, vector<16xi32>,
        tpu.vector_store %arg10[%swap3A_148], %select_n3A_145 {strides = array<i32>} : memref<8736xi32, #tpu.memory_space<vmem>>, vector<16xi32>,
        %scan3A_150 = arith.constant 0 : i32
        %scan3A_151 = arith.constant 3 : i32
        %scan3A_152 = arith.addi %scan3A_63, %scan3A_151 : i32
        %mul3A_153 = arith.constant 16 : i32
        %mul3A_154 = arith.muli %scan3A_152, %mul3A_153 : i32
        %get3A_155 = arith.index_cast %mul3A_154 : i32 to index
        %get3A_156 = tpu.vector_load %arg7[%get3A_155] {strides = array<i32>} : memref<8736xf32, #tpu.memory_space<vmem>>, vector<16xf32>,
        %bitcast_convert_type3A_157 = tpu.bitcast %get3A_156 : vector<16xf32> -> vector<16xi32>
        %lt3A_158 = arith.constant 0 : i32
        %lt3A_159 = vector.broadcast %lt3A_158 : i32 to vector<16xi32>
        %lt3A_160 = arith.cmpi slt, %bitcast_convert_type3A_157, %lt3A_159 : vector<16xi32>
        %not3A_161 = arith.constant dense<-1> : vector<16xi32>
        %not3A_162 = arith.xori %bitcast_convert_type3A_157, %not3A_161 : vector<16xi32>
        %xor3A_163 = vector.broadcast %cond3A : i32 to vector<16xi32>
        %xor3A_164 = arith.xori %bitcast_convert_type3A_157, %xor3A_163 : vector<16xi32>
        %select_n3A_165 = arith.select %lt3A_160, %not3A_162, %xor3A_164 : vector<16xi1>, vector<16xi32>
        %mul3A_166 = arith.constant 16 : i32
        %mul3A_167 = arith.muli %scan3A_152, %mul3A_166 : i32
        %add3A_168 = vector.broadcast %mul3A_167 : i32 to vector<16xi32>
        %add3A_169 = arith.addi %add3A_168, %iota3A : vector<16xi32>
        %lt3A_170 = arith.constant 8732 : i32
        %lt3A_171 = vector.broadcast %lt3A_170 : i32 to vector<16xi32>
        %lt3A_172 = arith.cmpi slt, %add3A_169, %lt3A_171 : vector<16xi32>
        %jit3A_173 = arith.constant -1 : i32
        %broadcast_in_dim3A_174 = vector.broadcast %jit3A_173 : i32 to vector<16xi32>
        %select_n3A_175 = arith.select %lt3A_172, %select_n3A_165, %broadcast_in_dim3A_174 : vector<16xi1>, vector<16xi32>
        %mul3A_176 = arith.constant 16 : i32
        %mul3A_177 = arith.muli %scan3A_152, %mul3A_176 : i32
        %swap3A_178 = arith.index_cast %mul3A_177 : i32 to index
        %swap3A_179 = tpu.vector_load %arg10[%swap3A_178] {strides = array<i32>} : memref<8736xi32, #tpu.memory_space<vmem>>, vector<16xi32>,
        tpu.vector_store %arg10[%swap3A_178], %select_n3A_175 {strides = array<i32>} : memref<8736xi32, #tpu.memory_space<vmem>>, vector<16xi32>,
        %scan3A_180 = arith.constant 0 : i32
        %scan3A_181 = arith.constant 4 : i32
        %scan3A_182 = arith.addi %scan3A_63, %scan3A_181 : i32
        %mul3A_183 = arith.constant 16 : i32
        %mul3A_184 = arith.muli %scan3A_182, %mul3A_183 : i32
        %get3A_185 = arith.index_cast %mul3A_184 : i32 to index
        %get3A_186 = tpu.vector_load %arg7[%get3A_185] {strides = array<i32>} : memref<8736xf32, #tpu.memory_space<vmem>>, vector<16xf32>,
        %bitcast_convert_type3A_187 = tpu.bitcast %get3A_186 : vector<16xf32> -> vector<16xi32>
        %lt3A_188 = arith.constant 0 : i32
        %lt3A_189 = vector.broadcast %lt3A_188 : i32 to vector<16xi32>
        %lt3A_190 = arith.cmpi slt, %bitcast_convert_type3A_187, %lt3A_189 : vector<16xi32>
        %not3A_191 = arith.constant dense<-1> : vector<16xi32>
        %not3A_192 = arith.xori %bitcast_convert_type3A_187, %not3A_191 : vector<16xi32>
        %xor3A_193 = vector.broadcast %cond3A : i32 to vector<16xi32>
        %xor3A_194 = arith.xori %bitcast_convert_type3A_187, %xor3A_193 : vector<16xi32>
        %select_n3A_195 = arith.select %lt3A_190, %not3A_192, %xor3A_194 : vector<16xi1>, vector<16xi32>
        %mul3A_196 = arith.constant 16 : i32
        %mul3A_197 = arith.muli %scan3A_182, %mul3A_196 : i32
        %add3A_198 = vector.broadcast %mul3A_197 : i32 to vector<16xi32>
        %add3A_199 = arith.addi %add3A_198, %iota3A : vector<16xi32>
        %lt3A_200 = arith.constant 8732 : i32
        %lt3A_201 = vector.broadcast %lt3A_200 : i32 to vector<16xi32>
        %lt3A_202 = arith.cmpi slt, %add3A_199, %lt3A_201 : vector<16xi32>
        %jit3A_203 = arith.constant -1 : i32
        %broadcast_in_dim3A_204 = vector.broadcast %jit3A_203 : i32 to vector<16xi32>
        %select_n3A_205 = arith.select %lt3A_202, %select_n3A_195, %broadcast_in_dim3A_204 : vector<16xi1>, vector<16xi32>
        %mul3A_206 = arith.constant 16 : i32
        %mul3A_207 = arith.muli %scan3A_182, %mul3A_206 : i32
        %swap3A_208 = arith.index_cast %mul3A_207 : i32 to index
        %swap3A_209 = tpu.vector_load %arg10[%swap3A_208] {strides = array<i32>} : memref<8736xi32, #tpu.memory_space<vmem>>, vector<16xi32>,
        tpu.vector_store %arg10[%swap3A_208], %select_n3A_205 {strides = array<i32>} : memref<8736xi32, #tpu.memory_space<vmem>>, vector<16xi32>,
        %scan3A_210 = arith.constant 0 : i32
        %scan3A_211 = arith.constant 5 : i32
        %scan3A_212 = arith.addi %scan3A_63, %scan3A_211 : i32
        %mul3A_213 = arith.constant 16 : i32
        %mul3A_214 = arith.muli %scan3A_212, %mul3A_213 : i32
        %get3A_215 = arith.index_cast %mul3A_214 : i32 to index
        %get3A_216 = tpu.vector_load %arg7[%get3A_215] {strides = array<i32>} : memref<8736xf32, #tpu.memory_space<vmem>>, vector<16xf32>,
        %bitcast_convert_type3A_217 = tpu.bitcast %get3A_216 : vector<16xf32> -> vector<16xi32>
        %lt3A_218 = arith.constant 0 : i32
        %lt3A_219 = vector.broadcast %lt3A_218 : i32 to vector<16xi32>
        %lt3A_220 = arith.cmpi slt, %bitcast_convert_type3A_217, %lt3A_219 : vector<16xi32>
        %not3A_221 = arith.constant dense<-1> : vector<16xi32>
        %not3A_222 = arith.xori %bitcast_convert_type3A_217, %not3A_221 : vector<16xi32>
        %xor3A_223 = vector.broadcast %cond3A : i32 to vector<16xi32>
        %xor3A_224 = arith.xori %bitcast_convert_type3A_217, %xor3A_223 : vector<16xi32>
        %select_n3A_225 = arith.select %lt3A_220, %not3A_222, %xor3A_224 : vector<16xi1>, vector<16xi32>
        %mul3A_226 = arith.constant 16 : i32
        %mul3A_227 = arith.muli %scan3A_212, %mul3A_226 : i32
        %add3A_228 = vector.broadcast %mul3A_227 : i32 to vector<16xi32>
        %add3A_229 = arith.addi %add3A_228, %iota3A : vector<16xi32>
        %lt3A_230 = arith.constant 8732 : i32
        %lt3A_231 = vector.broadcast %lt3A_230 : i32 to vector<16xi32>
        %lt3A_232 = arith.cmpi slt, %add3A_229, %lt3A_231 : vector<16xi32>
        %jit3A_233 = arith.constant -1 : i32
        %broadcast_in_dim3A_234 = vector.broadcast %jit3A_233 : i32 to vector<16xi32>
        %select_n3A_235 = arith.select %lt3A_232, %select_n3A_225, %broadcast_in_dim3A_234 : vector<16xi1>, vector<16xi32>
        %mul3A_236 = arith.constant 16 : i32
        %mul3A_237 = arith.muli %scan3A_212, %mul3A_236 : i32
        %swap3A_238 = arith.index_cast %mul3A_237 : i32 to index
        %swap3A_239 = tpu.vector_load %arg10[%swap3A_238] {strides = array<i32>} : memref<8736xi32, #tpu.memory_space<vmem>>, vector<16xi32>,
        tpu.vector_store %arg10[%swap3A_238], %select_n3A_235 {strides = array<i32>} : memref<8736xi32, #tpu.memory_space<vmem>>, vector<16xi32>,
        %scan3A_240 = arith.constant 0 : i32
        %scan3A_241 = arith.constant 6 : i32
        %scan3A_242 = arith.addi %scan3A_63, %scan3A_241 : i32
        %mul3A_243 = arith.constant 16 : i32
        %mul3A_244 = arith.muli %scan3A_242, %mul3A_243 : i32
        %get3A_245 = arith.index_cast %mul3A_244 : i32 to index
        %get3A_246 = tpu.vector_load %arg7[%get3A_245] {strides = array<i32>} : memref<8736xf32, #tpu.memory_space<vmem>>, vector<16xf32>,
        %bitcast_convert_type3A_247 = tpu.bitcast %get3A_246 : vector<16xf32> -> vector<16xi32>
        %lt3A_248 = arith.constant 0 : i32
        %lt3A_249 = vector.broadcast %lt3A_248 : i32 to vector<16xi32>
        %lt3A_250 = arith.cmpi slt, %bitcast_convert_type3A_247, %lt3A_249 : vector<16xi32>
        %not3A_251 = arith.constant dense<-1> : vector<16xi32>
        %not3A_252 = arith.xori %bitcast_convert_type3A_247, %not3A_251 : vector<16xi32>
        %xor3A_253 = vector.broadcast %cond3A : i32 to vector<16xi32>
        %xor3A_254 = arith.xori %bitcast_convert_type3A_247, %xor3A_253 : vector<16xi32>
        %select_n3A_255 = arith.select %lt3A_250, %not3A_252, %xor3A_254 : vector<16xi1>, vector<16xi32>
        %mul3A_256 = arith.constant 16 : i32
        %mul3A_257 = arith.muli %scan3A_242, %mul3A_256 : i32
        %add3A_258 = vector.broadcast %mul3A_257 : i32 to vector<16xi32>
        %add3A_259 = arith.addi %add3A_258, %iota3A : vector<16xi32>
        %lt3A_260 = arith.constant 8732 : i32
        %lt3A_261 = vector.broadcast %lt3A_260 : i32 to vector<16xi32>
        %lt3A_262 = arith.cmpi slt, %add3A_259, %lt3A_261 : vector<16xi32>
        %jit3A_263 = arith.constant -1 : i32
        %broadcast_in_dim3A_264 = vector.broadcast %jit3A_263 : i32 to vector<16xi32>
        %select_n3A_265 = arith.select %lt3A_262, %select_n3A_255, %broadcast_in_dim3A_264 : vector<16xi1>, vector<16xi32>
        %mul3A_266 = arith.constant 16 : i32
        %mul3A_267 = arith.muli %scan3A_242, %mul3A_266 : i32
        %swap3A_268 = arith.index_cast %mul3A_267 : i32 to index
        %swap3A_269 = tpu.vector_load %arg10[%swap3A_268] {strides = array<i32>} : memref<8736xi32, #tpu.memory_space<vmem>>, vector<16xi32>,
        tpu.vector_store %arg10[%swap3A_268], %select_n3A_265 {strides = array<i32>} : memref<8736xi32, #tpu.memory_space<vmem>>, vector<16xi32>,
        %scan3A_270 = arith.constant 0 : i32
        %scan3A_271 = arith.constant 7 : i32
        %scan3A_272 = arith.addi %scan3A_63, %scan3A_271 : i32
        %mul3A_273 = arith.constant 16 : i32
        %mul3A_274 = arith.muli %scan3A_272, %mul3A_273 : i32
        %get3A_275 = arith.index_cast %mul3A_274 : i32 to index
        %get3A_276 = tpu.vector_load %arg7[%get3A_275] {strides = array<i32>} : memref<8736xf32, #tpu.memory_space<vmem>>, vector<16xf32>,
        %bitcast_convert_type3A_277 = tpu.bitcast %get3A_276 : vector<16xf32> -> vector<16xi32>
        %lt3A_278 = arith.constant 0 : i32
        %lt3A_279 = vector.broadcast %lt3A_278 : i32 to vector<16xi32>
        %lt3A_280 = arith.cmpi slt, %bitcast_convert_type3A_277, %lt3A_279 : vector<16xi32>
        %not3A_281 = arith.constant dense<-1> : vector<16xi32>
        %not3A_282 = arith.xori %bitcast_convert_type3A_277, %not3A_281 : vector<16xi32>
        %xor3A_283 = vector.broadcast %cond3A : i32 to vector<16xi32>
        %xor3A_284 = arith.xori %bitcast_convert_type3A_277, %xor3A_283 : vector<16xi32>
        %select_n3A_285 = arith.select %lt3A_280, %not3A_282, %xor3A_284 : vector<16xi1>, vector<16xi32>
        %mul3A_286 = arith.constant 16 : i32
        %mul3A_287 = arith.muli %scan3A_272, %mul3A_286 : i32
        %add3A_288 = vector.broadcast %mul3A_287 : i32 to vector<16xi32>
        %add3A_289 = arith.addi %add3A_288, %iota3A : vector<16xi32>
        %lt3A_290 = arith.constant 8732 : i32
        %lt3A_291 = vector.broadcast %lt3A_290 : i32 to vector<16xi32>
        %lt3A_292 = arith.cmpi slt, %add3A_289, %lt3A_291 : vector<16xi32>
        %jit3A_293 = arith.constant -1 : i32
        %broadcast_in_dim3A_294 = vector.broadcast %jit3A_293 : i32 to vector<16xi32>
        %select_n3A_295 = arith.select %lt3A_292, %select_n3A_285, %broadcast_in_dim3A_294 : vector<16xi1>, vector<16xi32>
        %mul3A_296 = arith.constant 16 : i32
        %mul3A_297 = arith.muli %scan3A_272, %mul3A_296 : i32
        %swap3A_298 = arith.index_cast %mul3A_297 : i32 to index
        %swap3A_299 = tpu.vector_load %arg10[%swap3A_298] {strides = array<i32>} : memref<8736xi32, #tpu.memory_space<vmem>>, vector<16xi32>,
        tpu.vector_store %arg10[%swap3A_298], %select_n3A_295 {strides = array<i32>} : memref<8736xi32, #tpu.memory_space<vmem>>, vector<16xi32>,
        %scan3A_300 = arith.constant 0 : i32
        %scan3A_301 = arith.constant 8 : i32
        %scan3A_302 = arith.addi %scan3A_63, %scan3A_301 : i32
        %mul3A_303 = arith.constant 16 : i32
        %mul3A_304 = arith.muli %scan3A_302, %mul3A_303 : i32
        %get3A_305 = arith.index_cast %mul3A_304 : i32 to index
        %get3A_306 = tpu.vector_load %arg7[%get3A_305] {strides = array<i32>} : memref<8736xf32, #tpu.memory_space<vmem>>, vector<16xf32>,
        %bitcast_convert_type3A_307 = tpu.bitcast %get3A_306 : vector<16xf32> -> vector<16xi32>
        %lt3A_308 = arith.constant 0 : i32
        %lt3A_309 = vector.broadcast %lt3A_308 : i32 to vector<16xi32>
        %lt3A_310 = arith.cmpi slt, %bitcast_convert_type3A_307, %lt3A_309 : vector<16xi32>
        %not3A_311 = arith.constant dense<-1> : vector<16xi32>
        %not3A_312 = arith.xori %bitcast_convert_type3A_307, %not3A_311 : vector<16xi32>
        %xor3A_313 = vector.broadcast %cond3A : i32 to vector<16xi32>
        %xor3A_314 = arith.xori %bitcast_convert_type3A_307, %xor3A_313 : vector<16xi32>
        %select_n3A_315 = arith.select %lt3A_310, %not3A_312, %xor3A_314 : vector<16xi1>, vector<16xi32>
        %mul3A_316 = arith.constant 16 : i32
        %mul3A_317 = arith.muli %scan3A_302, %mul3A_316 : i32
        %add3A_318 = vector.broadcast %mul3A_317 : i32 to vector<16xi32>
        %add3A_319 = arith.addi %add3A_318, %iota3A : vector<16xi32>
        %lt3A_320 = arith.constant 8732 : i32
        %lt3A_321 = vector.broadcast %lt3A_320 : i32 to vector<16xi32>
        %lt3A_322 = arith.cmpi slt, %add3A_319, %lt3A_321 : vector<16xi32>
        %jit3A_323 = arith.constant -1 : i32
        %broadcast_in_dim3A_324 = vector.broadcast %jit3A_323 : i32 to vector<16xi32>
        %select_n3A_325 = arith.select %lt3A_322, %select_n3A_315, %broadcast_in_dim3A_324 : vector<16xi1>, vector<16xi32>
        %mul3A_326 = arith.constant 16 : i32
        %mul3A_327 = arith.muli %scan3A_302, %mul3A_326 : i32
        %swap3A_328 = arith.index_cast %mul3A_327 : i32 to index
        %swap3A_329 = tpu.vector_load %arg10[%swap3A_328] {strides = array<i32>} : memref<8736xi32, #tpu.memory_space<vmem>>, vector<16xi32>,
        tpu.vector_store %arg10[%swap3A_328], %select_n3A_325 {strides = array<i32>} : memref<8736xi32, #tpu.memory_space<vmem>>, vector<16xi32>,
        %scan3A_330 = arith.constant 0 : i32
        %scan3A_331 = arith.constant 9 : i32
        %scan3A_332 = arith.addi %scan3A_63, %scan3A_331 : i32
        %mul3A_333 = arith.constant 16 : i32
        %mul3A_334 = arith.muli %scan3A_332, %mul3A_333 : i32
        %get3A_335 = arith.index_cast %mul3A_334 : i32 to index
        %get3A_336 = tpu.vector_load %arg7[%get3A_335] {strides = array<i32>} : memref<8736xf32, #tpu.memory_space<vmem>>, vector<16xf32>,
        %bitcast_convert_type3A_337 = tpu.bitcast %get3A_336 : vector<16xf32> -> vector<16xi32>
        %lt3A_338 = arith.constant 0 : i32
        %lt3A_339 = vector.broadcast %lt3A_338 : i32 to vector<16xi32>
        %lt3A_340 = arith.cmpi slt, %bitcast_convert_type3A_337, %lt3A_339 : vector<16xi32>
        %not3A_341 = arith.constant dense<-1> : vector<16xi32>
        %not3A_342 = arith.xori %bitcast_convert_type3A_337, %not3A_341 : vector<16xi32>
        %xor3A_343 = vector.broadcast %cond3A : i32 to vector<16xi32>
        %xor3A_344 = arith.xori %bitcast_convert_type3A_337, %xor3A_343 : vector<16xi32>
        %select_n3A_345 = arith.select %lt3A_340, %not3A_342, %xor3A_344 : vector<16xi1>, vector<16xi32>
        %mul3A_346 = arith.constant 16 : i32
        %mul3A_347 = arith.muli %scan3A_332, %mul3A_346 : i32
        %add3A_348 = vector.broadcast %mul3A_347 : i32 to vector<16xi32>
        %add3A_349 = arith.addi %add3A_348, %iota3A : vector<16xi32>
        %lt3A_350 = arith.constant 8732 : i32
        %lt3A_351 = vector.broadcast %lt3A_350 : i32 to vector<16xi32>
        %lt3A_352 = arith.cmpi slt, %add3A_349, %lt3A_351 : vector<16xi32>
        %jit3A_353 = arith.constant -1 : i32
        %broadcast_in_dim3A_354 = vector.broadcast %jit3A_353 : i32 to vector<16xi32>
        %select_n3A_355 = arith.select %lt3A_352, %select_n3A_345, %broadcast_in_dim3A_354 : vector<16xi1>, vector<16xi32>
        %mul3A_356 = arith.constant 16 : i32
        %mul3A_357 = arith.muli %scan3A_332, %mul3A_356 : i32
        %swap3A_358 = arith.index_cast %mul3A_357 : i32 to index
        %swap3A_359 = tpu.vector_load %arg10[%swap3A_358] {strides = array<i32>} : memref<8736xi32, #tpu.memory_space<vmem>>, vector<16xi32>,
        tpu.vector_store %arg10[%swap3A_358], %select_n3A_355 {strides = array<i32>} : memref<8736xi32, #tpu.memory_space<vmem>>, vector<16xi32>,
        %scan3A_360 = arith.constant 0 : i32
        %scan3A_361 = arith.constant 10 : i32
        %scan3A_362 = arith.addi %scan3A_63, %scan3A_361 : i32
        %mul3A_363 = arith.constant 16 : i32
        %mul3A_364 = arith.muli %scan3A_362, %mul3A_363 : i32
        %get3A_365 = arith.index_cast %mul3A_364 : i32 to index
        %get3A_366 = tpu.vector_load %arg7[%get3A_365] {strides = array<i32>} : memref<8736xf32, #tpu.memory_space<vmem>>, vector<16xf32>,
        %bitcast_convert_type3A_367 = tpu.bitcast %get3A_366 : vector<16xf32> -> vector<16xi32>
        %lt3A_368 = arith.constant 0 : i32
        %lt3A_369 = vector.broadcast %lt3A_368 : i32 to vector<16xi32>
        %lt3A_370 = arith.cmpi slt, %bitcast_convert_type3A_367, %lt3A_369 : vector<16xi32>
        %not3A_371 = arith.constant dense<-1> : vector<16xi32>
        %not3A_372 = arith.xori %bitcast_convert_type3A_367, %not3A_371 : vector<16xi32>
        %xor3A_373 = vector.broadcast %cond3A : i32 to vector<16xi32>
        %xor3A_374 = arith.xori %bitcast_convert_type3A_367, %xor3A_373 : vector<16xi32>
        %select_n3A_375 = arith.select %lt3A_370, %not3A_372, %xor3A_374 : vector<16xi1>, vector<16xi32>
        %mul3A_376 = arith.constant 16 : i32
        %mul3A_377 = arith.muli %scan3A_362, %mul3A_376 : i32
        %add3A_378 = vector.broadcast %mul3A_377 : i32 to vector<16xi32>
        %add3A_379 = arith.addi %add3A_378, %iota3A : vector<16xi32>
        %lt3A_380 = arith.constant 8732 : i32
        %lt3A_381 = vector.broadcast %lt3A_380 : i32 to vector<16xi32>
        %lt3A_382 = arith.cmpi slt, %add3A_379, %lt3A_381 : vector<16xi32>
        %jit3A_383 = arith.constant -1 : i32
        %broadcast_in_dim3A_384 = vector.broadcast %jit3A_383 : i32 to vector<16xi32>
        %select_n3A_385 = arith.select %lt3A_382, %select_n3A_375, %broadcast_in_dim3A_384 : vector<16xi1>, vector<16xi32>
        %mul3A_386 = arith.constant 16 : i32
        %mul3A_387 = arith.muli %scan3A_362, %mul3A_386 : i32
        %swap3A_388 = arith.index_cast %mul3A_387 : i32 to index
        %swap3A_389 = tpu.vector_load %arg10[%swap3A_388] {strides = array<i32>} : memref<8736xi32, #tpu.memory_space<vmem>>, vector<16xi32>,
        tpu.vector_store %arg10[%swap3A_388], %select_n3A_385 {strides = array<i32>} : memref<8736xi32, #tpu.memory_space<vmem>>, vector<16xi32>,
        %scan3A_390 = arith.constant 0 : i32
        %scan3A_391 = arith.constant 11 : i32
        %scan3A_392 = arith.addi %scan3A_63, %scan3A_391 : i32
        %mul3A_393 = arith.constant 16 : i32
        %mul3A_394 = arith.muli %scan3A_392, %mul3A_393 : i32
        %get3A_395 = arith.index_cast %mul3A_394 : i32 to index
        %get3A_396 = tpu.vector_load %arg7[%get3A_395] {strides = array<i32>} : memref<8736xf32, #tpu.memory_space<vmem>>, vector<16xf32>,
        %bitcast_convert_type3A_397 = tpu.bitcast %get3A_396 : vector<16xf32> -> vector<16xi32>
        %lt3A_398 = arith.constant 0 : i32
        %lt3A_399 = vector.broadcast %lt3A_398 : i32 to vector<16xi32>
        %lt3A_400 = arith.cmpi slt, %bitcast_convert_type3A_397, %lt3A_399 : vector<16xi32>
        %not3A_401 = arith.constant dense<-1> : vector<16xi32>
        %not3A_402 = arith.xori %bitcast_convert_type3A_397, %not3A_401 : vector<16xi32>
        %xor3A_403 = vector.broadcast %cond3A : i32 to vector<16xi32>
        %xor3A_404 = arith.xori %bitcast_convert_type3A_397, %xor3A_403 : vector<16xi32>
        %select_n3A_405 = arith.select %lt3A_400, %not3A_402, %xor3A_404 : vector<16xi1>, vector<16xi32>
        %mul3A_406 = arith.constant 16 : i32
        %mul3A_407 = arith.muli %scan3A_392, %mul3A_406 : i32
        %add3A_408 = vector.broadcast %mul3A_407 : i32 to vector<16xi32>
        %add3A_409 = arith.addi %add3A_408, %iota3A : vector<16xi32>
        %lt3A_410 = arith.constant 8732 : i32
        %lt3A_411 = vector.broadcast %lt3A_410 : i32 to vector<16xi32>
        %lt3A_412 = arith.cmpi slt, %add3A_409, %lt3A_411 : vector<16xi32>
        %jit3A_413 = arith.constant -1 : i32
        %broadcast_in_dim3A_414 = vector.broadcast %jit3A_413 : i32 to vector<16xi32>
        %select_n3A_415 = arith.select %lt3A_412, %select_n3A_405, %broadcast_in_dim3A_414 : vector<16xi1>, vector<16xi32>
        %mul3A_416 = arith.constant 16 : i32
        %mul3A_417 = arith.muli %scan3A_392, %mul3A_416 : i32
        %swap3A_418 = arith.index_cast %mul3A_417 : i32 to index
        %swap3A_419 = tpu.vector_load %arg10[%swap3A_418] {strides = array<i32>} : memref<8736xi32, #tpu.memory_space<vmem>>, vector<16xi32>,
        tpu.vector_store %arg10[%swap3A_418], %select_n3A_415 {strides = array<i32>} : memref<8736xi32, #tpu.memory_space<vmem>>, vector<16xi32>,
        %scan3A_420 = arith.constant 0 : i32
        %scan3A_421 = arith.constant 12 : i32
        %scan3A_422 = arith.addi %scan3A_63, %scan3A_421 : i32
        %mul3A_423 = arith.constant 16 : i32
        %mul3A_424 = arith.muli %scan3A_422, %mul3A_423 : i32
        %get3A_425 = arith.index_cast %mul3A_424 : i32 to index
        %get3A_426 = tpu.vector_load %arg7[%get3A_425] {strides = array<i32>} : memref<8736xf32, #tpu.memory_space<vmem>>, vector<16xf32>,
        %bitcast_convert_type3A_427 = tpu.bitcast %get3A_426 : vector<16xf32> -> vector<16xi32>
        %lt3A_428 = arith.constant 0 : i32
        %lt3A_429 = vector.broadcast %lt3A_428 : i32 to vector<16xi32>
        %lt3A_430 = arith.cmpi slt, %bitcast_convert_type3A_427, %lt3A_429 : vector<16xi32>
        %not3A_431 = arith.constant dense<-1> : vector<16xi32>
        %not3A_432 = arith.xori %bitcast_convert_type3A_427, %not3A_431 : vector<16xi32>
        %xor3A_433 = vector.broadcast %cond3A : i32 to vector<16xi32>
        %xor3A_434 = arith.xori %bitcast_convert_type3A_427, %xor3A_433 : vector<16xi32>
        %select_n3A_435 = arith.select %lt3A_430, %not3A_432, %xor3A_434 : vector<16xi1>, vector<16xi32>
        %mul3A_436 = arith.constant 16 : i32
        %mul3A_437 = arith.muli %scan3A_422, %mul3A_436 : i32
        %add3A_438 = vector.broadcast %mul3A_437 : i32 to vector<16xi32>
        %add3A_439 = arith.addi %add3A_438, %iota3A : vector<16xi32>
        %lt3A_440 = arith.constant 8732 : i32
        %lt3A_441 = vector.broadcast %lt3A_440 : i32 to vector<16xi32>
        %lt3A_442 = arith.cmpi slt, %add3A_439, %lt3A_441 : vector<16xi32>
        %jit3A_443 = arith.constant -1 : i32
        %broadcast_in_dim3A_444 = vector.broadcast %jit3A_443 : i32 to vector<16xi32>
        %select_n3A_445 = arith.select %lt3A_442, %select_n3A_435, %broadcast_in_dim3A_444 : vector<16xi1>, vector<16xi32>
        %mul3A_446 = arith.constant 16 : i32
        %mul3A_447 = arith.muli %scan3A_422, %mul3A_446 : i32
        %swap3A_448 = arith.index_cast %mul3A_447 : i32 to index
        %swap3A_449 = tpu.vector_load %arg10[%swap3A_448] {strides = array<i32>} : memref<8736xi32, #tpu.memory_space<vmem>>, vector<16xi32>,
        tpu.vector_store %arg10[%swap3A_448], %select_n3A_445 {strides = array<i32>} : memref<8736xi32, #tpu.memory_space<vmem>>, vector<16xi32>,
        %scan3A_450 = arith.constant 0 : i32
        scf.yield %scan3A_450 : i32
      }
      %scan3A_9 = arith.constant 546 : i32
      %broadcast_in_dim3A = arith.constant 0.000000e+00 : f32
      %broadcast_in_dim3A_10 = vector.broadcast %broadcast_in_dim3A : f32 to vector<16xf32>
      %scan3A_11 = arith.constant 0 : i32
      %scan3A_12 = arith.constant 546 : i32
      %scan3A_13 = arith.addi %scan3A_11, %scan3A_12 : i32
      %scan3A_14 = arith.constant 13 : i32
      %scan3A_15 = scf.for %scan3A_63 = %scan3A_11 to %scan3A_13 step %scan3A_14 iter_args(%scan3A_64 = %broadcast_in_dim3A_10) -> (vector<16xf32>)  : i32 {
        %mul3A_65 = arith.constant 16 : i32
        %mul3A_66 = arith.muli %scan3A_63, %mul3A_65 : i32
        %get3A_67 = arith.index_cast %mul3A_66 : i32 to index
        %get3A_68 = tpu.vector_load %arg9[%get3A_67] {strides = array<i32>} : memref<8736xf32, #tpu.memory_space<vmem>>, vector<16xf32>,
        %mul3A_69 = arith.constant 16 : i32
        %mul3A_70 = arith.muli %scan3A_63, %mul3A_69 : i32
        %add3A_71 = vector.broadcast %mul3A_70 : i32 to vector<16xi32>
        %add3A_72 = arith.addi %add3A_71, %iota3A : vector<16xi32>
        %lt3A_73 = arith.constant 8732 : i32
        %lt3A_74 = vector.broadcast %lt3A_73 : i32 to vector<16xi32>
        %lt3A_75 = arith.cmpi slt, %add3A_72, %lt3A_74 : vector<16xi32>
        %jit3A_76 = arith.constant 0.000000e+00 : f32
        %broadcast_in_dim3A_77 = vector.broadcast %jit3A_76 : f32 to vector<16xf32>
        %select_n3A_78 = arith.select %lt3A_75, %get3A_68, %broadcast_in_dim3A_77 : vector<16xi1>, vector<16xf32>
        %add3A_79 = arith.addf %scan3A_64, %select_n3A_78 : vector<16xf32>
        %scan3A_80 = arith.constant 1 : i32
        %scan3A_81 = arith.addi %scan3A_63, %scan3A_80 : i32
        %mul3A_82 = arith.constant 16 : i32
        %mul3A_83 = arith.muli %scan3A_81, %mul3A_82 : i32
        %get3A_84 = arith.index_cast %mul3A_83 : i32 to index
        %get3A_85 = tpu.vector_load %arg9[%get3A_84] {strides = array<i32>} : memref<8736xf32, #tpu.memory_space<vmem>>, vector<16xf32>,
        %mul3A_86 = arith.constant 16 : i32
        %mul3A_87 = arith.muli %scan3A_81, %mul3A_86 : i32
        %add3A_88 = vector.broadcast %mul3A_87 : i32 to vector<16xi32>
        %add3A_89 = arith.addi %add3A_88, %iota3A : vector<16xi32>
        %lt3A_90 = arith.constant 8732 : i32
        %lt3A_91 = vector.broadcast %lt3A_90 : i32 to vector<16xi32>
        %lt3A_92 = arith.cmpi slt, %add3A_89, %lt3A_91 : vector<16xi32>
        %jit3A_93 = arith.constant 0.000000e+00 : f32
        %broadcast_in_dim3A_94 = vector.broadcast %jit3A_93 : f32 to vector<16xf32>
        %select_n3A_95 = arith.select %lt3A_92, %get3A_85, %broadcast_in_dim3A_94 : vector<16xi1>, vector<16xf32>
        %add3A_96 = arith.addf %add3A_79, %select_n3A_95 : vector<16xf32>
        %scan3A_97 = arith.constant 2 : i32
        %scan3A_98 = arith.addi %scan3A_63, %scan3A_97 : i32
        %mul3A_99 = arith.constant 16 : i32
        %mul3A_100 = arith.muli %scan3A_98, %mul3A_99 : i32
        %get3A_101 = arith.index_cast %mul3A_100 : i32 to index
        %get3A_102 = tpu.vector_load %arg9[%get3A_101] {strides = array<i32>} : memref<8736xf32, #tpu.memory_space<vmem>>, vector<16xf32>,
        %mul3A_103 = arith.constant 16 : i32
        %mul3A_104 = arith.muli %scan3A_98, %mul3A_103 : i32
        %add3A_105 = vector.broadcast %mul3A_104 : i32 to vector<16xi32>
        %add3A_106 = arith.addi %add3A_105, %iota3A : vector<16xi32>
        %lt3A_107 = arith.constant 8732 : i32
        %lt3A_108 = vector.broadcast %lt3A_107 : i32 to vector<16xi32>
        %lt3A_109 = arith.cmpi slt, %add3A_106, %lt3A_108 : vector<16xi32>
        %jit3A_110 = arith.constant 0.000000e+00 : f32
        %broadcast_in_dim3A_111 = vector.broadcast %jit3A_110 : f32 to vector<16xf32>
        %select_n3A_112 = arith.select %lt3A_109, %get3A_102, %broadcast_in_dim3A_111 : vector<16xi1>, vector<16xf32>
        %add3A_113 = arith.addf %add3A_96, %select_n3A_112 : vector<16xf32>
        %scan3A_114 = arith.constant 3 : i32
        %scan3A_115 = arith.addi %scan3A_63, %scan3A_114 : i32
        %mul3A_116 = arith.constant 16 : i32
        %mul3A_117 = arith.muli %scan3A_115, %mul3A_116 : i32
        %get3A_118 = arith.index_cast %mul3A_117 : i32 to index
        %get3A_119 = tpu.vector_load %arg9[%get3A_118] {strides = array<i32>} : memref<8736xf32, #tpu.memory_space<vmem>>, vector<16xf32>,
        %mul3A_120 = arith.constant 16 : i32
        %mul3A_121 = arith.muli %scan3A_115, %mul3A_120 : i32
        %add3A_122 = vector.broadcast %mul3A_121 : i32 to vector<16xi32>
        %add3A_123 = arith.addi %add3A_122, %iota3A : vector<16xi32>
        %lt3A_124 = arith.constant 8732 : i32
        %lt3A_125 = vector.broadcast %lt3A_124 : i32 to vector<16xi32>
        %lt3A_126 = arith.cmpi slt, %add3A_123, %lt3A_125 : vector<16xi32>
        %jit3A_127 = arith.constant 0.000000e+00 : f32
        %broadcast_in_dim3A_128 = vector.broadcast %jit3A_127 : f32 to vector<16xf32>
        %select_n3A_129 = arith.select %lt3A_126, %get3A_119, %broadcast_in_dim3A_128 : vector<16xi1>, vector<16xf32>
        %add3A_130 = arith.addf %add3A_113, %select_n3A_129 : vector<16xf32>
        %scan3A_131 = arith.constant 4 : i32
        %scan3A_132 = arith.addi %scan3A_63, %scan3A_131 : i32
        %mul3A_133 = arith.constant 16 : i32
        %mul3A_134 = arith.muli %scan3A_132, %mul3A_133 : i32
        %get3A_135 = arith.index_cast %mul3A_134 : i32 to index
        %get3A_136 = tpu.vector_load %arg9[%get3A_135] {strides = array<i32>} : memref<8736xf32, #tpu.memory_space<vmem>>, vector<16xf32>,
        %mul3A_137 = arith.constant 16 : i32
        %mul3A_138 = arith.muli %scan3A_132, %mul3A_137 : i32
        %add3A_139 = vector.broadcast %mul3A_138 : i32 to vector<16xi32>
        %add3A_140 = arith.addi %add3A_139, %iota3A : vector<16xi32>
        %lt3A_141 = arith.constant 8732 : i32
        %lt3A_142 = vector.broadcast %lt3A_141 : i32 to vector<16xi32>
        %lt3A_143 = arith.cmpi slt, %add3A_140, %lt3A_142 : vector<16xi32>
        %jit3A_144 = arith.constant 0.000000e+00 : f32
        %broadcast_in_dim3A_145 = vector.broadcast %jit3A_144 : f32 to vector<16xf32>
        %select_n3A_146 = arith.select %lt3A_143, %get3A_136, %broadcast_in_dim3A_145 : vector<16xi1>, vector<16xf32>
        %add3A_147 = arith.addf %add3A_130, %select_n3A_146 : vector<16xf32>
        %scan3A_148 = arith.constant 5 : i32
        %scan3A_149 = arith.addi %scan3A_63, %scan3A_148 : i32
        %mul3A_150 = arith.constant 16 : i32
        %mul3A_151 = arith.muli %scan3A_149, %mul3A_150 : i32
        %get3A_152 = arith.index_cast %mul3A_151 : i32 to index
        %get3A_153 = tpu.vector_load %arg9[%get3A_152] {strides = array<i32>} : memref<8736xf32, #tpu.memory_space<vmem>>, vector<16xf32>,
        %mul3A_154 = arith.constant 16 : i32
        %mul3A_155 = arith.muli %scan3A_149, %mul3A_154 : i32
        %add3A_156 = vector.broadcast %mul3A_155 : i32 to vector<16xi32>
        %add3A_157 = arith.addi %add3A_156, %iota3A : vector<16xi32>
        %lt3A_158 = arith.constant 8732 : i32
        %lt3A_159 = vector.broadcast %lt3A_158 : i32 to vector<16xi32>
        %lt3A_160 = arith.cmpi slt, %add3A_157, %lt3A_159 : vector<16xi32>
        %jit3A_161 = arith.constant 0.000000e+00 : f32
        %broadcast_in_dim3A_162 = vector.broadcast %jit3A_161 : f32 to vector<16xf32>
        %select_n3A_163 = arith.select %lt3A_160, %get3A_153, %broadcast_in_dim3A_162 : vector<16xi1>, vector<16xf32>
        %add3A_164 = arith.addf %add3A_147, %select_n3A_163 : vector<16xf32>
        %scan3A_165 = arith.constant 6 : i32
        %scan3A_166 = arith.addi %scan3A_63, %scan3A_165 : i32
        %mul3A_167 = arith.constant 16 : i32
        %mul3A_168 = arith.muli %scan3A_166, %mul3A_167 : i32
        %get3A_169 = arith.index_cast %mul3A_168 : i32 to index
        %get3A_170 = tpu.vector_load %arg9[%get3A_169] {strides = array<i32>} : memref<8736xf32, #tpu.memory_space<vmem>>, vector<16xf32>,
        %mul3A_171 = arith.constant 16 : i32
        %mul3A_172 = arith.muli %scan3A_166, %mul3A_171 : i32
        %add3A_173 = vector.broadcast %mul3A_172 : i32 to vector<16xi32>
        %add3A_174 = arith.addi %add3A_173, %iota3A : vector<16xi32>
        %lt3A_175 = arith.constant 8732 : i32
        %lt3A_176 = vector.broadcast %lt3A_175 : i32 to vector<16xi32>
        %lt3A_177 = arith.cmpi slt, %add3A_174, %lt3A_176 : vector<16xi32>
        %jit3A_178 = arith.constant 0.000000e+00 : f32
        %broadcast_in_dim3A_179 = vector.broadcast %jit3A_178 : f32 to vector<16xf32>
        %select_n3A_180 = arith.select %lt3A_177, %get3A_170, %broadcast_in_dim3A_179 : vector<16xi1>, vector<16xf32>
        %add3A_181 = arith.addf %add3A_164, %select_n3A_180 : vector<16xf32>
        %scan3A_182 = arith.constant 7 : i32
        %scan3A_183 = arith.addi %scan3A_63, %scan3A_182 : i32
        %mul3A_184 = arith.constant 16 : i32
        %mul3A_185 = arith.muli %scan3A_183, %mul3A_184 : i32
        %get3A_186 = arith.index_cast %mul3A_185 : i32 to index
        %get3A_187 = tpu.vector_load %arg9[%get3A_186] {strides = array<i32>} : memref<8736xf32, #tpu.memory_space<vmem>>, vector<16xf32>,
        %mul3A_188 = arith.constant 16 : i32
        %mul3A_189 = arith.muli %scan3A_183, %mul3A_188 : i32
        %add3A_190 = vector.broadcast %mul3A_189 : i32 to vector<16xi32>
        %add3A_191 = arith.addi %add3A_190, %iota3A : vector<16xi32>
        %lt3A_192 = arith.constant 8732 : i32
        %lt3A_193 = vector.broadcast %lt3A_192 : i32 to vector<16xi32>
        %lt3A_194 = arith.cmpi slt, %add3A_191, %lt3A_193 : vector<16xi32>
        %jit3A_195 = arith.constant 0.000000e+00 : f32
        %broadcast_in_dim3A_196 = vector.broadcast %jit3A_195 : f32 to vector<16xf32>
        %select_n3A_197 = arith.select %lt3A_194, %get3A_187, %broadcast_in_dim3A_196 : vector<16xi1>, vector<16xf32>
        %add3A_198 = arith.addf %add3A_181, %select_n3A_197 : vector<16xf32>
        %scan3A_199 = arith.constant 8 : i32
        %scan3A_200 = arith.addi %scan3A_63, %scan3A_199 : i32
        %mul3A_201 = arith.constant 16 : i32
        %mul3A_202 = arith.muli %scan3A_200, %mul3A_201 : i32
        %get3A_203 = arith.index_cast %mul3A_202 : i32 to index
        %get3A_204 = tpu.vector_load %arg9[%get3A_203] {strides = array<i32>} : memref<8736xf32, #tpu.memory_space<vmem>>, vector<16xf32>,
        %mul3A_205 = arith.constant 16 : i32
        %mul3A_206 = arith.muli %scan3A_200, %mul3A_205 : i32
        %add3A_207 = vector.broadcast %mul3A_206 : i32 to vector<16xi32>
        %add3A_208 = arith.addi %add3A_207, %iota3A : vector<16xi32>
        %lt3A_209 = arith.constant 8732 : i32
        %lt3A_210 = vector.broadcast %lt3A_209 : i32 to vector<16xi32>
        %lt3A_211 = arith.cmpi slt, %add3A_208, %lt3A_210 : vector<16xi32>
        %jit3A_212 = arith.constant 0.000000e+00 : f32
        %broadcast_in_dim3A_213 = vector.broadcast %jit3A_212 : f32 to vector<16xf32>
        %select_n3A_214 = arith.select %lt3A_211, %get3A_204, %broadcast_in_dim3A_213 : vector<16xi1>, vector<16xf32>
        %add3A_215 = arith.addf %add3A_198, %select_n3A_214 : vector<16xf32>
        %scan3A_216 = arith.constant 9 : i32
        %scan3A_217 = arith.addi %scan3A_63, %scan3A_216 : i32
        %mul3A_218 = arith.constant 16 : i32
        %mul3A_219 = arith.muli %scan3A_217, %mul3A_218 : i32
        %get3A_220 = arith.index_cast %mul3A_219 : i32 to index
        %get3A_221 = tpu.vector_load %arg9[%get3A_220] {strides = array<i32>} : memref<8736xf32, #tpu.memory_space<vmem>>, vector<16xf32>,
        %mul3A_222 = arith.constant 16 : i32
        %mul3A_223 = arith.muli %scan3A_217, %mul3A_222 : i32
        %add3A_224 = vector.broadcast %mul3A_223 : i32 to vector<16xi32>
        %add3A_225 = arith.addi %add3A_224, %iota3A : vector<16xi32>
        %lt3A_226 = arith.constant 8732 : i32
        %lt3A_227 = vector.broadcast %lt3A_226 : i32 to vector<16xi32>
        %lt3A_228 = arith.cmpi slt, %add3A_225, %lt3A_227 : vector<16xi32>
        %jit3A_229 = arith.constant 0.000000e+00 : f32
        %broadcast_in_dim3A_230 = vector.broadcast %jit3A_229 : f32 to vector<16xf32>
        %select_n3A_231 = arith.select %lt3A_228, %get3A_221, %broadcast_in_dim3A_230 : vector<16xi1>, vector<16xf32>
        %add3A_232 = arith.addf %add3A_215, %select_n3A_231 : vector<16xf32>
        %scan3A_233 = arith.constant 10 : i32
        %scan3A_234 = arith.addi %scan3A_63, %scan3A_233 : i32
        %mul3A_235 = arith.constant 16 : i32
        %mul3A_236 = arith.muli %scan3A_234, %mul3A_235 : i32
        %get3A_237 = arith.index_cast %mul3A_236 : i32 to index
        %get3A_238 = tpu.vector_load %arg9[%get3A_237] {strides = array<i32>} : memref<8736xf32, #tpu.memory_space<vmem>>, vector<16xf32>,
        %mul3A_239 = arith.constant 16 : i32
        %mul3A_240 = arith.muli %scan3A_234, %mul3A_239 : i32
        %add3A_241 = vector.broadcast %mul3A_240 : i32 to vector<16xi32>
        %add3A_242 = arith.addi %add3A_241, %iota3A : vector<16xi32>
        %lt3A_243 = arith.constant 8732 : i32
        %lt3A_244 = vector.broadcast %lt3A_243 : i32 to vector<16xi32>
        %lt3A_245 = arith.cmpi slt, %add3A_242, %lt3A_244 : vector<16xi32>
        %jit3A_246 = arith.constant 0.000000e+00 : f32
        %broadcast_in_dim3A_247 = vector.broadcast %jit3A_246 : f32 to vector<16xf32>
        %select_n3A_248 = arith.select %lt3A_245, %get3A_238, %broadcast_in_dim3A_247 : vector<16xi1>, vector<16xf32>
        %add3A_249 = arith.addf %add3A_232, %select_n3A_248 : vector<16xf32>
        %scan3A_250 = arith.constant 11 : i32
        %scan3A_251 = arith.addi %scan3A_63, %scan3A_250 : i32
        %mul3A_252 = arith.constant 16 : i32
        %mul3A_253 = arith.muli %scan3A_251, %mul3A_252 : i32
        %get3A_254 = arith.index_cast %mul3A_253 : i32 to index
        %get3A_255 = tpu.vector_load %arg9[%get3A_254] {strides = array<i32>} : memref<8736xf32, #tpu.memory_space<vmem>>, vector<16xf32>,
        %mul3A_256 = arith.constant 16 : i32
        %mul3A_257 = arith.muli %scan3A_251, %mul3A_256 : i32
        %add3A_258 = vector.broadcast %mul3A_257 : i32 to vector<16xi32>
        %add3A_259 = arith.addi %add3A_258, %iota3A : vector<16xi32>
        %lt3A_260 = arith.constant 8732 : i32
        %lt3A_261 = vector.broadcast %lt3A_260 : i32 to vector<16xi32>
        %lt3A_262 = arith.cmpi slt, %add3A_259, %lt3A_261 : vector<16xi32>
        %jit3A_263 = arith.constant 0.000000e+00 : f32
        %broadcast_in_dim3A_264 = vector.broadcast %jit3A_263 : f32 to vector<16xf32>
        %select_n3A_265 = arith.select %lt3A_262, %get3A_255, %broadcast_in_dim3A_264 : vector<16xi1>, vector<16xf32>
        %add3A_266 = arith.addf %add3A_249, %select_n3A_265 : vector<16xf32>
        %scan3A_267 = arith.constant 12 : i32
        %scan3A_268 = arith.addi %scan3A_63, %scan3A_267 : i32
        %mul3A_269 = arith.constant 16 : i32
        %mul3A_270 = arith.muli %scan3A_268, %mul3A_269 : i32
        %get3A_271 = arith.index_cast %mul3A_270 : i32 to index
        %get3A_272 = tpu.vector_load %arg9[%get3A_271] {strides = array<i32>} : memref<8736xf32, #tpu.memory_space<vmem>>, vector<16xf32>,
        %mul3A_273 = arith.constant 16 : i32
        %mul3A_274 = arith.muli %scan3A_268, %mul3A_273 : i32
        %add3A_275 = vector.broadcast %mul3A_274 : i32 to vector<16xi32>
        %add3A_276 = arith.addi %add3A_275, %iota3A : vector<16xi32>
        %lt3A_277 = arith.constant 8732 : i32
        %lt3A_278 = vector.broadcast %lt3A_277 : i32 to vector<16xi32>
        %lt3A_279 = arith.cmpi slt, %add3A_276, %lt3A_278 : vector<16xi32>
        %jit3A_280 = arith.constant 0.000000e+00 : f32
        %broadcast_in_dim3A_281 = vector.broadcast %jit3A_280 : f32 to vector<16xf32>
        %select_n3A_282 = arith.select %lt3A_279, %get3A_272, %broadcast_in_dim3A_281 : vector<16xi1>, vector<16xf32>
        %add3A_283 = arith.addf %add3A_266, %select_n3A_282 : vector<16xf32>
        scf.yield %add3A_283 : vector<16xf32>
      }
      %scan3A_16 = arith.constant 546 : i32
      %reduce_sum3A = arith.constant true
      %reduce_sum3A_17 = vector.broadcast %reduce_sum3A : i1 to vector<16xi1>
      %reduce_sum3A_18 = tpu.scan <sum>, %scan3A_15 masked %reduce_sum3A_17 : vector<16xf32>, vector<16xi1> -> vector<16xf32>
      %reduce_sum3A_19 = vector.extract %reduce_sum3A_18[15] : f32 from vector<16xf32>
      %convert_element_type3A_20 = arith.fptosi %reduce_sum3A_19 : f32 to i32
      %max3A = arith.constant 1 : i32
      %max3A_21 = arith.maxsi %convert_element_type3A_20, %max3A : i32
      %sub3A = arith.constant 8732 : i32
      %sub3A_22 = arith.subi %sub3A, %convert_element_type3A_20 : i32
      %mul3A_23 = arith.constant 3 : i32
      %mul3A_24 = arith.muli %mul3A_23, %max3A_21 : i32
      %min3A = arith.minsi %sub3A_22, %mul3A_24 : i32
      %max3A_25 = arith.constant 1 : i32
      %max3A_26 = arith.maxsi %min3A, %max3A_25 : i32
      %broadcast_in_dim3A_27 = arith.constant 1 : i32
      %broadcast_in_dim3A_28 = vector.broadcast %broadcast_in_dim3A_27 : i32 to vector<16xi32>
      %sub3A_29 = arith.constant 8732 : i32
      %sub3A_30 = arith.subi %sub3A_29, %max3A_21 : i32
      %add3A_31 = arith.constant 1 : i32
      %add3A_32 = arith.addi %sub3A_30, %add3A_31 : i32
      %scan3A_33 = arith.constant 0 : i32
      %scan3A_34 = arith.constant 0 : i32
      %scan3A_35 = arith.constant 0 : i32
      %scan3A_36 = arith.constant 0 : i32
      %scan3A_37 = arith.constant 8 : i32
      %scan3A_38 = arith.addi %scan3A_36, %scan3A_37 : i32
      %scan3A_39 = arith.constant 1 : i32
      %scan3A_40:5 = scf.for %scan3A_63 = %scan3A_36 to %scan3A_38 step %scan3A_39 iter_args(%scan3A_64 = %scan3A_33, %scan3A_65 = %max3A_26, %scan3A_66 = %scan3A_34, %scan3A_67 = %add3A_32, %scan3A_68 = %scan3A_35) -> (i32, i32, i32, i32, i32)  : i32 {
        %mul3A_69 = arith.constant 4 : i32
        %mul3A_70 = arith.muli %scan3A_63, %mul3A_69 : i32
        %sub3A_71 = arith.constant 28 : i32
        %sub3A_72 = arith.subi %sub3A_71, %mul3A_70 : i32
        %broadcast_in_dim3A_73 = arith.constant 0 : i32
        %broadcast_in_dim3A_74 = vector.broadcast %broadcast_in_dim3A_73 : i32 to vector<16xi32>
        %swap3A_75 = arith.constant 0 : index
        %swap3A_76 = tpu.vector_load %arg12[%swap3A_75] {strides = array<i32>} : memref<512xi32, #tpu.memory_space<vmem>>, vector<16xi32>,
        tpu.vector_store %arg12[%swap3A_75], %broadcast_in_dim3A_74 {strides = array<i32>} : memref<512xi32, #tpu.memory_space<vmem>>, vector<16xi32>,
        %broadcast_in_dim3A_77 = arith.constant 0 : i32
        %broadcast_in_dim3A_78 = vector.broadcast %broadcast_in_dim3A_77 : i32 to vector<16xi32>
        %swap3A_79 = arith.constant 16 : index
        %swap3A_80 = tpu.vector_load %arg12[%swap3A_79] {strides = array<i32>} : memref<512xi32, #tpu.memory_space<vmem>>, vector<16xi32>,
        tpu.vector_store %arg12[%swap3A_79], %broadcast_in_dim3A_78 {strides = array<i32>} : memref<512xi32, #tpu.memory_space<vmem>>, vector<16xi32>,
        %broadcast_in_dim3A_81 = arith.constant 0 : i32
        %broadcast_in_dim3A_82 = vector.broadcast %broadcast_in_dim3A_81 : i32 to vector<16xi32>
        %swap3A_83 = arith.constant 32 : index
        %swap3A_84 = tpu.vector_load %arg12[%swap3A_83] {strides = array<i32>} : memref<512xi32, #tpu.memory_space<vmem>>, vector<16xi32>,
        tpu.vector_store %arg12[%swap3A_83], %broadcast_in_dim3A_82 {strides = array<i32>} : memref<512xi32, #tpu.memory_space<vmem>>, vector<16xi32>,
        %broadcast_in_dim3A_85 = arith.constant 0 : i32
        %broadcast_in_dim3A_86 = vector.broadcast %broadcast_in_dim3A_85 : i32 to vector<16xi32>
        %swap3A_87 = arith.constant 48 : index
        %swap3A_88 = tpu.vector_load %arg12[%swap3A_87] {strides = array<i32>} : memref<512xi32, #tpu.memory_space<vmem>>, vector<16xi32>,
        tpu.vector_store %arg12[%swap3A_87], %broadcast_in_dim3A_86 {strides = array<i32>} : memref<512xi32, #tpu.memory_space<vmem>>, vector<16xi32>,
        %broadcast_in_dim3A_89 = arith.constant 0 : i32
        %broadcast_in_dim3A_90 = vector.broadcast %broadcast_in_dim3A_89 : i32 to vector<16xi32>
        %swap3A_91 = arith.constant 64 : index
        %swap3A_92 = tpu.vector_load %arg12[%swap3A_91] {strides = array<i32>} : memref<512xi32, #tpu.memory_space<vmem>>, vector<16xi32>,
        tpu.vector_store %arg12[%swap3A_91], %broadcast_in_dim3A_90 {strides = array<i32>} : memref<512xi32, #tpu.memory_space<vmem>>, vector<16xi32>,
        %broadcast_in_dim3A_93 = arith.constant 0 : i32
        %broadcast_in_dim3A_94 = vector.broadcast %broadcast_in_dim3A_93 : i32 to vector<16xi32>
        %swap3A_95 = arith.constant 80 : index
        %swap3A_96 = tpu.vector_load %arg12[%swap3A_95] {strides = array<i32>} : memref<512xi32, #tpu.memory_space<vmem>>, vector<16xi32>,
        tpu.vector_store %arg12[%swap3A_95], %broadcast_in_dim3A_94 {strides = array<i32>} : memref<512xi32, #tpu.memory_space<vmem>>, vector<16xi32>,
        %broadcast_in_dim3A_97 = arith.constant 0 : i32
        %broadcast_in_dim3A_98 = vector.broadcast %broadcast_in_dim3A_97 : i32 to vector<16xi32>
        %swap3A_99 = arith.constant 96 : index
        %swap3A_100 = tpu.vector_load %arg12[%swap3A_99] {strides = array<i32>} : memref<512xi32, #tpu.memory_space<vmem>>, vector<16xi32>,
        tpu.vector_store %arg12[%swap3A_99], %broadcast_in_dim3A_98 {strides = array<i32>} : memref<512xi32, #tpu.memory_space<vmem>>, vector<16xi32>,
        %broadcast_in_dim3A_101 = arith.constant 0 : i32
        %broadcast_in_dim3A_102 = vector.broadcast %broadcast_in_dim3A_101 : i32 to vector<16xi32>
        %swap3A_103 = arith.constant 112 : index
        %swap3A_104 = tpu.vector_load %arg12[%swap3A_103] {strides = array<i32>} : memref<512xi32, #tpu.memory_space<vmem>>, vector<16xi32>,
        tpu.vector_store %arg12[%swap3A_103], %broadcast_in_dim3A_102 {strides = array<i32>} : memref<512xi32, #tpu.memory_space<vmem>>, vector<16xi32>,
        %broadcast_in_dim3A_105 = arith.constant 0 : i32
        %broadcast_in_dim3A_106 = vector.broadcast %broadcast_in_dim3A_105 : i32 to vector<16xi32>
        %swap3A_107 = arith.constant 128 : index
        %swap3A_108 = tpu.vector_load %arg12[%swap3A_107] {strides = array<i32>} : memref<512xi32, #tpu.memory_space<vmem>>, vector<16xi32>,
        tpu.vector_store %arg12[%swap3A_107], %broadcast_in_dim3A_106 {strides = array<i32>} : memref<512xi32, #tpu.memory_space<vmem>>, vector<16xi32>,
        %broadcast_in_dim3A_109 = arith.constant 0 : i32
        %broadcast_in_dim3A_110 = vector.broadcast %broadcast_in_dim3A_109 : i32 to vector<16xi32>
        %swap3A_111 = arith.constant 144 : index
        %swap3A_112 = tpu.vector_load %arg12[%swap3A_111] {strides = array<i32>} : memref<512xi32, #tpu.memory_space<vmem>>, vector<16xi32>,
        tpu.vector_store %arg12[%swap3A_111], %broadcast_in_dim3A_110 {strides = array<i32>} : memref<512xi32, #tpu.memory_space<vmem>>, vector<16xi32>,
        %broadcast_in_dim3A_113 = arith.constant 0 : i32
        %broadcast_in_dim3A_114 = vector.broadcast %broadcast_in_dim3A_113 : i32 to vector<16xi32>
        %swap3A_115 = arith.constant 160 : index
        %swap3A_116 = tpu.vector_load %arg12[%swap3A_115] {strides = array<i32>} : memref<512xi32, #tpu.memory_space<vmem>>, vector<16xi32>,
        tpu.vector_store %arg12[%swap3A_115], %broadcast_in_dim3A_114 {strides = array<i32>} : memref<512xi32, #tpu.memory_space<vmem>>, vector<16xi32>,
        %broadcast_in_dim3A_117 = arith.constant 0 : i32
        %broadcast_in_dim3A_118 = vector.broadcast %broadcast_in_dim3A_117 : i32 to vector<16xi32>
        %swap3A_119 = arith.constant 176 : index
        %swap3A_120 = tpu.vector_load %arg12[%swap3A_119] {strides = array<i32>} : memref<512xi32, #tpu.memory_space<vmem>>, vector<16xi32>,
        tpu.vector_store %arg12[%swap3A_119], %broadcast_in_dim3A_118 {strides = array<i32>} : memref<512xi32, #tpu.memory_space<vmem>>, vector<16xi32>,
        %broadcast_in_dim3A_121 = arith.constant 0 : i32
        %broadcast_in_dim3A_122 = vector.broadcast %broadcast_in_dim3A_121 : i32 to vector<16xi32>
        %swap3A_123 = arith.constant 192 : index
        %swap3A_124 = tpu.vector_load %arg12[%swap3A_123] {strides = array<i32>} : memref<512xi32, #tpu.memory_space<vmem>>, vector<16xi32>,
        tpu.vector_store %arg12[%swap3A_123], %broadcast_in_dim3A_122 {strides = array<i32>} : memref<512xi32, #tpu.memory_space<vmem>>, vector<16xi32>,
        %broadcast_in_dim3A_125 = arith.constant 0 : i32
        %broadcast_in_dim3A_126 = vector.broadcast %broadcast_in_dim3A_125 : i32 to vector<16xi32>
        %swap3A_127 = arith.constant 208 : index
        %swap3A_128 = tpu.vector_load %arg12[%swap3A_127] {strides = array<i32>} : memref<512xi32, #tpu.memory_space<vmem>>, vector<16xi32>,
        tpu.vector_store %arg12[%swap3A_127], %broadcast_in_dim3A_126 {strides = array<i32>} : memref<512xi32, #tpu.memory_space<vmem>>, vector<16xi32>,
        %broadcast_in_dim3A_129 = arith.constant 0 : i32
        %broadcast_in_dim3A_130 = vector.broadcast %broadcast_in_dim3A_129 : i32 to vector<16xi32>
        %swap3A_131 = arith.constant 224 : index
        %swap3A_132 = tpu.vector_load %arg12[%swap3A_131] {strides = array<i32>} : memref<512xi32, #tpu.memory_space<vmem>>, vector<16xi32>,
        tpu.vector_store %arg12[%swap3A_131], %broadcast_in_dim3A_130 {strides = array<i32>} : memref<512xi32, #tpu.memory_space<vmem>>, vector<16xi32>,
        %broadcast_in_dim3A_133 = arith.constant 0 : i32
        %broadcast_in_dim3A_134 = vector.broadcast %broadcast_in_dim3A_133 : i32 to vector<16xi32>
        %swap3A_135 = arith.constant 240 : index
        %swap3A_136 = tpu.vector_load %arg12[%swap3A_135] {strides = array<i32>} : memref<512xi32, #tpu.memory_space<vmem>>, vector<16xi32>,
        tpu.vector_store %arg12[%swap3A_135], %broadcast_in_dim3A_134 {strides = array<i32>} : memref<512xi32, #tpu.memory_space<vmem>>, vector<16xi32>,
        %broadcast_in_dim3A_137 = arith.constant 0 : i32
        %broadcast_in_dim3A_138 = vector.broadcast %broadcast_in_dim3A_137 : i32 to vector<16xi32>
        %swap3A_139 = arith.constant 256 : index
        %swap3A_140 = tpu.vector_load %arg12[%swap3A_139] {strides = array<i32>} : memref<512xi32, #tpu.memory_space<vmem>>, vector<16xi32>,
        tpu.vector_store %arg12[%swap3A_139], %broadcast_in_dim3A_138 {strides = array<i32>} : memref<512xi32, #tpu.memory_space<vmem>>, vector<16xi32>,
        %broadcast_in_dim3A_141 = arith.constant 0 : i32
        %broadcast_in_dim3A_142 = vector.broadcast %broadcast_in_dim3A_141 : i32 to vector<16xi32>
        %swap3A_143 = arith.constant 272 : index
        %swap3A_144 = tpu.vector_load %arg12[%swap3A_143] {strides = array<i32>} : memref<512xi32, #tpu.memory_space<vmem>>, vector<16xi32>,
        tpu.vector_store %arg12[%swap3A_143], %broadcast_in_dim3A_142 {strides = array<i32>} : memref<512xi32, #tpu.memory_space<vmem>>, vector<16xi32>,
        %broadcast_in_dim3A_145 = arith.constant 0 : i32
        %broadcast_in_dim3A_146 = vector.broadcast %broadcast_in_dim3A_145 : i32 to vector<16xi32>
        %swap3A_147 = arith.constant 288 : index
        %swap3A_148 = tpu.vector_load %arg12[%swap3A_147] {strides = array<i32>} : memref<512xi32, #tpu.memory_space<vmem>>, vector<16xi32>,
        tpu.vector_store %arg12[%swap3A_147], %broadcast_in_dim3A_146 {strides = array<i32>} : memref<512xi32, #tpu.memory_space<vmem>>, vector<16xi32>,
        %broadcast_in_dim3A_149 = arith.constant 0 : i32
        %broadcast_in_dim3A_150 = vector.broadcast %broadcast_in_dim3A_149 : i32 to vector<16xi32>
        %swap3A_151 = arith.constant 304 : index
        %swap3A_152 = tpu.vector_load %arg12[%swap3A_151] {strides = array<i32>} : memref<512xi32, #tpu.memory_space<vmem>>, vector<16xi32>,
        tpu.vector_store %arg12[%swap3A_151], %broadcast_in_dim3A_150 {strides = array<i32>} : memref<512xi32, #tpu.memory_space<vmem>>, vector<16xi32>,
        %broadcast_in_dim3A_153 = arith.constant 0 : i32
        %broadcast_in_dim3A_154 = vector.broadcast %broadcast_in_dim3A_153 : i32 to vector<16xi32>
        %swap3A_155 = arith.constant 320 : index
        %swap3A_156 = tpu.vector_load %arg12[%swap3A_155] {strides = array<i32>} : memref<512xi32, #tpu.memory_space<vmem>>, vector<16xi32>,
        tpu.vector_store %arg12[%swap3A_155], %broadcast_in_dim3A_154 {strides = array<i32>} : memref<512xi32, #tpu.memory_space<vmem>>, vector<16xi32>,
        %broadcast_in_dim3A_157 = arith.constant 0 : i32
        %broadcast_in_dim3A_158 = vector.broadcast %broadcast_in_dim3A_157 : i32 to vector<16xi32>
        %swap3A_159 = arith.constant 336 : index
        %swap3A_160 = tpu.vector_load %arg12[%swap3A_159] {strides = array<i32>} : memref<512xi32, #tpu.memory_space<vmem>>, vector<16xi32>,
        tpu.vector_store %arg12[%swap3A_159], %broadcast_in_dim3A_158 {strides = array<i32>} : memref<512xi32, #tpu.memory_space<vmem>>, vector<16xi32>,
        %broadcast_in_dim3A_161 = arith.constant 0 : i32
        %broadcast_in_dim3A_162 = vector.broadcast %broadcast_in_dim3A_161 : i32 to vector<16xi32>
        %swap3A_163 = arith.constant 352 : index
        %swap3A_164 = tpu.vector_load %arg12[%swap3A_163] {strides = array<i32>} : memref<512xi32, #tpu.memory_space<vmem>>, vector<16xi32>,
        tpu.vector_store %arg12[%swap3A_163], %broadcast_in_dim3A_162 {strides = array<i32>} : memref<512xi32, #tpu.memory_space<vmem>>, vector<16xi32>,
        %broadcast_in_dim3A_165 = arith.constant 0 : i32
        %broadcast_in_dim3A_166 = vector.broadcast %broadcast_in_dim3A_165 : i32 to vector<16xi32>
        %swap3A_167 = arith.constant 368 : index
        %swap3A_168 = tpu.vector_load %arg12[%swap3A_167] {strides = array<i32>} : memref<512xi32, #tpu.memory_space<vmem>>, vector<16xi32>,
        tpu.vector_store %arg12[%swap3A_167], %broadcast_in_dim3A_166 {strides = array<i32>} : memref<512xi32, #tpu.memory_space<vmem>>, vector<16xi32>,
        %broadcast_in_dim3A_169 = arith.constant 0 : i32
        %broadcast_in_dim3A_170 = vector.broadcast %broadcast_in_dim3A_169 : i32 to vector<16xi32>
        %swap3A_171 = arith.constant 384 : index
        %swap3A_172 = tpu.vector_load %arg12[%swap3A_171] {strides = array<i32>} : memref<512xi32, #tpu.memory_space<vmem>>, vector<16xi32>,
        tpu.vector_store %arg12[%swap3A_171], %broadcast_in_dim3A_170 {strides = array<i32>} : memref<512xi32, #tpu.memory_space<vmem>>, vector<16xi32>,
        %broadcast_in_dim3A_173 = arith.constant 0 : i32
        %broadcast_in_dim3A_174 = vector.broadcast %broadcast_in_dim3A_173 : i32 to vector<16xi32>
        %swap3A_175 = arith.constant 400 : index
        %swap3A_176 = tpu.vector_load %arg12[%swap3A_175] {strides = array<i32>} : memref<512xi32, #tpu.memory_space<vmem>>, vector<16xi32>,
        tpu.vector_store %arg12[%swap3A_175], %broadcast_in_dim3A_174 {strides = array<i32>} : memref<512xi32, #tpu.memory_space<vmem>>, vector<16xi32>,
        %broadcast_in_dim3A_177 = arith.constant 0 : i32
        %broadcast_in_dim3A_178 = vector.broadcast %broadcast_in_dim3A_177 : i32 to vector<16xi32>
        %swap3A_179 = arith.constant 416 : index
        %swap3A_180 = tpu.vector_load %arg12[%swap3A_179] {strides = array<i32>} : memref<512xi32, #tpu.memory_space<vmem>>, vector<16xi32>,
        tpu.vector_store %arg12[%swap3A_179], %broadcast_in_dim3A_178 {strides = array<i32>} : memref<512xi32, #tpu.memory_space<vmem>>, vector<16xi32>,
        %broadcast_in_dim3A_181 = arith.constant 0 : i32
        %broadcast_in_dim3A_182 = vector.broadcast %broadcast_in_dim3A_181 : i32 to vector<16xi32>
        %swap3A_183 = arith.constant 432 : index
        %swap3A_184 = tpu.vector_load %arg12[%swap3A_183] {strides = array<i32>} : memref<512xi32, #tpu.memory_space<vmem>>, vector<16xi32>,
        tpu.vector_store %arg12[%swap3A_183], %broadcast_in_dim3A_182 {strides = array<i32>} : memref<512xi32, #tpu.memory_space<vmem>>, vector<16xi32>,
        %broadcast_in_dim3A_185 = arith.constant 0 : i32
        %broadcast_in_dim3A_186 = vector.broadcast %broadcast_in_dim3A_185 : i32 to vector<16xi32>
        %swap3A_187 = arith.constant 448 : index
        %swap3A_188 = tpu.vector_load %arg12[%swap3A_187] {strides = array<i32>} : memref<512xi32, #tpu.memory_space<vmem>>, vector<16xi32>,
        tpu.vector_store %arg12[%swap3A_187], %broadcast_in_dim3A_186 {strides = array<i32>} : memref<512xi32, #tpu.memory_space<vmem>>, vector<16xi32>,
        %broadcast_in_dim3A_189 = arith.constant 0 : i32
        %broadcast_in_dim3A_190 = vector.broadcast %broadcast_in_dim3A_189 : i32 to vector<16xi32>
        %swap3A_191 = arith.constant 464 : index
        %swap3A_192 = tpu.vector_load %arg12[%swap3A_191] {strides = array<i32>} : memref<512xi32, #tpu.memory_space<vmem>>, vector<16xi32>,
        tpu.vector_store %arg12[%swap3A_191], %broadcast_in_dim3A_190 {strides = array<i32>} : memref<512xi32, #tpu.memory_space<vmem>>, vector<16xi32>,
        %broadcast_in_dim3A_193 = arith.constant 0 : i32
        %broadcast_in_dim3A_194 = vector.broadcast %broadcast_in_dim3A_193 : i32 to vector<16xi32>
        %swap3A_195 = arith.constant 480 : index
        %swap3A_196 = tpu.vector_load %arg12[%swap3A_195] {strides = array<i32>} : memref<512xi32, #tpu.memory_space<vmem>>, vector<16xi32>,
        tpu.vector_store %arg12[%swap3A_195], %broadcast_in_dim3A_194 {strides = array<i32>} : memref<512xi32, #tpu.memory_space<vmem>>, vector<16xi32>,
        %broadcast_in_dim3A_197 = arith.constant 0 : i32
        %broadcast_in_dim3A_198 = vector.broadcast %broadcast_in_dim3A_197 : i32 to vector<16xi32>
        %swap3A_199 = arith.constant 496 : index
        %swap3A_200 = tpu.vector_load %arg12[%swap3A_199] {strides = array<i32>} : memref<512xi32, #tpu.memory_space<vmem>>, vector<16xi32>,
        tpu.vector_store %arg12[%swap3A_199], %broadcast_in_dim3A_198 {strides = array<i32>} : memref<512xi32, #tpu.memory_space<vmem>>, vector<16xi32>,
        %scan3A_201 = arith.constant 0 : i32
        %scan3A_202 = arith.constant 0 : i32
        %scan3A_203 = arith.constant 546 : i32
        %scan3A_204 = arith.addi %scan3A_202, %scan3A_203 : i32
        %scan3A_205 = arith.constant 13 : i32
        %scan3A_206 = scf.for %scan3A_615 = %scan3A_202 to %scan3A_204 step %scan3A_205 iter_args(%scan3A_616 = %scan3A_201) -> (i32)  : i32 {
          %mul3A_617 = arith.constant 16 : i32
          %mul3A_618 = arith.muli %scan3A_615, %mul3A_617 : i32
          %get3A_619 = arith.index_cast %mul3A_618 : i32 to index
          %get3A_620 = tpu.vector_load %arg10[%get3A_619] {strides = array<i32>} : memref<8736xi32, #tpu.memory_space<vmem>>, vector<16xi32>,
          %broadcast_in_dim3A_621 = vector.broadcast %sub3A_72 : i32 to vector<16xi32>
          %shift_right_logical3A = arith.shrui %get3A_620, %broadcast_in_dim3A_621 : vector<16xi32>
          %and3A = arith.constant 15 : i32
          %and3A_622 = vector.broadcast %and3A : i32 to vector<16xi32>
          %and3A_623 = arith.andi %shift_right_logical3A, %and3A_622 : vector<16xi32>
          %mul3A_624 = arith.constant 16 : i32
          %mul3A_625 = vector.broadcast %mul3A_624 : i32 to vector<16xi32>
          %mul3A_626 = arith.muli %and3A_623, %mul3A_625 : vector<16xi32>
          %add3A_627 = arith.addi %mul3A_626, %iota3A : vector<16xi32>
          %and3A_628 = vector.broadcast %scan3A_68 : i32 to vector<16xi32>
          %and3A_629 = arith.andi %get3A_620, %and3A_628 : vector<16xi32>
          %eq3A_630 = vector.broadcast %scan3A_64 : i32 to vector<16xi32>
          %eq3A_631 = arith.cmpi eq, %and3A_629, %eq3A_630 : vector<16xi32>
          tpu.vector_store_idx %arg12[%add3A_627], %broadcast_in_dim3A_28 masked %eq3A_631 {add = true} : memref<512xi32, #tpu.memory_space<vmem>>[vector<16xi32>], vector<16xi32>, vector<16xi1>
          %add3A_632 = arith.constant 256 : i32
          %add3A_633 = vector.broadcast %add3A_632 : i32 to vector<16xi32>
          %add3A_634 = arith.addi %add3A_627, %add3A_633 : vector<16xi32>
          %eq3A_635 = vector.broadcast %scan3A_66 : i32 to vector<16xi32>
          %eq3A_636 = arith.cmpi eq, %and3A_629, %eq3A_635 : vector<16xi32>
          tpu.vector_store_idx %arg12[%add3A_634], %broadcast_in_dim3A_28 masked %eq3A_636 {add = true} : memref<512xi32, #tpu.memory_space<vmem>>[vector<16xi32>], vector<16xi32>, vector<16xi1>
          %scan3A_637 = arith.constant 0 : i32
          %scan3A_638 = arith.constant 1 : i32
          %scan3A_639 = arith.addi %scan3A_615, %scan3A_638 : i32
          %mul3A_640 = arith.constant 16 : i32
          %mul3A_641 = arith.muli %scan3A_639, %mul3A_640 : i32
          %get3A_642 = arith.index_cast %mul3A_641 : i32 to index
          %get3A_643 = tpu.vector_load %arg10[%get3A_642] {strides = array<i32>} : memref<8736xi32, #tpu.memory_space<vmem>>, vector<16xi32>,
          %broadcast_in_dim3A_644 = vector.broadcast %sub3A_72 : i32 to vector<16xi32>
          %shift_right_logical3A_645 = arith.shrui %get3A_643, %broadcast_in_dim3A_644 : vector<16xi32>
          %and3A_646 = arith.constant 15 : i32
          %and3A_647 = vector.broadcast %and3A_646 : i32 to vector<16xi32>
          %and3A_648 = arith.andi %shift_right_logical3A_645, %and3A_647 : vector<16xi32>
          %mul3A_649 = arith.constant 16 : i32
          %mul3A_650 = vector.broadcast %mul3A_649 : i32 to vector<16xi32>
          %mul3A_651 = arith.muli %and3A_648, %mul3A_650 : vector<16xi32>
          %add3A_652 = arith.addi %mul3A_651, %iota3A : vector<16xi32>
          %and3A_653 = vector.broadcast %scan3A_68 : i32 to vector<16xi32>
          %and3A_654 = arith.andi %get3A_643, %and3A_653 : vector<16xi32>
          %eq3A_655 = vector.broadcast %scan3A_64 : i32 to vector<16xi32>
          %eq3A_656 = arith.cmpi eq, %and3A_654, %eq3A_655 : vector<16xi32>
          tpu.vector_store_idx %arg12[%add3A_652], %broadcast_in_dim3A_28 masked %eq3A_656 {add = true} : memref<512xi32, #tpu.memory_space<vmem>>[vector<16xi32>], vector<16xi32>, vector<16xi1>
          %add3A_657 = arith.constant 256 : i32
          %add3A_658 = vector.broadcast %add3A_657 : i32 to vector<16xi32>
          %add3A_659 = arith.addi %add3A_652, %add3A_658 : vector<16xi32>
          %eq3A_660 = vector.broadcast %scan3A_66 : i32 to vector<16xi32>
          %eq3A_661 = arith.cmpi eq, %and3A_654, %eq3A_660 : vector<16xi32>
          tpu.vector_store_idx %arg12[%add3A_659], %broadcast_in_dim3A_28 masked %eq3A_661 {add = true} : memref<512xi32, #tpu.memory_space<vmem>>[vector<16xi32>], vector<16xi32>, vector<16xi1>
          %scan3A_662 = arith.constant 0 : i32
          %scan3A_663 = arith.constant 2 : i32
          %scan3A_664 = arith.addi %scan3A_615, %scan3A_663 : i32
          %mul3A_665 = arith.constant 16 : i32
          %mul3A_666 = arith.muli %scan3A_664, %mul3A_665 : i32
          %get3A_667 = arith.index_cast %mul3A_666 : i32 to index
          %get3A_668 = tpu.vector_load %arg10[%get3A_667] {strides = array<i32>} : memref<8736xi32, #tpu.memory_space<vmem>>, vector<16xi32>,
          %broadcast_in_dim3A_669 = vector.broadcast %sub3A_72 : i32 to vector<16xi32>
          %shift_right_logical3A_670 = arith.shrui %get3A_668, %broadcast_in_dim3A_669 : vector<16xi32>
          %and3A_671 = arith.constant 15 : i32
          %and3A_672 = vector.broadcast %and3A_671 : i32 to vector<16xi32>
          %and3A_673 = arith.andi %shift_right_logical3A_670, %and3A_672 : vector<16xi32>
          %mul3A_674 = arith.constant 16 : i32
          %mul3A_675 = vector.broadcast %mul3A_674 : i32 to vector<16xi32>
          %mul3A_676 = arith.muli %and3A_673, %mul3A_675 : vector<16xi32>
          %add3A_677 = arith.addi %mul3A_676, %iota3A : vector<16xi32>
          %and3A_678 = vector.broadcast %scan3A_68 : i32 to vector<16xi32>
          %and3A_679 = arith.andi %get3A_668, %and3A_678 : vector<16xi32>
          %eq3A_680 = vector.broadcast %scan3A_64 : i32 to vector<16xi32>
          %eq3A_681 = arith.cmpi eq, %and3A_679, %eq3A_680 : vector<16xi32>
          tpu.vector_store_idx %arg12[%add3A_677], %broadcast_in_dim3A_28 masked %eq3A_681 {add = true} : memref<512xi32, #tpu.memory_space<vmem>>[vector<16xi32>], vector<16xi32>, vector<16xi1>
          %add3A_682 = arith.constant 256 : i32
          %add3A_683 = vector.broadcast %add3A_682 : i32 to vector<16xi32>
          %add3A_684 = arith.addi %add3A_677, %add3A_683 : vector<16xi32>
          %eq3A_685 = vector.broadcast %scan3A_66 : i32 to vector<16xi32>
          %eq3A_686 = arith.cmpi eq, %and3A_679, %eq3A_685 : vector<16xi32>
          tpu.vector_store_idx %arg12[%add3A_684], %broadcast_in_dim3A_28 masked %eq3A_686 {add = true} : memref<512xi32, #tpu.memory_space<vmem>>[vector<16xi32>], vector<16xi32>, vector<16xi1>
          %scan3A_687 = arith.constant 0 : i32
          %scan3A_688 = arith.constant 3 : i32
          %scan3A_689 = arith.addi %scan3A_615, %scan3A_688 : i32
          %mul3A_690 = arith.constant 16 : i32
          %mul3A_691 = arith.muli %scan3A_689, %mul3A_690 : i32
          %get3A_692 = arith.index_cast %mul3A_691 : i32 to index
          %get3A_693 = tpu.vector_load %arg10[%get3A_692] {strides = array<i32>} : memref<8736xi32, #tpu.memory_space<vmem>>, vector<16xi32>,
          %broadcast_in_dim3A_694 = vector.broadcast %sub3A_72 : i32 to vector<16xi32>
          %shift_right_logical3A_695 = arith.shrui %get3A_693, %broadcast_in_dim3A_694 : vector<16xi32>
          %and3A_696 = arith.constant 15 : i32
          %and3A_697 = vector.broadcast %and3A_696 : i32 to vector<16xi32>
          %and3A_698 = arith.andi %shift_right_logical3A_695, %and3A_697 : vector<16xi32>
          %mul3A_699 = arith.constant 16 : i32
          %mul3A_700 = vector.broadcast %mul3A_699 : i32 to vector<16xi32>
          %mul3A_701 = arith.muli %and3A_698, %mul3A_700 : vector<16xi32>
          %add3A_702 = arith.addi %mul3A_701, %iota3A : vector<16xi32>
          %and3A_703 = vector.broadcast %scan3A_68 : i32 to vector<16xi32>
          %and3A_704 = arith.andi %get3A_693, %and3A_703 : vector<16xi32>
          %eq3A_705 = vector.broadcast %scan3A_64 : i32 to vector<16xi32>
          %eq3A_706 = arith.cmpi eq, %and3A_704, %eq3A_705 : vector<16xi32>
          tpu.vector_store_idx %arg12[%add3A_702], %broadcast_in_dim3A_28 masked %eq3A_706 {add = true} : memref<512xi32, #tpu.memory_space<vmem>>[vector<16xi32>], vector<16xi32>, vector<16xi1>
          %add3A_707 = arith.constant 256 : i32
          %add3A_708 = vector.broadcast %add3A_707 : i32 to vector<16xi32>
          %add3A_709 = arith.addi %add3A_702, %add3A_708 : vector<16xi32>
          %eq3A_710 = vector.broadcast %scan3A_66 : i32 to vector<16xi32>
          %eq3A_711 = arith.cmpi eq, %and3A_704, %eq3A_710 : vector<16xi32>
          tpu.vector_store_idx %arg12[%add3A_709], %broadcast_in_dim3A_28 masked %eq3A_711 {add = true} : memref<512xi32, #tpu.memory_space<vmem>>[vector<16xi32>], vector<16xi32>, vector<16xi1>
          %scan3A_712 = arith.constant 0 : i32
          %scan3A_713 = arith.constant 4 : i32
          %scan3A_714 = arith.addi %scan3A_615, %scan3A_713 : i32
          %mul3A_715 = arith.constant 16 : i32
          %mul3A_716 = arith.muli %scan3A_714, %mul3A_715 : i32
          %get3A_717 = arith.index_cast %mul3A_716 : i32 to index
          %get3A_718 = tpu.vector_load %arg10[%get3A_717] {strides = array<i32>} : memref<8736xi32, #tpu.memory_space<vmem>>, vector<16xi32>,
          %broadcast_in_dim3A_719 = vector.broadcast %sub3A_72 : i32 to vector<16xi32>
          %shift_right_logical3A_720 = arith.shrui %get3A_718, %broadcast_in_dim3A_719 : vector<16xi32>
          %and3A_721 = arith.constant 15 : i32
          %and3A_722 = vector.broadcast %and3A_721 : i32 to vector<16xi32>
          %and3A_723 = arith.andi %shift_right_logical3A_720, %and3A_722 : vector<16xi32>
          %mul3A_724 = arith.constant 16 : i32
          %mul3A_725 = vector.broadcast %mul3A_724 : i32 to vector<16xi32>
          %mul3A_726 = arith.muli %and3A_723, %mul3A_725 : vector<16xi32>
          %add3A_727 = arith.addi %mul3A_726, %iota3A : vector<16xi32>
          %and3A_728 = vector.broadcast %scan3A_68 : i32 to vector<16xi32>
          %and3A_729 = arith.andi %get3A_718, %and3A_728 : vector<16xi32>
          %eq3A_730 = vector.broadcast %scan3A_64 : i32 to vector<16xi32>
          %eq3A_731 = arith.cmpi eq, %and3A_729, %eq3A_730 : vector<16xi32>
          tpu.vector_store_idx %arg12[%add3A_727], %broadcast_in_dim3A_28 masked %eq3A_731 {add = true} : memref<512xi32, #tpu.memory_space<vmem>>[vector<16xi32>], vector<16xi32>, vector<16xi1>
          %add3A_732 = arith.constant 256 : i32
          %add3A_733 = vector.broadcast %add3A_732 : i32 to vector<16xi32>
          %add3A_734 = arith.addi %add3A_727, %add3A_733 : vector<16xi32>
          %eq3A_735 = vector.broadcast %scan3A_66 : i32 to vector<16xi32>
          %eq3A_736 = arith.cmpi eq, %and3A_729, %eq3A_735 : vector<16xi32>
          tpu.vector_store_idx %arg12[%add3A_734], %broadcast_in_dim3A_28 masked %eq3A_736 {add = true} : memref<512xi32, #tpu.memory_space<vmem>>[vector<16xi32>], vector<16xi32>, vector<16xi1>
          %scan3A_737 = arith.constant 0 : i32
          %scan3A_738 = arith.constant 5 : i32
          %scan3A_739 = arith.addi %scan3A_615, %scan3A_738 : i32
          %mul3A_740 = arith.constant 16 : i32
          %mul3A_741 = arith.muli %scan3A_739, %mul3A_740 : i32
          %get3A_742 = arith.index_cast %mul3A_741 : i32 to index
          %get3A_743 = tpu.vector_load %arg10[%get3A_742] {strides = array<i32>} : memref<8736xi32, #tpu.memory_space<vmem>>, vector<16xi32>,
          %broadcast_in_dim3A_744 = vector.broadcast %sub3A_72 : i32 to vector<16xi32>
          %shift_right_logical3A_745 = arith.shrui %get3A_743, %broadcast_in_dim3A_744 : vector<16xi32>
          %and3A_746 = arith.constant 15 : i32
          %and3A_747 = vector.broadcast %and3A_746 : i32 to vector<16xi32>
          %and3A_748 = arith.andi %shift_right_logical3A_745, %and3A_747 : vector<16xi32>
          %mul3A_749 = arith.constant 16 : i32
          %mul3A_750 = vector.broadcast %mul3A_749 : i32 to vector<16xi32>
          %mul3A_751 = arith.muli %and3A_748, %mul3A_750 : vector<16xi32>
          %add3A_752 = arith.addi %mul3A_751, %iota3A : vector<16xi32>
          %and3A_753 = vector.broadcast %scan3A_68 : i32 to vector<16xi32>
          %and3A_754 = arith.andi %get3A_743, %and3A_753 : vector<16xi32>
          %eq3A_755 = vector.broadcast %scan3A_64 : i32 to vector<16xi32>
          %eq3A_756 = arith.cmpi eq, %and3A_754, %eq3A_755 : vector<16xi32>
          tpu.vector_store_idx %arg12[%add3A_752], %broadcast_in_dim3A_28 masked %eq3A_756 {add = true} : memref<512xi32, #tpu.memory_space<vmem>>[vector<16xi32>], vector<16xi32>, vector<16xi1>
          %add3A_757 = arith.constant 256 : i32
          %add3A_758 = vector.broadcast %add3A_757 : i32 to vector<16xi32>
          %add3A_759 = arith.addi %add3A_752, %add3A_758 : vector<16xi32>
          %eq3A_760 = vector.broadcast %scan3A_66 : i32 to vector<16xi32>
          %eq3A_761 = arith.cmpi eq, %and3A_754, %eq3A_760 : vector<16xi32>
          tpu.vector_store_idx %arg12[%add3A_759], %broadcast_in_dim3A_28 masked %eq3A_761 {add = true} : memref<512xi32, #tpu.memory_space<vmem>>[vector<16xi32>], vector<16xi32>, vector<16xi1>
          %scan3A_762 = arith.constant 0 : i32
          %scan3A_763 = arith.constant 6 : i32
          %scan3A_764 = arith.addi %scan3A_615, %scan3A_763 : i32
          %mul3A_765 = arith.constant 16 : i32
          %mul3A_766 = arith.muli %scan3A_764, %mul3A_765 : i32
          %get3A_767 = arith.index_cast %mul3A_766 : i32 to index
          %get3A_768 = tpu.vector_load %arg10[%get3A_767] {strides = array<i32>} : memref<8736xi32, #tpu.memory_space<vmem>>, vector<16xi32>,
          %broadcast_in_dim3A_769 = vector.broadcast %sub3A_72 : i32 to vector<16xi32>
          %shift_right_logical3A_770 = arith.shrui %get3A_768, %broadcast_in_dim3A_769 : vector<16xi32>
          %and3A_771 = arith.constant 15 : i32
          %and3A_772 = vector.broadcast %and3A_771 : i32 to vector<16xi32>
          %and3A_773 = arith.andi %shift_right_logical3A_770, %and3A_772 : vector<16xi32>
          %mul3A_774 = arith.constant 16 : i32
          %mul3A_775 = vector.broadcast %mul3A_774 : i32 to vector<16xi32>
          %mul3A_776 = arith.muli %and3A_773, %mul3A_775 : vector<16xi32>
          %add3A_777 = arith.addi %mul3A_776, %iota3A : vector<16xi32>
          %and3A_778 = vector.broadcast %scan3A_68 : i32 to vector<16xi32>
          %and3A_779 = arith.andi %get3A_768, %and3A_778 : vector<16xi32>
          %eq3A_780 = vector.broadcast %scan3A_64 : i32 to vector<16xi32>
          %eq3A_781 = arith.cmpi eq, %and3A_779, %eq3A_780 : vector<16xi32>
          tpu.vector_store_idx %arg12[%add3A_777], %broadcast_in_dim3A_28 masked %eq3A_781 {add = true} : memref<512xi32, #tpu.memory_space<vmem>>[vector<16xi32>], vector<16xi32>, vector<16xi1>
          %add3A_782 = arith.constant 256 : i32
          %add3A_783 = vector.broadcast %add3A_782 : i32 to vector<16xi32>
          %add3A_784 = arith.addi %add3A_777, %add3A_783 : vector<16xi32>
          %eq3A_785 = vector.broadcast %scan3A_66 : i32 to vector<16xi32>
          %eq3A_786 = arith.cmpi eq, %and3A_779, %eq3A_785 : vector<16xi32>
          tpu.vector_store_idx %arg12[%add3A_784], %broadcast_in_dim3A_28 masked %eq3A_786 {add = true} : memref<512xi32, #tpu.memory_space<vmem>>[vector<16xi32>], vector<16xi32>, vector<16xi1>
          %scan3A_787 = arith.constant 0 : i32
          %scan3A_788 = arith.constant 7 : i32
          %scan3A_789 = arith.addi %scan3A_615, %scan3A_788 : i32
          %mul3A_790 = arith.constant 16 : i32
          %mul3A_791 = arith.muli %scan3A_789, %mul3A_790 : i32
          %get3A_792 = arith.index_cast %mul3A_791 : i32 to index
          %get3A_793 = tpu.vector_load %arg10[%get3A_792] {strides = array<i32>} : memref<8736xi32, #tpu.memory_space<vmem>>, vector<16xi32>,
          %broadcast_in_dim3A_794 = vector.broadcast %sub3A_72 : i32 to vector<16xi32>
          %shift_right_logical3A_795 = arith.shrui %get3A_793, %broadcast_in_dim3A_794 : vector<16xi32>
          %and3A_796 = arith.constant 15 : i32
          %and3A_797 = vector.broadcast %and3A_796 : i32 to vector<16xi32>
          %and3A_798 = arith.andi %shift_right_logical3A_795, %and3A_797 : vector<16xi32>
          %mul3A_799 = arith.constant 16 : i32
          %mul3A_800 = vector.broadcast %mul3A_799 : i32 to vector<16xi32>
          %mul3A_801 = arith.muli %and3A_798, %mul3A_800 : vector<16xi32>
          %add3A_802 = arith.addi %mul3A_801, %iota3A : vector<16xi32>
          %and3A_803 = vector.broadcast %scan3A_68 : i32 to vector<16xi32>
          %and3A_804 = arith.andi %get3A_793, %and3A_803 : vector<16xi32>
          %eq3A_805 = vector.broadcast %scan3A_64 : i32 to vector<16xi32>
          %eq3A_806 = arith.cmpi eq, %and3A_804, %eq3A_805 : vector<16xi32>
          tpu.vector_store_idx %arg12[%add3A_802], %broadcast_in_dim3A_28 masked %eq3A_806 {add = true} : memref<512xi32, #tpu.memory_space<vmem>>[vector<16xi32>], vector<16xi32>, vector<16xi1>
          %add3A_807 = arith.constant 256 : i32
          %add3A_808 = vector.broadcast %add3A_807 : i32 to vector<16xi32>
          %add3A_809 = arith.addi %add3A_802, %add3A_808 : vector<16xi32>
          %eq3A_810 = vector.broadcast %scan3A_66 : i32 to vector<16xi32>
          %eq3A_811 = arith.cmpi eq, %and3A_804, %eq3A_810 : vector<16xi32>
          tpu.vector_store_idx %arg12[%add3A_809], %broadcast_in_dim3A_28 masked %eq3A_811 {add = true} : memref<512xi32, #tpu.memory_space<vmem>>[vector<16xi32>], vector<16xi32>, vector<16xi1>
          %scan3A_812 = arith.constant 0 : i32
          %scan3A_813 = arith.constant 8 : i32
          %scan3A_814 = arith.addi %scan3A_615, %scan3A_813 : i32
          %mul3A_815 = arith.constant 16 : i32
          %mul3A_816 = arith.muli %scan3A_814, %mul3A_815 : i32
          %get3A_817 = arith.index_cast %mul3A_816 : i32 to index
          %get3A_818 = tpu.vector_load %arg10[%get3A_817] {strides = array<i32>} : memref<8736xi32, #tpu.memory_space<vmem>>, vector<16xi32>,
          %broadcast_in_dim3A_819 = vector.broadcast %sub3A_72 : i32 to vector<16xi32>
          %shift_right_logical3A_820 = arith.shrui %get3A_818, %broadcast_in_dim3A_819 : vector<16xi32>
          %and3A_821 = arith.constant 15 : i32
          %and3A_822 = vector.broadcast %and3A_821 : i32 to vector<16xi32>
          %and3A_823 = arith.andi %shift_right_logical3A_820, %and3A_822 : vector<16xi32>
          %mul3A_824 = arith.constant 16 : i32
          %mul3A_825 = vector.broadcast %mul3A_824 : i32 to vector<16xi32>
          %mul3A_826 = arith.muli %and3A_823, %mul3A_825 : vector<16xi32>
          %add3A_827 = arith.addi %mul3A_826, %iota3A : vector<16xi32>
          %and3A_828 = vector.broadcast %scan3A_68 : i32 to vector<16xi32>
          %and3A_829 = arith.andi %get3A_818, %and3A_828 : vector<16xi32>
          %eq3A_830 = vector.broadcast %scan3A_64 : i32 to vector<16xi32>
          %eq3A_831 = arith.cmpi eq, %and3A_829, %eq3A_830 : vector<16xi32>
          tpu.vector_store_idx %arg12[%add3A_827], %broadcast_in_dim3A_28 masked %eq3A_831 {add = true} : memref<512xi32, #tpu.memory_space<vmem>>[vector<16xi32>], vector<16xi32>, vector<16xi1>
          %add3A_832 = arith.constant 256 : i32
          %add3A_833 = vector.broadcast %add3A_832 : i32 to vector<16xi32>
          %add3A_834 = arith.addi %add3A_827, %add3A_833 : vector<16xi32>
          %eq3A_835 = vector.broadcast %scan3A_66 : i32 to vector<16xi32>
          %eq3A_836 = arith.cmpi eq, %and3A_829, %eq3A_835 : vector<16xi32>
          tpu.vector_store_idx %arg12[%add3A_834], %broadcast_in_dim3A_28 masked %eq3A_836 {add = true} : memref<512xi32, #tpu.memory_space<vmem>>[vector<16xi32>], vector<16xi32>, vector<16xi1>
          %scan3A_837 = arith.constant 0 : i32
          %scan3A_838 = arith.constant 9 : i32
          %scan3A_839 = arith.addi %scan3A_615, %scan3A_838 : i32
          %mul3A_840 = arith.constant 16 : i32
          %mul3A_841 = arith.muli %scan3A_839, %mul3A_840 : i32
          %get3A_842 = arith.index_cast %mul3A_841 : i32 to index
          %get3A_843 = tpu.vector_load %arg10[%get3A_842] {strides = array<i32>} : memref<8736xi32, #tpu.memory_space<vmem>>, vector<16xi32>,
          %broadcast_in_dim3A_844 = vector.broadcast %sub3A_72 : i32 to vector<16xi32>
          %shift_right_logical3A_845 = arith.shrui %get3A_843, %broadcast_in_dim3A_844 : vector<16xi32>
          %and3A_846 = arith.constant 15 : i32
          %and3A_847 = vector.broadcast %and3A_846 : i32 to vector<16xi32>
          %and3A_848 = arith.andi %shift_right_logical3A_845, %and3A_847 : vector<16xi32>
          %mul3A_849 = arith.constant 16 : i32
          %mul3A_850 = vector.broadcast %mul3A_849 : i32 to vector<16xi32>
          %mul3A_851 = arith.muli %and3A_848, %mul3A_850 : vector<16xi32>
          %add3A_852 = arith.addi %mul3A_851, %iota3A : vector<16xi32>
          %and3A_853 = vector.broadcast %scan3A_68 : i32 to vector<16xi32>
          %and3A_854 = arith.andi %get3A_843, %and3A_853 : vector<16xi32>
          %eq3A_855 = vector.broadcast %scan3A_64 : i32 to vector<16xi32>
          %eq3A_856 = arith.cmpi eq, %and3A_854, %eq3A_855 : vector<16xi32>
          tpu.vector_store_idx %arg12[%add3A_852], %broadcast_in_dim3A_28 masked %eq3A_856 {add = true} : memref<512xi32, #tpu.memory_space<vmem>>[vector<16xi32>], vector<16xi32>, vector<16xi1>
          %add3A_857 = arith.constant 256 : i32
          %add3A_858 = vector.broadcast %add3A_857 : i32 to vector<16xi32>
          %add3A_859 = arith.addi %add3A_852, %add3A_858 : vector<16xi32>
          %eq3A_860 = vector.broadcast %scan3A_66 : i32 to vector<16xi32>
          %eq3A_861 = arith.cmpi eq, %and3A_854, %eq3A_860 : vector<16xi32>
          tpu.vector_store_idx %arg12[%add3A_859], %broadcast_in_dim3A_28 masked %eq3A_861 {add = true} : memref<512xi32, #tpu.memory_space<vmem>>[vector<16xi32>], vector<16xi32>, vector<16xi1>
          %scan3A_862 = arith.constant 0 : i32
          %scan3A_863 = arith.constant 10 : i32
          %scan3A_864 = arith.addi %scan3A_615, %scan3A_863 : i32
          %mul3A_865 = arith.constant 16 : i32
          %mul3A_866 = arith.muli %scan3A_864, %mul3A_865 : i32
          %get3A_867 = arith.index_cast %mul3A_866 : i32 to index
          %get3A_868 = tpu.vector_load %arg10[%get3A_867] {strides = array<i32>} : memref<8736xi32, #tpu.memory_space<vmem>>, vector<16xi32>,
          %broadcast_in_dim3A_869 = vector.broadcast %sub3A_72 : i32 to vector<16xi32>
          %shift_right_logical3A_870 = arith.shrui %get3A_868, %broadcast_in_dim3A_869 : vector<16xi32>
          %and3A_871 = arith.constant 15 : i32
          %and3A_872 = vector.broadcast %and3A_871 : i32 to vector<16xi32>
          %and3A_873 = arith.andi %shift_right_logical3A_870, %and3A_872 : vector<16xi32>
          %mul3A_874 = arith.constant 16 : i32
          %mul3A_875 = vector.broadcast %mul3A_874 : i32 to vector<16xi32>
          %mul3A_876 = arith.muli %and3A_873, %mul3A_875 : vector<16xi32>
          %add3A_877 = arith.addi %mul3A_876, %iota3A : vector<16xi32>
          %and3A_878 = vector.broadcast %scan3A_68 : i32 to vector<16xi32>
          %and3A_879 = arith.andi %get3A_868, %and3A_878 : vector<16xi32>
          %eq3A_880 = vector.broadcast %scan3A_64 : i32 to vector<16xi32>
          %eq3A_881 = arith.cmpi eq, %and3A_879, %eq3A_880 : vector<16xi32>
          tpu.vector_store_idx %arg12[%add3A_877], %broadcast_in_dim3A_28 masked %eq3A_881 {add = true} : memref<512xi32, #tpu.memory_space<vmem>>[vector<16xi32>], vector<16xi32>, vector<16xi1>
          %add3A_882 = arith.constant 256 : i32
          %add3A_883 = vector.broadcast %add3A_882 : i32 to vector<16xi32>
          %add3A_884 = arith.addi %add3A_877, %add3A_883 : vector<16xi32>
          %eq3A_885 = vector.broadcast %scan3A_66 : i32 to vector<16xi32>
          %eq3A_886 = arith.cmpi eq, %and3A_879, %eq3A_885 : vector<16xi32>
          tpu.vector_store_idx %arg12[%add3A_884], %broadcast_in_dim3A_28 masked %eq3A_886 {add = true} : memref<512xi32, #tpu.memory_space<vmem>>[vector<16xi32>], vector<16xi32>, vector<16xi1>
          %scan3A_887 = arith.constant 0 : i32
          %scan3A_888 = arith.constant 11 : i32
          %scan3A_889 = arith.addi %scan3A_615, %scan3A_888 : i32
          %mul3A_890 = arith.constant 16 : i32
          %mul3A_891 = arith.muli %scan3A_889, %mul3A_890 : i32
          %get3A_892 = arith.index_cast %mul3A_891 : i32 to index
          %get3A_893 = tpu.vector_load %arg10[%get3A_892] {strides = array<i32>} : memref<8736xi32, #tpu.memory_space<vmem>>, vector<16xi32>,
          %broadcast_in_dim3A_894 = vector.broadcast %sub3A_72 : i32 to vector<16xi32>
          %shift_right_logical3A_895 = arith.shrui %get3A_893, %broadcast_in_dim3A_894 : vector<16xi32>
          %and3A_896 = arith.constant 15 : i32
          %and3A_897 = vector.broadcast %and3A_896 : i32 to vector<16xi32>
          %and3A_898 = arith.andi %shift_right_logical3A_895, %and3A_897 : vector<16xi32>
          %mul3A_899 = arith.constant 16 : i32
          %mul3A_900 = vector.broadcast %mul3A_899 : i32 to vector<16xi32>
          %mul3A_901 = arith.muli %and3A_898, %mul3A_900 : vector<16xi32>
          %add3A_902 = arith.addi %mul3A_901, %iota3A : vector<16xi32>
          %and3A_903 = vector.broadcast %scan3A_68 : i32 to vector<16xi32>
          %and3A_904 = arith.andi %get3A_893, %and3A_903 : vector<16xi32>
          %eq3A_905 = vector.broadcast %scan3A_64 : i32 to vector<16xi32>
          %eq3A_906 = arith.cmpi eq, %and3A_904, %eq3A_905 : vector<16xi32>
          tpu.vector_store_idx %arg12[%add3A_902], %broadcast_in_dim3A_28 masked %eq3A_906 {add = true} : memref<512xi32, #tpu.memory_space<vmem>>[vector<16xi32>], vector<16xi32>, vector<16xi1>
          %add3A_907 = arith.constant 256 : i32
          %add3A_908 = vector.broadcast %add3A_907 : i32 to vector<16xi32>
          %add3A_909 = arith.addi %add3A_902, %add3A_908 : vector<16xi32>
          %eq3A_910 = vector.broadcast %scan3A_66 : i32 to vector<16xi32>
          %eq3A_911 = arith.cmpi eq, %and3A_904, %eq3A_910 : vector<16xi32>
          tpu.vector_store_idx %arg12[%add3A_909], %broadcast_in_dim3A_28 masked %eq3A_911 {add = true} : memref<512xi32, #tpu.memory_space<vmem>>[vector<16xi32>], vector<16xi32>, vector<16xi1>
          %scan3A_912 = arith.constant 0 : i32
          %scan3A_913 = arith.constant 12 : i32
          %scan3A_914 = arith.addi %scan3A_615, %scan3A_913 : i32
          %mul3A_915 = arith.constant 16 : i32
          %mul3A_916 = arith.muli %scan3A_914, %mul3A_915 : i32
          %get3A_917 = arith.index_cast %mul3A_916 : i32 to index
          %get3A_918 = tpu.vector_load %arg10[%get3A_917] {strides = array<i32>} : memref<8736xi32, #tpu.memory_space<vmem>>, vector<16xi32>,
          %broadcast_in_dim3A_919 = vector.broadcast %sub3A_72 : i32 to vector<16xi32>
          %shift_right_logical3A_920 = arith.shrui %get3A_918, %broadcast_in_dim3A_919 : vector<16xi32>
          %and3A_921 = arith.constant 15 : i32
          %and3A_922 = vector.broadcast %and3A_921 : i32 to vector<16xi32>
          %and3A_923 = arith.andi %shift_right_logical3A_920, %and3A_922 : vector<16xi32>
          %mul3A_924 = arith.constant 16 : i32
          %mul3A_925 = vector.broadcast %mul3A_924 : i32 to vector<16xi32>
          %mul3A_926 = arith.muli %and3A_923, %mul3A_925 : vector<16xi32>
          %add3A_927 = arith.addi %mul3A_926, %iota3A : vector<16xi32>
          %and3A_928 = vector.broadcast %scan3A_68 : i32 to vector<16xi32>
          %and3A_929 = arith.andi %get3A_918, %and3A_928 : vector<16xi32>
          %eq3A_930 = vector.broadcast %scan3A_64 : i32 to vector<16xi32>
          %eq3A_931 = arith.cmpi eq, %and3A_929, %eq3A_930 : vector<16xi32>
          tpu.vector_store_idx %arg12[%add3A_927], %broadcast_in_dim3A_28 masked %eq3A_931 {add = true} : memref<512xi32, #tpu.memory_space<vmem>>[vector<16xi32>], vector<16xi32>, vector<16xi1>
          %add3A_932 = arith.constant 256 : i32
          %add3A_933 = vector.broadcast %add3A_932 : i32 to vector<16xi32>
          %add3A_934 = arith.addi %add3A_927, %add3A_933 : vector<16xi32>
          %eq3A_935 = vector.broadcast %scan3A_66 : i32 to vector<16xi32>
          %eq3A_936 = arith.cmpi eq, %and3A_929, %eq3A_935 : vector<16xi32>
          tpu.vector_store_idx %arg12[%add3A_934], %broadcast_in_dim3A_28 masked %eq3A_936 {add = true} : memref<512xi32, #tpu.memory_space<vmem>>[vector<16xi32>], vector<16xi32>, vector<16xi1>
          %scan3A_937 = arith.constant 0 : i32
          scf.yield %scan3A_937 : i32
        }
        %scan3A_207 = arith.constant 546 : i32
        %broadcast_in_dim3A_208 = arith.constant 0 : i32
        %broadcast_in_dim3A_209 = vector.broadcast %broadcast_in_dim3A_208 : i32 to vector<16xi32>
        %get3A_210 = arith.constant 0 : index
        %get3A_211 = tpu.vector_load %arg12[%get3A_210] {strides = array<i32>} : memref<512xi32, #tpu.memory_space<vmem>>, vector<16xi32>,
        %reduce_sum3A_212 = arith.constant true
        %reduce_sum3A_213 = vector.broadcast %reduce_sum3A_212 : i1 to vector<16xi1>
        %reduce_sum3A_214 = tpu.scan <sum>, %get3A_211 masked %reduce_sum3A_213 : vector<16xi32>, vector<16xi1> -> vector<16xi32>
        %reduce_sum3A_215 = vector.extract %reduce_sum3A_214[15] : i32 from vector<16xi32>
        %eq3A_216 = arith.constant 0 : i32
        %eq3A_217 = vector.broadcast %eq3A_216 : i32 to vector<16xi32>
        %eq3A_218 = arith.cmpi eq, %iota3A, %eq3A_217 : vector<16xi32>
        %broadcast_in_dim3A_219 = vector.broadcast %reduce_sum3A_215 : i32 to vector<16xi32>
        %select_n3A_220 = arith.select %eq3A_218, %broadcast_in_dim3A_219, %broadcast_in_dim3A_209 : vector<16xi1>, vector<16xi32>
        %get3A_221 = arith.constant 16 : index
        %get3A_222 = tpu.vector_load %arg12[%get3A_221] {strides = array<i32>} : memref<512xi32, #tpu.memory_space<vmem>>, vector<16xi32>,
        %reduce_sum3A_223 = arith.constant true
        %reduce_sum3A_224 = vector.broadcast %reduce_sum3A_223 : i1 to vector<16xi1>
        %reduce_sum3A_225 = tpu.scan <sum>, %get3A_222 masked %reduce_sum3A_224 : vector<16xi32>, vector<16xi1> -> vector<16xi32>
        %reduce_sum3A_226 = vector.extract %reduce_sum3A_225[15] : i32 from vector<16xi32>
        %eq3A_227 = arith.constant 1 : i32
        %eq3A_228 = vector.broadcast %eq3A_227 : i32 to vector<16xi32>
        %eq3A_229 = arith.cmpi eq, %iota3A, %eq3A_228 : vector<16xi32>
        %broadcast_in_dim3A_230 = vector.broadcast %reduce_sum3A_226 : i32 to vector<16xi32>
        %select_n3A_231 = arith.select %eq3A_229, %broadcast_in_dim3A_230, %select_n3A_220 : vector<16xi1>, vector<16xi32>
        %get3A_232 = arith.constant 32 : index
        %get3A_233 = tpu.vector_load %arg12[%get3A_232] {strides = array<i32>} : memref<512xi32, #tpu.memory_space<vmem>>, vector<16xi32>,
        %reduce_sum3A_234 = arith.constant true
        %reduce_sum3A_235 = vector.broadcast %reduce_sum3A_234 : i1 to vector<16xi1>
        %reduce_sum3A_236 = tpu.scan <sum>, %get3A_233 masked %reduce_sum3A_235 : vector<16xi32>, vector<16xi1> -> vector<16xi32>
        %reduce_sum3A_237 = vector.extract %reduce_sum3A_236[15] : i32 from vector<16xi32>
        %eq3A_238 = arith.constant 2 : i32
        %eq3A_239 = vector.broadcast %eq3A_238 : i32 to vector<16xi32>
        %eq3A_240 = arith.cmpi eq, %iota3A, %eq3A_239 : vector<16xi32>
        %broadcast_in_dim3A_241 = vector.broadcast %reduce_sum3A_237 : i32 to vector<16xi32>
        %select_n3A_242 = arith.select %eq3A_240, %broadcast_in_dim3A_241, %select_n3A_231 : vector<16xi1>, vector<16xi32>
        %get3A_243 = arith.constant 48 : index
        %get3A_244 = tpu.vector_load %arg12[%get3A_243] {strides = array<i32>} : memref<512xi32, #tpu.memory_space<vmem>>, vector<16xi32>,
        %reduce_sum3A_245 = arith.constant true
        %reduce_sum3A_246 = vector.broadcast %reduce_sum3A_245 : i1 to vector<16xi1>
        %reduce_sum3A_247 = tpu.scan <sum>, %get3A_244 masked %reduce_sum3A_246 : vector<16xi32>, vector<16xi1> -> vector<16xi32>
        %reduce_sum3A_248 = vector.extract %reduce_sum3A_247[15] : i32 from vector<16xi32>
        %eq3A_249 = arith.constant 3 : i32
        %eq3A_250 = vector.broadcast %eq3A_249 : i32 to vector<16xi32>
        %eq3A_251 = arith.cmpi eq, %iota3A, %eq3A_250 : vector<16xi32>
        %broadcast_in_dim3A_252 = vector.broadcast %reduce_sum3A_248 : i32 to vector<16xi32>
        %select_n3A_253 = arith.select %eq3A_251, %broadcast_in_dim3A_252, %select_n3A_242 : vector<16xi1>, vector<16xi32>
        %get3A_254 = arith.constant 64 : index
        %get3A_255 = tpu.vector_load %arg12[%get3A_254] {strides = array<i32>} : memref<512xi32, #tpu.memory_space<vmem>>, vector<16xi32>,
        %reduce_sum3A_256 = arith.constant true
        %reduce_sum3A_257 = vector.broadcast %reduce_sum3A_256 : i1 to vector<16xi1>
        %reduce_sum3A_258 = tpu.scan <sum>, %get3A_255 masked %reduce_sum3A_257 : vector<16xi32>, vector<16xi1> -> vector<16xi32>
        %reduce_sum3A_259 = vector.extract %reduce_sum3A_258[15] : i32 from vector<16xi32>
        %eq3A_260 = arith.constant 4 : i32
        %eq3A_261 = vector.broadcast %eq3A_260 : i32 to vector<16xi32>
        %eq3A_262 = arith.cmpi eq, %iota3A, %eq3A_261 : vector<16xi32>
        %broadcast_in_dim3A_263 = vector.broadcast %reduce_sum3A_259 : i32 to vector<16xi32>
        %select_n3A_264 = arith.select %eq3A_262, %broadcast_in_dim3A_263, %select_n3A_253 : vector<16xi1>, vector<16xi32>
        %get3A_265 = arith.constant 80 : index
        %get3A_266 = tpu.vector_load %arg12[%get3A_265] {strides = array<i32>} : memref<512xi32, #tpu.memory_space<vmem>>, vector<16xi32>,
        %reduce_sum3A_267 = arith.constant true
        %reduce_sum3A_268 = vector.broadcast %reduce_sum3A_267 : i1 to vector<16xi1>
        %reduce_sum3A_269 = tpu.scan <sum>, %get3A_266 masked %reduce_sum3A_268 : vector<16xi32>, vector<16xi1> -> vector<16xi32>
        %reduce_sum3A_270 = vector.extract %reduce_sum3A_269[15] : i32 from vector<16xi32>
        %eq3A_271 = arith.constant 5 : i32
        %eq3A_272 = vector.broadcast %eq3A_271 : i32 to vector<16xi32>
        %eq3A_273 = arith.cmpi eq, %iota3A, %eq3A_272 : vector<16xi32>
        %broadcast_in_dim3A_274 = vector.broadcast %reduce_sum3A_270 : i32 to vector<16xi32>
        %select_n3A_275 = arith.select %eq3A_273, %broadcast_in_dim3A_274, %select_n3A_264 : vector<16xi1>, vector<16xi32>
        %get3A_276 = arith.constant 96 : index
        %get3A_277 = tpu.vector_load %arg12[%get3A_276] {strides = array<i32>} : memref<512xi32, #tpu.memory_space<vmem>>, vector<16xi32>,
        %reduce_sum3A_278 = arith.constant true
        %reduce_sum3A_279 = vector.broadcast %reduce_sum3A_278 : i1 to vector<16xi1>
        %reduce_sum3A_280 = tpu.scan <sum>, %get3A_277 masked %reduce_sum3A_279 : vector<16xi32>, vector<16xi1> -> vector<16xi32>
        %reduce_sum3A_281 = vector.extract %reduce_sum3A_280[15] : i32 from vector<16xi32>
        %eq3A_282 = arith.constant 6 : i32
        %eq3A_283 = vector.broadcast %eq3A_282 : i32 to vector<16xi32>
        %eq3A_284 = arith.cmpi eq, %iota3A, %eq3A_283 : vector<16xi32>
        %broadcast_in_dim3A_285 = vector.broadcast %reduce_sum3A_281 : i32 to vector<16xi32>
        %select_n3A_286 = arith.select %eq3A_284, %broadcast_in_dim3A_285, %select_n3A_275 : vector<16xi1>, vector<16xi32>
        %get3A_287 = arith.constant 112 : index
        %get3A_288 = tpu.vector_load %arg12[%get3A_287] {strides = array<i32>} : memref<512xi32, #tpu.memory_space<vmem>>, vector<16xi32>,
        %reduce_sum3A_289 = arith.constant true
        %reduce_sum3A_290 = vector.broadcast %reduce_sum3A_289 : i1 to vector<16xi1>
        %reduce_sum3A_291 = tpu.scan <sum>, %get3A_288 masked %reduce_sum3A_290 : vector<16xi32>, vector<16xi1> -> vector<16xi32>
        %reduce_sum3A_292 = vector.extract %reduce_sum3A_291[15] : i32 from vector<16xi32>
        %eq3A_293 = arith.constant 7 : i32
        %eq3A_294 = vector.broadcast %eq3A_293 : i32 to vector<16xi32>
        %eq3A_295 = arith.cmpi eq, %iota3A, %eq3A_294 : vector<16xi32>
        %broadcast_in_dim3A_296 = vector.broadcast %reduce_sum3A_292 : i32 to vector<16xi32>
        %select_n3A_297 = arith.select %eq3A_295, %broadcast_in_dim3A_296, %select_n3A_286 : vector<16xi1>, vector<16xi32>
        %get3A_298 = arith.constant 128 : index
        %get3A_299 = tpu.vector_load %arg12[%get3A_298] {strides = array<i32>} : memref<512xi32, #tpu.memory_space<vmem>>, vector<16xi32>,
        %reduce_sum3A_300 = arith.constant true
        %reduce_sum3A_301 = vector.broadcast %reduce_sum3A_300 : i1 to vector<16xi1>
        %reduce_sum3A_302 = tpu.scan <sum>, %get3A_299 masked %reduce_sum3A_301 : vector<16xi32>, vector<16xi1> -> vector<16xi32>
        %reduce_sum3A_303 = vector.extract %reduce_sum3A_302[15] : i32 from vector<16xi32>
        %eq3A_304 = arith.constant 8 : i32
        %eq3A_305 = vector.broadcast %eq3A_304 : i32 to vector<16xi32>
        %eq3A_306 = arith.cmpi eq, %iota3A, %eq3A_305 : vector<16xi32>
        %broadcast_in_dim3A_307 = vector.broadcast %reduce_sum3A_303 : i32 to vector<16xi32>
        %select_n3A_308 = arith.select %eq3A_306, %broadcast_in_dim3A_307, %select_n3A_297 : vector<16xi1>, vector<16xi32>
        %get3A_309 = arith.constant 144 : index
        %get3A_310 = tpu.vector_load %arg12[%get3A_309] {strides = array<i32>} : memref<512xi32, #tpu.memory_space<vmem>>, vector<16xi32>,
        %reduce_sum3A_311 = arith.constant true
        %reduce_sum3A_312 = vector.broadcast %reduce_sum3A_311 : i1 to vector<16xi1>
        %reduce_sum3A_313 = tpu.scan <sum>, %get3A_310 masked %reduce_sum3A_312 : vector<16xi32>, vector<16xi1> -> vector<16xi32>
        %reduce_sum3A_314 = vector.extract %reduce_sum3A_313[15] : i32 from vector<16xi32>
        %eq3A_315 = arith.constant 9 : i32
        %eq3A_316 = vector.broadcast %eq3A_315 : i32 to vector<16xi32>
        %eq3A_317 = arith.cmpi eq, %iota3A, %eq3A_316 : vector<16xi32>
        %broadcast_in_dim3A_318 = vector.broadcast %reduce_sum3A_314 : i32 to vector<16xi32>
        %select_n3A_319 = arith.select %eq3A_317, %broadcast_in_dim3A_318, %select_n3A_308 : vector<16xi1>, vector<16xi32>
        %get3A_320 = arith.constant 160 : index
        %get3A_321 = tpu.vector_load %arg12[%get3A_320] {strides = array<i32>} : memref<512xi32, #tpu.memory_space<vmem>>, vector<16xi32>,
        %reduce_sum3A_322 = arith.constant true
        %reduce_sum3A_323 = vector.broadcast %reduce_sum3A_322 : i1 to vector<16xi1>
        %reduce_sum3A_324 = tpu.scan <sum>, %get3A_321 masked %reduce_sum3A_323 : vector<16xi32>, vector<16xi1> -> vector<16xi32>
        %reduce_sum3A_325 = vector.extract %reduce_sum3A_324[15] : i32 from vector<16xi32>
        %eq3A_326 = arith.constant 10 : i32
        %eq3A_327 = vector.broadcast %eq3A_326 : i32 to vector<16xi32>
        %eq3A_328 = arith.cmpi eq, %iota3A, %eq3A_327 : vector<16xi32>
        %broadcast_in_dim3A_329 = vector.broadcast %reduce_sum3A_325 : i32 to vector<16xi32>
        %select_n3A_330 = arith.select %eq3A_328, %broadcast_in_dim3A_329, %select_n3A_319 : vector<16xi1>, vector<16xi32>
        %get3A_331 = arith.constant 176 : index
        %get3A_332 = tpu.vector_load %arg12[%get3A_331] {strides = array<i32>} : memref<512xi32, #tpu.memory_space<vmem>>, vector<16xi32>,
        %reduce_sum3A_333 = arith.constant true
        %reduce_sum3A_334 = vector.broadcast %reduce_sum3A_333 : i1 to vector<16xi1>
        %reduce_sum3A_335 = tpu.scan <sum>, %get3A_332 masked %reduce_sum3A_334 : vector<16xi32>, vector<16xi1> -> vector<16xi32>
        %reduce_sum3A_336 = vector.extract %reduce_sum3A_335[15] : i32 from vector<16xi32>
        %eq3A_337 = arith.constant 11 : i32
        %eq3A_338 = vector.broadcast %eq3A_337 : i32 to vector<16xi32>
        %eq3A_339 = arith.cmpi eq, %iota3A, %eq3A_338 : vector<16xi32>
        %broadcast_in_dim3A_340 = vector.broadcast %reduce_sum3A_336 : i32 to vector<16xi32>
        %select_n3A_341 = arith.select %eq3A_339, %broadcast_in_dim3A_340, %select_n3A_330 : vector<16xi1>, vector<16xi32>
        %get3A_342 = arith.constant 192 : index
        %get3A_343 = tpu.vector_load %arg12[%get3A_342] {strides = array<i32>} : memref<512xi32, #tpu.memory_space<vmem>>, vector<16xi32>,
        %reduce_sum3A_344 = arith.constant true
        %reduce_sum3A_345 = vector.broadcast %reduce_sum3A_344 : i1 to vector<16xi1>
        %reduce_sum3A_346 = tpu.scan <sum>, %get3A_343 masked %reduce_sum3A_345 : vector<16xi32>, vector<16xi1> -> vector<16xi32>
        %reduce_sum3A_347 = vector.extract %reduce_sum3A_346[15] : i32 from vector<16xi32>
        %eq3A_348 = arith.constant 12 : i32
        %eq3A_349 = vector.broadcast %eq3A_348 : i32 to vector<16xi32>
        %eq3A_350 = arith.cmpi eq, %iota3A, %eq3A_349 : vector<16xi32>
        %broadcast_in_dim3A_351 = vector.broadcast %reduce_sum3A_347 : i32 to vector<16xi32>
        %select_n3A_352 = arith.select %eq3A_350, %broadcast_in_dim3A_351, %select_n3A_341 : vector<16xi1>, vector<16xi32>
        %get3A_353 = arith.constant 208 : index
        %get3A_354 = tpu.vector_load %arg12[%get3A_353] {strides = array<i32>} : memref<512xi32, #tpu.memory_space<vmem>>, vector<16xi32>,
        %reduce_sum3A_355 = arith.constant true
        %reduce_sum3A_356 = vector.broadcast %reduce_sum3A_355 : i1 to vector<16xi1>
        %reduce_sum3A_357 = tpu.scan <sum>, %get3A_354 masked %reduce_sum3A_356 : vector<16xi32>, vector<16xi1> -> vector<16xi32>
        %reduce_sum3A_358 = vector.extract %reduce_sum3A_357[15] : i32 from vector<16xi32>
        %eq3A_359 = arith.constant 13 : i32
        %eq3A_360 = vector.broadcast %eq3A_359 : i32 to vector<16xi32>
        %eq3A_361 = arith.cmpi eq, %iota3A, %eq3A_360 : vector<16xi32>
        %broadcast_in_dim3A_362 = vector.broadcast %reduce_sum3A_358 : i32 to vector<16xi32>
        %select_n3A_363 = arith.select %eq3A_361, %broadcast_in_dim3A_362, %select_n3A_352 : vector<16xi1>, vector<16xi32>
        %get3A_364 = arith.constant 224 : index
        %get3A_365 = tpu.vector_load %arg12[%get3A_364] {strides = array<i32>} : memref<512xi32, #tpu.memory_space<vmem>>, vector<16xi32>,
        %reduce_sum3A_366 = arith.constant true
        %reduce_sum3A_367 = vector.broadcast %reduce_sum3A_366 : i1 to vector<16xi1>
        %reduce_sum3A_368 = tpu.scan <sum>, %get3A_365 masked %reduce_sum3A_367 : vector<16xi32>, vector<16xi1> -> vector<16xi32>
        %reduce_sum3A_369 = vector.extract %reduce_sum3A_368[15] : i32 from vector<16xi32>
        %eq3A_370 = arith.constant 14 : i32
        %eq3A_371 = vector.broadcast %eq3A_370 : i32 to vector<16xi32>
        %eq3A_372 = arith.cmpi eq, %iota3A, %eq3A_371 : vector<16xi32>
        %broadcast_in_dim3A_373 = vector.broadcast %reduce_sum3A_369 : i32 to vector<16xi32>
        %select_n3A_374 = arith.select %eq3A_372, %broadcast_in_dim3A_373, %select_n3A_363 : vector<16xi1>, vector<16xi32>
        %get3A_375 = arith.constant 240 : index
        %get3A_376 = tpu.vector_load %arg12[%get3A_375] {strides = array<i32>} : memref<512xi32, #tpu.memory_space<vmem>>, vector<16xi32>,
        %reduce_sum3A_377 = arith.constant true
        %reduce_sum3A_378 = vector.broadcast %reduce_sum3A_377 : i1 to vector<16xi1>
        %reduce_sum3A_379 = tpu.scan <sum>, %get3A_376 masked %reduce_sum3A_378 : vector<16xi32>, vector<16xi1> -> vector<16xi32>
        %reduce_sum3A_380 = vector.extract %reduce_sum3A_379[15] : i32 from vector<16xi32>
        %eq3A_381 = arith.constant 15 : i32
        %eq3A_382 = vector.broadcast %eq3A_381 : i32 to vector<16xi32>
        %eq3A_383 = arith.cmpi eq, %iota3A, %eq3A_382 : vector<16xi32>
        %broadcast_in_dim3A_384 = vector.broadcast %reduce_sum3A_380 : i32 to vector<16xi32>
        %select_n3A_385 = arith.select %eq3A_383, %broadcast_in_dim3A_384, %select_n3A_374 : vector<16xi1>, vector<16xi32>
        %broadcast_in_dim3A_386 = arith.constant true
        %broadcast_in_dim3A_387 = vector.broadcast %broadcast_in_dim3A_386 : i1 to vector<16xi1>
        %masked_cumsum3A = tpu.scan <sum>, %select_n3A_385 masked %broadcast_in_dim3A_387 : vector<16xi32>, vector<16xi1> -> vector<16xi32>
        %sub3A_388 = arith.subi %masked_cumsum3A, %select_n3A_385 : vector<16xi32>
        %ge3A = vector.broadcast %scan3A_65 : i32 to vector<16xi32>
        %ge3A_389 = arith.cmpi sge, %masked_cumsum3A, %ge3A : vector<16xi32>
        %all_reduce_ffs3A = tpu.all_reduce %ge3A_389 {dim = 0 : i64, kind = #tpu.reduction_kind<find_first_set>} : vector<16xi1> -> vector<16xi32>
        %reduce_max3A = arith.constant true
        %reduce_max3A_390 = vector.broadcast %reduce_max3A : i1 to vector<16xi1>
        %reduce_max3A_391 = arith.constant -2147483648 : i32
        %reduce_max3A_392 = vector.broadcast %reduce_max3A_391 : i32 to vector<16xi32>
        %reduce_max3A_393 = arith.xori %all_reduce_ffs3A, %reduce_max3A_392 : vector<16xi32>
        %reduce_max3A_394 = tpu.scan <max>, %reduce_max3A_393 masked %reduce_max3A_390 : vector<16xi32>, vector<16xi1> -> vector<16xi32>
        %reduce_max3A_395 = arith.xori %reduce_max3A_394, %reduce_max3A_392 : vector<16xi32>
        %reduce_max3A_396 = vector.extract %reduce_max3A_395[15] : i32 from vector<16xi32>
        %eq3A_397 = vector.broadcast %reduce_max3A_396 : i32 to vector<16xi32>
        %eq3A_398 = arith.cmpi eq, %iota3A, %eq3A_397 : vector<16xi32>
        %jit3A_399 = arith.constant 0 : i32
        %broadcast_in_dim3A_400 = vector.broadcast %jit3A_399 : i32 to vector<16xi32>
        %select_n3A_401 = arith.select %eq3A_398, %sub3A_388, %broadcast_in_dim3A_400 : vector<16xi1>, vector<16xi32>
        %reduce_sum3A_402 = arith.constant true
        %reduce_sum3A_403 = vector.broadcast %reduce_sum3A_402 : i1 to vector<16xi1>
        %reduce_sum3A_404 = tpu.scan <sum>, %select_n3A_401 masked %reduce_sum3A_403 : vector<16xi32>, vector<16xi1> -> vector<16xi32>
        %reduce_sum3A_405 = vector.extract %reduce_sum3A_404[15] : i32 from vector<16xi32>
        %broadcast_in_dim3A_406 = arith.constant 0 : i32
        %broadcast_in_dim3A_407 = vector.broadcast %broadcast_in_dim3A_406 : i32 to vector<16xi32>
        %get3A_408 = arith.constant 256 : index
        %get3A_409 = tpu.vector_load %arg12[%get3A_408] {strides = array<i32>} : memref<512xi32, #tpu.memory_space<vmem>>, vector<16xi32>,
        %reduce_sum3A_410 = arith.constant true
        %reduce_sum3A_411 = vector.broadcast %reduce_sum3A_410 : i1 to vector<16xi1>
        %reduce_sum3A_412 = tpu.scan <sum>, %get3A_409 masked %reduce_sum3A_411 : vector<16xi32>, vector<16xi1> -> vector<16xi32>
        %reduce_sum3A_413 = vector.extract %reduce_sum3A_412[15] : i32 from vector<16xi32>
        %eq3A_414 = arith.constant 0 : i32
        %eq3A_415 = vector.broadcast %eq3A_414 : i32 to vector<16xi32>
        %eq3A_416 = arith.cmpi eq, %iota3A, %eq3A_415 : vector<16xi32>
        %broadcast_in_dim3A_417 = vector.broadcast %reduce_sum3A_413 : i32 to vector<16xi32>
        %select_n3A_418 = arith.select %eq3A_416, %broadcast_in_dim3A_417, %broadcast_in_dim3A_407 : vector<16xi1>, vector<16xi32>
        %get3A_419 = arith.constant 272 : index
        %get3A_420 = tpu.vector_load %arg12[%get3A_419] {strides = array<i32>} : memref<512xi32, #tpu.memory_space<vmem>>, vector<16xi32>,
        %reduce_sum3A_421 = arith.constant true
        %reduce_sum3A_422 = vector.broadcast %reduce_sum3A_421 : i1 to vector<16xi1>
        %reduce_sum3A_423 = tpu.scan <sum>, %get3A_420 masked %reduce_sum3A_422 : vector<16xi32>, vector<16xi1> -> vector<16xi32>
        %reduce_sum3A_424 = vector.extract %reduce_sum3A_423[15] : i32 from vector<16xi32>
        %eq3A_425 = arith.constant 1 : i32
        %eq3A_426 = vector.broadcast %eq3A_425 : i32 to vector<16xi32>
        %eq3A_427 = arith.cmpi eq, %iota3A, %eq3A_426 : vector<16xi32>
        %broadcast_in_dim3A_428 = vector.broadcast %reduce_sum3A_424 : i32 to vector<16xi32>
        %select_n3A_429 = arith.select %eq3A_427, %broadcast_in_dim3A_428, %select_n3A_418 : vector<16xi1>, vector<16xi32>
        %get3A_430 = arith.constant 288 : index
        %get3A_431 = tpu.vector_load %arg12[%get3A_430] {strides = array<i32>} : memref<512xi32, #tpu.memory_space<vmem>>, vector<16xi32>,
        %reduce_sum3A_432 = arith.constant true
        %reduce_sum3A_433 = vector.broadcast %reduce_sum3A_432 : i1 to vector<16xi1>
        %reduce_sum3A_434 = tpu.scan <sum>, %get3A_431 masked %reduce_sum3A_433 : vector<16xi32>, vector<16xi1> -> vector<16xi32>
        %reduce_sum3A_435 = vector.extract %reduce_sum3A_434[15] : i32 from vector<16xi32>
        %eq3A_436 = arith.constant 2 : i32
        %eq3A_437 = vector.broadcast %eq3A_436 : i32 to vector<16xi32>
        %eq3A_438 = arith.cmpi eq, %iota3A, %eq3A_437 : vector<16xi32>
        %broadcast_in_dim3A_439 = vector.broadcast %reduce_sum3A_435 : i32 to vector<16xi32>
        %select_n3A_440 = arith.select %eq3A_438, %broadcast_in_dim3A_439, %select_n3A_429 : vector<16xi1>, vector<16xi32>
        %get3A_441 = arith.constant 304 : index
        %get3A_442 = tpu.vector_load %arg12[%get3A_441] {strides = array<i32>} : memref<512xi32, #tpu.memory_space<vmem>>, vector<16xi32>,
        %reduce_sum3A_443 = arith.constant true
        %reduce_sum3A_444 = vector.broadcast %reduce_sum3A_443 : i1 to vector<16xi1>
        %reduce_sum3A_445 = tpu.scan <sum>, %get3A_442 masked %reduce_sum3A_444 : vector<16xi32>, vector<16xi1> -> vector<16xi32>
        %reduce_sum3A_446 = vector.extract %reduce_sum3A_445[15] : i32 from vector<16xi32>
        %eq3A_447 = arith.constant 3 : i32
        %eq3A_448 = vector.broadcast %eq3A_447 : i32 to vector<16xi32>
        %eq3A_449 = arith.cmpi eq, %iota3A, %eq3A_448 : vector<16xi32>
        %broadcast_in_dim3A_450 = vector.broadcast %reduce_sum3A_446 : i32 to vector<16xi32>
        %select_n3A_451 = arith.select %eq3A_449, %broadcast_in_dim3A_450, %select_n3A_440 : vector<16xi1>, vector<16xi32>
        %get3A_452 = arith.constant 320 : index
        %get3A_453 = tpu.vector_load %arg12[%get3A_452] {strides = array<i32>} : memref<512xi32, #tpu.memory_space<vmem>>, vector<16xi32>,
        %reduce_sum3A_454 = arith.constant true
        %reduce_sum3A_455 = vector.broadcast %reduce_sum3A_454 : i1 to vector<16xi1>
        %reduce_sum3A_456 = tpu.scan <sum>, %get3A_453 masked %reduce_sum3A_455 : vector<16xi32>, vector<16xi1> -> vector<16xi32>
        %reduce_sum3A_457 = vector.extract %reduce_sum3A_456[15] : i32 from vector<16xi32>
        %eq3A_458 = arith.constant 4 : i32
        %eq3A_459 = vector.broadcast %eq3A_458 : i32 to vector<16xi32>
        %eq3A_460 = arith.cmpi eq, %iota3A, %eq3A_459 : vector<16xi32>
        %broadcast_in_dim3A_461 = vector.broadcast %reduce_sum3A_457 : i32 to vector<16xi32>
        %select_n3A_462 = arith.select %eq3A_460, %broadcast_in_dim3A_461, %select_n3A_451 : vector<16xi1>, vector<16xi32>
        %get3A_463 = arith.constant 336 : index
        %get3A_464 = tpu.vector_load %arg12[%get3A_463] {strides = array<i32>} : memref<512xi32, #tpu.memory_space<vmem>>, vector<16xi32>,
        %reduce_sum3A_465 = arith.constant true
        %reduce_sum3A_466 = vector.broadcast %reduce_sum3A_465 : i1 to vector<16xi1>
        %reduce_sum3A_467 = tpu.scan <sum>, %get3A_464 masked %reduce_sum3A_466 : vector<16xi32>, vector<16xi1> -> vector<16xi32>
        %reduce_sum3A_468 = vector.extract %reduce_sum3A_467[15] : i32 from vector<16xi32>
        %eq3A_469 = arith.constant 5 : i32
        %eq3A_470 = vector.broadcast %eq3A_469 : i32 to vector<16xi32>
        %eq3A_471 = arith.cmpi eq, %iota3A, %eq3A_470 : vector<16xi32>
        %broadcast_in_dim3A_472 = vector.broadcast %reduce_sum3A_468 : i32 to vector<16xi32>
        %select_n3A_473 = arith.select %eq3A_471, %broadcast_in_dim3A_472, %select_n3A_462 : vector<16xi1>, vector<16xi32>
        %get3A_474 = arith.constant 352 : index
        %get3A_475 = tpu.vector_load %arg12[%get3A_474] {strides = array<i32>} : memref<512xi32, #tpu.memory_space<vmem>>, vector<16xi32>,
        %reduce_sum3A_476 = arith.constant true
        %reduce_sum3A_477 = vector.broadcast %reduce_sum3A_476 : i1 to vector<16xi1>
        %reduce_sum3A_478 = tpu.scan <sum>, %get3A_475 masked %reduce_sum3A_477 : vector<16xi32>, vector<16xi1> -> vector<16xi32>
        %reduce_sum3A_479 = vector.extract %reduce_sum3A_478[15] : i32 from vector<16xi32>
        %eq3A_480 = arith.constant 6 : i32
        %eq3A_481 = vector.broadcast %eq3A_480 : i32 to vector<16xi32>
        %eq3A_482 = arith.cmpi eq, %iota3A, %eq3A_481 : vector<16xi32>
        %broadcast_in_dim3A_483 = vector.broadcast %reduce_sum3A_479 : i32 to vector<16xi32>
        %select_n3A_484 = arith.select %eq3A_482, %broadcast_in_dim3A_483, %select_n3A_473 : vector<16xi1>, vector<16xi32>
        %get3A_485 = arith.constant 368 : index
        %get3A_486 = tpu.vector_load %arg12[%get3A_485] {strides = array<i32>} : memref<512xi32, #tpu.memory_space<vmem>>, vector<16xi32>,
        %reduce_sum3A_487 = arith.constant true
        %reduce_sum3A_488 = vector.broadcast %reduce_sum3A_487 : i1 to vector<16xi1>
        %reduce_sum3A_489 = tpu.scan <sum>, %get3A_486 masked %reduce_sum3A_488 : vector<16xi32>, vector<16xi1> -> vector<16xi32>
        %reduce_sum3A_490 = vector.extract %reduce_sum3A_489[15] : i32 from vector<16xi32>
        %eq3A_491 = arith.constant 7 : i32
        %eq3A_492 = vector.broadcast %eq3A_491 : i32 to vector<16xi32>
        %eq3A_493 = arith.cmpi eq, %iota3A, %eq3A_492 : vector<16xi32>
        %broadcast_in_dim3A_494 = vector.broadcast %reduce_sum3A_490 : i32 to vector<16xi32>
        %select_n3A_495 = arith.select %eq3A_493, %broadcast_in_dim3A_494, %select_n3A_484 : vector<16xi1>, vector<16xi32>
        %get3A_496 = arith.constant 384 : index
        %get3A_497 = tpu.vector_load %arg12[%get3A_496] {strides = array<i32>} : memref<512xi32, #tpu.memory_space<vmem>>, vector<16xi32>,
        %reduce_sum3A_498 = arith.constant true
        %reduce_sum3A_499 = vector.broadcast %reduce_sum3A_498 : i1 to vector<16xi1>
        %reduce_sum3A_500 = tpu.scan <sum>, %get3A_497 masked %reduce_sum3A_499 : vector<16xi32>, vector<16xi1> -> vector<16xi32>
        %reduce_sum3A_501 = vector.extract %reduce_sum3A_500[15] : i32 from vector<16xi32>
        %eq3A_502 = arith.constant 8 : i32
        %eq3A_503 = vector.broadcast %eq3A_502 : i32 to vector<16xi32>
        %eq3A_504 = arith.cmpi eq, %iota3A, %eq3A_503 : vector<16xi32>
        %broadcast_in_dim3A_505 = vector.broadcast %reduce_sum3A_501 : i32 to vector<16xi32>
        %select_n3A_506 = arith.select %eq3A_504, %broadcast_in_dim3A_505, %select_n3A_495 : vector<16xi1>, vector<16xi32>
        %get3A_507 = arith.constant 400 : index
        %get3A_508 = tpu.vector_load %arg12[%get3A_507] {strides = array<i32>} : memref<512xi32, #tpu.memory_space<vmem>>, vector<16xi32>,
        %reduce_sum3A_509 = arith.constant true
        %reduce_sum3A_510 = vector.broadcast %reduce_sum3A_509 : i1 to vector<16xi1>
        %reduce_sum3A_511 = tpu.scan <sum>, %get3A_508 masked %reduce_sum3A_510 : vector<16xi32>, vector<16xi1> -> vector<16xi32>
        %reduce_sum3A_512 = vector.extract %reduce_sum3A_511[15] : i32 from vector<16xi32>
        %eq3A_513 = arith.constant 9 : i32
        %eq3A_514 = vector.broadcast %eq3A_513 : i32 to vector<16xi32>
        %eq3A_515 = arith.cmpi eq, %iota3A, %eq3A_514 : vector<16xi32>
        %broadcast_in_dim3A_516 = vector.broadcast %reduce_sum3A_512 : i32 to vector<16xi32>
        %select_n3A_517 = arith.select %eq3A_515, %broadcast_in_dim3A_516, %select_n3A_506 : vector<16xi1>, vector<16xi32>
        %get3A_518 = arith.constant 416 : index
        %get3A_519 = tpu.vector_load %arg12[%get3A_518] {strides = array<i32>} : memref<512xi32, #tpu.memory_space<vmem>>, vector<16xi32>,
        %reduce_sum3A_520 = arith.constant true
        %reduce_sum3A_521 = vector.broadcast %reduce_sum3A_520 : i1 to vector<16xi1>
        %reduce_sum3A_522 = tpu.scan <sum>, %get3A_519 masked %reduce_sum3A_521 : vector<16xi32>, vector<16xi1> -> vector<16xi32>
        %reduce_sum3A_523 = vector.extract %reduce_sum3A_522[15] : i32 from vector<16xi32>
        %eq3A_524 = arith.constant 10 : i32
        %eq3A_525 = vector.broadcast %eq3A_524 : i32 to vector<16xi32>
        %eq3A_526 = arith.cmpi eq, %iota3A, %eq3A_525 : vector<16xi32>
        %broadcast_in_dim3A_527 = vector.broadcast %reduce_sum3A_523 : i32 to vector<16xi32>
        %select_n3A_528 = arith.select %eq3A_526, %broadcast_in_dim3A_527, %select_n3A_517 : vector<16xi1>, vector<16xi32>
        %get3A_529 = arith.constant 432 : index
        %get3A_530 = tpu.vector_load %arg12[%get3A_529] {strides = array<i32>} : memref<512xi32, #tpu.memory_space<vmem>>, vector<16xi32>,
        %reduce_sum3A_531 = arith.constant true
        %reduce_sum3A_532 = vector.broadcast %reduce_sum3A_531 : i1 to vector<16xi1>
        %reduce_sum3A_533 = tpu.scan <sum>, %get3A_530 masked %reduce_sum3A_532 : vector<16xi32>, vector<16xi1> -> vector<16xi32>
        %reduce_sum3A_534 = vector.extract %reduce_sum3A_533[15] : i32 from vector<16xi32>
        %eq3A_535 = arith.constant 11 : i32
        %eq3A_536 = vector.broadcast %eq3A_535 : i32 to vector<16xi32>
        %eq3A_537 = arith.cmpi eq, %iota3A, %eq3A_536 : vector<16xi32>
        %broadcast_in_dim3A_538 = vector.broadcast %reduce_sum3A_534 : i32 to vector<16xi32>
        %select_n3A_539 = arith.select %eq3A_537, %broadcast_in_dim3A_538, %select_n3A_528 : vector<16xi1>, vector<16xi32>
        %get3A_540 = arith.constant 448 : index
        %get3A_541 = tpu.vector_load %arg12[%get3A_540] {strides = array<i32>} : memref<512xi32, #tpu.memory_space<vmem>>, vector<16xi32>,
        %reduce_sum3A_542 = arith.constant true
        %reduce_sum3A_543 = vector.broadcast %reduce_sum3A_542 : i1 to vector<16xi1>
        %reduce_sum3A_544 = tpu.scan <sum>, %get3A_541 masked %reduce_sum3A_543 : vector<16xi32>, vector<16xi1> -> vector<16xi32>
        %reduce_sum3A_545 = vector.extract %reduce_sum3A_544[15] : i32 from vector<16xi32>
        %eq3A_546 = arith.constant 12 : i32
        %eq3A_547 = vector.broadcast %eq3A_546 : i32 to vector<16xi32>
        %eq3A_548 = arith.cmpi eq, %iota3A, %eq3A_547 : vector<16xi32>
        %broadcast_in_dim3A_549 = vector.broadcast %reduce_sum3A_545 : i32 to vector<16xi32>
        %select_n3A_550 = arith.select %eq3A_548, %broadcast_in_dim3A_549, %select_n3A_539 : vector<16xi1>, vector<16xi32>
        %get3A_551 = arith.constant 464 : index
        %get3A_552 = tpu.vector_load %arg12[%get3A_551] {strides = array<i32>} : memref<512xi32, #tpu.memory_space<vmem>>, vector<16xi32>,
        %reduce_sum3A_553 = arith.constant true
        %reduce_sum3A_554 = vector.broadcast %reduce_sum3A_553 : i1 to vector<16xi1>
        %reduce_sum3A_555 = tpu.scan <sum>, %get3A_552 masked %reduce_sum3A_554 : vector<16xi32>, vector<16xi1> -> vector<16xi32>
        %reduce_sum3A_556 = vector.extract %reduce_sum3A_555[15] : i32 from vector<16xi32>
        %eq3A_557 = arith.constant 13 : i32
        %eq3A_558 = vector.broadcast %eq3A_557 : i32 to vector<16xi32>
        %eq3A_559 = arith.cmpi eq, %iota3A, %eq3A_558 : vector<16xi32>
        %broadcast_in_dim3A_560 = vector.broadcast %reduce_sum3A_556 : i32 to vector<16xi32>
        %select_n3A_561 = arith.select %eq3A_559, %broadcast_in_dim3A_560, %select_n3A_550 : vector<16xi1>, vector<16xi32>
        %get3A_562 = arith.constant 480 : index
        %get3A_563 = tpu.vector_load %arg12[%get3A_562] {strides = array<i32>} : memref<512xi32, #tpu.memory_space<vmem>>, vector<16xi32>,
        %reduce_sum3A_564 = arith.constant true
        %reduce_sum3A_565 = vector.broadcast %reduce_sum3A_564 : i1 to vector<16xi1>
        %reduce_sum3A_566 = tpu.scan <sum>, %get3A_563 masked %reduce_sum3A_565 : vector<16xi32>, vector<16xi1> -> vector<16xi32>
        %reduce_sum3A_567 = vector.extract %reduce_sum3A_566[15] : i32 from vector<16xi32>
        %eq3A_568 = arith.constant 14 : i32
        %eq3A_569 = vector.broadcast %eq3A_568 : i32 to vector<16xi32>
        %eq3A_570 = arith.cmpi eq, %iota3A, %eq3A_569 : vector<16xi32>
        %broadcast_in_dim3A_571 = vector.broadcast %reduce_sum3A_567 : i32 to vector<16xi32>
        %select_n3A_572 = arith.select %eq3A_570, %broadcast_in_dim3A_571, %select_n3A_561 : vector<16xi1>, vector<16xi32>
        %get3A_573 = arith.constant 496 : index
        %get3A_574 = tpu.vector_load %arg12[%get3A_573] {strides = array<i32>} : memref<512xi32, #tpu.memory_space<vmem>>, vector<16xi32>,
        %reduce_sum3A_575 = arith.constant true
        %reduce_sum3A_576 = vector.broadcast %reduce_sum3A_575 : i1 to vector<16xi1>
        %reduce_sum3A_577 = tpu.scan <sum>, %get3A_574 masked %reduce_sum3A_576 : vector<16xi32>, vector<16xi1> -> vector<16xi32>
        %reduce_sum3A_578 = vector.extract %reduce_sum3A_577[15] : i32 from vector<16xi32>
        %eq3A_579 = arith.constant 15 : i32
        %eq3A_580 = vector.broadcast %eq3A_579 : i32 to vector<16xi32>
        %eq3A_581 = arith.cmpi eq, %iota3A, %eq3A_580 : vector<16xi32>
        %broadcast_in_dim3A_582 = vector.broadcast %reduce_sum3A_578 : i32 to vector<16xi32>
        %select_n3A_583 = arith.select %eq3A_581, %broadcast_in_dim3A_582, %select_n3A_572 : vector<16xi1>, vector<16xi32>
        %broadcast_in_dim3A_584 = arith.constant true
        %broadcast_in_dim3A_585 = vector.broadcast %broadcast_in_dim3A_584 : i1 to vector<16xi1>
        %masked_cumsum3A_586 = tpu.scan <sum>, %select_n3A_583 masked %broadcast_in_dim3A_585 : vector<16xi32>, vector<16xi1> -> vector<16xi32>
        %sub3A_587 = arith.subi %masked_cumsum3A_586, %select_n3A_583 : vector<16xi32>
        %ge3A_588 = vector.broadcast %scan3A_67 : i32 to vector<16xi32>
        %ge3A_589 = arith.cmpi sge, %masked_cumsum3A_586, %ge3A_588 : vector<16xi32>
        %all_reduce_ffs3A_590 = tpu.all_reduce %ge3A_589 {dim = 0 : i64, kind = #tpu.reduction_kind<find_first_set>} : vector<16xi1> -> vector<16xi32>
        %reduce_max3A_591 = arith.constant true
        %reduce_max3A_592 = vector.broadcast %reduce_max3A_591 : i1 to vector<16xi1>
        %reduce_max3A_593 = arith.constant -2147483648 : i32
        %reduce_max3A_594 = vector.broadcast %reduce_max3A_593 : i32 to vector<16xi32>
        %reduce_max3A_595 = arith.xori %all_reduce_ffs3A_590, %reduce_max3A_594 : vector<16xi32>
        %reduce_max3A_596 = tpu.scan <max>, %reduce_max3A_595 masked %reduce_max3A_592 : vector<16xi32>, vector<16xi1> -> vector<16xi32>
        %reduce_max3A_597 = arith.xori %reduce_max3A_596, %reduce_max3A_594 : vector<16xi32>
        %reduce_max3A_598 = vector.extract %reduce_max3A_597[15] : i32 from vector<16xi32>
        %eq3A_599 = vector.broadcast %reduce_max3A_598 : i32 to vector<16xi32>
        %eq3A_600 = arith.cmpi eq, %iota3A, %eq3A_599 : vector<16xi32>
        %jit3A_601 = arith.constant 0 : i32
        %broadcast_in_dim3A_602 = vector.broadcast %jit3A_601 : i32 to vector<16xi32>
        %select_n3A_603 = arith.select %eq3A_600, %sub3A_587, %broadcast_in_dim3A_602 : vector<16xi1>, vector<16xi32>
        %reduce_sum3A_604 = arith.constant true
        %reduce_sum3A_605 = vector.broadcast %reduce_sum3A_604 : i1 to vector<16xi1>
        %reduce_sum3A_606 = tpu.scan <sum>, %select_n3A_603 masked %reduce_sum3A_605 : vector<16xi32>, vector<16xi1> -> vector<16xi32>
        %reduce_sum3A_607 = vector.extract %reduce_sum3A_606[15] : i32 from vector<16xi32>
        %shift_left3A = arith.shli %reduce_max3A_396, %sub3A_72 : i32
        %or3A = arith.ori %scan3A_64, %shift_left3A : i32
        %shift_left3A_608 = arith.shli %reduce_max3A_598, %sub3A_72 : i32
        %or3A_609 = arith.ori %scan3A_66, %shift_left3A_608 : i32
        %shift_left3A_610 = arith.constant 15 : i32
        %shift_left3A_611 = arith.shli %shift_left3A_610, %sub3A_72 : i32
        %or3A_612 = arith.ori %scan3A_68, %shift_left3A_611 : i32
        %sub3A_613 = arith.subi %scan3A_65, %reduce_sum3A_405 : i32
        %sub3A_614 = arith.subi %scan3A_67, %reduce_sum3A_607 : i32
        scf.yield %or3A, %sub3A_613, %or3A_609, %sub3A_614, %or3A_612 : i32, i32, i32, i32, i32
      }
      %scan3A_41 = arith.constant 8 : i32
      %xor3A = arith.xori %scan3A_40#0, %cond3A : i32
      %xor3A_42 = arith.xori %scan3A_40#2, %cond3A : i32
      %get3A = arith.constant 0 : index
      %get3A_43 = tpu.vector_load %arg11[%get3A] {strides = array<i32>} : memref<16xf32, #tpu.memory_space<vmem>>, vector<16xf32>,
      %broadcast_in_dim3A_44 = arith.constant 0.000000e+00 : f32
      %broadcast_in_dim3A_45 = vector.broadcast %broadcast_in_dim3A_44 : f32 to vector<16xf32>
      %scan3A_46 = arith.constant 0 : i32
      %scan3A_47 = arith.constant 546 : i32
      %scan3A_48 = arith.addi %scan3A_46, %scan3A_47 : i32
      %scan3A_49 = arith.constant 13 : i32
      %scan3A_50 = scf.for %scan3A_63 = %scan3A_46 to %scan3A_48 step %scan3A_49 iter_args(%scan3A_64 = %broadcast_in_dim3A_45) -> (vector<16xf32>)  : i32 {
        %mul3A_65 = arith.constant 16 : i32
        %mul3A_66 = arith.muli %scan3A_63, %mul3A_65 : i32
        %get3A_67 = arith.index_cast %mul3A_66 : i32 to index
        %get3A_68 = tpu.vector_load %arg10[%get3A_67] {strides = array<i32>} : memref<8736xi32, #tpu.memory_space<vmem>>, vector<16xi32>,
        %xor3A_69 = vector.broadcast %cond3A : i32 to vector<16xi32>
        %xor3A_70 = arith.xori %get3A_68, %xor3A_69 : vector<16xi32>
        %lt3A_71 = vector.broadcast %xor3A : i32 to vector<16xi32>
        %lt3A_72 = arith.cmpi slt, %xor3A_70, %lt3A_71 : vector<16xi32>
        %gt3A = vector.broadcast %xor3A_42 : i32 to vector<16xi32>
        %gt3A_73 = arith.cmpi sgt, %xor3A_70, %gt3A : vector<16xi32>
        %or3A = arith.ori %lt3A_72, %gt3A_73 : vector<16xi1>
        %mul3A_74 = arith.constant 16 : i32
        %mul3A_75 = arith.muli %scan3A_63, %mul3A_74 : i32
        %add3A_76 = vector.broadcast %mul3A_75 : i32 to vector<16xi32>
        %add3A_77 = arith.addi %add3A_76, %iota3A : vector<16xi32>
        %lt3A_78 = arith.constant 8732 : i32
        %lt3A_79 = vector.broadcast %lt3A_78 : i32 to vector<16xi32>
        %lt3A_80 = arith.cmpi slt, %add3A_77, %lt3A_79 : vector<16xi32>
        %and3A = arith.andi %or3A, %lt3A_80 : vector<16xi1>
        %mul3A_81 = arith.constant 16 : i32
        %mul3A_82 = arith.muli %scan3A_63, %mul3A_81 : i32
        %get3A_83 = arith.index_cast %mul3A_82 : i32 to index
        %get3A_84 = tpu.vector_load %arg7[%get3A_83] {strides = array<i32>} : memref<8736xf32, #tpu.memory_space<vmem>>, vector<16xf32>,
        %mul3A_85 = arith.constant 16 : i32
        %mul3A_86 = arith.muli %scan3A_63, %mul3A_85 : i32
        %get3A_87 = arith.index_cast %mul3A_86 : i32 to index
        %get3A_88 = tpu.vector_load %arg8[%get3A_87] {strides = array<i32>} : memref<8736xf32, #tpu.memory_space<vmem>>, vector<16xf32>,
        %abs3A = math.absf %get3A_84 : vector<16xf32>
        %mul3A_89 = arith.mulf %get3A_43, %abs3A : vector<16xf32>
        %add3A_90 = arith.addf %get3A_88, %mul3A_89 : vector<16xf32>
        %jit3A_91 = arith.constant 0.000000e+00 : f32
        %broadcast_in_dim3A_92 = vector.broadcast %jit3A_91 : f32 to vector<16xf32>
        %select_n3A_93 = arith.select %and3A, %add3A_90, %broadcast_in_dim3A_92 : vector<16xi1>, vector<16xf32>
        %add3A_94 = arith.addf %scan3A_64, %select_n3A_93 : vector<16xf32>
        %scan3A_95 = arith.constant 1 : i32
        %scan3A_96 = arith.addi %scan3A_63, %scan3A_95 : i32
        %mul3A_97 = arith.constant 16 : i32
        %mul3A_98 = arith.muli %scan3A_96, %mul3A_97 : i32
        %get3A_99 = arith.index_cast %mul3A_98 : i32 to index
        %get3A_100 = tpu.vector_load %arg10[%get3A_99] {strides = array<i32>} : memref<8736xi32, #tpu.memory_space<vmem>>, vector<16xi32>,
        %xor3A_101 = vector.broadcast %cond3A : i32 to vector<16xi32>
        %xor3A_102 = arith.xori %get3A_100, %xor3A_101 : vector<16xi32>
        %lt3A_103 = vector.broadcast %xor3A : i32 to vector<16xi32>
        %lt3A_104 = arith.cmpi slt, %xor3A_102, %lt3A_103 : vector<16xi32>
        %gt3A_105 = vector.broadcast %xor3A_42 : i32 to vector<16xi32>
        %gt3A_106 = arith.cmpi sgt, %xor3A_102, %gt3A_105 : vector<16xi32>
        %or3A_107 = arith.ori %lt3A_104, %gt3A_106 : vector<16xi1>
        %mul3A_108 = arith.constant 16 : i32
        %mul3A_109 = arith.muli %scan3A_96, %mul3A_108 : i32
        %add3A_110 = vector.broadcast %mul3A_109 : i32 to vector<16xi32>
        %add3A_111 = arith.addi %add3A_110, %iota3A : vector<16xi32>
        %lt3A_112 = arith.constant 8732 : i32
        %lt3A_113 = vector.broadcast %lt3A_112 : i32 to vector<16xi32>
        %lt3A_114 = arith.cmpi slt, %add3A_111, %lt3A_113 : vector<16xi32>
        %and3A_115 = arith.andi %or3A_107, %lt3A_114 : vector<16xi1>
        %mul3A_116 = arith.constant 16 : i32
        %mul3A_117 = arith.muli %scan3A_96, %mul3A_116 : i32
        %get3A_118 = arith.index_cast %mul3A_117 : i32 to index
        %get3A_119 = tpu.vector_load %arg7[%get3A_118] {strides = array<i32>} : memref<8736xf32, #tpu.memory_space<vmem>>, vector<16xf32>,
        %mul3A_120 = arith.constant 16 : i32
        %mul3A_121 = arith.muli %scan3A_96, %mul3A_120 : i32
        %get3A_122 = arith.index_cast %mul3A_121 : i32 to index
        %get3A_123 = tpu.vector_load %arg8[%get3A_122] {strides = array<i32>} : memref<8736xf32, #tpu.memory_space<vmem>>, vector<16xf32>,
        %abs3A_124 = math.absf %get3A_119 : vector<16xf32>
        %mul3A_125 = arith.mulf %get3A_43, %abs3A_124 : vector<16xf32>
        %add3A_126 = arith.addf %get3A_123, %mul3A_125 : vector<16xf32>
        %jit3A_127 = arith.constant 0.000000e+00 : f32
        %broadcast_in_dim3A_128 = vector.broadcast %jit3A_127 : f32 to vector<16xf32>
        %select_n3A_129 = arith.select %and3A_115, %add3A_126, %broadcast_in_dim3A_128 : vector<16xi1>, vector<16xf32>
        %add3A_130 = arith.addf %add3A_94, %select_n3A_129 : vector<16xf32>
        %scan3A_131 = arith.constant 2 : i32
        %scan3A_132 = arith.addi %scan3A_63, %scan3A_131 : i32
        %mul3A_133 = arith.constant 16 : i32
        %mul3A_134 = arith.muli %scan3A_132, %mul3A_133 : i32
        %get3A_135 = arith.index_cast %mul3A_134 : i32 to index
        %get3A_136 = tpu.vector_load %arg10[%get3A_135] {strides = array<i32>} : memref<8736xi32, #tpu.memory_space<vmem>>, vector<16xi32>,
        %xor3A_137 = vector.broadcast %cond3A : i32 to vector<16xi32>
        %xor3A_138 = arith.xori %get3A_136, %xor3A_137 : vector<16xi32>
        %lt3A_139 = vector.broadcast %xor3A : i32 to vector<16xi32>
        %lt3A_140 = arith.cmpi slt, %xor3A_138, %lt3A_139 : vector<16xi32>
        %gt3A_141 = vector.broadcast %xor3A_42 : i32 to vector<16xi32>
        %gt3A_142 = arith.cmpi sgt, %xor3A_138, %gt3A_141 : vector<16xi32>
        %or3A_143 = arith.ori %lt3A_140, %gt3A_142 : vector<16xi1>
        %mul3A_144 = arith.constant 16 : i32
        %mul3A_145 = arith.muli %scan3A_132, %mul3A_144 : i32
        %add3A_146 = vector.broadcast %mul3A_145 : i32 to vector<16xi32>
        %add3A_147 = arith.addi %add3A_146, %iota3A : vector<16xi32>
        %lt3A_148 = arith.constant 8732 : i32
        %lt3A_149 = vector.broadcast %lt3A_148 : i32 to vector<16xi32>
        %lt3A_150 = arith.cmpi slt, %add3A_147, %lt3A_149 : vector<16xi32>
        %and3A_151 = arith.andi %or3A_143, %lt3A_150 : vector<16xi1>
        %mul3A_152 = arith.constant 16 : i32
        %mul3A_153 = arith.muli %scan3A_132, %mul3A_152 : i32
        %get3A_154 = arith.index_cast %mul3A_153 : i32 to index
        %get3A_155 = tpu.vector_load %arg7[%get3A_154] {strides = array<i32>} : memref<8736xf32, #tpu.memory_space<vmem>>, vector<16xf32>,
        %mul3A_156 = arith.constant 16 : i32
        %mul3A_157 = arith.muli %scan3A_132, %mul3A_156 : i32
        %get3A_158 = arith.index_cast %mul3A_157 : i32 to index
        %get3A_159 = tpu.vector_load %arg8[%get3A_158] {strides = array<i32>} : memref<8736xf32, #tpu.memory_space<vmem>>, vector<16xf32>,
        %abs3A_160 = math.absf %get3A_155 : vector<16xf32>
        %mul3A_161 = arith.mulf %get3A_43, %abs3A_160 : vector<16xf32>
        %add3A_162 = arith.addf %get3A_159, %mul3A_161 : vector<16xf32>
        %jit3A_163 = arith.constant 0.000000e+00 : f32
        %broadcast_in_dim3A_164 = vector.broadcast %jit3A_163 : f32 to vector<16xf32>
        %select_n3A_165 = arith.select %and3A_151, %add3A_162, %broadcast_in_dim3A_164 : vector<16xi1>, vector<16xf32>
        %add3A_166 = arith.addf %add3A_130, %select_n3A_165 : vector<16xf32>
        %scan3A_167 = arith.constant 3 : i32
        %scan3A_168 = arith.addi %scan3A_63, %scan3A_167 : i32
        %mul3A_169 = arith.constant 16 : i32
        %mul3A_170 = arith.muli %scan3A_168, %mul3A_169 : i32
        %get3A_171 = arith.index_cast %mul3A_170 : i32 to index
        %get3A_172 = tpu.vector_load %arg10[%get3A_171] {strides = array<i32>} : memref<8736xi32, #tpu.memory_space<vmem>>, vector<16xi32>,
        %xor3A_173 = vector.broadcast %cond3A : i32 to vector<16xi32>
        %xor3A_174 = arith.xori %get3A_172, %xor3A_173 : vector<16xi32>
        %lt3A_175 = vector.broadcast %xor3A : i32 to vector<16xi32>
        %lt3A_176 = arith.cmpi slt, %xor3A_174, %lt3A_175 : vector<16xi32>
        %gt3A_177 = vector.broadcast %xor3A_42 : i32 to vector<16xi32>
        %gt3A_178 = arith.cmpi sgt, %xor3A_174, %gt3A_177 : vector<16xi32>
        %or3A_179 = arith.ori %lt3A_176, %gt3A_178 : vector<16xi1>
        %mul3A_180 = arith.constant 16 : i32
        %mul3A_181 = arith.muli %scan3A_168, %mul3A_180 : i32
        %add3A_182 = vector.broadcast %mul3A_181 : i32 to vector<16xi32>
        %add3A_183 = arith.addi %add3A_182, %iota3A : vector<16xi32>
        %lt3A_184 = arith.constant 8732 : i32
        %lt3A_185 = vector.broadcast %lt3A_184 : i32 to vector<16xi32>
        %lt3A_186 = arith.cmpi slt, %add3A_183, %lt3A_185 : vector<16xi32>
        %and3A_187 = arith.andi %or3A_179, %lt3A_186 : vector<16xi1>
        %mul3A_188 = arith.constant 16 : i32
        %mul3A_189 = arith.muli %scan3A_168, %mul3A_188 : i32
        %get3A_190 = arith.index_cast %mul3A_189 : i32 to index
        %get3A_191 = tpu.vector_load %arg7[%get3A_190] {strides = array<i32>} : memref<8736xf32, #tpu.memory_space<vmem>>, vector<16xf32>,
        %mul3A_192 = arith.constant 16 : i32
        %mul3A_193 = arith.muli %scan3A_168, %mul3A_192 : i32
        %get3A_194 = arith.index_cast %mul3A_193 : i32 to index
        %get3A_195 = tpu.vector_load %arg8[%get3A_194] {strides = array<i32>} : memref<8736xf32, #tpu.memory_space<vmem>>, vector<16xf32>,
        %abs3A_196 = math.absf %get3A_191 : vector<16xf32>
        %mul3A_197 = arith.mulf %get3A_43, %abs3A_196 : vector<16xf32>
        %add3A_198 = arith.addf %get3A_195, %mul3A_197 : vector<16xf32>
        %jit3A_199 = arith.constant 0.000000e+00 : f32
        %broadcast_in_dim3A_200 = vector.broadcast %jit3A_199 : f32 to vector<16xf32>
        %select_n3A_201 = arith.select %and3A_187, %add3A_198, %broadcast_in_dim3A_200 : vector<16xi1>, vector<16xf32>
        %add3A_202 = arith.addf %add3A_166, %select_n3A_201 : vector<16xf32>
        %scan3A_203 = arith.constant 4 : i32
        %scan3A_204 = arith.addi %scan3A_63, %scan3A_203 : i32
        %mul3A_205 = arith.constant 16 : i32
        %mul3A_206 = arith.muli %scan3A_204, %mul3A_205 : i32
        %get3A_207 = arith.index_cast %mul3A_206 : i32 to index
        %get3A_208 = tpu.vector_load %arg10[%get3A_207] {strides = array<i32>} : memref<8736xi32, #tpu.memory_space<vmem>>, vector<16xi32>,
        %xor3A_209 = vector.broadcast %cond3A : i32 to vector<16xi32>
        %xor3A_210 = arith.xori %get3A_208, %xor3A_209 : vector<16xi32>
        %lt3A_211 = vector.broadcast %xor3A : i32 to vector<16xi32>
        %lt3A_212 = arith.cmpi slt, %xor3A_210, %lt3A_211 : vector<16xi32>
        %gt3A_213 = vector.broadcast %xor3A_42 : i32 to vector<16xi32>
        %gt3A_214 = arith.cmpi sgt, %xor3A_210, %gt3A_213 : vector<16xi32>
        %or3A_215 = arith.ori %lt3A_212, %gt3A_214 : vector<16xi1>
        %mul3A_216 = arith.constant 16 : i32
        %mul3A_217 = arith.muli %scan3A_204, %mul3A_216 : i32
        %add3A_218 = vector.broadcast %mul3A_217 : i32 to vector<16xi32>
        %add3A_219 = arith.addi %add3A_218, %iota3A : vector<16xi32>
        %lt3A_220 = arith.constant 8732 : i32
        %lt3A_221 = vector.broadcast %lt3A_220 : i32 to vector<16xi32>
        %lt3A_222 = arith.cmpi slt, %add3A_219, %lt3A_221 : vector<16xi32>
        %and3A_223 = arith.andi %or3A_215, %lt3A_222 : vector<16xi1>
        %mul3A_224 = arith.constant 16 : i32
        %mul3A_225 = arith.muli %scan3A_204, %mul3A_224 : i32
        %get3A_226 = arith.index_cast %mul3A_225 : i32 to index
        %get3A_227 = tpu.vector_load %arg7[%get3A_226] {strides = array<i32>} : memref<8736xf32, #tpu.memory_space<vmem>>, vector<16xf32>,
        %mul3A_228 = arith.constant 16 : i32
        %mul3A_229 = arith.muli %scan3A_204, %mul3A_228 : i32
        %get3A_230 = arith.index_cast %mul3A_229 : i32 to index
        %get3A_231 = tpu.vector_load %arg8[%get3A_230] {strides = array<i32>} : memref<8736xf32, #tpu.memory_space<vmem>>, vector<16xf32>,
        %abs3A_232 = math.absf %get3A_227 : vector<16xf32>
        %mul3A_233 = arith.mulf %get3A_43, %abs3A_232 : vector<16xf32>
        %add3A_234 = arith.addf %get3A_231, %mul3A_233 : vector<16xf32>
        %jit3A_235 = arith.constant 0.000000e+00 : f32
        %broadcast_in_dim3A_236 = vector.broadcast %jit3A_235 : f32 to vector<16xf32>
        %select_n3A_237 = arith.select %and3A_223, %add3A_234, %broadcast_in_dim3A_236 : vector<16xi1>, vector<16xf32>
        %add3A_238 = arith.addf %add3A_202, %select_n3A_237 : vector<16xf32>
        %scan3A_239 = arith.constant 5 : i32
        %scan3A_240 = arith.addi %scan3A_63, %scan3A_239 : i32
        %mul3A_241 = arith.constant 16 : i32
        %mul3A_242 = arith.muli %scan3A_240, %mul3A_241 : i32
        %get3A_243 = arith.index_cast %mul3A_242 : i32 to index
        %get3A_244 = tpu.vector_load %arg10[%get3A_243] {strides = array<i32>} : memref<8736xi32, #tpu.memory_space<vmem>>, vector<16xi32>,
        %xor3A_245 = vector.broadcast %cond3A : i32 to vector<16xi32>
        %xor3A_246 = arith.xori %get3A_244, %xor3A_245 : vector<16xi32>
        %lt3A_247 = vector.broadcast %xor3A : i32 to vector<16xi32>
        %lt3A_248 = arith.cmpi slt, %xor3A_246, %lt3A_247 : vector<16xi32>
        %gt3A_249 = vector.broadcast %xor3A_42 : i32 to vector<16xi32>
        %gt3A_250 = arith.cmpi sgt, %xor3A_246, %gt3A_249 : vector<16xi32>
        %or3A_251 = arith.ori %lt3A_248, %gt3A_250 : vector<16xi1>
        %mul3A_252 = arith.constant 16 : i32
        %mul3A_253 = arith.muli %scan3A_240, %mul3A_252 : i32
        %add3A_254 = vector.broadcast %mul3A_253 : i32 to vector<16xi32>
        %add3A_255 = arith.addi %add3A_254, %iota3A : vector<16xi32>
        %lt3A_256 = arith.constant 8732 : i32
        %lt3A_257 = vector.broadcast %lt3A_256 : i32 to vector<16xi32>
        %lt3A_258 = arith.cmpi slt, %add3A_255, %lt3A_257 : vector<16xi32>
        %and3A_259 = arith.andi %or3A_251, %lt3A_258 : vector<16xi1>
        %mul3A_260 = arith.constant 16 : i32
        %mul3A_261 = arith.muli %scan3A_240, %mul3A_260 : i32
        %get3A_262 = arith.index_cast %mul3A_261 : i32 to index
        %get3A_263 = tpu.vector_load %arg7[%get3A_262] {strides = array<i32>} : memref<8736xf32, #tpu.memory_space<vmem>>, vector<16xf32>,
        %mul3A_264 = arith.constant 16 : i32
        %mul3A_265 = arith.muli %scan3A_240, %mul3A_264 : i32
        %get3A_266 = arith.index_cast %mul3A_265 : i32 to index
        %get3A_267 = tpu.vector_load %arg8[%get3A_266] {strides = array<i32>} : memref<8736xf32, #tpu.memory_space<vmem>>, vector<16xf32>,
        %abs3A_268 = math.absf %get3A_263 : vector<16xf32>
        %mul3A_269 = arith.mulf %get3A_43, %abs3A_268 : vector<16xf32>
        %add3A_270 = arith.addf %get3A_267, %mul3A_269 : vector<16xf32>
        %jit3A_271 = arith.constant 0.000000e+00 : f32
        %broadcast_in_dim3A_272 = vector.broadcast %jit3A_271 : f32 to vector<16xf32>
        %select_n3A_273 = arith.select %and3A_259, %add3A_270, %broadcast_in_dim3A_272 : vector<16xi1>, vector<16xf32>
        %add3A_274 = arith.addf %add3A_238, %select_n3A_273 : vector<16xf32>
        %scan3A_275 = arith.constant 6 : i32
        %scan3A_276 = arith.addi %scan3A_63, %scan3A_275 : i32
        %mul3A_277 = arith.constant 16 : i32
        %mul3A_278 = arith.muli %scan3A_276, %mul3A_277 : i32
        %get3A_279 = arith.index_cast %mul3A_278 : i32 to index
        %get3A_280 = tpu.vector_load %arg10[%get3A_279] {strides = array<i32>} : memref<8736xi32, #tpu.memory_space<vmem>>, vector<16xi32>,
        %xor3A_281 = vector.broadcast %cond3A : i32 to vector<16xi32>
        %xor3A_282 = arith.xori %get3A_280, %xor3A_281 : vector<16xi32>
        %lt3A_283 = vector.broadcast %xor3A : i32 to vector<16xi32>
        %lt3A_284 = arith.cmpi slt, %xor3A_282, %lt3A_283 : vector<16xi32>
        %gt3A_285 = vector.broadcast %xor3A_42 : i32 to vector<16xi32>
        %gt3A_286 = arith.cmpi sgt, %xor3A_282, %gt3A_285 : vector<16xi32>
        %or3A_287 = arith.ori %lt3A_284, %gt3A_286 : vector<16xi1>
        %mul3A_288 = arith.constant 16 : i32
        %mul3A_289 = arith.muli %scan3A_276, %mul3A_288 : i32
        %add3A_290 = vector.broadcast %mul3A_289 : i32 to vector<16xi32>
        %add3A_291 = arith.addi %add3A_290, %iota3A : vector<16xi32>
        %lt3A_292 = arith.constant 8732 : i32
        %lt3A_293 = vector.broadcast %lt3A_292 : i32 to vector<16xi32>
        %lt3A_294 = arith.cmpi slt, %add3A_291, %lt3A_293 : vector<16xi32>
        %and3A_295 = arith.andi %or3A_287, %lt3A_294 : vector<16xi1>
        %mul3A_296 = arith.constant 16 : i32
        %mul3A_297 = arith.muli %scan3A_276, %mul3A_296 : i32
        %get3A_298 = arith.index_cast %mul3A_297 : i32 to index
        %get3A_299 = tpu.vector_load %arg7[%get3A_298] {strides = array<i32>} : memref<8736xf32, #tpu.memory_space<vmem>>, vector<16xf32>,
        %mul3A_300 = arith.constant 16 : i32
        %mul3A_301 = arith.muli %scan3A_276, %mul3A_300 : i32
        %get3A_302 = arith.index_cast %mul3A_301 : i32 to index
        %get3A_303 = tpu.vector_load %arg8[%get3A_302] {strides = array<i32>} : memref<8736xf32, #tpu.memory_space<vmem>>, vector<16xf32>,
        %abs3A_304 = math.absf %get3A_299 : vector<16xf32>
        %mul3A_305 = arith.mulf %get3A_43, %abs3A_304 : vector<16xf32>
        %add3A_306 = arith.addf %get3A_303, %mul3A_305 : vector<16xf32>
        %jit3A_307 = arith.constant 0.000000e+00 : f32
        %broadcast_in_dim3A_308 = vector.broadcast %jit3A_307 : f32 to vector<16xf32>
        %select_n3A_309 = arith.select %and3A_295, %add3A_306, %broadcast_in_dim3A_308 : vector<16xi1>, vector<16xf32>
        %add3A_310 = arith.addf %add3A_274, %select_n3A_309 : vector<16xf32>
        %scan3A_311 = arith.constant 7 : i32
        %scan3A_312 = arith.addi %scan3A_63, %scan3A_311 : i32
        %mul3A_313 = arith.constant 16 : i32
        %mul3A_314 = arith.muli %scan3A_312, %mul3A_313 : i32
        %get3A_315 = arith.index_cast %mul3A_314 : i32 to index
        %get3A_316 = tpu.vector_load %arg10[%get3A_315] {strides = array<i32>} : memref<8736xi32, #tpu.memory_space<vmem>>, vector<16xi32>,
        %xor3A_317 = vector.broadcast %cond3A : i32 to vector<16xi32>
        %xor3A_318 = arith.xori %get3A_316, %xor3A_317 : vector<16xi32>
        %lt3A_319 = vector.broadcast %xor3A : i32 to vector<16xi32>
        %lt3A_320 = arith.cmpi slt, %xor3A_318, %lt3A_319 : vector<16xi32>
        %gt3A_321 = vector.broadcast %xor3A_42 : i32 to vector<16xi32>
        %gt3A_322 = arith.cmpi sgt, %xor3A_318, %gt3A_321 : vector<16xi32>
        %or3A_323 = arith.ori %lt3A_320, %gt3A_322 : vector<16xi1>
        %mul3A_324 = arith.constant 16 : i32
        %mul3A_325 = arith.muli %scan3A_312, %mul3A_324 : i32
        %add3A_326 = vector.broadcast %mul3A_325 : i32 to vector<16xi32>
        %add3A_327 = arith.addi %add3A_326, %iota3A : vector<16xi32>
        %lt3A_328 = arith.constant 8732 : i32
        %lt3A_329 = vector.broadcast %lt3A_328 : i32 to vector<16xi32>
        %lt3A_330 = arith.cmpi slt, %add3A_327, %lt3A_329 : vector<16xi32>
        %and3A_331 = arith.andi %or3A_323, %lt3A_330 : vector<16xi1>
        %mul3A_332 = arith.constant 16 : i32
        %mul3A_333 = arith.muli %scan3A_312, %mul3A_332 : i32
        %get3A_334 = arith.index_cast %mul3A_333 : i32 to index
        %get3A_335 = tpu.vector_load %arg7[%get3A_334] {strides = array<i32>} : memref<8736xf32, #tpu.memory_space<vmem>>, vector<16xf32>,
        %mul3A_336 = arith.constant 16 : i32
        %mul3A_337 = arith.muli %scan3A_312, %mul3A_336 : i32
        %get3A_338 = arith.index_cast %mul3A_337 : i32 to index
        %get3A_339 = tpu.vector_load %arg8[%get3A_338] {strides = array<i32>} : memref<8736xf32, #tpu.memory_space<vmem>>, vector<16xf32>,
        %abs3A_340 = math.absf %get3A_335 : vector<16xf32>
        %mul3A_341 = arith.mulf %get3A_43, %abs3A_340 : vector<16xf32>
        %add3A_342 = arith.addf %get3A_339, %mul3A_341 : vector<16xf32>
        %jit3A_343 = arith.constant 0.000000e+00 : f32
        %broadcast_in_dim3A_344 = vector.broadcast %jit3A_343 : f32 to vector<16xf32>
        %select_n3A_345 = arith.select %and3A_331, %add3A_342, %broadcast_in_dim3A_344 : vector<16xi1>, vector<16xf32>
        %add3A_346 = arith.addf %add3A_310, %select_n3A_345 : vector<16xf32>
        %scan3A_347 = arith.constant 8 : i32
        %scan3A_348 = arith.addi %scan3A_63, %scan3A_347 : i32
        %mul3A_349 = arith.constant 16 : i32
        %mul3A_350 = arith.muli %scan3A_348, %mul3A_349 : i32
        %get3A_351 = arith.index_cast %mul3A_350 : i32 to index
        %get3A_352 = tpu.vector_load %arg10[%get3A_351] {strides = array<i32>} : memref<8736xi32, #tpu.memory_space<vmem>>, vector<16xi32>,
        %xor3A_353 = vector.broadcast %cond3A : i32 to vector<16xi32>
        %xor3A_354 = arith.xori %get3A_352, %xor3A_353 : vector<16xi32>
        %lt3A_355 = vector.broadcast %xor3A : i32 to vector<16xi32>
        %lt3A_356 = arith.cmpi slt, %xor3A_354, %lt3A_355 : vector<16xi32>
        %gt3A_357 = vector.broadcast %xor3A_42 : i32 to vector<16xi32>
        %gt3A_358 = arith.cmpi sgt, %xor3A_354, %gt3A_357 : vector<16xi32>
        %or3A_359 = arith.ori %lt3A_356, %gt3A_358 : vector<16xi1>
        %mul3A_360 = arith.constant 16 : i32
        %mul3A_361 = arith.muli %scan3A_348, %mul3A_360 : i32
        %add3A_362 = vector.broadcast %mul3A_361 : i32 to vector<16xi32>
        %add3A_363 = arith.addi %add3A_362, %iota3A : vector<16xi32>
        %lt3A_364 = arith.constant 8732 : i32
        %lt3A_365 = vector.broadcast %lt3A_364 : i32 to vector<16xi32>
        %lt3A_366 = arith.cmpi slt, %add3A_363, %lt3A_365 : vector<16xi32>
        %and3A_367 = arith.andi %or3A_359, %lt3A_366 : vector<16xi1>
        %mul3A_368 = arith.constant 16 : i32
        %mul3A_369 = arith.muli %scan3A_348, %mul3A_368 : i32
        %get3A_370 = arith.index_cast %mul3A_369 : i32 to index
        %get3A_371 = tpu.vector_load %arg7[%get3A_370] {strides = array<i32>} : memref<8736xf32, #tpu.memory_space<vmem>>, vector<16xf32>,
        %mul3A_372 = arith.constant 16 : i32
        %mul3A_373 = arith.muli %scan3A_348, %mul3A_372 : i32
        %get3A_374 = arith.index_cast %mul3A_373 : i32 to index
        %get3A_375 = tpu.vector_load %arg8[%get3A_374] {strides = array<i32>} : memref<8736xf32, #tpu.memory_space<vmem>>, vector<16xf32>,
        %abs3A_376 = math.absf %get3A_371 : vector<16xf32>
        %mul3A_377 = arith.mulf %get3A_43, %abs3A_376 : vector<16xf32>
        %add3A_378 = arith.addf %get3A_375, %mul3A_377 : vector<16xf32>
        %jit3A_379 = arith.constant 0.000000e+00 : f32
        %broadcast_in_dim3A_380 = vector.broadcast %jit3A_379 : f32 to vector<16xf32>
        %select_n3A_381 = arith.select %and3A_367, %add3A_378, %broadcast_in_dim3A_380 : vector<16xi1>, vector<16xf32>
        %add3A_382 = arith.addf %add3A_346, %select_n3A_381 : vector<16xf32>
        %scan3A_383 = arith.constant 9 : i32
        %scan3A_384 = arith.addi %scan3A_63, %scan3A_383 : i32
        %mul3A_385 = arith.constant 16 : i32
        %mul3A_386 = arith.muli %scan3A_384, %mul3A_385 : i32
        %get3A_387 = arith.index_cast %mul3A_386 : i32 to index
        %get3A_388 = tpu.vector_load %arg10[%get3A_387] {strides = array<i32>} : memref<8736xi32, #tpu.memory_space<vmem>>, vector<16xi32>,
        %xor3A_389 = vector.broadcast %cond3A : i32 to vector<16xi32>
        %xor3A_390 = arith.xori %get3A_388, %xor3A_389 : vector<16xi32>
        %lt3A_391 = vector.broadcast %xor3A : i32 to vector<16xi32>
        %lt3A_392 = arith.cmpi slt, %xor3A_390, %lt3A_391 : vector<16xi32>
        %gt3A_393 = vector.broadcast %xor3A_42 : i32 to vector<16xi32>
        %gt3A_394 = arith.cmpi sgt, %xor3A_390, %gt3A_393 : vector<16xi32>
        %or3A_395 = arith.ori %lt3A_392, %gt3A_394 : vector<16xi1>
        %mul3A_396 = arith.constant 16 : i32
        %mul3A_397 = arith.muli %scan3A_384, %mul3A_396 : i32
        %add3A_398 = vector.broadcast %mul3A_397 : i32 to vector<16xi32>
        %add3A_399 = arith.addi %add3A_398, %iota3A : vector<16xi32>
        %lt3A_400 = arith.constant 8732 : i32
        %lt3A_401 = vector.broadcast %lt3A_400 : i32 to vector<16xi32>
        %lt3A_402 = arith.cmpi slt, %add3A_399, %lt3A_401 : vector<16xi32>
        %and3A_403 = arith.andi %or3A_395, %lt3A_402 : vector<16xi1>
        %mul3A_404 = arith.constant 16 : i32
        %mul3A_405 = arith.muli %scan3A_384, %mul3A_404 : i32
        %get3A_406 = arith.index_cast %mul3A_405 : i32 to index
        %get3A_407 = tpu.vector_load %arg7[%get3A_406] {strides = array<i32>} : memref<8736xf32, #tpu.memory_space<vmem>>, vector<16xf32>,
        %mul3A_408 = arith.constant 16 : i32
        %mul3A_409 = arith.muli %scan3A_384, %mul3A_408 : i32
        %get3A_410 = arith.index_cast %mul3A_409 : i32 to index
        %get3A_411 = tpu.vector_load %arg8[%get3A_410] {strides = array<i32>} : memref<8736xf32, #tpu.memory_space<vmem>>, vector<16xf32>,
        %abs3A_412 = math.absf %get3A_407 : vector<16xf32>
        %mul3A_413 = arith.mulf %get3A_43, %abs3A_412 : vector<16xf32>
        %add3A_414 = arith.addf %get3A_411, %mul3A_413 : vector<16xf32>
        %jit3A_415 = arith.constant 0.000000e+00 : f32
        %broadcast_in_dim3A_416 = vector.broadcast %jit3A_415 : f32 to vector<16xf32>
        %select_n3A_417 = arith.select %and3A_403, %add3A_414, %broadcast_in_dim3A_416 : vector<16xi1>, vector<16xf32>
        %add3A_418 = arith.addf %add3A_382, %select_n3A_417 : vector<16xf32>
        %scan3A_419 = arith.constant 10 : i32
        %scan3A_420 = arith.addi %scan3A_63, %scan3A_419 : i32
        %mul3A_421 = arith.constant 16 : i32
        %mul3A_422 = arith.muli %scan3A_420, %mul3A_421 : i32
        %get3A_423 = arith.index_cast %mul3A_422 : i32 to index
        %get3A_424 = tpu.vector_load %arg10[%get3A_423] {strides = array<i32>} : memref<8736xi32, #tpu.memory_space<vmem>>, vector<16xi32>,
        %xor3A_425 = vector.broadcast %cond3A : i32 to vector<16xi32>
        %xor3A_426 = arith.xori %get3A_424, %xor3A_425 : vector<16xi32>
        %lt3A_427 = vector.broadcast %xor3A : i32 to vector<16xi32>
        %lt3A_428 = arith.cmpi slt, %xor3A_426, %lt3A_427 : vector<16xi32>
        %gt3A_429 = vector.broadcast %xor3A_42 : i32 to vector<16xi32>
        %gt3A_430 = arith.cmpi sgt, %xor3A_426, %gt3A_429 : vector<16xi32>
        %or3A_431 = arith.ori %lt3A_428, %gt3A_430 : vector<16xi1>
        %mul3A_432 = arith.constant 16 : i32
        %mul3A_433 = arith.muli %scan3A_420, %mul3A_432 : i32
        %add3A_434 = vector.broadcast %mul3A_433 : i32 to vector<16xi32>
        %add3A_435 = arith.addi %add3A_434, %iota3A : vector<16xi32>
        %lt3A_436 = arith.constant 8732 : i32
        %lt3A_437 = vector.broadcast %lt3A_436 : i32 to vector<16xi32>
        %lt3A_438 = arith.cmpi slt, %add3A_435, %lt3A_437 : vector<16xi32>
        %and3A_439 = arith.andi %or3A_431, %lt3A_438 : vector<16xi1>
        %mul3A_440 = arith.constant 16 : i32
        %mul3A_441 = arith.muli %scan3A_420, %mul3A_440 : i32
        %get3A_442 = arith.index_cast %mul3A_441 : i32 to index
        %get3A_443 = tpu.vector_load %arg7[%get3A_442] {strides = array<i32>} : memref<8736xf32, #tpu.memory_space<vmem>>, vector<16xf32>,
        %mul3A_444 = arith.constant 16 : i32
        %mul3A_445 = arith.muli %scan3A_420, %mul3A_444 : i32
        %get3A_446 = arith.index_cast %mul3A_445 : i32 to index
        %get3A_447 = tpu.vector_load %arg8[%get3A_446] {strides = array<i32>} : memref<8736xf32, #tpu.memory_space<vmem>>, vector<16xf32>,
        %abs3A_448 = math.absf %get3A_443 : vector<16xf32>
        %mul3A_449 = arith.mulf %get3A_43, %abs3A_448 : vector<16xf32>
        %add3A_450 = arith.addf %get3A_447, %mul3A_449 : vector<16xf32>
        %jit3A_451 = arith.constant 0.000000e+00 : f32
        %broadcast_in_dim3A_452 = vector.broadcast %jit3A_451 : f32 to vector<16xf32>
        %select_n3A_453 = arith.select %and3A_439, %add3A_450, %broadcast_in_dim3A_452 : vector<16xi1>, vector<16xf32>
        %add3A_454 = arith.addf %add3A_418, %select_n3A_453 : vector<16xf32>
        %scan3A_455 = arith.constant 11 : i32
        %scan3A_456 = arith.addi %scan3A_63, %scan3A_455 : i32
        %mul3A_457 = arith.constant 16 : i32
        %mul3A_458 = arith.muli %scan3A_456, %mul3A_457 : i32
        %get3A_459 = arith.index_cast %mul3A_458 : i32 to index
        %get3A_460 = tpu.vector_load %arg10[%get3A_459] {strides = array<i32>} : memref<8736xi32, #tpu.memory_space<vmem>>, vector<16xi32>,
        %xor3A_461 = vector.broadcast %cond3A : i32 to vector<16xi32>
        %xor3A_462 = arith.xori %get3A_460, %xor3A_461 : vector<16xi32>
        %lt3A_463 = vector.broadcast %xor3A : i32 to vector<16xi32>
        %lt3A_464 = arith.cmpi slt, %xor3A_462, %lt3A_463 : vector<16xi32>
        %gt3A_465 = vector.broadcast %xor3A_42 : i32 to vector<16xi32>
        %gt3A_466 = arith.cmpi sgt, %xor3A_462, %gt3A_465 : vector<16xi32>
        %or3A_467 = arith.ori %lt3A_464, %gt3A_466 : vector<16xi1>
        %mul3A_468 = arith.constant 16 : i32
        %mul3A_469 = arith.muli %scan3A_456, %mul3A_468 : i32
        %add3A_470 = vector.broadcast %mul3A_469 : i32 to vector<16xi32>
        %add3A_471 = arith.addi %add3A_470, %iota3A : vector<16xi32>
        %lt3A_472 = arith.constant 8732 : i32
        %lt3A_473 = vector.broadcast %lt3A_472 : i32 to vector<16xi32>
        %lt3A_474 = arith.cmpi slt, %add3A_471, %lt3A_473 : vector<16xi32>
        %and3A_475 = arith.andi %or3A_467, %lt3A_474 : vector<16xi1>
        %mul3A_476 = arith.constant 16 : i32
        %mul3A_477 = arith.muli %scan3A_456, %mul3A_476 : i32
        %get3A_478 = arith.index_cast %mul3A_477 : i32 to index
        %get3A_479 = tpu.vector_load %arg7[%get3A_478] {strides = array<i32>} : memref<8736xf32, #tpu.memory_space<vmem>>, vector<16xf32>,
        %mul3A_480 = arith.constant 16 : i32
        %mul3A_481 = arith.muli %scan3A_456, %mul3A_480 : i32
        %get3A_482 = arith.index_cast %mul3A_481 : i32 to index
        %get3A_483 = tpu.vector_load %arg8[%get3A_482] {strides = array<i32>} : memref<8736xf32, #tpu.memory_space<vmem>>, vector<16xf32>,
        %abs3A_484 = math.absf %get3A_479 : vector<16xf32>
        %mul3A_485 = arith.mulf %get3A_43, %abs3A_484 : vector<16xf32>
        %add3A_486 = arith.addf %get3A_483, %mul3A_485 : vector<16xf32>
        %jit3A_487 = arith.constant 0.000000e+00 : f32
        %broadcast_in_dim3A_488 = vector.broadcast %jit3A_487 : f32 to vector<16xf32>
        %select_n3A_489 = arith.select %and3A_475, %add3A_486, %broadcast_in_dim3A_488 : vector<16xi1>, vector<16xf32>
        %add3A_490 = arith.addf %add3A_454, %select_n3A_489 : vector<16xf32>
        %scan3A_491 = arith.constant 12 : i32
        %scan3A_492 = arith.addi %scan3A_63, %scan3A_491 : i32
        %mul3A_493 = arith.constant 16 : i32
        %mul3A_494 = arith.muli %scan3A_492, %mul3A_493 : i32
        %get3A_495 = arith.index_cast %mul3A_494 : i32 to index
        %get3A_496 = tpu.vector_load %arg10[%get3A_495] {strides = array<i32>} : memref<8736xi32, #tpu.memory_space<vmem>>, vector<16xi32>,
        %xor3A_497 = vector.broadcast %cond3A : i32 to vector<16xi32>
        %xor3A_498 = arith.xori %get3A_496, %xor3A_497 : vector<16xi32>
        %lt3A_499 = vector.broadcast %xor3A : i32 to vector<16xi32>
        %lt3A_500 = arith.cmpi slt, %xor3A_498, %lt3A_499 : vector<16xi32>
        %gt3A_501 = vector.broadcast %xor3A_42 : i32 to vector<16xi32>
        %gt3A_502 = arith.cmpi sgt, %xor3A_498, %gt3A_501 : vector<16xi32>
        %or3A_503 = arith.ori %lt3A_500, %gt3A_502 : vector<16xi1>
        %mul3A_504 = arith.constant 16 : i32
        %mul3A_505 = arith.muli %scan3A_492, %mul3A_504 : i32
        %add3A_506 = vector.broadcast %mul3A_505 : i32 to vector<16xi32>
        %add3A_507 = arith.addi %add3A_506, %iota3A : vector<16xi32>
        %lt3A_508 = arith.constant 8732 : i32
        %lt3A_509 = vector.broadcast %lt3A_508 : i32 to vector<16xi32>
        %lt3A_510 = arith.cmpi slt, %add3A_507, %lt3A_509 : vector<16xi32>
        %and3A_511 = arith.andi %or3A_503, %lt3A_510 : vector<16xi1>
        %mul3A_512 = arith.constant 16 : i32
        %mul3A_513 = arith.muli %scan3A_492, %mul3A_512 : i32
        %get3A_514 = arith.index_cast %mul3A_513 : i32 to index
        %get3A_515 = tpu.vector_load %arg7[%get3A_514] {strides = array<i32>} : memref<8736xf32, #tpu.memory_space<vmem>>, vector<16xf32>,
        %mul3A_516 = arith.constant 16 : i32
        %mul3A_517 = arith.muli %scan3A_492, %mul3A_516 : i32
        %get3A_518 = arith.index_cast %mul3A_517 : i32 to index
        %get3A_519 = tpu.vector_load %arg8[%get3A_518] {strides = array<i32>} : memref<8736xf32, #tpu.memory_space<vmem>>, vector<16xf32>,
        %abs3A_520 = math.absf %get3A_515 : vector<16xf32>
        %mul3A_521 = arith.mulf %get3A_43, %abs3A_520 : vector<16xf32>
        %add3A_522 = arith.addf %get3A_519, %mul3A_521 : vector<16xf32>
        %jit3A_523 = arith.constant 0.000000e+00 : f32
        %broadcast_in_dim3A_524 = vector.broadcast %jit3A_523 : f32 to vector<16xf32>
        %select_n3A_525 = arith.select %and3A_511, %add3A_522, %broadcast_in_dim3A_524 : vector<16xi1>, vector<16xf32>
        %add3A_526 = arith.addf %add3A_490, %select_n3A_525 : vector<16xf32>
        scf.yield %add3A_526 : vector<16xf32>
      }
      %scan3A_51 = arith.constant 546 : i32
      %reduce_sum3A_52 = arith.constant true
      %reduce_sum3A_53 = vector.broadcast %reduce_sum3A_52 : i1 to vector<16xi1>
      %reduce_sum3A_54 = tpu.scan <sum>, %scan3A_50 masked %reduce_sum3A_53 : vector<16xf32>, vector<16xi1> -> vector<16xf32>
      %reduce_sum3A_55 = vector.extract %reduce_sum3A_54[15] : f32 from vector<16xf32>
      %convert_element_type3A_56 = arith.sitofp %max3A_21 : i32 to f32
      %broadcast_in_dim3A_57 = vector.broadcast %convert_element_type3A_56 : f32 to vector<16xf32>
      %eq3A = arith.constant 0 : i32
      %eq3A_58 = vector.broadcast %eq3A : i32 to vector<16xi32>
      %eq3A_59 = arith.cmpi eq, %iota3A, %eq3A_58 : vector<16xi32>
      %jit3A = arith.constant 0.000000e+00 : f32
      %broadcast_in_dim3A_60 = vector.broadcast %reduce_sum3A_55 : f32 to vector<16xf32>
      %broadcast_in_dim3A_61 = vector.broadcast %jit3A : f32 to vector<16xf32>
      %select_n3A = arith.select %eq3A_59, %broadcast_in_dim3A_60, %broadcast_in_dim3A_61 : vector<16xi1>, vector<16xf32>
      %div3A = arith.divf %select_n3A, %broadcast_in_dim3A_57 : vector<16xf32>
      %swap3A = arith.constant 0 : index
      %swap3A_62 = tpu.vector_load %arg13[%swap3A] {strides = array<i32>} : memref<16xf32, #tpu.memory_space<vmem>>, vector<16xf32>,
      tpu.vector_store %arg13[%swap3A], %div3A {strides = array<i32>} : memref<16xf32, #tpu.memory_space<vmem>>, vector<16xf32>,
      "tpu.region"() ({
        %run_scoped3A = tpu.sem_alloc : memref<!tpu.dma_semaphore, #tpu.memory_space<semaphore_mem>>
        %dma_start3A = arith.constant 0 : i32
        %dma_start3A_63 = tpu.memref_slice %arg6[%add3A, %dma_start3A] : memref<8x16xf32, #tpu.memory_space<hbm>> -> memref<1x16xf32, #tpu.memory_space<hbm>>
        %dma_start3A_64 = tpu.memref_squeeze %dma_start3A_63 : memref<1x16xf32, #tpu.memory_space<hbm>> -> memref<16xf32, #tpu.memory_space<hbm>>
        %dma_start3A_65 = arith.constant 0 : i32
        %dma_start3A_66 = tpu.memref_slice %arg6[%add3A, %dma_start3A_65] : memref<8x16xf32, #tpu.memory_space<hbm>> -> memref<1x16xf32, #tpu.memory_space<hbm>>
        %dma_start3A_67 = tpu.memref_squeeze %dma_start3A_66 : memref<1x16xf32, #tpu.memory_space<hbm>> -> memref<16xf32, #tpu.memory_space<hbm>>
        tpu.enqueue_dma source(%arg13 : memref<16xf32, #tpu.memory_space<vmem>>) target(%dma_start3A_67 : memref<16xf32, #tpu.memory_space<hbm>>) target_semaphore(%run_scoped3A : memref<!tpu.dma_semaphore, #tpu.memory_space<semaphore_mem>>)
        %dma_wait3A = arith.constant 0 : i32
        %dma_wait3A_68 = tpu.memref_slice %arg6[%add3A, %dma_wait3A] : memref<8x16xf32, #tpu.memory_space<hbm>> -> memref<1x16xf32, #tpu.memory_space<hbm>>
        %dma_wait3A_69 = tpu.memref_squeeze %dma_wait3A_68 : memref<1x16xf32, #tpu.memory_space<hbm>> -> memref<16xf32, #tpu.memory_space<hbm>>
        %dma_wait3A_70 = arith.constant 0 : i32
        %dma_wait3A_71 = tpu.memref_slice %arg6[%add3A, %dma_wait3A_70] : memref<8x16xf32, #tpu.memory_space<hbm>> -> memref<1x16xf32, #tpu.memory_space<hbm>>
        %dma_wait3A_72 = tpu.memref_squeeze %dma_wait3A_71 : memref<1x16xf32, #tpu.memory_space<hbm>> -> memref<16xf32, #tpu.memory_space<hbm>>
        tpu.wait_dma2 semaphore(%run_scoped3A : memref<!tpu.dma_semaphore, #tpu.memory_space<semaphore_mem>>) src(%arg13 : memref<16xf32, #tpu.memory_space<vmem>>) dst(%dma_wait3A_72 : memref<16xf32, #tpu.memory_space<hbm>>)
        tpu.yield
      }) : () -> ()
    } else {
    }
    return
  }
}

module attributes {stable_mosaic.version = 14 : i64} {
  func.func @_stage1_body(%arg0: i32, %arg1: i32, %arg2: memref<1x1792x25xf32, #tpu.memory_space<vmem>>, %arg3: memref<1x64x32xf32, #tpu.memory_space<vmem>>, %arg4: memref<11x1792xf32, #tpu.memory_space<vmem>>, %arg5: memref<1x1x1792xf32, #tpu.memory_space<vmem>>, %arg6: memref<1x1x1792xf32, #tpu.memory_space<vmem>>, %arg7: memref<1x1x1792xf32, #tpu.memory_space<vmem>>, %arg8: memref<64x1792xf32, #tpu.memory_space<vmem>>) attributes {dimension_semantics = [#tpu.dimension_semantics<arbitrary>, #tpu.dimension_semantics<arbitrary>], iteration_bounds = array<i64: 8, 5>, scalar_prefetch = 0 : i64, scratch_operands = 1 : i64, tpu.core_type = #tpu.core_type<tc>, window_params = [{transform_indices = @transform_0, window_bounds = array<i64: 1, 1792, 25>}, {transform_indices = @transform_1, window_bounds = array<i64: 1, 64, 32>}, {transform_indices = @transform_2, window_bounds = array<i64: 11, 1792>}, {transform_indices = @transform_3, window_bounds = array<i64: 1, 1, 1792>}, {transform_indices = @transform_4, window_bounds = array<i64: 1, 1, 1792>}, {transform_indices = @transform_5, window_bounds = array<i64: 1, 1, 1792>}]} {
    %get3A = arith.constant 0 : index
    %get3A_0 = arith.constant 0 : index
    %get3A_1 = arith.constant 0 : index
    %get3A_2 = vector.load %arg2[%get3A, %get3A_0, %get3A_1] : memref<1x1792x25xf32, #tpu.memory_space<vmem>>, vector<1x1792x25xf32>
    %get3A_3 = vector.shape_cast %get3A_2 : vector<1x1792x25xf32> to vector<1792x25xf32>
    %transpose3A = tpu.transpose %get3A_3, [1, 0] : vector<1792x25xf32> -> vector<25x1792xf32>
    %slice3A = vector.extract_strided_slice %transpose3A {offsets = [4, 0], sizes = [21, 1792], strides = [1, 1]} : vector<25x1792xf32> to vector<21x1792xf32>
    %reduce_max3A = arith.constant dense<0xFF800000> : vector<1792xf32>
    %reduce_max3A_4 = vector.multi_reduction <maximumf>, %slice3A, %reduce_max3A [0] : vector<21x1792xf32> to vector<1792xf32>
    %broadcast_in_dim3A = vector.shape_cast %reduce_max3A_4 : vector<1792xf32> to vector<1x1792xf32>
    %sub3A = vector.broadcast %broadcast_in_dim3A : vector<1x1792xf32> to vector<21x1792xf32>
    %sub3A_5 = arith.subf %slice3A, %sub3A : vector<21x1792xf32>
    %exp3A = math.exp %sub3A_5 : vector<21x1792xf32>
    %reduce_sum3A = arith.constant dense<0.000000e+00> : vector<1792xf32>
    %reduce_sum3A_6 = vector.multi_reduction <add>, %exp3A, %reduce_sum3A [0] : vector<21x1792xf32> to vector<1792xf32>
    %broadcast_in_dim3A_7 = vector.shape_cast %reduce_sum3A_6 : vector<1792xf32> to vector<1x1792xf32>
    %log3A = math.log %broadcast_in_dim3A_7 : vector<1x1792xf32>
    %add3A = arith.addf %log3A, %broadcast_in_dim3A : vector<1x1792xf32>
    %sub3A_8 = vector.broadcast %add3A : vector<1x1792xf32> to vector<21x1792xf32>
    %sub3A_9 = arith.subf %slice3A, %sub3A_8 : vector<21x1792xf32>
    %get3A_10 = arith.constant 0 : index
    %get3A_11 = arith.constant 0 : index
    %get3A_12 = arith.constant 0 : index
    %get3A_13 = vector.load %arg3[%get3A_10, %get3A_11, %get3A_12] : memref<1x64x32xf32, #tpu.memory_space<vmem>>, vector<1x64x32xf32>
    %get3A_14 = vector.shape_cast %get3A_13 : vector<1x64x32xf32> to vector<64x32xf32>
    %slice3A_15 = vector.extract_strided_slice %get3A_14 {offsets = [0, 9], sizes = [64, 21], strides = [1, 1]} : vector<64x32xf32> to vector<64x21xf32>
    %transpose3A_16 = tpu.transpose %slice3A_15, [1, 0] : vector<64x21xf32> -> vector<21x64xf32>
    %get3A_17 = arith.constant 0 : index
    %get3A_18 = arith.constant 0 : index
    %get3A_19 = vector.load %arg4[%get3A_17, %get3A_18] : memref<11x1792xf32, #tpu.memory_space<vmem>>, vector<1x1792xf32>
    %get3A_20 = arith.constant 1 : index
    %get3A_21 = arith.constant 0 : index
    %get3A_22 = vector.load %arg4[%get3A_20, %get3A_21] : memref<11x1792xf32, #tpu.memory_space<vmem>>, vector<1x1792xf32>
    %get3A_23 = arith.constant 2 : index
    %get3A_24 = arith.constant 0 : index
    %get3A_25 = vector.load %arg4[%get3A_23, %get3A_24] : memref<11x1792xf32, #tpu.memory_space<vmem>>, vector<1x1792xf32>
    %get3A_26 = arith.constant 3 : index
    %get3A_27 = arith.constant 0 : index
    %get3A_28 = vector.load %arg4[%get3A_26, %get3A_27] : memref<11x1792xf32, #tpu.memory_space<vmem>>, vector<1x1792xf32>
    %get3A_29 = arith.constant 4 : index
    %get3A_30 = arith.constant 0 : index
    %get3A_31 = vector.load %arg4[%get3A_29, %get3A_30] : memref<11x1792xf32, #tpu.memory_space<vmem>>, vector<1x1792xf32>
    %get3A_32 = arith.constant 5 : index
    %get3A_33 = arith.constant 0 : index
    %get3A_34 = vector.load %arg4[%get3A_32, %get3A_33] : memref<11x1792xf32, #tpu.memory_space<vmem>>, vector<1x1792xf32>
    %get3A_35 = arith.constant 6 : index
    %get3A_36 = arith.constant 0 : index
    %get3A_37 = vector.load %arg4[%get3A_35, %get3A_36] : memref<11x1792xf32, #tpu.memory_space<vmem>>, vector<1x1792xf32>
    %slice3A_38 = vector.extract_strided_slice %transpose3A {offsets = [0, 0], sizes = [1, 1792], strides = [1, 1]} : vector<25x1792xf32> to vector<1x1792xf32>
    %get3A_39 = arith.constant 7 : index
    %get3A_40 = arith.constant 0 : index
    %get3A_41 = vector.load %arg4[%get3A_39, %get3A_40] : memref<11x1792xf32, #tpu.memory_space<vmem>>, vector<1x1792xf32>
    %add3A_42 = arith.addf %slice3A_38, %get3A_41 : vector<1x1792xf32>
    %slice3A_43 = vector.extract_strided_slice %transpose3A {offsets = [1, 0], sizes = [1, 1792], strides = [1, 1]} : vector<25x1792xf32> to vector<1x1792xf32>
    %get3A_44 = arith.constant 8 : index
    %get3A_45 = arith.constant 0 : index
    %get3A_46 = vector.load %arg4[%get3A_44, %get3A_45] : memref<11x1792xf32, #tpu.memory_space<vmem>>, vector<1x1792xf32>
    %add3A_47 = arith.addf %slice3A_43, %get3A_46 : vector<1x1792xf32>
    %slice3A_48 = vector.extract_strided_slice %transpose3A {offsets = [2, 0], sizes = [1, 1792], strides = [1, 1]} : vector<25x1792xf32> to vector<1x1792xf32>
    %get3A_49 = arith.constant 9 : index
    %get3A_50 = arith.constant 0 : index
    %get3A_51 = vector.load %arg4[%get3A_49, %get3A_50] : memref<11x1792xf32, #tpu.memory_space<vmem>>, vector<1x1792xf32>
    %add3A_52 = arith.addf %slice3A_48, %get3A_51 : vector<1x1792xf32>
    %slice3A_53 = vector.extract_strided_slice %transpose3A {offsets = [3, 0], sizes = [1, 1792], strides = [1, 1]} : vector<25x1792xf32> to vector<1x1792xf32>
    %get3A_54 = arith.constant 10 : index
    %get3A_55 = arith.constant 0 : index
    %get3A_56 = vector.load %arg4[%get3A_54, %get3A_55] : memref<11x1792xf32, #tpu.memory_space<vmem>>, vector<1x1792xf32>
    %add3A_57 = arith.addf %slice3A_53, %get3A_56 : vector<1x1792xf32>
    %broadcast_in_dim3A_58 = arith.constant 0.000000e+00 : f32
    %broadcast_in_dim3A_59 = vector.broadcast %broadcast_in_dim3A_58 : f32 to vector<8x1792xf32>
    %slice3A_60 = vector.extract_strided_slice %get3A_14 {offsets = [0, 0], sizes = [8, 1], strides = [1, 1]} : vector<64x32xf32> to vector<8x1xf32>
    %slice3A_61 = vector.extract_strided_slice %get3A_14 {offsets = [0, 1], sizes = [8, 1], strides = [1, 1]} : vector<64x32xf32> to vector<8x1xf32>
    %slice3A_62 = vector.extract_strided_slice %get3A_14 {offsets = [0, 2], sizes = [8, 1], strides = [1, 1]} : vector<64x32xf32> to vector<8x1xf32>
    %slice3A_63 = vector.extract_strided_slice %get3A_14 {offsets = [0, 3], sizes = [8, 1], strides = [1, 1]} : vector<64x32xf32> to vector<8x1xf32>
    %slice3A_64 = vector.extract_strided_slice %get3A_14 {offsets = [0, 4], sizes = [8, 1], strides = [1, 1]} : vector<64x32xf32> to vector<8x1xf32>
    %slice3A_65 = vector.extract_strided_slice %get3A_14 {offsets = [0, 5], sizes = [8, 1], strides = [1, 1]} : vector<64x32xf32> to vector<8x1xf32>
    %slice3A_66 = vector.extract_strided_slice %get3A_14 {offsets = [0, 6], sizes = [8, 1], strides = [1, 1]} : vector<64x32xf32> to vector<8x1xf32>
    %slice3A_67 = vector.extract_strided_slice %get3A_14 {offsets = [0, 7], sizes = [8, 1], strides = [1, 1]} : vector<64x32xf32> to vector<8x1xf32>
    %slice3A_68 = vector.extract_strided_slice %get3A_14 {offsets = [0, 8], sizes = [8, 1], strides = [1, 1]} : vector<64x32xf32> to vector<8x1xf32>
    %min3A = vector.broadcast %slice3A_63 : vector<8x1xf32> to vector<8x1792xf32>
    %min3A_69 = vector.broadcast %get3A_22 : vector<1x1792xf32> to vector<8x1792xf32>
    %min3A_70 = arith.minimumf %min3A, %min3A_69 : vector<8x1792xf32>
    %max3A = vector.broadcast %slice3A_62 : vector<8x1xf32> to vector<8x1792xf32>
    %max3A_71 = vector.broadcast %get3A_19 : vector<1x1792xf32> to vector<8x1792xf32>
    %max3A_72 = arith.maximumf %max3A, %max3A_71 : vector<8x1792xf32>
    %sub3A_73 = arith.subf %min3A_70, %max3A_72 : vector<8x1792xf32>
    %max3A_74 = arith.constant 0.000000e+00 : f32
    %max3A_75 = vector.broadcast %max3A_74 : f32 to vector<8x1792xf32>
    %max3A_76 = arith.maximumf %sub3A_73, %max3A_75 : vector<8x1792xf32>
    %min3A_77 = vector.broadcast %slice3A_65 : vector<8x1xf32> to vector<8x1792xf32>
    %min3A_78 = vector.broadcast %get3A_28 : vector<1x1792xf32> to vector<8x1792xf32>
    %min3A_79 = arith.minimumf %min3A_77, %min3A_78 : vector<8x1792xf32>
    %max3A_80 = vector.broadcast %slice3A_64 : vector<8x1xf32> to vector<8x1792xf32>
    %max3A_81 = vector.broadcast %get3A_25 : vector<1x1792xf32> to vector<8x1792xf32>
    %max3A_82 = arith.maximumf %max3A_80, %max3A_81 : vector<8x1792xf32>
    %sub3A_83 = arith.subf %min3A_79, %max3A_82 : vector<8x1792xf32>
    %max3A_84 = arith.constant 0.000000e+00 : f32
    %max3A_85 = vector.broadcast %max3A_84 : f32 to vector<8x1792xf32>
    %max3A_86 = arith.maximumf %sub3A_83, %max3A_85 : vector<8x1792xf32>
    %mul3A = arith.mulf %max3A_76, %max3A_86 : vector<8x1792xf32>
    %mul3A_87 = arith.constant 3.000000e+00 : f32
    %mul3A_88 = vector.broadcast %mul3A_87 : f32 to vector<8x1792xf32>
    %mul3A_89 = arith.mulf %mul3A_88, %mul3A : vector<8x1792xf32>
    %add3A_90 = vector.broadcast %slice3A_66 : vector<8x1xf32> to vector<8x1792xf32>
    %add3A_91 = vector.broadcast %get3A_31 : vector<1x1792xf32> to vector<8x1792xf32>
    %add3A_92 = arith.addf %add3A_90, %add3A_91 : vector<8x1792xf32>
    %gt3A = arith.cmpf ogt, %mul3A_89, %add3A_92 : vector<8x1792xf32>
    %convert_element_type3A = arith.extui %gt3A : vector<8x1792xi1> to vector<8x1792xi32>
    %convert_element_type3A_93 = arith.sitofp %convert_element_type3A : vector<8x1792xi32> to vector<8x1792xf32>
    %swap3A = arith.constant 0 : index
    %swap3A_94 = arith.constant 0 : index
    %swap3A_95 = vector.load %arg8[%swap3A, %swap3A_94] : memref<64x1792xf32, #tpu.memory_space<vmem>>, vector<8x1792xf32>
    tpu.vector_store %arg8[%swap3A, %swap3A_94], %convert_element_type3A_93 {strides = array<i32>} : memref<64x1792xf32, #tpu.memory_space<vmem>>, vector<8x1792xf32>,
    %mul3A_96 = vector.broadcast %slice3A_60 : vector<8x1xf32> to vector<8x1792xf32>
    %mul3A_97 = vector.broadcast %get3A_34 : vector<1x1792xf32> to vector<8x1792xf32>
    %mul3A_98 = arith.mulf %mul3A_96, %mul3A_97 : vector<8x1792xf32>
    %sub3A_99 = vector.broadcast %add3A_42 : vector<1x1792xf32> to vector<8x1792xf32>
    %sub3A_100 = arith.subf %sub3A_99, %mul3A_98 : vector<8x1792xf32>
    %mul3A_101 = vector.broadcast %slice3A_61 : vector<8x1xf32> to vector<8x1792xf32>
    %mul3A_102 = vector.broadcast %get3A_37 : vector<1x1792xf32> to vector<8x1792xf32>
    %mul3A_103 = arith.mulf %mul3A_101, %mul3A_102 : vector<8x1792xf32>
    %sub3A_104 = vector.broadcast %add3A_47 : vector<1x1792xf32> to vector<8x1792xf32>
    %sub3A_105 = arith.subf %sub3A_104, %mul3A_103 : vector<8x1792xf32>
    %sub3A_106 = vector.broadcast %add3A_52 : vector<1x1792xf32> to vector<8x1792xf32>
    %sub3A_107 = vector.broadcast %slice3A_67 : vector<8x1xf32> to vector<8x1792xf32>
    %sub3A_108 = arith.subf %sub3A_106, %sub3A_107 : vector<8x1792xf32>
    %sub3A_109 = vector.broadcast %add3A_57 : vector<1x1792xf32> to vector<8x1792xf32>
    %sub3A_110 = vector.broadcast %slice3A_68 : vector<8x1xf32> to vector<8x1792xf32>
    %sub3A_111 = arith.subf %sub3A_109, %sub3A_110 : vector<8x1792xf32>
    %abs3A = math.absf %sub3A_100 : vector<8x1792xf32>
    %min3A_112 = arith.constant 1.000000e+00 : f32
    %min3A_113 = vector.broadcast %min3A_112 : f32 to vector<8x1792xf32>
    %min3A_114 = arith.minimumf %abs3A, %min3A_113 : vector<8x1792xf32>
    %sub3A_115 = arith.subf %abs3A, %min3A_114 : vector<8x1792xf32>
    %mul3A_116 = arith.constant 5.000000e-01 : f32
    %mul3A_117 = vector.broadcast %mul3A_116 : f32 to vector<8x1792xf32>
    %mul3A_118 = arith.mulf %mul3A_117, %min3A_114 : vector<8x1792xf32>
    %mul3A_119 = arith.mulf %mul3A_118, %min3A_114 : vector<8x1792xf32>
    %add3A_120 = arith.addf %sub3A_115, %mul3A_119 : vector<8x1792xf32>
    %abs3A_121 = math.absf %sub3A_105 : vector<8x1792xf32>
    %min3A_122 = arith.constant 1.000000e+00 : f32
    %min3A_123 = vector.broadcast %min3A_122 : f32 to vector<8x1792xf32>
    %min3A_124 = arith.minimumf %abs3A_121, %min3A_123 : vector<8x1792xf32>
    %sub3A_125 = arith.subf %abs3A_121, %min3A_124 : vector<8x1792xf32>
    %mul3A_126 = arith.constant 5.000000e-01 : f32
    %mul3A_127 = vector.broadcast %mul3A_126 : f32 to vector<8x1792xf32>
    %mul3A_128 = arith.mulf %mul3A_127, %min3A_124 : vector<8x1792xf32>
    %mul3A_129 = arith.mulf %mul3A_128, %min3A_124 : vector<8x1792xf32>
    %add3A_130 = arith.addf %sub3A_125, %mul3A_129 : vector<8x1792xf32>
    %add3A_131 = arith.addf %add3A_120, %add3A_130 : vector<8x1792xf32>
    %abs3A_132 = math.absf %sub3A_108 : vector<8x1792xf32>
    %min3A_133 = arith.constant 1.000000e+00 : f32
    %min3A_134 = vector.broadcast %min3A_133 : f32 to vector<8x1792xf32>
    %min3A_135 = arith.minimumf %abs3A_132, %min3A_134 : vector<8x1792xf32>
    %sub3A_136 = arith.subf %abs3A_132, %min3A_135 : vector<8x1792xf32>
    %mul3A_137 = arith.constant 5.000000e-01 : f32
    %mul3A_138 = vector.broadcast %mul3A_137 : f32 to vector<8x1792xf32>
    %mul3A_139 = arith.mulf %mul3A_138, %min3A_135 : vector<8x1792xf32>
    %mul3A_140 = arith.mulf %mul3A_139, %min3A_135 : vector<8x1792xf32>
    %add3A_141 = arith.addf %sub3A_136, %mul3A_140 : vector<8x1792xf32>
    %add3A_142 = arith.addf %add3A_131, %add3A_141 : vector<8x1792xf32>
    %abs3A_143 = math.absf %sub3A_111 : vector<8x1792xf32>
    %min3A_144 = arith.constant 1.000000e+00 : f32
    %min3A_145 = vector.broadcast %min3A_144 : f32 to vector<8x1792xf32>
    %min3A_146 = arith.minimumf %abs3A_143, %min3A_145 : vector<8x1792xf32>
    %sub3A_147 = arith.subf %abs3A_143, %min3A_146 : vector<8x1792xf32>
    %mul3A_148 = arith.constant 5.000000e-01 : f32
    %mul3A_149 = vector.broadcast %mul3A_148 : f32 to vector<8x1792xf32>
    %mul3A_150 = arith.mulf %mul3A_149, %min3A_146 : vector<8x1792xf32>
    %mul3A_151 = arith.mulf %mul3A_150, %min3A_146 : vector<8x1792xf32>
    %add3A_152 = arith.addf %sub3A_147, %mul3A_151 : vector<8x1792xf32>
    %add3A_153 = arith.addf %add3A_142, %add3A_152 : vector<8x1792xf32>
    %jit3A = arith.constant 0.000000e+00 : f32
    %broadcast_in_dim3A_154 = vector.broadcast %jit3A : f32 to vector<8x1792xf32>
    %select_n3A = arith.select %gt3A, %add3A_153, %broadcast_in_dim3A_154 : vector<8x1792xi1>, vector<8x1792xf32>
    %add3A_155 = arith.addf %broadcast_in_dim3A_59, %select_n3A : vector<8x1792xf32>
    %slice3A_156 = vector.extract_strided_slice %get3A_14 {offsets = [8, 0], sizes = [8, 1], strides = [1, 1]} : vector<64x32xf32> to vector<8x1xf32>
    %slice3A_157 = vector.extract_strided_slice %get3A_14 {offsets = [8, 1], sizes = [8, 1], strides = [1, 1]} : vector<64x32xf32> to vector<8x1xf32>
    %slice3A_158 = vector.extract_strided_slice %get3A_14 {offsets = [8, 2], sizes = [8, 1], strides = [1, 1]} : vector<64x32xf32> to vector<8x1xf32>
    %slice3A_159 = vector.extract_strided_slice %get3A_14 {offsets = [8, 3], sizes = [8, 1], strides = [1, 1]} : vector<64x32xf32> to vector<8x1xf32>
    %slice3A_160 = vector.extract_strided_slice %get3A_14 {offsets = [8, 4], sizes = [8, 1], strides = [1, 1]} : vector<64x32xf32> to vector<8x1xf32>
    %slice3A_161 = vector.extract_strided_slice %get3A_14 {offsets = [8, 5], sizes = [8, 1], strides = [1, 1]} : vector<64x32xf32> to vector<8x1xf32>
    %slice3A_162 = vector.extract_strided_slice %get3A_14 {offsets = [8, 6], sizes = [8, 1], strides = [1, 1]} : vector<64x32xf32> to vector<8x1xf32>
    %slice3A_163 = vector.extract_strided_slice %get3A_14 {offsets = [8, 7], sizes = [8, 1], strides = [1, 1]} : vector<64x32xf32> to vector<8x1xf32>
    %slice3A_164 = vector.extract_strided_slice %get3A_14 {offsets = [8, 8], sizes = [8, 1], strides = [1, 1]} : vector<64x32xf32> to vector<8x1xf32>
    %min3A_165 = vector.broadcast %slice3A_159 : vector<8x1xf32> to vector<8x1792xf32>
    %min3A_166 = vector.broadcast %get3A_22 : vector<1x1792xf32> to vector<8x1792xf32>
    %min3A_167 = arith.minimumf %min3A_165, %min3A_166 : vector<8x1792xf32>
    %max3A_168 = vector.broadcast %slice3A_158 : vector<8x1xf32> to vector<8x1792xf32>
    %max3A_169 = vector.broadcast %get3A_19 : vector<1x1792xf32> to vector<8x1792xf32>
    %max3A_170 = arith.maximumf %max3A_168, %max3A_169 : vector<8x1792xf32>
    %sub3A_171 = arith.subf %min3A_167, %max3A_170 : vector<8x1792xf32>
    %max3A_172 = arith.constant 0.000000e+00 : f32
    %max3A_173 = vector.broadcast %max3A_172 : f32 to vector<8x1792xf32>
    %max3A_174 = arith.maximumf %sub3A_171, %max3A_173 : vector<8x1792xf32>
    %min3A_175 = vector.broadcast %slice3A_161 : vector<8x1xf32> to vector<8x1792xf32>
    %min3A_176 = vector.broadcast %get3A_28 : vector<1x1792xf32> to vector<8x1792xf32>
    %min3A_177 = arith.minimumf %min3A_175, %min3A_176 : vector<8x1792xf32>
    %max3A_178 = vector.broadcast %slice3A_160 : vector<8x1xf32> to vector<8x1792xf32>
    %max3A_179 = vector.broadcast %get3A_25 : vector<1x1792xf32> to vector<8x1792xf32>
    %max3A_180 = arith.maximumf %max3A_178, %max3A_179 : vector<8x1792xf32>
    %sub3A_181 = arith.subf %min3A_177, %max3A_180 : vector<8x1792xf32>
    %max3A_182 = arith.constant 0.000000e+00 : f32
    %max3A_183 = vector.broadcast %max3A_182 : f32 to vector<8x1792xf32>
    %max3A_184 = arith.maximumf %sub3A_181, %max3A_183 : vector<8x1792xf32>
    %mul3A_185 = arith.mulf %max3A_174, %max3A_184 : vector<8x1792xf32>
    %mul3A_186 = arith.constant 3.000000e+00 : f32
    %mul3A_187 = vector.broadcast %mul3A_186 : f32 to vector<8x1792xf32>
    %mul3A_188 = arith.mulf %mul3A_187, %mul3A_185 : vector<8x1792xf32>
    %add3A_189 = vector.broadcast %slice3A_162 : vector<8x1xf32> to vector<8x1792xf32>
    %add3A_190 = vector.broadcast %get3A_31 : vector<1x1792xf32> to vector<8x1792xf32>
    %add3A_191 = arith.addf %add3A_189, %add3A_190 : vector<8x1792xf32>
    %gt3A_192 = arith.cmpf ogt, %mul3A_188, %add3A_191 : vector<8x1792xf32>
    %convert_element_type3A_193 = arith.extui %gt3A_192 : vector<8x1792xi1> to vector<8x1792xi32>
    %convert_element_type3A_194 = arith.sitofp %convert_element_type3A_193 : vector<8x1792xi32> to vector<8x1792xf32>
    %swap3A_195 = arith.constant 8 : index
    %swap3A_196 = arith.constant 0 : index
    %swap3A_197 = vector.load %arg8[%swap3A_195, %swap3A_196] : memref<64x1792xf32, #tpu.memory_space<vmem>>, vector<8x1792xf32>
    tpu.vector_store %arg8[%swap3A_195, %swap3A_196], %convert_element_type3A_194 {strides = array<i32>} : memref<64x1792xf32, #tpu.memory_space<vmem>>, vector<8x1792xf32>,
    %mul3A_198 = vector.broadcast %slice3A_156 : vector<8x1xf32> to vector<8x1792xf32>
    %mul3A_199 = vector.broadcast %get3A_34 : vector<1x1792xf32> to vector<8x1792xf32>
    %mul3A_200 = arith.mulf %mul3A_198, %mul3A_199 : vector<8x1792xf32>
    %sub3A_201 = vector.broadcast %add3A_42 : vector<1x1792xf32> to vector<8x1792xf32>
    %sub3A_202 = arith.subf %sub3A_201, %mul3A_200 : vector<8x1792xf32>
    %mul3A_203 = vector.broadcast %slice3A_157 : vector<8x1xf32> to vector<8x1792xf32>
    %mul3A_204 = vector.broadcast %get3A_37 : vector<1x1792xf32> to vector<8x1792xf32>
    %mul3A_205 = arith.mulf %mul3A_203, %mul3A_204 : vector<8x1792xf32>
    %sub3A_206 = vector.broadcast %add3A_47 : vector<1x1792xf32> to vector<8x1792xf32>
    %sub3A_207 = arith.subf %sub3A_206, %mul3A_205 : vector<8x1792xf32>
    %sub3A_208 = vector.broadcast %add3A_52 : vector<1x1792xf32> to vector<8x1792xf32>
    %sub3A_209 = vector.broadcast %slice3A_163 : vector<8x1xf32> to vector<8x1792xf32>
    %sub3A_210 = arith.subf %sub3A_208, %sub3A_209 : vector<8x1792xf32>
    %sub3A_211 = vector.broadcast %add3A_57 : vector<1x1792xf32> to vector<8x1792xf32>
    %sub3A_212 = vector.broadcast %slice3A_164 : vector<8x1xf32> to vector<8x1792xf32>
    %sub3A_213 = arith.subf %sub3A_211, %sub3A_212 : vector<8x1792xf32>
    %abs3A_214 = math.absf %sub3A_202 : vector<8x1792xf32>
    %min3A_215 = arith.constant 1.000000e+00 : f32
    %min3A_216 = vector.broadcast %min3A_215 : f32 to vector<8x1792xf32>
    %min3A_217 = arith.minimumf %abs3A_214, %min3A_216 : vector<8x1792xf32>
    %sub3A_218 = arith.subf %abs3A_214, %min3A_217 : vector<8x1792xf32>
    %mul3A_219 = arith.constant 5.000000e-01 : f32
    %mul3A_220 = vector.broadcast %mul3A_219 : f32 to vector<8x1792xf32>
    %mul3A_221 = arith.mulf %mul3A_220, %min3A_217 : vector<8x1792xf32>
    %mul3A_222 = arith.mulf %mul3A_221, %min3A_217 : vector<8x1792xf32>
    %add3A_223 = arith.addf %sub3A_218, %mul3A_222 : vector<8x1792xf32>
    %abs3A_224 = math.absf %sub3A_207 : vector<8x1792xf32>
    %min3A_225 = arith.constant 1.000000e+00 : f32
    %min3A_226 = vector.broadcast %min3A_225 : f32 to vector<8x1792xf32>
    %min3A_227 = arith.minimumf %abs3A_224, %min3A_226 : vector<8x1792xf32>
    %sub3A_228 = arith.subf %abs3A_224, %min3A_227 : vector<8x1792xf32>
    %mul3A_229 = arith.constant 5.000000e-01 : f32
    %mul3A_230 = vector.broadcast %mul3A_229 : f32 to vector<8x1792xf32>
    %mul3A_231 = arith.mulf %mul3A_230, %min3A_227 : vector<8x1792xf32>
    %mul3A_232 = arith.mulf %mul3A_231, %min3A_227 : vector<8x1792xf32>
    %add3A_233 = arith.addf %sub3A_228, %mul3A_232 : vector<8x1792xf32>
    %add3A_234 = arith.addf %add3A_223, %add3A_233 : vector<8x1792xf32>
    %abs3A_235 = math.absf %sub3A_210 : vector<8x1792xf32>
    %min3A_236 = arith.constant 1.000000e+00 : f32
    %min3A_237 = vector.broadcast %min3A_236 : f32 to vector<8x1792xf32>
    %min3A_238 = arith.minimumf %abs3A_235, %min3A_237 : vector<8x1792xf32>
    %sub3A_239 = arith.subf %abs3A_235, %min3A_238 : vector<8x1792xf32>
    %mul3A_240 = arith.constant 5.000000e-01 : f32
    %mul3A_241 = vector.broadcast %mul3A_240 : f32 to vector<8x1792xf32>
    %mul3A_242 = arith.mulf %mul3A_241, %min3A_238 : vector<8x1792xf32>
    %mul3A_243 = arith.mulf %mul3A_242, %min3A_238 : vector<8x1792xf32>
    %add3A_244 = arith.addf %sub3A_239, %mul3A_243 : vector<8x1792xf32>
    %add3A_245 = arith.addf %add3A_234, %add3A_244 : vector<8x1792xf32>
    %abs3A_246 = math.absf %sub3A_213 : vector<8x1792xf32>
    %min3A_247 = arith.constant 1.000000e+00 : f32
    %min3A_248 = vector.broadcast %min3A_247 : f32 to vector<8x1792xf32>
    %min3A_249 = arith.minimumf %abs3A_246, %min3A_248 : vector<8x1792xf32>
    %sub3A_250 = arith.subf %abs3A_246, %min3A_249 : vector<8x1792xf32>
    %mul3A_251 = arith.constant 5.000000e-01 : f32
    %mul3A_252 = vector.broadcast %mul3A_251 : f32 to vector<8x1792xf32>
    %mul3A_253 = arith.mulf %mul3A_252, %min3A_249 : vector<8x1792xf32>
    %mul3A_254 = arith.mulf %mul3A_253, %min3A_249 : vector<8x1792xf32>
    %add3A_255 = arith.addf %sub3A_250, %mul3A_254 : vector<8x1792xf32>
    %add3A_256 = arith.addf %add3A_245, %add3A_255 : vector<8x1792xf32>
    %jit3A_257 = arith.constant 0.000000e+00 : f32
    %broadcast_in_dim3A_258 = vector.broadcast %jit3A_257 : f32 to vector<8x1792xf32>
    %select_n3A_259 = arith.select %gt3A_192, %add3A_256, %broadcast_in_dim3A_258 : vector<8x1792xi1>, vector<8x1792xf32>
    %add3A_260 = arith.addf %add3A_155, %select_n3A_259 : vector<8x1792xf32>
    %slice3A_261 = vector.extract_strided_slice %get3A_14 {offsets = [16, 0], sizes = [8, 1], strides = [1, 1]} : vector<64x32xf32> to vector<8x1xf32>
    %slice3A_262 = vector.extract_strided_slice %get3A_14 {offsets = [16, 1], sizes = [8, 1], strides = [1, 1]} : vector<64x32xf32> to vector<8x1xf32>
    %slice3A_263 = vector.extract_strided_slice %get3A_14 {offsets = [16, 2], sizes = [8, 1], strides = [1, 1]} : vector<64x32xf32> to vector<8x1xf32>
    %slice3A_264 = vector.extract_strided_slice %get3A_14 {offsets = [16, 3], sizes = [8, 1], strides = [1, 1]} : vector<64x32xf32> to vector<8x1xf32>
    %slice3A_265 = vector.extract_strided_slice %get3A_14 {offsets = [16, 4], sizes = [8, 1], strides = [1, 1]} : vector<64x32xf32> to vector<8x1xf32>
    %slice3A_266 = vector.extract_strided_slice %get3A_14 {offsets = [16, 5], sizes = [8, 1], strides = [1, 1]} : vector<64x32xf32> to vector<8x1xf32>
    %slice3A_267 = vector.extract_strided_slice %get3A_14 {offsets = [16, 6], sizes = [8, 1], strides = [1, 1]} : vector<64x32xf32> to vector<8x1xf32>
    %slice3A_268 = vector.extract_strided_slice %get3A_14 {offsets = [16, 7], sizes = [8, 1], strides = [1, 1]} : vector<64x32xf32> to vector<8x1xf32>
    %slice3A_269 = vector.extract_strided_slice %get3A_14 {offsets = [16, 8], sizes = [8, 1], strides = [1, 1]} : vector<64x32xf32> to vector<8x1xf32>
    %min3A_270 = vector.broadcast %slice3A_264 : vector<8x1xf32> to vector<8x1792xf32>
    %min3A_271 = vector.broadcast %get3A_22 : vector<1x1792xf32> to vector<8x1792xf32>
    %min3A_272 = arith.minimumf %min3A_270, %min3A_271 : vector<8x1792xf32>
    %max3A_273 = vector.broadcast %slice3A_263 : vector<8x1xf32> to vector<8x1792xf32>
    %max3A_274 = vector.broadcast %get3A_19 : vector<1x1792xf32> to vector<8x1792xf32>
    %max3A_275 = arith.maximumf %max3A_273, %max3A_274 : vector<8x1792xf32>
    %sub3A_276 = arith.subf %min3A_272, %max3A_275 : vector<8x1792xf32>
    %max3A_277 = arith.constant 0.000000e+00 : f32
    %max3A_278 = vector.broadcast %max3A_277 : f32 to vector<8x1792xf32>
    %max3A_279 = arith.maximumf %sub3A_276, %max3A_278 : vector<8x1792xf32>
    %min3A_280 = vector.broadcast %slice3A_266 : vector<8x1xf32> to vector<8x1792xf32>
    %min3A_281 = vector.broadcast %get3A_28 : vector<1x1792xf32> to vector<8x1792xf32>
    %min3A_282 = arith.minimumf %min3A_280, %min3A_281 : vector<8x1792xf32>
    %max3A_283 = vector.broadcast %slice3A_265 : vector<8x1xf32> to vector<8x1792xf32>
    %max3A_284 = vector.broadcast %get3A_25 : vector<1x1792xf32> to vector<8x1792xf32>
    %max3A_285 = arith.maximumf %max3A_283, %max3A_284 : vector<8x1792xf32>
    %sub3A_286 = arith.subf %min3A_282, %max3A_285 : vector<8x1792xf32>
    %max3A_287 = arith.constant 0.000000e+00 : f32
    %max3A_288 = vector.broadcast %max3A_287 : f32 to vector<8x1792xf32>
    %max3A_289 = arith.maximumf %sub3A_286, %max3A_288 : vector<8x1792xf32>
    %mul3A_290 = arith.mulf %max3A_279, %max3A_289 : vector<8x1792xf32>
    %mul3A_291 = arith.constant 3.000000e+00 : f32
    %mul3A_292 = vector.broadcast %mul3A_291 : f32 to vector<8x1792xf32>
    %mul3A_293 = arith.mulf %mul3A_292, %mul3A_290 : vector<8x1792xf32>
    %add3A_294 = vector.broadcast %slice3A_267 : vector<8x1xf32> to vector<8x1792xf32>
    %add3A_295 = vector.broadcast %get3A_31 : vector<1x1792xf32> to vector<8x1792xf32>
    %add3A_296 = arith.addf %add3A_294, %add3A_295 : vector<8x1792xf32>
    %gt3A_297 = arith.cmpf ogt, %mul3A_293, %add3A_296 : vector<8x1792xf32>
    %convert_element_type3A_298 = arith.extui %gt3A_297 : vector<8x1792xi1> to vector<8x1792xi32>
    %convert_element_type3A_299 = arith.sitofp %convert_element_type3A_298 : vector<8x1792xi32> to vector<8x1792xf32>
    %swap3A_300 = arith.constant 16 : index
    %swap3A_301 = arith.constant 0 : index
    %swap3A_302 = vector.load %arg8[%swap3A_300, %swap3A_301] : memref<64x1792xf32, #tpu.memory_space<vmem>>, vector<8x1792xf32>
    tpu.vector_store %arg8[%swap3A_300, %swap3A_301], %convert_element_type3A_299 {strides = array<i32>} : memref<64x1792xf32, #tpu.memory_space<vmem>>, vector<8x1792xf32>,
    %mul3A_303 = vector.broadcast %slice3A_261 : vector<8x1xf32> to vector<8x1792xf32>
    %mul3A_304 = vector.broadcast %get3A_34 : vector<1x1792xf32> to vector<8x1792xf32>
    %mul3A_305 = arith.mulf %mul3A_303, %mul3A_304 : vector<8x1792xf32>
    %sub3A_306 = vector.broadcast %add3A_42 : vector<1x1792xf32> to vector<8x1792xf32>
    %sub3A_307 = arith.subf %sub3A_306, %mul3A_305 : vector<8x1792xf32>
    %mul3A_308 = vector.broadcast %slice3A_262 : vector<8x1xf32> to vector<8x1792xf32>
    %mul3A_309 = vector.broadcast %get3A_37 : vector<1x1792xf32> to vector<8x1792xf32>
    %mul3A_310 = arith.mulf %mul3A_308, %mul3A_309 : vector<8x1792xf32>
    %sub3A_311 = vector.broadcast %add3A_47 : vector<1x1792xf32> to vector<8x1792xf32>
    %sub3A_312 = arith.subf %sub3A_311, %mul3A_310 : vector<8x1792xf32>
    %sub3A_313 = vector.broadcast %add3A_52 : vector<1x1792xf32> to vector<8x1792xf32>
    %sub3A_314 = vector.broadcast %slice3A_268 : vector<8x1xf32> to vector<8x1792xf32>
    %sub3A_315 = arith.subf %sub3A_313, %sub3A_314 : vector<8x1792xf32>
    %sub3A_316 = vector.broadcast %add3A_57 : vector<1x1792xf32> to vector<8x1792xf32>
    %sub3A_317 = vector.broadcast %slice3A_269 : vector<8x1xf32> to vector<8x1792xf32>
    %sub3A_318 = arith.subf %sub3A_316, %sub3A_317 : vector<8x1792xf32>
    %abs3A_319 = math.absf %sub3A_307 : vector<8x1792xf32>
    %min3A_320 = arith.constant 1.000000e+00 : f32
    %min3A_321 = vector.broadcast %min3A_320 : f32 to vector<8x1792xf32>
    %min3A_322 = arith.minimumf %abs3A_319, %min3A_321 : vector<8x1792xf32>
    %sub3A_323 = arith.subf %abs3A_319, %min3A_322 : vector<8x1792xf32>
    %mul3A_324 = arith.constant 5.000000e-01 : f32
    %mul3A_325 = vector.broadcast %mul3A_324 : f32 to vector<8x1792xf32>
    %mul3A_326 = arith.mulf %mul3A_325, %min3A_322 : vector<8x1792xf32>
    %mul3A_327 = arith.mulf %mul3A_326, %min3A_322 : vector<8x1792xf32>
    %add3A_328 = arith.addf %sub3A_323, %mul3A_327 : vector<8x1792xf32>
    %abs3A_329 = math.absf %sub3A_312 : vector<8x1792xf32>
    %min3A_330 = arith.constant 1.000000e+00 : f32
    %min3A_331 = vector.broadcast %min3A_330 : f32 to vector<8x1792xf32>
    %min3A_332 = arith.minimumf %abs3A_329, %min3A_331 : vector<8x1792xf32>
    %sub3A_333 = arith.subf %abs3A_329, %min3A_332 : vector<8x1792xf32>
    %mul3A_334 = arith.constant 5.000000e-01 : f32
    %mul3A_335 = vector.broadcast %mul3A_334 : f32 to vector<8x1792xf32>
    %mul3A_336 = arith.mulf %mul3A_335, %min3A_332 : vector<8x1792xf32>
    %mul3A_337 = arith.mulf %mul3A_336, %min3A_332 : vector<8x1792xf32>
    %add3A_338 = arith.addf %sub3A_333, %mul3A_337 : vector<8x1792xf32>
    %add3A_339 = arith.addf %add3A_328, %add3A_338 : vector<8x1792xf32>
    %abs3A_340 = math.absf %sub3A_315 : vector<8x1792xf32>
    %min3A_341 = arith.constant 1.000000e+00 : f32
    %min3A_342 = vector.broadcast %min3A_341 : f32 to vector<8x1792xf32>
    %min3A_343 = arith.minimumf %abs3A_340, %min3A_342 : vector<8x1792xf32>
    %sub3A_344 = arith.subf %abs3A_340, %min3A_343 : vector<8x1792xf32>
    %mul3A_345 = arith.constant 5.000000e-01 : f32
    %mul3A_346 = vector.broadcast %mul3A_345 : f32 to vector<8x1792xf32>
    %mul3A_347 = arith.mulf %mul3A_346, %min3A_343 : vector<8x1792xf32>
    %mul3A_348 = arith.mulf %mul3A_347, %min3A_343 : vector<8x1792xf32>
    %add3A_349 = arith.addf %sub3A_344, %mul3A_348 : vector<8x1792xf32>
    %add3A_350 = arith.addf %add3A_339, %add3A_349 : vector<8x1792xf32>
    %abs3A_351 = math.absf %sub3A_318 : vector<8x1792xf32>
    %min3A_352 = arith.constant 1.000000e+00 : f32
    %min3A_353 = vector.broadcast %min3A_352 : f32 to vector<8x1792xf32>
    %min3A_354 = arith.minimumf %abs3A_351, %min3A_353 : vector<8x1792xf32>
    %sub3A_355 = arith.subf %abs3A_351, %min3A_354 : vector<8x1792xf32>
    %mul3A_356 = arith.constant 5.000000e-01 : f32
    %mul3A_357 = vector.broadcast %mul3A_356 : f32 to vector<8x1792xf32>
    %mul3A_358 = arith.mulf %mul3A_357, %min3A_354 : vector<8x1792xf32>
    %mul3A_359 = arith.mulf %mul3A_358, %min3A_354 : vector<8x1792xf32>
    %add3A_360 = arith.addf %sub3A_355, %mul3A_359 : vector<8x1792xf32>
    %add3A_361 = arith.addf %add3A_350, %add3A_360 : vector<8x1792xf32>
    %jit3A_362 = arith.constant 0.000000e+00 : f32
    %broadcast_in_dim3A_363 = vector.broadcast %jit3A_362 : f32 to vector<8x1792xf32>
    %select_n3A_364 = arith.select %gt3A_297, %add3A_361, %broadcast_in_dim3A_363 : vector<8x1792xi1>, vector<8x1792xf32>
    %add3A_365 = arith.addf %add3A_260, %select_n3A_364 : vector<8x1792xf32>
    %slice3A_366 = vector.extract_strided_slice %get3A_14 {offsets = [24, 0], sizes = [8, 1], strides = [1, 1]} : vector<64x32xf32> to vector<8x1xf32>
    %slice3A_367 = vector.extract_strided_slice %get3A_14 {offsets = [24, 1], sizes = [8, 1], strides = [1, 1]} : vector<64x32xf32> to vector<8x1xf32>
    %slice3A_368 = vector.extract_strided_slice %get3A_14 {offsets = [24, 2], sizes = [8, 1], strides = [1, 1]} : vector<64x32xf32> to vector<8x1xf32>
    %slice3A_369 = vector.extract_strided_slice %get3A_14 {offsets = [24, 3], sizes = [8, 1], strides = [1, 1]} : vector<64x32xf32> to vector<8x1xf32>
    %slice3A_370 = vector.extract_strided_slice %get3A_14 {offsets = [24, 4], sizes = [8, 1], strides = [1, 1]} : vector<64x32xf32> to vector<8x1xf32>
    %slice3A_371 = vector.extract_strided_slice %get3A_14 {offsets = [24, 5], sizes = [8, 1], strides = [1, 1]} : vector<64x32xf32> to vector<8x1xf32>
    %slice3A_372 = vector.extract_strided_slice %get3A_14 {offsets = [24, 6], sizes = [8, 1], strides = [1, 1]} : vector<64x32xf32> to vector<8x1xf32>
    %slice3A_373 = vector.extract_strided_slice %get3A_14 {offsets = [24, 7], sizes = [8, 1], strides = [1, 1]} : vector<64x32xf32> to vector<8x1xf32>
    %slice3A_374 = vector.extract_strided_slice %get3A_14 {offsets = [24, 8], sizes = [8, 1], strides = [1, 1]} : vector<64x32xf32> to vector<8x1xf32>
    %min3A_375 = vector.broadcast %slice3A_369 : vector<8x1xf32> to vector<8x1792xf32>
    %min3A_376 = vector.broadcast %get3A_22 : vector<1x1792xf32> to vector<8x1792xf32>
    %min3A_377 = arith.minimumf %min3A_375, %min3A_376 : vector<8x1792xf32>
    %max3A_378 = vector.broadcast %slice3A_368 : vector<8x1xf32> to vector<8x1792xf32>
    %max3A_379 = vector.broadcast %get3A_19 : vector<1x1792xf32> to vector<8x1792xf32>
    %max3A_380 = arith.maximumf %max3A_378, %max3A_379 : vector<8x1792xf32>
    %sub3A_381 = arith.subf %min3A_377, %max3A_380 : vector<8x1792xf32>
    %max3A_382 = arith.constant 0.000000e+00 : f32
    %max3A_383 = vector.broadcast %max3A_382 : f32 to vector<8x1792xf32>
    %max3A_384 = arith.maximumf %sub3A_381, %max3A_383 : vector<8x1792xf32>
    %min3A_385 = vector.broadcast %slice3A_371 : vector<8x1xf32> to vector<8x1792xf32>
    %min3A_386 = vector.broadcast %get3A_28 : vector<1x1792xf32> to vector<8x1792xf32>
    %min3A_387 = arith.minimumf %min3A_385, %min3A_386 : vector<8x1792xf32>
    %max3A_388 = vector.broadcast %slice3A_370 : vector<8x1xf32> to vector<8x1792xf32>
    %max3A_389 = vector.broadcast %get3A_25 : vector<1x1792xf32> to vector<8x1792xf32>
    %max3A_390 = arith.maximumf %max3A_388, %max3A_389 : vector<8x1792xf32>
    %sub3A_391 = arith.subf %min3A_387, %max3A_390 : vector<8x1792xf32>
    %max3A_392 = arith.constant 0.000000e+00 : f32
    %max3A_393 = vector.broadcast %max3A_392 : f32 to vector<8x1792xf32>
    %max3A_394 = arith.maximumf %sub3A_391, %max3A_393 : vector<8x1792xf32>
    %mul3A_395 = arith.mulf %max3A_384, %max3A_394 : vector<8x1792xf32>
    %mul3A_396 = arith.constant 3.000000e+00 : f32
    %mul3A_397 = vector.broadcast %mul3A_396 : f32 to vector<8x1792xf32>
    %mul3A_398 = arith.mulf %mul3A_397, %mul3A_395 : vector<8x1792xf32>
    %add3A_399 = vector.broadcast %slice3A_372 : vector<8x1xf32> to vector<8x1792xf32>
    %add3A_400 = vector.broadcast %get3A_31 : vector<1x1792xf32> to vector<8x1792xf32>
    %add3A_401 = arith.addf %add3A_399, %add3A_400 : vector<8x1792xf32>
    %gt3A_402 = arith.cmpf ogt, %mul3A_398, %add3A_401 : vector<8x1792xf32>
    %convert_element_type3A_403 = arith.extui %gt3A_402 : vector<8x1792xi1> to vector<8x1792xi32>
    %convert_element_type3A_404 = arith.sitofp %convert_element_type3A_403 : vector<8x1792xi32> to vector<8x1792xf32>
    %swap3A_405 = arith.constant 24 : index
    %swap3A_406 = arith.constant 0 : index
    %swap3A_407 = vector.load %arg8[%swap3A_405, %swap3A_406] : memref<64x1792xf32, #tpu.memory_space<vmem>>, vector<8x1792xf32>
    tpu.vector_store %arg8[%swap3A_405, %swap3A_406], %convert_element_type3A_404 {strides = array<i32>} : memref<64x1792xf32, #tpu.memory_space<vmem>>, vector<8x1792xf32>,
    %mul3A_408 = vector.broadcast %slice3A_366 : vector<8x1xf32> to vector<8x1792xf32>
    %mul3A_409 = vector.broadcast %get3A_34 : vector<1x1792xf32> to vector<8x1792xf32>
    %mul3A_410 = arith.mulf %mul3A_408, %mul3A_409 : vector<8x1792xf32>
    %sub3A_411 = vector.broadcast %add3A_42 : vector<1x1792xf32> to vector<8x1792xf32>
    %sub3A_412 = arith.subf %sub3A_411, %mul3A_410 : vector<8x1792xf32>
    %mul3A_413 = vector.broadcast %slice3A_367 : vector<8x1xf32> to vector<8x1792xf32>
    %mul3A_414 = vector.broadcast %get3A_37 : vector<1x1792xf32> to vector<8x1792xf32>
    %mul3A_415 = arith.mulf %mul3A_413, %mul3A_414 : vector<8x1792xf32>
    %sub3A_416 = vector.broadcast %add3A_47 : vector<1x1792xf32> to vector<8x1792xf32>
    %sub3A_417 = arith.subf %sub3A_416, %mul3A_415 : vector<8x1792xf32>
    %sub3A_418 = vector.broadcast %add3A_52 : vector<1x1792xf32> to vector<8x1792xf32>
    %sub3A_419 = vector.broadcast %slice3A_373 : vector<8x1xf32> to vector<8x1792xf32>
    %sub3A_420 = arith.subf %sub3A_418, %sub3A_419 : vector<8x1792xf32>
    %sub3A_421 = vector.broadcast %add3A_57 : vector<1x1792xf32> to vector<8x1792xf32>
    %sub3A_422 = vector.broadcast %slice3A_374 : vector<8x1xf32> to vector<8x1792xf32>
    %sub3A_423 = arith.subf %sub3A_421, %sub3A_422 : vector<8x1792xf32>
    %abs3A_424 = math.absf %sub3A_412 : vector<8x1792xf32>
    %min3A_425 = arith.constant 1.000000e+00 : f32
    %min3A_426 = vector.broadcast %min3A_425 : f32 to vector<8x1792xf32>
    %min3A_427 = arith.minimumf %abs3A_424, %min3A_426 : vector<8x1792xf32>
    %sub3A_428 = arith.subf %abs3A_424, %min3A_427 : vector<8x1792xf32>
    %mul3A_429 = arith.constant 5.000000e-01 : f32
    %mul3A_430 = vector.broadcast %mul3A_429 : f32 to vector<8x1792xf32>
    %mul3A_431 = arith.mulf %mul3A_430, %min3A_427 : vector<8x1792xf32>
    %mul3A_432 = arith.mulf %mul3A_431, %min3A_427 : vector<8x1792xf32>
    %add3A_433 = arith.addf %sub3A_428, %mul3A_432 : vector<8x1792xf32>
    %abs3A_434 = math.absf %sub3A_417 : vector<8x1792xf32>
    %min3A_435 = arith.constant 1.000000e+00 : f32
    %min3A_436 = vector.broadcast %min3A_435 : f32 to vector<8x1792xf32>
    %min3A_437 = arith.minimumf %abs3A_434, %min3A_436 : vector<8x1792xf32>
    %sub3A_438 = arith.subf %abs3A_434, %min3A_437 : vector<8x1792xf32>
    %mul3A_439 = arith.constant 5.000000e-01 : f32
    %mul3A_440 = vector.broadcast %mul3A_439 : f32 to vector<8x1792xf32>
    %mul3A_441 = arith.mulf %mul3A_440, %min3A_437 : vector<8x1792xf32>
    %mul3A_442 = arith.mulf %mul3A_441, %min3A_437 : vector<8x1792xf32>
    %add3A_443 = arith.addf %sub3A_438, %mul3A_442 : vector<8x1792xf32>
    %add3A_444 = arith.addf %add3A_433, %add3A_443 : vector<8x1792xf32>
    %abs3A_445 = math.absf %sub3A_420 : vector<8x1792xf32>
    %min3A_446 = arith.constant 1.000000e+00 : f32
    %min3A_447 = vector.broadcast %min3A_446 : f32 to vector<8x1792xf32>
    %min3A_448 = arith.minimumf %abs3A_445, %min3A_447 : vector<8x1792xf32>
    %sub3A_449 = arith.subf %abs3A_445, %min3A_448 : vector<8x1792xf32>
    %mul3A_450 = arith.constant 5.000000e-01 : f32
    %mul3A_451 = vector.broadcast %mul3A_450 : f32 to vector<8x1792xf32>
    %mul3A_452 = arith.mulf %mul3A_451, %min3A_448 : vector<8x1792xf32>
    %mul3A_453 = arith.mulf %mul3A_452, %min3A_448 : vector<8x1792xf32>
    %add3A_454 = arith.addf %sub3A_449, %mul3A_453 : vector<8x1792xf32>
    %add3A_455 = arith.addf %add3A_444, %add3A_454 : vector<8x1792xf32>
    %abs3A_456 = math.absf %sub3A_423 : vector<8x1792xf32>
    %min3A_457 = arith.constant 1.000000e+00 : f32
    %min3A_458 = vector.broadcast %min3A_457 : f32 to vector<8x1792xf32>
    %min3A_459 = arith.minimumf %abs3A_456, %min3A_458 : vector<8x1792xf32>
    %sub3A_460 = arith.subf %abs3A_456, %min3A_459 : vector<8x1792xf32>
    %mul3A_461 = arith.constant 5.000000e-01 : f32
    %mul3A_462 = vector.broadcast %mul3A_461 : f32 to vector<8x1792xf32>
    %mul3A_463 = arith.mulf %mul3A_462, %min3A_459 : vector<8x1792xf32>
    %mul3A_464 = arith.mulf %mul3A_463, %min3A_459 : vector<8x1792xf32>
    %add3A_465 = arith.addf %sub3A_460, %mul3A_464 : vector<8x1792xf32>
    %add3A_466 = arith.addf %add3A_455, %add3A_465 : vector<8x1792xf32>
    %jit3A_467 = arith.constant 0.000000e+00 : f32
    %broadcast_in_dim3A_468 = vector.broadcast %jit3A_467 : f32 to vector<8x1792xf32>
    %select_n3A_469 = arith.select %gt3A_402, %add3A_466, %broadcast_in_dim3A_468 : vector<8x1792xi1>, vector<8x1792xf32>
    %add3A_470 = arith.addf %add3A_365, %select_n3A_469 : vector<8x1792xf32>
    %slice3A_471 = vector.extract_strided_slice %get3A_14 {offsets = [32, 0], sizes = [8, 1], strides = [1, 1]} : vector<64x32xf32> to vector<8x1xf32>
    %slice3A_472 = vector.extract_strided_slice %get3A_14 {offsets = [32, 1], sizes = [8, 1], strides = [1, 1]} : vector<64x32xf32> to vector<8x1xf32>
    %slice3A_473 = vector.extract_strided_slice %get3A_14 {offsets = [32, 2], sizes = [8, 1], strides = [1, 1]} : vector<64x32xf32> to vector<8x1xf32>
    %slice3A_474 = vector.extract_strided_slice %get3A_14 {offsets = [32, 3], sizes = [8, 1], strides = [1, 1]} : vector<64x32xf32> to vector<8x1xf32>
    %slice3A_475 = vector.extract_strided_slice %get3A_14 {offsets = [32, 4], sizes = [8, 1], strides = [1, 1]} : vector<64x32xf32> to vector<8x1xf32>
    %slice3A_476 = vector.extract_strided_slice %get3A_14 {offsets = [32, 5], sizes = [8, 1], strides = [1, 1]} : vector<64x32xf32> to vector<8x1xf32>
    %slice3A_477 = vector.extract_strided_slice %get3A_14 {offsets = [32, 6], sizes = [8, 1], strides = [1, 1]} : vector<64x32xf32> to vector<8x1xf32>
    %slice3A_478 = vector.extract_strided_slice %get3A_14 {offsets = [32, 7], sizes = [8, 1], strides = [1, 1]} : vector<64x32xf32> to vector<8x1xf32>
    %slice3A_479 = vector.extract_strided_slice %get3A_14 {offsets = [32, 8], sizes = [8, 1], strides = [1, 1]} : vector<64x32xf32> to vector<8x1xf32>
    %min3A_480 = vector.broadcast %slice3A_474 : vector<8x1xf32> to vector<8x1792xf32>
    %min3A_481 = vector.broadcast %get3A_22 : vector<1x1792xf32> to vector<8x1792xf32>
    %min3A_482 = arith.minimumf %min3A_480, %min3A_481 : vector<8x1792xf32>
    %max3A_483 = vector.broadcast %slice3A_473 : vector<8x1xf32> to vector<8x1792xf32>
    %max3A_484 = vector.broadcast %get3A_19 : vector<1x1792xf32> to vector<8x1792xf32>
    %max3A_485 = arith.maximumf %max3A_483, %max3A_484 : vector<8x1792xf32>
    %sub3A_486 = arith.subf %min3A_482, %max3A_485 : vector<8x1792xf32>
    %max3A_487 = arith.constant 0.000000e+00 : f32
    %max3A_488 = vector.broadcast %max3A_487 : f32 to vector<8x1792xf32>
    %max3A_489 = arith.maximumf %sub3A_486, %max3A_488 : vector<8x1792xf32>
    %min3A_490 = vector.broadcast %slice3A_476 : vector<8x1xf32> to vector<8x1792xf32>
    %min3A_491 = vector.broadcast %get3A_28 : vector<1x1792xf32> to vector<8x1792xf32>
    %min3A_492 = arith.minimumf %min3A_490, %min3A_491 : vector<8x1792xf32>
    %max3A_493 = vector.broadcast %slice3A_475 : vector<8x1xf32> to vector<8x1792xf32>
    %max3A_494 = vector.broadcast %get3A_25 : vector<1x1792xf32> to vector<8x1792xf32>
    %max3A_495 = arith.maximumf %max3A_493, %max3A_494 : vector<8x1792xf32>
    %sub3A_496 = arith.subf %min3A_492, %max3A_495 : vector<8x1792xf32>
    %max3A_497 = arith.constant 0.000000e+00 : f32
    %max3A_498 = vector.broadcast %max3A_497 : f32 to vector<8x1792xf32>
    %max3A_499 = arith.maximumf %sub3A_496, %max3A_498 : vector<8x1792xf32>
    %mul3A_500 = arith.mulf %max3A_489, %max3A_499 : vector<8x1792xf32>
    %mul3A_501 = arith.constant 3.000000e+00 : f32
    %mul3A_502 = vector.broadcast %mul3A_501 : f32 to vector<8x1792xf32>
    %mul3A_503 = arith.mulf %mul3A_502, %mul3A_500 : vector<8x1792xf32>
    %add3A_504 = vector.broadcast %slice3A_477 : vector<8x1xf32> to vector<8x1792xf32>
    %add3A_505 = vector.broadcast %get3A_31 : vector<1x1792xf32> to vector<8x1792xf32>
    %add3A_506 = arith.addf %add3A_504, %add3A_505 : vector<8x1792xf32>
    %gt3A_507 = arith.cmpf ogt, %mul3A_503, %add3A_506 : vector<8x1792xf32>
    %convert_element_type3A_508 = arith.extui %gt3A_507 : vector<8x1792xi1> to vector<8x1792xi32>
    %convert_element_type3A_509 = arith.sitofp %convert_element_type3A_508 : vector<8x1792xi32> to vector<8x1792xf32>
    %swap3A_510 = arith.constant 32 : index
    %swap3A_511 = arith.constant 0 : index
    %swap3A_512 = vector.load %arg8[%swap3A_510, %swap3A_511] : memref<64x1792xf32, #tpu.memory_space<vmem>>, vector<8x1792xf32>
    tpu.vector_store %arg8[%swap3A_510, %swap3A_511], %convert_element_type3A_509 {strides = array<i32>} : memref<64x1792xf32, #tpu.memory_space<vmem>>, vector<8x1792xf32>,
    %mul3A_513 = vector.broadcast %slice3A_471 : vector<8x1xf32> to vector<8x1792xf32>
    %mul3A_514 = vector.broadcast %get3A_34 : vector<1x1792xf32> to vector<8x1792xf32>
    %mul3A_515 = arith.mulf %mul3A_513, %mul3A_514 : vector<8x1792xf32>
    %sub3A_516 = vector.broadcast %add3A_42 : vector<1x1792xf32> to vector<8x1792xf32>
    %sub3A_517 = arith.subf %sub3A_516, %mul3A_515 : vector<8x1792xf32>
    %mul3A_518 = vector.broadcast %slice3A_472 : vector<8x1xf32> to vector<8x1792xf32>
    %mul3A_519 = vector.broadcast %get3A_37 : vector<1x1792xf32> to vector<8x1792xf32>
    %mul3A_520 = arith.mulf %mul3A_518, %mul3A_519 : vector<8x1792xf32>
    %sub3A_521 = vector.broadcast %add3A_47 : vector<1x1792xf32> to vector<8x1792xf32>
    %sub3A_522 = arith.subf %sub3A_521, %mul3A_520 : vector<8x1792xf32>
    %sub3A_523 = vector.broadcast %add3A_52 : vector<1x1792xf32> to vector<8x1792xf32>
    %sub3A_524 = vector.broadcast %slice3A_478 : vector<8x1xf32> to vector<8x1792xf32>
    %sub3A_525 = arith.subf %sub3A_523, %sub3A_524 : vector<8x1792xf32>
    %sub3A_526 = vector.broadcast %add3A_57 : vector<1x1792xf32> to vector<8x1792xf32>
    %sub3A_527 = vector.broadcast %slice3A_479 : vector<8x1xf32> to vector<8x1792xf32>
    %sub3A_528 = arith.subf %sub3A_526, %sub3A_527 : vector<8x1792xf32>
    %abs3A_529 = math.absf %sub3A_517 : vector<8x1792xf32>
    %min3A_530 = arith.constant 1.000000e+00 : f32
    %min3A_531 = vector.broadcast %min3A_530 : f32 to vector<8x1792xf32>
    %min3A_532 = arith.minimumf %abs3A_529, %min3A_531 : vector<8x1792xf32>
    %sub3A_533 = arith.subf %abs3A_529, %min3A_532 : vector<8x1792xf32>
    %mul3A_534 = arith.constant 5.000000e-01 : f32
    %mul3A_535 = vector.broadcast %mul3A_534 : f32 to vector<8x1792xf32>
    %mul3A_536 = arith.mulf %mul3A_535, %min3A_532 : vector<8x1792xf32>
    %mul3A_537 = arith.mulf %mul3A_536, %min3A_532 : vector<8x1792xf32>
    %add3A_538 = arith.addf %sub3A_533, %mul3A_537 : vector<8x1792xf32>
    %abs3A_539 = math.absf %sub3A_522 : vector<8x1792xf32>
    %min3A_540 = arith.constant 1.000000e+00 : f32
    %min3A_541 = vector.broadcast %min3A_540 : f32 to vector<8x1792xf32>
    %min3A_542 = arith.minimumf %abs3A_539, %min3A_541 : vector<8x1792xf32>
    %sub3A_543 = arith.subf %abs3A_539, %min3A_542 : vector<8x1792xf32>
    %mul3A_544 = arith.constant 5.000000e-01 : f32
    %mul3A_545 = vector.broadcast %mul3A_544 : f32 to vector<8x1792xf32>
    %mul3A_546 = arith.mulf %mul3A_545, %min3A_542 : vector<8x1792xf32>
    %mul3A_547 = arith.mulf %mul3A_546, %min3A_542 : vector<8x1792xf32>
    %add3A_548 = arith.addf %sub3A_543, %mul3A_547 : vector<8x1792xf32>
    %add3A_549 = arith.addf %add3A_538, %add3A_548 : vector<8x1792xf32>
    %abs3A_550 = math.absf %sub3A_525 : vector<8x1792xf32>
    %min3A_551 = arith.constant 1.000000e+00 : f32
    %min3A_552 = vector.broadcast %min3A_551 : f32 to vector<8x1792xf32>
    %min3A_553 = arith.minimumf %abs3A_550, %min3A_552 : vector<8x1792xf32>
    %sub3A_554 = arith.subf %abs3A_550, %min3A_553 : vector<8x1792xf32>
    %mul3A_555 = arith.constant 5.000000e-01 : f32
    %mul3A_556 = vector.broadcast %mul3A_555 : f32 to vector<8x1792xf32>
    %mul3A_557 = arith.mulf %mul3A_556, %min3A_553 : vector<8x1792xf32>
    %mul3A_558 = arith.mulf %mul3A_557, %min3A_553 : vector<8x1792xf32>
    %add3A_559 = arith.addf %sub3A_554, %mul3A_558 : vector<8x1792xf32>
    %add3A_560 = arith.addf %add3A_549, %add3A_559 : vector<8x1792xf32>
    %abs3A_561 = math.absf %sub3A_528 : vector<8x1792xf32>
    %min3A_562 = arith.constant 1.000000e+00 : f32
    %min3A_563 = vector.broadcast %min3A_562 : f32 to vector<8x1792xf32>
    %min3A_564 = arith.minimumf %abs3A_561, %min3A_563 : vector<8x1792xf32>
    %sub3A_565 = arith.subf %abs3A_561, %min3A_564 : vector<8x1792xf32>
    %mul3A_566 = arith.constant 5.000000e-01 : f32
    %mul3A_567 = vector.broadcast %mul3A_566 : f32 to vector<8x1792xf32>
    %mul3A_568 = arith.mulf %mul3A_567, %min3A_564 : vector<8x1792xf32>
    %mul3A_569 = arith.mulf %mul3A_568, %min3A_564 : vector<8x1792xf32>
    %add3A_570 = arith.addf %sub3A_565, %mul3A_569 : vector<8x1792xf32>
    %add3A_571 = arith.addf %add3A_560, %add3A_570 : vector<8x1792xf32>
    %jit3A_572 = arith.constant 0.000000e+00 : f32
    %broadcast_in_dim3A_573 = vector.broadcast %jit3A_572 : f32 to vector<8x1792xf32>
    %select_n3A_574 = arith.select %gt3A_507, %add3A_571, %broadcast_in_dim3A_573 : vector<8x1792xi1>, vector<8x1792xf32>
    %add3A_575 = arith.addf %add3A_470, %select_n3A_574 : vector<8x1792xf32>
    %slice3A_576 = vector.extract_strided_slice %get3A_14 {offsets = [40, 0], sizes = [8, 1], strides = [1, 1]} : vector<64x32xf32> to vector<8x1xf32>
    %slice3A_577 = vector.extract_strided_slice %get3A_14 {offsets = [40, 1], sizes = [8, 1], strides = [1, 1]} : vector<64x32xf32> to vector<8x1xf32>
    %slice3A_578 = vector.extract_strided_slice %get3A_14 {offsets = [40, 2], sizes = [8, 1], strides = [1, 1]} : vector<64x32xf32> to vector<8x1xf32>
    %slice3A_579 = vector.extract_strided_slice %get3A_14 {offsets = [40, 3], sizes = [8, 1], strides = [1, 1]} : vector<64x32xf32> to vector<8x1xf32>
    %slice3A_580 = vector.extract_strided_slice %get3A_14 {offsets = [40, 4], sizes = [8, 1], strides = [1, 1]} : vector<64x32xf32> to vector<8x1xf32>
    %slice3A_581 = vector.extract_strided_slice %get3A_14 {offsets = [40, 5], sizes = [8, 1], strides = [1, 1]} : vector<64x32xf32> to vector<8x1xf32>
    %slice3A_582 = vector.extract_strided_slice %get3A_14 {offsets = [40, 6], sizes = [8, 1], strides = [1, 1]} : vector<64x32xf32> to vector<8x1xf32>
    %slice3A_583 = vector.extract_strided_slice %get3A_14 {offsets = [40, 7], sizes = [8, 1], strides = [1, 1]} : vector<64x32xf32> to vector<8x1xf32>
    %slice3A_584 = vector.extract_strided_slice %get3A_14 {offsets = [40, 8], sizes = [8, 1], strides = [1, 1]} : vector<64x32xf32> to vector<8x1xf32>
    %min3A_585 = vector.broadcast %slice3A_579 : vector<8x1xf32> to vector<8x1792xf32>
    %min3A_586 = vector.broadcast %get3A_22 : vector<1x1792xf32> to vector<8x1792xf32>
    %min3A_587 = arith.minimumf %min3A_585, %min3A_586 : vector<8x1792xf32>
    %max3A_588 = vector.broadcast %slice3A_578 : vector<8x1xf32> to vector<8x1792xf32>
    %max3A_589 = vector.broadcast %get3A_19 : vector<1x1792xf32> to vector<8x1792xf32>
    %max3A_590 = arith.maximumf %max3A_588, %max3A_589 : vector<8x1792xf32>
    %sub3A_591 = arith.subf %min3A_587, %max3A_590 : vector<8x1792xf32>
    %max3A_592 = arith.constant 0.000000e+00 : f32
    %max3A_593 = vector.broadcast %max3A_592 : f32 to vector<8x1792xf32>
    %max3A_594 = arith.maximumf %sub3A_591, %max3A_593 : vector<8x1792xf32>
    %min3A_595 = vector.broadcast %slice3A_581 : vector<8x1xf32> to vector<8x1792xf32>
    %min3A_596 = vector.broadcast %get3A_28 : vector<1x1792xf32> to vector<8x1792xf32>
    %min3A_597 = arith.minimumf %min3A_595, %min3A_596 : vector<8x1792xf32>
    %max3A_598 = vector.broadcast %slice3A_580 : vector<8x1xf32> to vector<8x1792xf32>
    %max3A_599 = vector.broadcast %get3A_25 : vector<1x1792xf32> to vector<8x1792xf32>
    %max3A_600 = arith.maximumf %max3A_598, %max3A_599 : vector<8x1792xf32>
    %sub3A_601 = arith.subf %min3A_597, %max3A_600 : vector<8x1792xf32>
    %max3A_602 = arith.constant 0.000000e+00 : f32
    %max3A_603 = vector.broadcast %max3A_602 : f32 to vector<8x1792xf32>
    %max3A_604 = arith.maximumf %sub3A_601, %max3A_603 : vector<8x1792xf32>
    %mul3A_605 = arith.mulf %max3A_594, %max3A_604 : vector<8x1792xf32>
    %mul3A_606 = arith.constant 3.000000e+00 : f32
    %mul3A_607 = vector.broadcast %mul3A_606 : f32 to vector<8x1792xf32>
    %mul3A_608 = arith.mulf %mul3A_607, %mul3A_605 : vector<8x1792xf32>
    %add3A_609 = vector.broadcast %slice3A_582 : vector<8x1xf32> to vector<8x1792xf32>
    %add3A_610 = vector.broadcast %get3A_31 : vector<1x1792xf32> to vector<8x1792xf32>
    %add3A_611 = arith.addf %add3A_609, %add3A_610 : vector<8x1792xf32>
    %gt3A_612 = arith.cmpf ogt, %mul3A_608, %add3A_611 : vector<8x1792xf32>
    %convert_element_type3A_613 = arith.extui %gt3A_612 : vector<8x1792xi1> to vector<8x1792xi32>
    %convert_element_type3A_614 = arith.sitofp %convert_element_type3A_613 : vector<8x1792xi32> to vector<8x1792xf32>
    %swap3A_615 = arith.constant 40 : index
    %swap3A_616 = arith.constant 0 : index
    %swap3A_617 = vector.load %arg8[%swap3A_615, %swap3A_616] : memref<64x1792xf32, #tpu.memory_space<vmem>>, vector<8x1792xf32>
    tpu.vector_store %arg8[%swap3A_615, %swap3A_616], %convert_element_type3A_614 {strides = array<i32>} : memref<64x1792xf32, #tpu.memory_space<vmem>>, vector<8x1792xf32>,
    %mul3A_618 = vector.broadcast %slice3A_576 : vector<8x1xf32> to vector<8x1792xf32>
    %mul3A_619 = vector.broadcast %get3A_34 : vector<1x1792xf32> to vector<8x1792xf32>
    %mul3A_620 = arith.mulf %mul3A_618, %mul3A_619 : vector<8x1792xf32>
    %sub3A_621 = vector.broadcast %add3A_42 : vector<1x1792xf32> to vector<8x1792xf32>
    %sub3A_622 = arith.subf %sub3A_621, %mul3A_620 : vector<8x1792xf32>
    %mul3A_623 = vector.broadcast %slice3A_577 : vector<8x1xf32> to vector<8x1792xf32>
    %mul3A_624 = vector.broadcast %get3A_37 : vector<1x1792xf32> to vector<8x1792xf32>
    %mul3A_625 = arith.mulf %mul3A_623, %mul3A_624 : vector<8x1792xf32>
    %sub3A_626 = vector.broadcast %add3A_47 : vector<1x1792xf32> to vector<8x1792xf32>
    %sub3A_627 = arith.subf %sub3A_626, %mul3A_625 : vector<8x1792xf32>
    %sub3A_628 = vector.broadcast %add3A_52 : vector<1x1792xf32> to vector<8x1792xf32>
    %sub3A_629 = vector.broadcast %slice3A_583 : vector<8x1xf32> to vector<8x1792xf32>
    %sub3A_630 = arith.subf %sub3A_628, %sub3A_629 : vector<8x1792xf32>
    %sub3A_631 = vector.broadcast %add3A_57 : vector<1x1792xf32> to vector<8x1792xf32>
    %sub3A_632 = vector.broadcast %slice3A_584 : vector<8x1xf32> to vector<8x1792xf32>
    %sub3A_633 = arith.subf %sub3A_631, %sub3A_632 : vector<8x1792xf32>
    %abs3A_634 = math.absf %sub3A_622 : vector<8x1792xf32>
    %min3A_635 = arith.constant 1.000000e+00 : f32
    %min3A_636 = vector.broadcast %min3A_635 : f32 to vector<8x1792xf32>
    %min3A_637 = arith.minimumf %abs3A_634, %min3A_636 : vector<8x1792xf32>
    %sub3A_638 = arith.subf %abs3A_634, %min3A_637 : vector<8x1792xf32>
    %mul3A_639 = arith.constant 5.000000e-01 : f32
    %mul3A_640 = vector.broadcast %mul3A_639 : f32 to vector<8x1792xf32>
    %mul3A_641 = arith.mulf %mul3A_640, %min3A_637 : vector<8x1792xf32>
    %mul3A_642 = arith.mulf %mul3A_641, %min3A_637 : vector<8x1792xf32>
    %add3A_643 = arith.addf %sub3A_638, %mul3A_642 : vector<8x1792xf32>
    %abs3A_644 = math.absf %sub3A_627 : vector<8x1792xf32>
    %min3A_645 = arith.constant 1.000000e+00 : f32
    %min3A_646 = vector.broadcast %min3A_645 : f32 to vector<8x1792xf32>
    %min3A_647 = arith.minimumf %abs3A_644, %min3A_646 : vector<8x1792xf32>
    %sub3A_648 = arith.subf %abs3A_644, %min3A_647 : vector<8x1792xf32>
    %mul3A_649 = arith.constant 5.000000e-01 : f32
    %mul3A_650 = vector.broadcast %mul3A_649 : f32 to vector<8x1792xf32>
    %mul3A_651 = arith.mulf %mul3A_650, %min3A_647 : vector<8x1792xf32>
    %mul3A_652 = arith.mulf %mul3A_651, %min3A_647 : vector<8x1792xf32>
    %add3A_653 = arith.addf %sub3A_648, %mul3A_652 : vector<8x1792xf32>
    %add3A_654 = arith.addf %add3A_643, %add3A_653 : vector<8x1792xf32>
    %abs3A_655 = math.absf %sub3A_630 : vector<8x1792xf32>
    %min3A_656 = arith.constant 1.000000e+00 : f32
    %min3A_657 = vector.broadcast %min3A_656 : f32 to vector<8x1792xf32>
    %min3A_658 = arith.minimumf %abs3A_655, %min3A_657 : vector<8x1792xf32>
    %sub3A_659 = arith.subf %abs3A_655, %min3A_658 : vector<8x1792xf32>
    %mul3A_660 = arith.constant 5.000000e-01 : f32
    %mul3A_661 = vector.broadcast %mul3A_660 : f32 to vector<8x1792xf32>
    %mul3A_662 = arith.mulf %mul3A_661, %min3A_658 : vector<8x1792xf32>
    %mul3A_663 = arith.mulf %mul3A_662, %min3A_658 : vector<8x1792xf32>
    %add3A_664 = arith.addf %sub3A_659, %mul3A_663 : vector<8x1792xf32>
    %add3A_665 = arith.addf %add3A_654, %add3A_664 : vector<8x1792xf32>
    %abs3A_666 = math.absf %sub3A_633 : vector<8x1792xf32>
    %min3A_667 = arith.constant 1.000000e+00 : f32
    %min3A_668 = vector.broadcast %min3A_667 : f32 to vector<8x1792xf32>
    %min3A_669 = arith.minimumf %abs3A_666, %min3A_668 : vector<8x1792xf32>
    %sub3A_670 = arith.subf %abs3A_666, %min3A_669 : vector<8x1792xf32>
    %mul3A_671 = arith.constant 5.000000e-01 : f32
    %mul3A_672 = vector.broadcast %mul3A_671 : f32 to vector<8x1792xf32>
    %mul3A_673 = arith.mulf %mul3A_672, %min3A_669 : vector<8x1792xf32>
    %mul3A_674 = arith.mulf %mul3A_673, %min3A_669 : vector<8x1792xf32>
    %add3A_675 = arith.addf %sub3A_670, %mul3A_674 : vector<8x1792xf32>
    %add3A_676 = arith.addf %add3A_665, %add3A_675 : vector<8x1792xf32>
    %jit3A_677 = arith.constant 0.000000e+00 : f32
    %broadcast_in_dim3A_678 = vector.broadcast %jit3A_677 : f32 to vector<8x1792xf32>
    %select_n3A_679 = arith.select %gt3A_612, %add3A_676, %broadcast_in_dim3A_678 : vector<8x1792xi1>, vector<8x1792xf32>
    %add3A_680 = arith.addf %add3A_575, %select_n3A_679 : vector<8x1792xf32>
    %slice3A_681 = vector.extract_strided_slice %get3A_14 {offsets = [48, 0], sizes = [8, 1], strides = [1, 1]} : vector<64x32xf32> to vector<8x1xf32>
    %slice3A_682 = vector.extract_strided_slice %get3A_14 {offsets = [48, 1], sizes = [8, 1], strides = [1, 1]} : vector<64x32xf32> to vector<8x1xf32>
    %slice3A_683 = vector.extract_strided_slice %get3A_14 {offsets = [48, 2], sizes = [8, 1], strides = [1, 1]} : vector<64x32xf32> to vector<8x1xf32>
    %slice3A_684 = vector.extract_strided_slice %get3A_14 {offsets = [48, 3], sizes = [8, 1], strides = [1, 1]} : vector<64x32xf32> to vector<8x1xf32>
    %slice3A_685 = vector.extract_strided_slice %get3A_14 {offsets = [48, 4], sizes = [8, 1], strides = [1, 1]} : vector<64x32xf32> to vector<8x1xf32>
    %slice3A_686 = vector.extract_strided_slice %get3A_14 {offsets = [48, 5], sizes = [8, 1], strides = [1, 1]} : vector<64x32xf32> to vector<8x1xf32>
    %slice3A_687 = vector.extract_strided_slice %get3A_14 {offsets = [48, 6], sizes = [8, 1], strides = [1, 1]} : vector<64x32xf32> to vector<8x1xf32>
    %slice3A_688 = vector.extract_strided_slice %get3A_14 {offsets = [48, 7], sizes = [8, 1], strides = [1, 1]} : vector<64x32xf32> to vector<8x1xf32>
    %slice3A_689 = vector.extract_strided_slice %get3A_14 {offsets = [48, 8], sizes = [8, 1], strides = [1, 1]} : vector<64x32xf32> to vector<8x1xf32>
    %min3A_690 = vector.broadcast %slice3A_684 : vector<8x1xf32> to vector<8x1792xf32>
    %min3A_691 = vector.broadcast %get3A_22 : vector<1x1792xf32> to vector<8x1792xf32>
    %min3A_692 = arith.minimumf %min3A_690, %min3A_691 : vector<8x1792xf32>
    %max3A_693 = vector.broadcast %slice3A_683 : vector<8x1xf32> to vector<8x1792xf32>
    %max3A_694 = vector.broadcast %get3A_19 : vector<1x1792xf32> to vector<8x1792xf32>
    %max3A_695 = arith.maximumf %max3A_693, %max3A_694 : vector<8x1792xf32>
    %sub3A_696 = arith.subf %min3A_692, %max3A_695 : vector<8x1792xf32>
    %max3A_697 = arith.constant 0.000000e+00 : f32
    %max3A_698 = vector.broadcast %max3A_697 : f32 to vector<8x1792xf32>
    %max3A_699 = arith.maximumf %sub3A_696, %max3A_698 : vector<8x1792xf32>
    %min3A_700 = vector.broadcast %slice3A_686 : vector<8x1xf32> to vector<8x1792xf32>
    %min3A_701 = vector.broadcast %get3A_28 : vector<1x1792xf32> to vector<8x1792xf32>
    %min3A_702 = arith.minimumf %min3A_700, %min3A_701 : vector<8x1792xf32>
    %max3A_703 = vector.broadcast %slice3A_685 : vector<8x1xf32> to vector<8x1792xf32>
    %max3A_704 = vector.broadcast %get3A_25 : vector<1x1792xf32> to vector<8x1792xf32>
    %max3A_705 = arith.maximumf %max3A_703, %max3A_704 : vector<8x1792xf32>
    %sub3A_706 = arith.subf %min3A_702, %max3A_705 : vector<8x1792xf32>
    %max3A_707 = arith.constant 0.000000e+00 : f32
    %max3A_708 = vector.broadcast %max3A_707 : f32 to vector<8x1792xf32>
    %max3A_709 = arith.maximumf %sub3A_706, %max3A_708 : vector<8x1792xf32>
    %mul3A_710 = arith.mulf %max3A_699, %max3A_709 : vector<8x1792xf32>
    %mul3A_711 = arith.constant 3.000000e+00 : f32
    %mul3A_712 = vector.broadcast %mul3A_711 : f32 to vector<8x1792xf32>
    %mul3A_713 = arith.mulf %mul3A_712, %mul3A_710 : vector<8x1792xf32>
    %add3A_714 = vector.broadcast %slice3A_687 : vector<8x1xf32> to vector<8x1792xf32>
    %add3A_715 = vector.broadcast %get3A_31 : vector<1x1792xf32> to vector<8x1792xf32>
    %add3A_716 = arith.addf %add3A_714, %add3A_715 : vector<8x1792xf32>
    %gt3A_717 = arith.cmpf ogt, %mul3A_713, %add3A_716 : vector<8x1792xf32>
    %convert_element_type3A_718 = arith.extui %gt3A_717 : vector<8x1792xi1> to vector<8x1792xi32>
    %convert_element_type3A_719 = arith.sitofp %convert_element_type3A_718 : vector<8x1792xi32> to vector<8x1792xf32>
    %swap3A_720 = arith.constant 48 : index
    %swap3A_721 = arith.constant 0 : index
    %swap3A_722 = vector.load %arg8[%swap3A_720, %swap3A_721] : memref<64x1792xf32, #tpu.memory_space<vmem>>, vector<8x1792xf32>
    tpu.vector_store %arg8[%swap3A_720, %swap3A_721], %convert_element_type3A_719 {strides = array<i32>} : memref<64x1792xf32, #tpu.memory_space<vmem>>, vector<8x1792xf32>,
    %mul3A_723 = vector.broadcast %slice3A_681 : vector<8x1xf32> to vector<8x1792xf32>
    %mul3A_724 = vector.broadcast %get3A_34 : vector<1x1792xf32> to vector<8x1792xf32>
    %mul3A_725 = arith.mulf %mul3A_723, %mul3A_724 : vector<8x1792xf32>
    %sub3A_726 = vector.broadcast %add3A_42 : vector<1x1792xf32> to vector<8x1792xf32>
    %sub3A_727 = arith.subf %sub3A_726, %mul3A_725 : vector<8x1792xf32>
    %mul3A_728 = vector.broadcast %slice3A_682 : vector<8x1xf32> to vector<8x1792xf32>
    %mul3A_729 = vector.broadcast %get3A_37 : vector<1x1792xf32> to vector<8x1792xf32>
    %mul3A_730 = arith.mulf %mul3A_728, %mul3A_729 : vector<8x1792xf32>
    %sub3A_731 = vector.broadcast %add3A_47 : vector<1x1792xf32> to vector<8x1792xf32>
    %sub3A_732 = arith.subf %sub3A_731, %mul3A_730 : vector<8x1792xf32>
    %sub3A_733 = vector.broadcast %add3A_52 : vector<1x1792xf32> to vector<8x1792xf32>
    %sub3A_734 = vector.broadcast %slice3A_688 : vector<8x1xf32> to vector<8x1792xf32>
    %sub3A_735 = arith.subf %sub3A_733, %sub3A_734 : vector<8x1792xf32>
    %sub3A_736 = vector.broadcast %add3A_57 : vector<1x1792xf32> to vector<8x1792xf32>
    %sub3A_737 = vector.broadcast %slice3A_689 : vector<8x1xf32> to vector<8x1792xf32>
    %sub3A_738 = arith.subf %sub3A_736, %sub3A_737 : vector<8x1792xf32>
    %abs3A_739 = math.absf %sub3A_727 : vector<8x1792xf32>
    %min3A_740 = arith.constant 1.000000e+00 : f32
    %min3A_741 = vector.broadcast %min3A_740 : f32 to vector<8x1792xf32>
    %min3A_742 = arith.minimumf %abs3A_739, %min3A_741 : vector<8x1792xf32>
    %sub3A_743 = arith.subf %abs3A_739, %min3A_742 : vector<8x1792xf32>
    %mul3A_744 = arith.constant 5.000000e-01 : f32
    %mul3A_745 = vector.broadcast %mul3A_744 : f32 to vector<8x1792xf32>
    %mul3A_746 = arith.mulf %mul3A_745, %min3A_742 : vector<8x1792xf32>
    %mul3A_747 = arith.mulf %mul3A_746, %min3A_742 : vector<8x1792xf32>
    %add3A_748 = arith.addf %sub3A_743, %mul3A_747 : vector<8x1792xf32>
    %abs3A_749 = math.absf %sub3A_732 : vector<8x1792xf32>
    %min3A_750 = arith.constant 1.000000e+00 : f32
    %min3A_751 = vector.broadcast %min3A_750 : f32 to vector<8x1792xf32>
    %min3A_752 = arith.minimumf %abs3A_749, %min3A_751 : vector<8x1792xf32>
    %sub3A_753 = arith.subf %abs3A_749, %min3A_752 : vector<8x1792xf32>
    %mul3A_754 = arith.constant 5.000000e-01 : f32
    %mul3A_755 = vector.broadcast %mul3A_754 : f32 to vector<8x1792xf32>
    %mul3A_756 = arith.mulf %mul3A_755, %min3A_752 : vector<8x1792xf32>
    %mul3A_757 = arith.mulf %mul3A_756, %min3A_752 : vector<8x1792xf32>
    %add3A_758 = arith.addf %sub3A_753, %mul3A_757 : vector<8x1792xf32>
    %add3A_759 = arith.addf %add3A_748, %add3A_758 : vector<8x1792xf32>
    %abs3A_760 = math.absf %sub3A_735 : vector<8x1792xf32>
    %min3A_761 = arith.constant 1.000000e+00 : f32
    %min3A_762 = vector.broadcast %min3A_761 : f32 to vector<8x1792xf32>
    %min3A_763 = arith.minimumf %abs3A_760, %min3A_762 : vector<8x1792xf32>
    %sub3A_764 = arith.subf %abs3A_760, %min3A_763 : vector<8x1792xf32>
    %mul3A_765 = arith.constant 5.000000e-01 : f32
    %mul3A_766 = vector.broadcast %mul3A_765 : f32 to vector<8x1792xf32>
    %mul3A_767 = arith.mulf %mul3A_766, %min3A_763 : vector<8x1792xf32>
    %mul3A_768 = arith.mulf %mul3A_767, %min3A_763 : vector<8x1792xf32>
    %add3A_769 = arith.addf %sub3A_764, %mul3A_768 : vector<8x1792xf32>
    %add3A_770 = arith.addf %add3A_759, %add3A_769 : vector<8x1792xf32>
    %abs3A_771 = math.absf %sub3A_738 : vector<8x1792xf32>
    %min3A_772 = arith.constant 1.000000e+00 : f32
    %min3A_773 = vector.broadcast %min3A_772 : f32 to vector<8x1792xf32>
    %min3A_774 = arith.minimumf %abs3A_771, %min3A_773 : vector<8x1792xf32>
    %sub3A_775 = arith.subf %abs3A_771, %min3A_774 : vector<8x1792xf32>
    %mul3A_776 = arith.constant 5.000000e-01 : f32
    %mul3A_777 = vector.broadcast %mul3A_776 : f32 to vector<8x1792xf32>
    %mul3A_778 = arith.mulf %mul3A_777, %min3A_774 : vector<8x1792xf32>
    %mul3A_779 = arith.mulf %mul3A_778, %min3A_774 : vector<8x1792xf32>
    %add3A_780 = arith.addf %sub3A_775, %mul3A_779 : vector<8x1792xf32>
    %add3A_781 = arith.addf %add3A_770, %add3A_780 : vector<8x1792xf32>
    %jit3A_782 = arith.constant 0.000000e+00 : f32
    %broadcast_in_dim3A_783 = vector.broadcast %jit3A_782 : f32 to vector<8x1792xf32>
    %select_n3A_784 = arith.select %gt3A_717, %add3A_781, %broadcast_in_dim3A_783 : vector<8x1792xi1>, vector<8x1792xf32>
    %add3A_785 = arith.addf %add3A_680, %select_n3A_784 : vector<8x1792xf32>
    %slice3A_786 = vector.extract_strided_slice %get3A_14 {offsets = [56, 0], sizes = [8, 1], strides = [1, 1]} : vector<64x32xf32> to vector<8x1xf32>
    %slice3A_787 = vector.extract_strided_slice %get3A_14 {offsets = [56, 1], sizes = [8, 1], strides = [1, 1]} : vector<64x32xf32> to vector<8x1xf32>
    %slice3A_788 = vector.extract_strided_slice %get3A_14 {offsets = [56, 2], sizes = [8, 1], strides = [1, 1]} : vector<64x32xf32> to vector<8x1xf32>
    %slice3A_789 = vector.extract_strided_slice %get3A_14 {offsets = [56, 3], sizes = [8, 1], strides = [1, 1]} : vector<64x32xf32> to vector<8x1xf32>
    %slice3A_790 = vector.extract_strided_slice %get3A_14 {offsets = [56, 4], sizes = [8, 1], strides = [1, 1]} : vector<64x32xf32> to vector<8x1xf32>
    %slice3A_791 = vector.extract_strided_slice %get3A_14 {offsets = [56, 5], sizes = [8, 1], strides = [1, 1]} : vector<64x32xf32> to vector<8x1xf32>
    %slice3A_792 = vector.extract_strided_slice %get3A_14 {offsets = [56, 6], sizes = [8, 1], strides = [1, 1]} : vector<64x32xf32> to vector<8x1xf32>
    %slice3A_793 = vector.extract_strided_slice %get3A_14 {offsets = [56, 7], sizes = [8, 1], strides = [1, 1]} : vector<64x32xf32> to vector<8x1xf32>
    %slice3A_794 = vector.extract_strided_slice %get3A_14 {offsets = [56, 8], sizes = [8, 1], strides = [1, 1]} : vector<64x32xf32> to vector<8x1xf32>
    %min3A_795 = vector.broadcast %slice3A_789 : vector<8x1xf32> to vector<8x1792xf32>
    %min3A_796 = vector.broadcast %get3A_22 : vector<1x1792xf32> to vector<8x1792xf32>
    %min3A_797 = arith.minimumf %min3A_795, %min3A_796 : vector<8x1792xf32>
    %max3A_798 = vector.broadcast %slice3A_788 : vector<8x1xf32> to vector<8x1792xf32>
    %max3A_799 = vector.broadcast %get3A_19 : vector<1x1792xf32> to vector<8x1792xf32>
    %max3A_800 = arith.maximumf %max3A_798, %max3A_799 : vector<8x1792xf32>
    %sub3A_801 = arith.subf %min3A_797, %max3A_800 : vector<8x1792xf32>
    %max3A_802 = arith.constant 0.000000e+00 : f32
    %max3A_803 = vector.broadcast %max3A_802 : f32 to vector<8x1792xf32>
    %max3A_804 = arith.maximumf %sub3A_801, %max3A_803 : vector<8x1792xf32>
    %min3A_805 = vector.broadcast %slice3A_791 : vector<8x1xf32> to vector<8x1792xf32>
    %min3A_806 = vector.broadcast %get3A_28 : vector<1x1792xf32> to vector<8x1792xf32>
    %min3A_807 = arith.minimumf %min3A_805, %min3A_806 : vector<8x1792xf32>
    %max3A_808 = vector.broadcast %slice3A_790 : vector<8x1xf32> to vector<8x1792xf32>
    %max3A_809 = vector.broadcast %get3A_25 : vector<1x1792xf32> to vector<8x1792xf32>
    %max3A_810 = arith.maximumf %max3A_808, %max3A_809 : vector<8x1792xf32>
    %sub3A_811 = arith.subf %min3A_807, %max3A_810 : vector<8x1792xf32>
    %max3A_812 = arith.constant 0.000000e+00 : f32
    %max3A_813 = vector.broadcast %max3A_812 : f32 to vector<8x1792xf32>
    %max3A_814 = arith.maximumf %sub3A_811, %max3A_813 : vector<8x1792xf32>
    %mul3A_815 = arith.mulf %max3A_804, %max3A_814 : vector<8x1792xf32>
    %mul3A_816 = arith.constant 3.000000e+00 : f32
    %mul3A_817 = vector.broadcast %mul3A_816 : f32 to vector<8x1792xf32>
    %mul3A_818 = arith.mulf %mul3A_817, %mul3A_815 : vector<8x1792xf32>
    %add3A_819 = vector.broadcast %slice3A_792 : vector<8x1xf32> to vector<8x1792xf32>
    %add3A_820 = vector.broadcast %get3A_31 : vector<1x1792xf32> to vector<8x1792xf32>
    %add3A_821 = arith.addf %add3A_819, %add3A_820 : vector<8x1792xf32>
    %gt3A_822 = arith.cmpf ogt, %mul3A_818, %add3A_821 : vector<8x1792xf32>
    %convert_element_type3A_823 = arith.extui %gt3A_822 : vector<8x1792xi1> to vector<8x1792xi32>
    %convert_element_type3A_824 = arith.sitofp %convert_element_type3A_823 : vector<8x1792xi32> to vector<8x1792xf32>
    %swap3A_825 = arith.constant 56 : index
    %swap3A_826 = arith.constant 0 : index
    %swap3A_827 = vector.load %arg8[%swap3A_825, %swap3A_826] : memref<64x1792xf32, #tpu.memory_space<vmem>>, vector<8x1792xf32>
    tpu.vector_store %arg8[%swap3A_825, %swap3A_826], %convert_element_type3A_824 {strides = array<i32>} : memref<64x1792xf32, #tpu.memory_space<vmem>>, vector<8x1792xf32>,
    %mul3A_828 = vector.broadcast %slice3A_786 : vector<8x1xf32> to vector<8x1792xf32>
    %mul3A_829 = vector.broadcast %get3A_34 : vector<1x1792xf32> to vector<8x1792xf32>
    %mul3A_830 = arith.mulf %mul3A_828, %mul3A_829 : vector<8x1792xf32>
    %sub3A_831 = vector.broadcast %add3A_42 : vector<1x1792xf32> to vector<8x1792xf32>
    %sub3A_832 = arith.subf %sub3A_831, %mul3A_830 : vector<8x1792xf32>
    %mul3A_833 = vector.broadcast %slice3A_787 : vector<8x1xf32> to vector<8x1792xf32>
    %mul3A_834 = vector.broadcast %get3A_37 : vector<1x1792xf32> to vector<8x1792xf32>
    %mul3A_835 = arith.mulf %mul3A_833, %mul3A_834 : vector<8x1792xf32>
    %sub3A_836 = vector.broadcast %add3A_47 : vector<1x1792xf32> to vector<8x1792xf32>
    %sub3A_837 = arith.subf %sub3A_836, %mul3A_835 : vector<8x1792xf32>
    %sub3A_838 = vector.broadcast %add3A_52 : vector<1x1792xf32> to vector<8x1792xf32>
    %sub3A_839 = vector.broadcast %slice3A_793 : vector<8x1xf32> to vector<8x1792xf32>
    %sub3A_840 = arith.subf %sub3A_838, %sub3A_839 : vector<8x1792xf32>
    %sub3A_841 = vector.broadcast %add3A_57 : vector<1x1792xf32> to vector<8x1792xf32>
    %sub3A_842 = vector.broadcast %slice3A_794 : vector<8x1xf32> to vector<8x1792xf32>
    %sub3A_843 = arith.subf %sub3A_841, %sub3A_842 : vector<8x1792xf32>
    %abs3A_844 = math.absf %sub3A_832 : vector<8x1792xf32>
    %min3A_845 = arith.constant 1.000000e+00 : f32
    %min3A_846 = vector.broadcast %min3A_845 : f32 to vector<8x1792xf32>
    %min3A_847 = arith.minimumf %abs3A_844, %min3A_846 : vector<8x1792xf32>
    %sub3A_848 = arith.subf %abs3A_844, %min3A_847 : vector<8x1792xf32>
    %mul3A_849 = arith.constant 5.000000e-01 : f32
    %mul3A_850 = vector.broadcast %mul3A_849 : f32 to vector<8x1792xf32>
    %mul3A_851 = arith.mulf %mul3A_850, %min3A_847 : vector<8x1792xf32>
    %mul3A_852 = arith.mulf %mul3A_851, %min3A_847 : vector<8x1792xf32>
    %add3A_853 = arith.addf %sub3A_848, %mul3A_852 : vector<8x1792xf32>
    %abs3A_854 = math.absf %sub3A_837 : vector<8x1792xf32>
    %min3A_855 = arith.constant 1.000000e+00 : f32
    %min3A_856 = vector.broadcast %min3A_855 : f32 to vector<8x1792xf32>
    %min3A_857 = arith.minimumf %abs3A_854, %min3A_856 : vector<8x1792xf32>
    %sub3A_858 = arith.subf %abs3A_854, %min3A_857 : vector<8x1792xf32>
    %mul3A_859 = arith.constant 5.000000e-01 : f32
    %mul3A_860 = vector.broadcast %mul3A_859 : f32 to vector<8x1792xf32>
    %mul3A_861 = arith.mulf %mul3A_860, %min3A_857 : vector<8x1792xf32>
    %mul3A_862 = arith.mulf %mul3A_861, %min3A_857 : vector<8x1792xf32>
    %add3A_863 = arith.addf %sub3A_858, %mul3A_862 : vector<8x1792xf32>
    %add3A_864 = arith.addf %add3A_853, %add3A_863 : vector<8x1792xf32>
    %abs3A_865 = math.absf %sub3A_840 : vector<8x1792xf32>
    %min3A_866 = arith.constant 1.000000e+00 : f32
    %min3A_867 = vector.broadcast %min3A_866 : f32 to vector<8x1792xf32>
    %min3A_868 = arith.minimumf %abs3A_865, %min3A_867 : vector<8x1792xf32>
    %sub3A_869 = arith.subf %abs3A_865, %min3A_868 : vector<8x1792xf32>
    %mul3A_870 = arith.constant 5.000000e-01 : f32
    %mul3A_871 = vector.broadcast %mul3A_870 : f32 to vector<8x1792xf32>
    %mul3A_872 = arith.mulf %mul3A_871, %min3A_868 : vector<8x1792xf32>
    %mul3A_873 = arith.mulf %mul3A_872, %min3A_868 : vector<8x1792xf32>
    %add3A_874 = arith.addf %sub3A_869, %mul3A_873 : vector<8x1792xf32>
    %add3A_875 = arith.addf %add3A_864, %add3A_874 : vector<8x1792xf32>
    %abs3A_876 = math.absf %sub3A_843 : vector<8x1792xf32>
    %min3A_877 = arith.constant 1.000000e+00 : f32
    %min3A_878 = vector.broadcast %min3A_877 : f32 to vector<8x1792xf32>
    %min3A_879 = arith.minimumf %abs3A_876, %min3A_878 : vector<8x1792xf32>
    %sub3A_880 = arith.subf %abs3A_876, %min3A_879 : vector<8x1792xf32>
    %mul3A_881 = arith.constant 5.000000e-01 : f32
    %mul3A_882 = vector.broadcast %mul3A_881 : f32 to vector<8x1792xf32>
    %mul3A_883 = arith.mulf %mul3A_882, %min3A_879 : vector<8x1792xf32>
    %mul3A_884 = arith.mulf %mul3A_883, %min3A_879 : vector<8x1792xf32>
    %add3A_885 = arith.addf %sub3A_880, %mul3A_884 : vector<8x1792xf32>
    %add3A_886 = arith.addf %add3A_875, %add3A_885 : vector<8x1792xf32>
    %jit3A_887 = arith.constant 0.000000e+00 : f32
    %broadcast_in_dim3A_888 = vector.broadcast %jit3A_887 : f32 to vector<8x1792xf32>
    %select_n3A_889 = arith.select %gt3A_822, %add3A_886, %broadcast_in_dim3A_888 : vector<8x1792xi1>, vector<8x1792xf32>
    %add3A_890 = arith.addf %add3A_785, %select_n3A_889 : vector<8x1792xf32>
    %reduce_sum3A_891 = arith.constant dense<0.000000e+00> : vector<1792xf32>
    %reduce_sum3A_892 = vector.multi_reduction <add>, %add3A_890, %reduce_sum3A_891 [0] : vector<8x1792xf32> to vector<1792xf32>
    %broadcast_in_dim3A_893 = vector.shape_cast %reduce_sum3A_892 : vector<1792xf32> to vector<1x1792xf32>
    %get3A_894 = arith.constant 0 : index
    %get3A_895 = arith.constant 0 : index
    %get3A_896 = vector.load %arg8[%get3A_894, %get3A_895] : memref<64x1792xf32, #tpu.memory_space<vmem>>, vector<64x1792xf32>
    %dot_general3A = arith.constant dense<0.000000e+00> : vector<21x1792xf32>
    %dot_general3A_897 = tpu.matmul %transpose3A_16, %get3A_896, %dot_general3A {dimension_numbers = #tpu.dot_dimension_numbers<[1], [0], [0], [1], [0, 0, 1, 1], [], []>, transpose_lhs_hint = false} : vector<21x64xf32>, vector<64x1792xf32>, vector<21x1792xf32> -> vector<21x1792xf32>
    %reduce_sum3A_898 = arith.constant dense<0.000000e+00> : vector<1792xf32>
    %reduce_sum3A_899 = vector.multi_reduction <add>, %dot_general3A_897, %reduce_sum3A_898 [0] : vector<21x1792xf32> to vector<1792xf32>
    %broadcast_in_dim3A_900 = vector.shape_cast %reduce_sum3A_899 : vector<1792xf32> to vector<1x1792xf32>
    %mul3A_901 = arith.mulf %sub3A_9, %dot_general3A_897 : vector<21x1792xf32>
    %reduce_sum3A_902 = arith.constant dense<0.000000e+00> : vector<1792xf32>
    %reduce_sum3A_903 = vector.multi_reduction <add>, %mul3A_901, %reduce_sum3A_902 [0] : vector<21x1792xf32> to vector<1792xf32>
    %broadcast_in_dim3A_904 = vector.shape_cast %reduce_sum3A_903 : vector<1792xf32> to vector<1x1792xf32>
    %gt3A_905 = arith.constant 0.000000e+00 : f32
    %gt3A_906 = vector.broadcast %gt3A_905 : f32 to vector<1x1792xf32>
    %gt3A_907 = arith.cmpf ogt, %broadcast_in_dim3A_900, %gt3A_906 : vector<1x1792xf32>
    %neg3A = arith.constant 0.000000e+00 : f32
    %neg3A_908 = vector.broadcast %neg3A : f32 to vector<1x1792xf32>
    %neg3A_909 = arith.subf %neg3A_908, %broadcast_in_dim3A_904 : vector<1x1792xf32>
    %slice3A_910 = vector.extract_strided_slice %sub3A_9 {offsets = [0, 0], sizes = [1, 1792], strides = [1, 1]} : vector<21x1792xf32> to vector<1x1792xf32>
    %select_n3A_911 = arith.select %gt3A_907, %neg3A_909, %slice3A_910 : vector<1x1792xi1>, vector<1x1792xf32>
    %swap3A_912 = arith.constant 0 : index
    %swap3A_913 = arith.constant 0 : index
    %swap3A_914 = arith.constant 0 : index
    %swap3A_915 = vector.load %arg5[%swap3A_912, %swap3A_913, %swap3A_914] : memref<1x1x1792xf32, #tpu.memory_space<vmem>>, vector<1x1x1792xf32>
    %swap3A_916 = vector.shape_cast %swap3A_915 : vector<1x1x1792xf32> to vector<1x1792xf32>
    %swap3A_917 = vector.shape_cast %select_n3A_911 : vector<1x1792xf32> to vector<1x1x1792xf32>
    tpu.vector_store %arg5[%swap3A_912, %swap3A_913, %swap3A_914], %swap3A_917 {strides = array<i32>} : memref<1x1x1792xf32, #tpu.memory_space<vmem>>, vector<1x1x1792xf32>,
    %swap3A_918 = arith.constant 0 : index
    %swap3A_919 = arith.constant 0 : index
    %swap3A_920 = arith.constant 0 : index
    %swap3A_921 = vector.load %arg6[%swap3A_918, %swap3A_919, %swap3A_920] : memref<1x1x1792xf32, #tpu.memory_space<vmem>>, vector<1x1x1792xf32>
    %swap3A_922 = vector.shape_cast %swap3A_921 : vector<1x1x1792xf32> to vector<1x1792xf32>
    %swap3A_923 = vector.shape_cast %broadcast_in_dim3A_893 : vector<1x1792xf32> to vector<1x1x1792xf32>
    tpu.vector_store %arg6[%swap3A_918, %swap3A_919, %swap3A_920], %swap3A_923 {strides = array<i32>} : memref<1x1x1792xf32, #tpu.memory_space<vmem>>, vector<1x1x1792xf32>,
    %gt3A_924 = arith.constant 0.000000e+00 : f32
    %gt3A_925 = vector.broadcast %gt3A_924 : f32 to vector<1x1792xf32>
    %gt3A_926 = arith.cmpf ogt, %broadcast_in_dim3A_900, %gt3A_925 : vector<1x1792xf32>
    %convert_element_type3A_927 = arith.extui %gt3A_926 : vector<1x1792xi1> to vector<1x1792xi32>
    %convert_element_type3A_928 = arith.sitofp %convert_element_type3A_927 : vector<1x1792xi32> to vector<1x1792xf32>
    %swap3A_929 = arith.constant 0 : index
    %swap3A_930 = arith.constant 0 : index
    %swap3A_931 = arith.constant 0 : index
    %swap3A_932 = vector.load %arg7[%swap3A_929, %swap3A_930, %swap3A_931] : memref<1x1x1792xf32, #tpu.memory_space<vmem>>, vector<1x1x1792xf32>
    %swap3A_933 = vector.shape_cast %swap3A_932 : vector<1x1x1792xf32> to vector<1x1792xf32>
    %swap3A_934 = vector.shape_cast %convert_element_type3A_928 : vector<1x1792xf32> to vector<1x1x1792xf32>
    tpu.vector_store %arg7[%swap3A_929, %swap3A_930, %swap3A_931], %swap3A_934 {strides = array<i32>} : memref<1x1x1792xf32, #tpu.memory_space<vmem>>, vector<1x1x1792xf32>,
    return
  }
  func.func @transform_0(%arg0: i32, %arg1: i32) -> (i32, i32, i32) {
    %c0_i32 = arith.constant 0 : i32
    %c0_i32_0 = arith.constant 0 : i32
    return %arg0, %arg1, %c0_i32 : i32, i32, i32
  }
  func.func @transform_1(%arg0: i32, %arg1: i32) -> (i32, i32, i32) {
    %c0_i32 = arith.constant 0 : i32
    %c0_i32_0 = arith.constant 0 : i32
    %c0_i32_1 = arith.constant 0 : i32
    return %arg0, %c0_i32, %c0_i32_0 : i32, i32, i32
  }
  func.func @transform_2(%arg0: i32, %arg1: i32) -> (i32, i32) {
    %c0_i32 = arith.constant 0 : i32
    %c0_i32_0 = arith.constant 0 : i32
    return %c0_i32, %arg1 : i32, i32
  }
  func.func @transform_3(%arg0: i32, %arg1: i32) -> (i32, i32, i32) {
    %c0_i32 = arith.constant 0 : i32
    %c0_i32_0 = arith.constant 0 : i32
    return %arg0, %c0_i32, %arg1 : i32, i32, i32
  }
  func.func @transform_4(%arg0: i32, %arg1: i32) -> (i32, i32, i32) {
    %c0_i32 = arith.constant 0 : i32
    %c0_i32_0 = arith.constant 0 : i32
    return %arg0, %c0_i32, %arg1 : i32, i32, i32
  }
  func.func @transform_5(%arg0: i32, %arg1: i32) -> (i32, i32, i32) {
    %c0_i32 = arith.constant 0 : i32
    %c0_i32_0 = arith.constant 0 : i32
    return %arg0, %c0_i32, %arg1 : i32, i32, i32
  }
}

</mosaic_0001>

<sc_bundles>
// kernel: kernel.4.cloned.1.call-start
scs
__scs_entry_jumppad:
0x0: {  	(pc) =	sbr.rel $0x88, $3  }
0x1: {  	(tag) =	ssettag $0x0;
	lr =	simm.s32 $0x1  }
0x2: {  	[smem:$0x3F9D] =	sst lr;
	_ =	strace $0xD0000000  }
0x3: {  	_ = 	snop  }
0x4: {  	_ = 	snop  }
0x5: {  	_ = 	snop  }
0x6: {  	_ = 	snop  }
0x7: {  	_ = 	snop  }
__scs_overlays_trampoline_lowered:
0x8: {  	[smem:$0x3FAC] =	sst s0  }
0x9: {  	[smem:$0x3FAD] =	sst s1  }
0xa: {  	[smem:$0x3FAE] =	sst s2  }
0xb: {  	[smem:$0x3FAF] =	sst s3  }
0xc: {  	[smem:$0x3FB0] =	sst s4  }
0xd: {  	[smem:$0x3FB1] =	sst s5  }
0xe: {  	[smem:$0x3FB2] =	sst s6  }
0xf: {  	[smem:$0x3FB3] =	sst s7  }
0x10: {  	[smem:$0x3FB4] =	sst s8  }
0x11: {  	[smem:$0x3FB5] =	sst s9;
	s0 =	simm.s32 @!p0 $0x0  }
0x12: {  	s1 =	sld [smem:$0x3F9B];
	s0 =	simm.s32 @p0 $0x1  }
0x13: {  	[smem:$0x3FB6] =	sst s0;
	s0 =	simm.s32 @!p1 $0x0  }
0x14: {  	s2 =	sld [smem:$0x3F9A];
	s0 =	simm.s32 @p1 $0x1  }
0x15: {  	[smem:$0x3FB7] =	sst s0;
	s0 =	simm.s32 @!p2 $0x0  }
0x16: {  	s3 =	sld [smem:$0x3FDB];
	s0 =	simm.s32 @p2 $0x1  }
0x17: {  	s4 =	simm.s32 $0x1BF5;
	[smem:$0x3FB9] =	sst s0  }
0x18: {  	s0 =	sld [smem:$0x3F9C];
	_ =	swait.ge [sflag:s4], $0x0  }
0x19: {  	s7 =	sld [smem:$0x3F9D]  }
0x1a: {  	s8 =	sadd.s32 $0xFFFFE003, lr  }
0x1b: {  	s9 =	sadd.s32 $0xFFFFFEF7, lr;
	s5 =	simm.s32 $0xFFFFFFFF;
	p2 =	slt.u32 s8, $0xFFFFF086  }
0x1c: {  	p1 =	slt.u32 s9, $0xF7A;
	s5 =	simm.s32 @!p2 $0x0  }
0x1d: {  	s5 =	simm.s32 @p1 $0x1;
	p0 =	seq.s32 s7, s2  }
0x1e: {  	s7 =	smul.u32 @!p0 $0xF7A, s2;
	p2 =	seq.s32 @!p0 s5, $0x0  }
0x1f: {  	s9 =	smul.u32 $0xF7A, s1;
	s8 =	simm.s32 @!p0 $0x1BF5;
	p2 =	por !p2, p0  }
0x20: {  	[sflag:s8] =	ssyncset.s32 @!p0 $0xFFFFF086;
	s6 =	sadd.s32 @!p0 s3, s7;
	s7 =	simm.s32 @!p0 $0x108  }
0x21: {  	s3 =	sadd.s32 s3, s9;
	s6 =	sadd.s32 @!p0 $0x88, s6;
	s7 =	simm.s32 @p2 $0x1082  }
0x22: {  	[simem:s7], [sflag:s8] =	dma.local @!p0 [hbm:s6], $0xF7A  }
0x23: {  	s9 =	sor.u32 $0xD0000000, s2;
	s6 =	simm.s32 $0x108;
	_ =	swait.ge @!p0 [sflag:s8], $0x0  }
0x24: {  	s3 =	sadd.s32 $0x88, s3;
	s6 =	simm.s32 @!p1 $0x1082;
	[sflag:s4] =	ssyncset.s32 $0xFFFFF086  }
0x25: {  	[simem:s6], [sflag:s4] =	dma.local [hbm:s3], $0xF7A  }
0x26: {  	[smem:$0x3F9D] =	sst s1;
	(tag) =	ssettag s2;
	_ =	strace s9  }
0x27: {  	s1 =	sld [smem:$0x3FAD]  }
0x28: {  	s2 =	sld [smem:$0x3FAE]  }
0x29: {  	s4 =	sld [smem:$0x3FB0]  }
0x2a: {  	p0 =	seq.s32 s5, $0x0;
	s5 =	sld [smem:$0x3FB1]  }
0x2b: {  	s6 =	sld [smem:$0x3FB2]  }
0x2c: {  	s7 =	sld [smem:$0x3FB3]  }
0x2d: {  	s3 =	simm.s32 $0x108;
	s8 =	sld [smem:$0x3FB4]  }
0x2e: {  	s3 =	simm.s32 @!p0 $0x1082;
	s9 =	sld [smem:$0x3FB5]  }
0x2f: {  	lr =	sadd.s32 s0, s3;
	s0 =	sld [smem:$0x3FAC]  }
0x30: {  	s3 =	sld [smem:$0x3FAF]  }
0x31: {  	[smem:$0x3FB8] =	sst s10  }
0x32: {  	s10 =	sld [smem:$0x3FB6];
	_ =	sdelay $0x3  }
0x33: {  	p0 =	seq.s32 s10, $0x1;
	s10 =	sld [smem:$0x3FB8];
	_ =	sdelay $0x3  }
0x34: {  	[smem:$0x3FB8] =	sst s10  }
0x35: {  	s10 =	sld [smem:$0x3FB7];
	_ =	sdelay $0x3  }
0x36: {  	p1 =	seq.s32 s10, $0x1;
	s10 =	sld [smem:$0x3FB8];
	_ =	sdelay $0x3  }
0x37: {  	[smem:$0x3FB8] =	sst s10  }
0x38: {  	s10 =	sld [smem:$0x3FB9]  }
0x39: {  	_ = 	snop;
	(pc) =	sbr.ind lr, $3  }
0x3a: {  	_ = 	snop  }
0x3b: {  	_ = 	snop  }
0x3c: {  	p2 =	seq.s32 s10, $0x1;
	s10 =	sld [smem:$0x3FB8]  }
0x3d: {  	_ =	shalt  }
0x3e: {  	_ =	shalt  }
0x3f: {  	_ =	shalt  }
0x40: {  	_ =	shalt  }
0x41: {  	_ =	shalt  }
0x42: {  	_ =	shalt  }
0x43: {  	_ =	shalt  }
0x44: {  	_ =	shalt  }
0x45: {  	_ =	shalt  }
0x46: {  	_ =	shalt  }
0x47: {  	_ =	shalt  }
0x48: {  	_ =	shalt  }
0x49: {  	_ =	shalt  }
0x4a: {  	_ =	shalt  }
0x4b: {  	_ =	shalt  }
0x4c: {  	_ =	shalt  }
0x4d: {  	_ =	shalt  }
0x4e: {  	_ =	shalt  }
0x4f: {  	_ =	shalt  }
0x50: {  	_ =	shalt  }
0x51: {  	_ =	shalt  }
0x52: {  	_ =	shalt  }
0x53: {  	_ =	shalt  }
0x54: {  	_ =	shalt  }
0x55: {  	_ =	shalt  }
0x56: {  	_ =	shalt  }
0x57: {  	_ =	shalt  }
0x58: {  	_ =	shalt  }
0x59: {  	_ =	shalt  }
0x5a: {  	_ =	shalt  }
0x5b: {  	_ =	shalt  }
0x5c: {  	_ =	shalt  }
0x5d: {  	_ =	shalt  }
0x5e: {  	_ =	shalt  }
0x5f: {  	_ =	shalt  }
0x60: {  	_ =	shalt  }
0x61: {  	_ =	shalt  }
0x62: {  	_ =	shalt  }
0x63: {  	_ =	shalt  }
0x64: {  	_ =	shalt  }
0x65: {  	_ =	shalt  }
0x66: {  	_ =	shalt  }
0x67: {  	_ =	shalt  }
0x68: {  	_ =	shalt  }
0x69: {  	_ =	shalt  }
0x6a: {  	_ =	shalt  }
0x6b: {  	_ =	shalt  }
0x6c: {  	_ =	shalt  }
0x6d: {  	_ =	shalt  }
0x6e: {  	_ =	shalt  }
0x6f: {  	_ =	shalt  }
0x70: {  	_ =	shalt  }
0x71: {  	_ =	shalt  }
0x72: {  	_ =	shalt  }
0x73: {  	_ =	shalt  }
0x74: {  	_ =	shalt  }
0x75: {  	_ =	shalt  }
0x76: {  	_ =	shalt  }
0x77: {  	_ =	shalt  }
0x78: {  	_ =	shalt  }
0x79: {  	_ =	shalt  }
0x7a: {  	_ =	shalt  }
0x7b: {  	_ =	shalt  }
0x7c: {  	_ =	shalt  }
0x7d: {  	_ =	shalt  }
0x7e: {  	_ =	shalt  }
0x7f: {  	_ =	shalt  }
0x80: {  	_ =	shalt  }
0x81: {  	_ =	shalt  }
0x82: {  	_ =	shalt  }
0x83: {  	_ =	shalt  }
0x84: {  	_ =	shalt  }
0x85: {  	_ =	shalt  }
0x86: {  	_ =	shalt  }
0x87: {  	_ =	shalt  }
.Lfunc_end0:
.L_simem_size_0:
called_computation_lowered:
.L_overlay_start_0:
0x88: {  	s2 =	sld [smem:$0x3FD9]  }
0x89: {  	s3 =	sld [smem:$0x3FFE];
	_ =	sdelay $0x1  }
0x8a: {  	s1 =	srdreg.scid  }
0x8b: {  	s0 =	sand.u32 $0x1, s1  }
0x8c: {  	s17 =	sshll.u32 s0, $0xA;
	s2 =	sadd.s32 s3, s2  }
0x8d: {  	s2 =	sadd.s32 s2, s17  }
0x8e: {  	[smem:$0x3FC4] =	sst s2  }
0x8f: {  	_ = 	snop  }
0x90: {  	s2 =	sld [smem:$0x3FD0];
	(tm) =	ssettm $0x1  }
0x91: {  	s18 =	sld [smem:$0x3FFB];
	_ =	sdelay $0x3  }
0x92: {  	_ =	strace s18  }
0x93: {  	s3 =	sld [smem:$0x3FFC];
	_ =	sdelay $0x3  }
0x94: {  	_ =	strace s3  }
0x95: {  	s3 =	sld [smem:$0x3FFD];
	_ =	sdelay $0x3  }
0x96: {  	_ =	strace s3  }
0x97: {  	_ =	strace $0x8FFFFFFF  }
0x98: {  	s19 =	sld [smem:$0x3FDB];
	_ =	sdelay $0x1  }
0x99: {  	s4 =	simm.s32 $_scs_section_size  }
0x9a: {  	s5 =	simm.s32 $_size__tile_overlayer_lowered;
	s6 =	simm.s32 $_tile_overlayer_lowered  }
0x9b: {  	s22 =	simm.s32 $0x1BFF;
	s21 =	sshll.u32 s6, $0x1;
	s3 =	sadd.s32 s4, s19  }
0x9c: {  	s7 =	simm.s32 $0x0;
	s20 =	sshll.u32 s5, $0x1;
	s5 =	sadd.s32 s21, s3  }
0x9d: {  	[timem:s7], [sflag:s22] =	dma.local [hbm:s5], s20  }
0x9e: {  	_ =	swait.ge [sflag:s22], s20  }
0x9f: {  	s4 =	ssub.s32 $0x0, s20;
	[sflag:s22] =	ssyncset.done $0x0  }
0xa0: {  	[sflag:s22] =	ssyncadd.s32 s4;
	_ =	sdelay $0x1  }
0xa1: {  	s23 =	simm.s32 $0x1B8B  }
0xa2: {  	_ =	swait.ge [sflag:s23], $0x1  }
0xa3: {  	[sflag:s23] =	ssyncset.done $0x0  }
0xa4: {  	s25 =	simm.s32 $0x1B8E;
	s24 =	sld [smem:$0x3FFE];
	[sflag:s23] =	ssyncadd.s32 $0xFFFFFFFF  }
0xa5: {  	s26 =	simm.s32 $execute0_lowered;
	[smem:$0x3FD2] =	sst s25  }
0xa6: {  	s5 =	sshll.u32 s26, $0x1;
	_ =	strace $0x80000046;
	[dreg:$0x1] =	wrdreg $0xFFFFFFFF  }
0xa7: {  	s28 =	simm.s32 $_size_execute0_lowered;
	s3 =	sadd.s32 s3, s5;
	[dreg:$0x0] =	wrdreg $0x0  }
0xa8: {  	s5 =	sshll.u32 s28, $0x1;
	[dreg:$0x2] =	wrdreg s3  }
0xa9: {  	[dreg:$0x3] =	wrdreg s5  }
0xaa: {  	[dreg:$0x4] =	wrdreg $0xC0  }
0xab: {  	_ =	task [dreg:s7], $0x5FFFF  }
0xac: {  	[dreg:$0x1] =	wrdreg $0xFFFFFFFF  }
0xad: {  	[dreg:$0x0] =	wrdreg $0x60  }
0xae: {  	[dreg:$0x2] =	wrdreg s24  }
0xaf: {  	[dreg:$0x3] =	wrdreg s2  }
0xb0: {  	[dreg:$0x4] =	wrdreg $0x9  }
0xb1: {  	_ =	task.clear_ibuf [dreg:s7], $0x5FFFF;
	_ =	strace $0x90000046  }
0xb2: {  	s29 =	simm.s32 $0x9;
	_ =	strace $0x80000048  }
0xb3: {  	_ =	swait.ge [sflag:s29], $0x1  }
0xb4: {  	[sflag:s29] =	ssyncadd.s32 $0xFFFFFFFF  }
0xb5: {  	_ =	strace $0x90000048  }
0xb6: {  	_ =	sfence  }
0xb7: {  	s30 =	sld [smem:$0x0];
	_ =	sdelay $0x2  }
0xb8: {  	s31 =	sshll.u32 s1, $0xD;
	s1 =	sshrl.u32 s1, $0x2  }
0xb9: {  	s3 =	sand.u32 $0x4000, s31;
	s1 =	sadd.s32 s1, s30  }
0xba: {  	s0 =	sor.u32 s3, s0;
	s1 =	sshll.u32 s1, $0x11  }
0xbb: {  	s0 =	sor.u32 s1, s0  }
0xbc: {  	s0 =	sadd.s32 $0x8F2B, s0  }
0xbd: {  	[sflag:s0] =	ssyncadd.remote.s32 $0x1  }
0xbe: {  	_ =	sfence.sel $0xFFFF  }
0xbf: {  	[dreg:$0x0] =	wrdreg $0xFFFFFFFF;
	(pc) =	sbr.abs _section_cstart, $3  }
0xc0: {  	[dreg:$0x1] =	wrdreg $0xFFFFFFFF  }
0xc1: {  	_ =	task.clear_ibuf [dreg:s7], $0x2FFFF;
	_ =	strace $0x9FFFFFFF  }
0xc2: {  	(tm) =	ssettm $0x7FFFFFFF  }
0xc3: {  	_ =	shalt  }
tec
execute0_lowered:
.L_overlay_start_1:
0x0: {  	(tag) =	ssettag $0x1  }
0x1: {  	s1 =	stileid.u32  }
0x2: {  	p0 =	sgt.u32 s1, $0x3  }
.Ltmp0:
0x3: {  	_ = 	snop;
	(pc) =	sbr.rel @p0 .LBB2_13-.Ltmp0, $4  }
0x4: {  	_ = 	snop  }
0x5: {  	s4 =	rddreg [dreg:$0x0];
	s3 =	simm.s32 $0x0  }
0x6: {  	[smem:$0x7FF] =	sst s3  }
0x7: {  	s2 =	rddreg [dreg:$0x1];
	_ =	strace $0x80000047  }
0x8: {  	vm0 =	vmmov $0x7ff;
	v5 =	vimm.s32 $0x0  }
0x9: {  	v5 =	vsel vm0, $0xFFFFFFFF, v5  }
0xa: {  	vm0 =	vmmov $0xfff;
	[tilespmem:$0x1FF10] =	vst v5;
	v5 =	vimm.s32 $0x0  }
0xb: {  	v5 =	vsel vm0, $0xFFFFFFFF, v5  }
0xc: {  	vm0 =	vmmov $0x1fff;
	[tilespmem:$0x1FF20] =	vst v5;
	v5 =	vimm.s32 $0x0  }
0xd: {  	v5 =	vsel vm0, $0xFFFFFFFF, v5  }
0xe: {  	vm0 =	vmmov $0x3fff;
	[tilespmem:$0x1FF30] =	vst v5;
	v5 =	vimm.s32 $0x0  }
0xf: {  	v5 =	vsel vm0, $0xFFFFFFFF, v5  }
0x10: {  	vm0 =	vmmov $0x7fff;
	[tilespmem:$0x1FF40] =	vst v5;
	v5 =	vimm.s32 $0x0  }
0x11: {  	v5 =	vsel vm0, $0xFFFFFFFF, v5  }
0x12: {  	vm5 =	vmmov $0x1;
	[tilespmem:$0x1FF50] =	vst v5;
	v5 =	vimm.s32 $0x0  }
0x13: {  	v5 =	vsel vm5, $0xFFFFFFFF, v5  }
0x14: {  	vm6 =	vmmov $0x3;
	[tilespmem:$0x1FF60] =	vst v5;
	v5 =	vimm.s32 $0x0  }
0x15: {  	v5 =	vsel vm6, $0xFFFFFFFF, v5  }
0x16: {  	vm7 =	vmmov $0x7;
	[tilespmem:$0x1FF70] =	vst v5;
	v5 =	vimm.s32 $0x0  }
0x17: {  	v5 =	vsel vm7, $0xFFFFFFFF, v5  }
0x18: {  	vm8 =	vmmov $0xf;
	[tilespmem:$0x1FF80] =	vst v5;
	v5 =	vimm.s32 $0x0  }
0x19: {  	v5 =	vsel vm8, $0xFFFFFFFF, v5  }
0x1a: {  	vm9 =	vmmov $0x1f;
	[tilespmem:$0x1FF90] =	vst v5;
	v5 =	vimm.s32 $0x0  }
0x1b: {  	v5 =	vsel vm9, $0xFFFFFFFF, v5  }
0x1c: {  	vm10 =	vmmov $0x3f;
	[tilespmem:$0x1FFA0] =	vst v5;
	v5 =	vimm.s32 $0x0  }
0x1d: {  	v5 =	vsel vm10, $0xFFFFFFFF, v5  }
0x1e: {  	s5 =	srdreg.scid;
	vm11 =	vmmov $0x7f;
	[tilespmem:$0x1FFB0] =	vst v5;
	v5 =	vimm.s32 $0x0  }
0x1f: {  	s6 =	sshll.u32 s1, $0x5;
	s9 =	sadd.s32 $0x5000, s4;
	s11 =	simm.s32 $0x1;
	v5 =	vsel vm11, $0xFFFFFFFF, v5  }
0x20: {  	s12 =	simm.s32 $0x2280;
	vm12 =	vmmov $0xff;
	s13 =	simm.s32 $0x4500;
	s14 =	simm.s32 $0x8A00;
	[tilespmem:$0x1FFC0] =	vst v5;
	v5 =	vimm.s32 $0x0  }
0x21: {  	s15 =	simm.s32 $0x8A80;
	s16 =	simm.s32 $0xF0000000;
	s5 =	sand.u32 $0x1, s5;
	v5 =	vsel vm12, $0xFFFFFFFF, v5  }
0x22: {  	vm13 =	vmmov $0x1ff;
	s17 =	simm.s32 $0x8C80;
	s7 =	sshll.u32 s5, $0x4;
	s8 =	ssub.s32 $0x2, s5;
	[tilespmem:$0x1FFD0] =	vst v5;
	v5 =	vimm.s32 $0x0  }
0x23: {  	v0 =	vlaneseq.u32;
	s18 =	simm.s32 $0x0;
	s7 =	sor.u32 s7, s6;
	s10 =	sshrl.u32 s8, $0x1;
	v5 =	vsel vm13, $0xFFFFFFFF, v5  }
0x24: {  	vm14 =	vmmov $0x3ff;
	v1 =	vmul.u32 $0xFFFFFFFF, v0;
	s6 =	sadd.s32 s7, s4;
	s8 =	ssub.s32 s8, s10;
	s7 =	sadd.s32 s9, s7;
	[tilespmem:$0x1FFE0] =	vst v5;
	v5 =	vimm.s32 $0x0  }
0x25: {  	v2 =	vimm.s32 $0x0;
	s9 =	simm.s32 $0x80;
	s10 =	simm.s32 $0x400;
	s4 =	sadd.s32 $0x2C00, s6;
	v5 =	vsel vm14, $0xFFFFFFFF, v5  }
0x26: {  	v3 =	vimm.s32 $0x1;
	v4 =	vor.u32 $0x100, v0;
	v1 =	vadd.s32 $0x221C, v1;
	s5 =	sadd.s32 $0x800, s6;
	s6 =	sadd.s32 $0x7400, s6;
	s8 =	smax.u32 s8, $0x1;
	[tilespmem:$0x1FFF0] =	vst v5  }
.LBB2_2:
0x27: {  	[tilespmem:s3], [sflag:$0x1] =	stream.strided.gather [hbm4b:s7+s9], $0x2280, s10, s9, $0x38;
	[tilespmem:$0x8D00] =	vst v63  }
0x28: {  	_ =	swait.ge [sflag:s11], $0x2280  }
0x29: {  	[sflag:s11] =	ssyncset.done $0x0  }
0x2a: {  	[sflag:s11] =	ssyncadd.s32 $0xFFFFDD80  }
0x2b: {  	[tilespmem:s12], [sflag:$0x1] =	stream.strided.gather [hbm4b:s4+s9], $0x2280, s10, s9, $0x38;
	[tilespmem:$0x8D00] =	vst v63  }
0x2c: {  	_ =	swait.ge [sflag:s11], $0x2280  }
0x2d: {  	[sflag:s11] =	ssyncset.done $0x0  }
0x2e: {  	[sflag:s11] =	ssyncadd.s32 $0xFFFFDD80  }
0x2f: {  	[tilespmem:s13], [sflag:$0x1] =	stream.strided.gather [hbm4b:s5+s9], $0x2280, s10, s9, $0x38;
	[tilespmem:$0x8D00] =	vst v63  }
0x30: {  	_ =	swait.ge [sflag:s11], $0x2280  }
0x31: {  	[sflag:s11] =	ssyncset.done $0x0  }
0x32: {  	[sflag:s11] =	ssyncadd.s32 $0xFFFFDD80  }
0x33: {  	[tilespmem:s14], [sflag:$0x1] =	stream.linear.gather [hbm4b:s2+s3], $0x80, $0x38;
	[tilespmem:$0x8D00] =	vst v63  }
0x34: {  	_ =	swait.ge [sflag:s11], $0x80  }
0x35: {  	[sflag:s11] =	ssyncset.done $0x0  }
0x36: {  	s19 =	simm.s32 $0x60;
	[sflag:s11] =	ssyncadd.s32 $0xFFFFFF80  }
0x37: {  	v5 =	vld [tilespmem:s19+$0xFFFFFFA0];
	_ =	sdelay $0x4  }
0x38: {  	s21 =	simm.s32 $0x0;
	v6 =	vshra.s32 v5, $0x1F  }
0x39: {  	v7 =	vmov s21;
	v6 =	vor.u32 $0x80000000, v6  }
0x3a: {  	vm0 =	vlt.u32 v7, v1;
	v5 =	vxor.u32 v5, v6  }
0x3b: {  	s20 =	simm.s32 $0x67E0;
	v5 =	vnsel vm0, $0xFFFFFFFF, v5  }
0x3c: {  	[tilespmem:s20+$0xFFFFFFA0] =	vst v5  }
0x3d: {  	v5 =	vld [tilespmem:s19+$0xFFFFFFB0];
	_ =	sdelay $0x2  }
0x3e: {  	v6 =	vimm.s32 $0x0  }
0x3f: {  	v6 =	vsel vm0, $0xFFFFFFFF, v6  }
0x40: {  	s22 =	simm.s32 $0x10;
	[tilespmem:$0x1FEB0] =	vst v6;
	v6 =	vshra.s32 v5, $0x1F  }
0x41: {  	v7 =	vmov s22;
	v6 =	vor.u32 $0x80000000, v6  }
0x42: {  	vm0 =	vlt.u32 v7, v1;
	v5 =	vxor.u32 v5, v6  }
0x43: {  	v5 =	vnsel vm0, $0xFFFFFFFF, v5  }
0x44: {  	[tilespmem:s20+$0xFFFFFFB0] =	vst v5  }
0x45: {  	v5 =	vld [tilespmem:s19+$0xFFFFFFC0];
	_ =	sdelay $0x2  }
0x46: {  	v6 =	vimm.s32 $0x0  }
0x47: {  	v6 =	vsel vm0, $0xFFFFFFFF, v6  }
0x48: {  	s31 =	simm.s32 $0x20;
	[tilespmem:$0x1FEC0] =	vst v6;
	v6 =	vshra.s32 v5, $0x1F  }
0x49: {  	v7 =	vmov s31;
	v6 =	vor.u32 $0x80000000, v6  }
0x4a: {  	vm0 =	vlt.u32 v7, v1;
	v5 =	vxor.u32 v5, v6  }
0x4b: {  	v5 =	vnsel vm0, $0xFFFFFFFF, v5  }
0x4c: {  	[tilespmem:s20+$0xFFFFFFC0] =	vst v5  }
0x4d: {  	v5 =	vld [tilespmem:s19+$0xFFFFFFD0];
	_ =	sdelay $0x2  }
0x4e: {  	v6 =	vimm.s32 $0x0  }
0x4f: {  	v6 =	vsel vm0, $0xFFFFFFFF, v6  }
0x50: {  	s0 =	simm.s32 $0x30;
	[tilespmem:$0x1FED0] =	vst v6;
	v6 =	vshra.s32 v5, $0x1F  }
0x51: {  	v7 =	vmov s0;
	v6 =	vor.u32 $0x80000000, v6  }
0x52: {  	vm0 =	vlt.u32 v7, v1;
	v5 =	vxor.u32 v5, v6  }
0x53: {  	v5 =	vnsel vm0, $0xFFFFFFFF, v5  }
0x54: {  	[tilespmem:s20+$0xFFFFFFD0] =	vst v5  }
0x55: {  	v5 =	vld [tilespmem:s19+$0xFFFFFFE0];
	_ =	sdelay $0x2  }
0x56: {  	v6 =	vimm.s32 $0x0  }
0x57: {  	v6 =	vsel vm0, $0xFFFFFFFF, v6  }
0x58: {  	s23 =	simm.s32 $0x40;
	[tilespmem:$0x1FEE0] =	vst v6;
	v6 =	vshra.s32 v5, $0x1F  }
0x59: {  	v7 =	vmov s23;
	v6 =	vor.u32 $0x80000000, v6  }
0x5a: {  	vm0 =	vlt.u32 v7, v1;
	v5 =	vxor.u32 v5, v6  }
0x5b: {  	v5 =	vnsel vm0, $0xFFFFFFFF, v5  }
0x5c: {  	[tilespmem:s20+$0xFFFFFFE0] =	vst v5  }
0x5d: {  	v5 =	vld [tilespmem:s19+$0xFFFFFFF0];
	_ =	sdelay $0x2  }
0x5e: {  	v6 =	vimm.s32 $0x0  }
0x5f: {  	v6 =	vsel vm0, $0xFFFFFFFF, v6  }
0x60: {  	s24 =	simm.s32 $0x50;
	[tilespmem:$0x1FEF0] =	vst v6;
	v6 =	vshra.s32 v5, $0x1F  }
0x61: {  	v7 =	vmov s24;
	v6 =	vor.u32 $0x80000000, v6  }
0x62: {  	vm0 =	vlt.u32 v7, v1;
	v5 =	vxor.u32 v5, v6  }
0x63: {  	v5 =	vnsel vm0, $0xFFFFFFFF, v5  }
0x64: {  	[tilespmem:s20+$0xFFFFFFF0] =	vst v5  }
0x65: {  	v5 =	vld [tilespmem:s19+$0x0];
	_ =	sdelay $0x2  }
0x66: {  	v6 =	vimm.s32 $0x0  }
0x67: {  	v6 =	vsel vm0, $0xFFFFFFFF, v6  }
0x68: {  	s25 =	simm.s32 $0x60;
	[tilespmem:$0x1FF00] =	vst v6;
	v6 =	vshra.s32 v5, $0x1F  }
0x69: {  	v7 =	vmov s25;
	v6 =	vor.u32 $0x80000000, v6  }
0x6a: {  	vm15 =	vlt.u32 v7, v1;
	v5 =	vxor.u32 v5, v6  }
0x6b: {  	v5 =	vnsel vm15, $0xFFFFFFFF, v5  }
0x6c: {  	[tilespmem:s20+$0x0] =	vst v5  }
0x6d: {  	v5 =	vld [tilespmem:s19+$0x10];
	_ =	sdelay $0x4  }
0x6e: {  	s26 =	simm.s32 $0x70;
	v6 =	vshra.s32 v5, $0x1F  }
0x6f: {  	v7 =	vmov s26;
	v6 =	vor.u32 $0x80000000, v6  }
0x70: {  	s28 =	simm.s32 $0x80;
	vm2 =	vlt.u32 v7, v1;
	v5 =	vxor.u32 v5, v6  }
0x71: {  	s21 =	sand.u32 $0x70, s21;
	s23 =	sand.u32 $0x7F80, s28;
	v5 =	vnsel vm2, $0xFFFFFFFF, v5  }
0x72: {  	s21 =	sor.u32 s21, s23;
	[tilespmem:s20+$0x10] =	vst v5  }
0x73: {  	v5 =	vld [tilespmem:s21+$0x0];
	_ =	sdelay $0x4  }
0x74: {  	v6 =	vshra.s32 v5, $0x1F  }
0x75: {  	v7 =	vmov s28;
	v6 =	vor.u32 $0x80000000, v6  }
0x76: {  	vm1 =	vlt.u32 v7, v1;
	v5 =	vxor.u32 v5, v6  }
0x77: {  	v5 =	vnsel vm1, $0xFFFFFFFF, v5  }
0x78: {  	[tilespmem:s21+$0x6780] =	vst v5  }
0x79: {  	v5 =	vld [tilespmem:s19+$0x30];
	_ =	sdelay $0x4  }
0x7a: {  	s29 =	simm.s32 $0x90;
	v6 =	vshra.s32 v5, $0x1F  }
0x7b: {  	v7 =	vmov s29;
	v6 =	vor.u32 $0x80000000, v6  }
0x7c: {  	vm3 =	vlt.u32 v7, v1;
	v5 =	vxor.u32 v5, v6  }
0x7d: {  	v5 =	vnsel vm3, $0xFFFFFFFF, v5  }
0x7e: {  	[tilespmem:s20+$0x30] =	vst v5  }
0x7f: {  	v5 =	vld [tilespmem:s19+$0x40];
	_ =	sdelay $0x4  }
0x80: {  	s30 =	simm.s32 $0xA0;
	v6 =	vshra.s32 v5, $0x1F  }
0x81: {  	v7 =	vmov s30;
	v6 =	vor.u32 $0x80000000, v6  }
0x82: {  	vm4 =	vlt.u32 v7, v1;
	v5 =	vxor.u32 v5, v6  }
0x83: {  	v5 =	vnsel vm4, $0xFFFFFFFF, v5  }
0x84: {  	[tilespmem:s20+$0x40] =	vst v5  }
0x85: {  	v6 =	vld [tilespmem:s19+$0x50];
	_ =	sdelay $0x4  }
0x86: {  	s31 =	simm.s32 $0xB0;
	v5 =	vshra.s32 v6, $0x1F  }
0x87: {  	v7 =	vor.u32 $0x80000000, v5;
	v5 =	vmov s31  }
0x88: {  	v6 =	vxor.u32 v6, v7;
	vm0 =	vlt.u32 v5, v1  }
0x89: {  	v6 =	vnsel vm0, $0xFFFFFFFF, v6  }
0x8a: {  	[tilespmem:s20+$0x50] =	vst v6  }
0x8b: {  	v6 =	vld [tilespmem:s19+$0x60];
	_ =	sdelay $0x4  }
0x8c: {  	s19 =	simm.s32 $0xC0;
	v7 =	vshra.s32 v6, $0x1F  }
0x8d: {  	v8 =	vmov s19;
	v7 =	vor.u32 $0x80000000, v7  }
0x8e: {  	s22 =	simm.s32 $0x4560;
	vm0 =	vlt.u32 v8, v1;
	v6 =	vxor.u32 v6, v7  }
0x8f: {  	s23 =	simm.s32 $0x0;
	s24 =	simm.s32 $0x130;
	s25 =	simm.s32 $0xC0;
	v7 =	vnsel vm0, $0xFFFFFFFF, v6  }
.LBB2_3:
0x90: {  	s23 =	sadd.s32 $0xD, s23;
	[tilespmem:s20+$0x60] =	vst v7;
	s25 =	sadd.s32 $0xD0, s25;
	s20 =	sadd.s32 $0xD0, s20;
	v6 =	vimm.f32 $0.0e+00  }
0x91: {  	v7 =	vld [tilespmem:s24+$0xFFFFFFA0];
	p0 =	slt.u32 s23, $0x215;
	_ =	sdelay $0x4  }
0x92: {  	s26 =	sadd.s32 $0xFFFFFF40, s25;
	v8 =	vshra.s32 v7, $0x1F  }
0x93: {  	v9 =	vmov s26;
	s26 =	sand.u32 $0x70, s26;
	v8 =	vor.u32 $0x80000000, v8  }
0x94: {  	vm0 =	vlt.u32 v9, v1;
	v7 =	vxor.u32 v7, v8  }
0x95: {  	v7 =	vnsel vm0, $0xFFFFFFFF, v7  }
0x96: {  	[tilespmem:s20+$0xFFFFFFA0] =	vst v7  }
0x97: {  	v7 =	vld [tilespmem:s24+$0xFFFFFFB0];
	_ =	sdelay $0x4  }
0x98: {  	s28 =	sadd.s32 $0xFFFFFF50, s25;
	v8 =	vshra.s32 v7, $0x1F  }
0x99: {  	v9 =	vmov s28;
	v8 =	vor.u32 $0x80000000, v8  }
0x9a: {  	vm0 =	vlt.u32 v9, v1;
	v7 =	vxor.u32 v7, v8  }
0x9b: {  	v7 =	vnsel vm0, $0xFFFFFFFF, v7  }
0x9c: {  	[tilespmem:s20+$0xFFFFFFB0] =	vst v7  }
0x9d: {  	v7 =	vld [tilespmem:s24+$0xFFFFFFC0];
	_ =	sdelay $0x4  }
0x9e: {  	s28 =	sadd.s32 $0xFFFFFF60, s25;
	v8 =	vshra.s32 v7, $0x1F  }
0x9f: {  	v9 =	vmov s28;
	v8 =	vor.u32 $0x80000000, v8  }
0xa0: {  	vm0 =	vlt.u32 v9, v1;
	v7 =	vxor.u32 v7, v8  }
0xa1: {  	v7 =	vnsel vm0, $0xFFFFFFFF, v7  }
0xa2: {  	[tilespmem:s20+$0xFFFFFFC0] =	vst v7  }
0xa3: {  	v7 =	vld [tilespmem:s24+$0xFFFFFFD0];
	_ =	sdelay $0x4  }
0xa4: {  	s28 =	sadd.s32 $0xFFFFFF70, s25;
	v8 =	vshra.s32 v7, $0x1F  }
0xa5: {  	v9 =	vmov s28;
	v8 =	vor.u32 $0x80000000, v8  }
0xa6: {  	vm0 =	vlt.u32 v9, v1;
	v7 =	vxor.u32 v7, v8  }
0xa7: {  	v7 =	vnsel vm0, $0xFFFFFFFF, v7  }
0xa8: {  	[tilespmem:s20+$0xFFFFFFD0] =	vst v7  }
0xa9: {  	v7 =	vld [tilespmem:s24+$0xFFFFFFE0];
	_ =	sdelay $0x4  }
0xaa: {  	s28 =	sadd.s32 $0xFFFFFF80, s25;
	v8 =	vshra.s32 v7, $0x1F  }
0xab: {  	v9 =	vmov s28;
	v8 =	vor.u32 $0x80000000, v8  }
0xac: {  	vm0 =	vlt.u32 v9, v1;
	v7 =	vxor.u32 v7, v8  }
0xad: {  	v7 =	vnsel vm0, $0xFFFFFFFF, v7  }
0xae: {  	[tilespmem:s20+$0xFFFFFFE0] =	vst v7  }
0xaf: {  	v7 =	vld [tilespmem:s24+$0xFFFFFFF0];
	_ =	sdelay $0x4  }
0xb0: {  	s28 =	sadd.s32 $0xFFFFFF90, s25;
	v8 =	vshra.s32 v7, $0x1F  }
0xb1: {  	v9 =	vmov s28;
	v8 =	vor.u32 $0x80000000, v8  }
0xb2: {  	vm0 =	vlt.u32 v9, v1;
	v7 =	vxor.u32 v7, v8  }
0xb3: {  	v7 =	vnsel vm0, $0xFFFFFFFF, v7  }
0xb4: {  	[tilespmem:s20+$0xFFFFFFF0] =	vst v7  }
0xb5: {  	v7 =	vld [tilespmem:s24+$0x0];
	_ =	sdelay $0x4  }
0xb6: {  	s28 =	sadd.s32 $0xFFFFFFA0, s25;
	v8 =	vshra.s32 v7, $0x1F  }
0xb7: {  	v9 =	vmov s28;
	v8 =	vor.u32 $0x80000000, v8  }
0xb8: {  	vm0 =	vlt.u32 v9, v1;
	v7 =	vxor.u32 v7, v8  }
0xb9: {  	v7 =	vnsel vm0, $0xFFFFFFFF, v7  }
0xba: {  	[tilespmem:s20+$0x0] =	vst v7  }
0xbb: {  	v7 =	vld [tilespmem:s24+$0x10];
	_ =	sdelay $0x4  }
0xbc: {  	s28 =	sadd.s32 $0xFFFFFFB0, s25;
	v8 =	vshra.s32 v7, $0x1F  }
0xbd: {  	v9 =	vmov s28;
	v8 =	vor.u32 $0x80000000, v8  }
0xbe: {  	s28 =	sadd.s32 $0xFFFFFFC0, s25;
	vm0 =	vlt.u32 v9, v1;
	v7 =	vxor.u32 v7, v8  }
0xbf: {  	s29 =	sand.u32 $0x7F80, s28;
	v8 =	vmov s28;
	v7 =	vnsel vm0, $0xFFFFFFFF, v7  }
0xc0: {  	s26 =	sor.u32 s26, s29;
	[tilespmem:s20+$0x10] =	vst v7  }
0xc1: {  	v7 =	vld [tilespmem:s26+$0x0];
	_ =	sdelay $0x4  }
0xc2: {  	v9 =	vshra.s32 v7, $0x1F  }
0xc3: {  	v9 =	vor.u32 $0x80000000, v9  }
0xc4: {  	vm0 =	vlt.u32 v8, v1;
	v7 =	vxor.u32 v7, v9  }
0xc5: {  	v7 =	vnsel vm0, $0xFFFFFFFF, v7  }
0xc6: {  	[tilespmem:s26+$0x6780] =	vst v7  }
0xc7: {  	v7 =	vld [tilespmem:s24+$0x30];
	_ =	sdelay $0x4  }
0xc8: {  	s26 =	sadd.s32 $0xFFFFFFD0, s25;
	v8 =	vshra.s32 v7, $0x1F  }
0xc9: {  	v9 =	vmov s26;
	v8 =	vor.u32 $0x80000000, v8  }
0xca: {  	vm0 =	vlt.u32 v9, v1;
	v7 =	vxor.u32 v7, v8  }
0xcb: {  	v7 =	vnsel vm0, $0xFFFFFFFF, v7  }
0xcc: {  	[tilespmem:s20+$0x30] =	vst v7  }
0xcd: {  	v7 =	vld [tilespmem:s24+$0x40];
	_ =	sdelay $0x4  }
0xce: {  	s26 =	sadd.s32 $0xFFFFFFE0, s25;
	v8 =	vshra.s32 v7, $0x1F  }
0xcf: {  	v9 =	vmov s26;
	v8 =	vor.u32 $0x80000000, v8  }
0xd0: {  	vm0 =	vlt.u32 v9, v1;
	v7 =	vxor.u32 v7, v8  }
0xd1: {  	v7 =	vnsel vm0, $0xFFFFFFFF, v7  }
0xd2: {  	[tilespmem:s20+$0x40] =	vst v7  }
0xd3: {  	v7 =	vld [tilespmem:s24+$0x50];
	_ =	sdelay $0x4  }
0xd4: {  	s26 =	sadd.s32 $0xFFFFFFF0, s25;
	v8 =	vshra.s32 v7, $0x1F  }
0xd5: {  	v9 =	vmov s26;
	v8 =	vor.u32 $0x80000000, v8  }
0xd6: {  	vm0 =	vlt.u32 v9, v1;
	v7 =	vxor.u32 v7, v8  }
0xd7: {  	v7 =	vnsel vm0, $0xFFFFFFFF, v7  }
0xd8: {  	[tilespmem:s20+$0x50] =	vst v7  }
0xd9: {  	v7 =	vld [tilespmem:s24+$0x60];
	_ =	sdelay $0x3  }
.Ltmp1:
0xda: {  	(pc) =	sbr.rel @p0 .LBB2_3-.Ltmp1, $4  }
0xdb: {  	v8 =	vshra.s32 v7, $0x1F  }
0xdc: {  	v9 =	vmov s25;
	v8 =	vor.u32 $0x80000000, v8  }
0xdd: {  	vm0 =	vlt.u32 v9, v1;
	v7 =	vxor.u32 v7, v8  }
0xde: {  	s24 =	sadd.s32 $0xD0, s24;
	v7 =	vnsel vm0, $0xFFFFFFFF, v7  }
0xdf: {  	v10 =	vld [tilespmem:$0x1FEB0];
	_ =	sdelay $0x2  }
0xe0: {  	[tilespmem:s20+$0x60] =	vst v7  }
0xe1: {  	v7 =	vld [tilespmem:s22+$0xFFFFFFA0]  }
0xe2: {  	vm0 =	vnez.u8 v10;
	v10 =	vld [tilespmem:$0x1FEC0];
	_ =	sdelay $0x3  }
0xe3: {  	v8 =	vld [tilespmem:s22+$0xFFFFFFB0]  }
0xe4: {  	v7 =	vnsel vm0, $0x0, v7;
	vm0 =	vnez.u8 v10;
	v10 =	vld [tilespmem:$0x1FED0];
	_ =	sdelay $0x3  }
0xe5: {  	v9 =	vld [tilespmem:s22+$0xFFFFFFC0]  }
0xe6: {  	v8 =	vnsel vm0, $0x0, v8;
	vm0 =	vnez.u8 v10;
	v10 =	vld [tilespmem:$0x1FEE0];
	_ =	sdelay $0x3  }
0xe7: {  	v6 =	vadd.f32 v7, v6;
	v7 =	vld [tilespmem:s22+$0xFFFFFFD0]  }
0xe8: {  	v9 =	vnsel vm0, $0x0, v9;
	vm0 =	vnez.u8 v10;
	v10 =	vld [tilespmem:$0x1FEF0];
	_ =	sdelay $0x3  }
0xe9: {  	v6 =	vadd.f32 v8, v6;
	v8 =	vld [tilespmem:s22+$0xFFFFFFE0]  }
0xea: {  	v7 =	vnsel vm0, $0x0, v7;
	vm0 =	vnez.u8 v10;
	v10 =	vld [tilespmem:$0x1FF00]  }
0xeb: {  	v6 =	vadd.f32 v9, v6;
	v9 =	vld [tilespmem:s22+$0xFFFFFFF0];
	_ =	sdelay $0x1  }
0xec: {  	v6 =	vadd.f32 v7, v6;
	v7 =	vld [tilespmem:s22+$0x0]  }
0xed: {  	v8 =	vnsel vm0, $0x0, v8  }
0xee: {  	v6 =	vadd.f32 v8, v6;
	v8 =	vld [tilespmem:s22+$0x10];
	vm0 =	vnez.u8 v10  }
0xef: {  	v9 =	vnsel vm0, $0x0, v9  }
0xf0: {  	v6 =	vadd.f32 v9, v6;
	v9 =	vld [tilespmem:s21+$0x4500]  }
0xf1: {  	v7 =	vnsel vm15, $0x0, v7  }
0xf2: {  	v10 =	vld [tilespmem:s22+$0x30];
	v6 =	vadd.f32 v7, v6  }
0xf3: {  	v7 =	vnsel vm2, $0x0, v8  }
0xf4: {  	v11 =	vld [tilespmem:s22+$0x40];
	v6 =	vadd.f32 v7, v6  }
0xf5: {  	v7 =	vnsel vm1, $0x0, v9  }
0xf6: {  	v6 =	vadd.f32 v7, v6;
	v7 =	vld [tilespmem:s22+$0x50]  }
0xf7: {  	v8 =	vnsel vm3, $0x0, v10  }
0xf8: {  	v8 =	vadd.f32 v8, v6;
	v6 =	vld [tilespmem:s22+$0x60]  }
0xf9: {  	s20 =	simm.s32 $0x0;
	s21 =	simm.s32 $0x4630;
	v9 =	vnsel vm4, $0x0, v11  }
.LBB2_5:
0xfa: {  	v10 =	vld [tilespmem:s21+$0xFFFFFFA0];
	s20 =	sadd.s32 $0xD, s20;
	v8 =	vadd.f32 v9, v8;
	vm0 =	vlt.u32 v5, v1  }
0xfb: {  	p0 =	slt.u32 s20, $0x215;
	v5 =	vnsel vm0, $0x0, v7;
	v7 =	vmov s19;
	s19 =	sadd.s32 $0xD0, s19  }
0xfc: {  	s22 =	sadd.s32 $0xFFFFFF40, s19;
	v9 =	vld [tilespmem:s21+$0xFFFFFFB0];
	v5 =	vadd.f32 v5, v8;
	vm0 =	vlt.u32 v7, v1  }
0xfd: {  	v7 =	vmov s22;
	v6 =	vnsel vm0, $0x0, v6  }
0xfe: {  	s23 =	sadd.s32 $0xFFFFFF50, s19;
	vm0 =	vlt.u32 v7, v1;
	v7 =	vld [tilespmem:s21+$0xFFFFFFC0];
	v5 =	vadd.f32 v6, v5  }
0xff: {  	v8 =	vmov s23;
	v6 =	vnsel vm0, $0x0, v10  }
0x100: {  	s23 =	sadd.s32 $0xFFFFFF60, s19;
	vm0 =	vlt.u32 v8, v1;
	v5 =	vadd.f32 v6, v5;
	v6 =	vld [tilespmem:s21+$0xFFFFFFD0]  }
0x101: {  	v8 =	vnsel vm0, $0x0, v9;
	v9 =	vmov s23  }
0x102: {  	s23 =	sadd.s32 $0xFFFFFF70, s19;
	v5 =	vadd.f32 v8, v5;
	vm0 =	vlt.u32 v9, v1;
	v8 =	vld [tilespmem:s21+$0xFFFFFFE0]  }
0x103: {  	v9 =	vmov s23;
	v7 =	vnsel vm0, $0x0, v7  }
0x104: {  	s23 =	sadd.s32 $0xFFFFFF80, s19;
	vm0 =	vlt.u32 v9, v1;
	v5 =	vadd.f32 v7, v5;
	v7 =	vld [tilespmem:s21+$0xFFFFFFF0]  }
0x105: {  	v9 =	vmov s23;
	v6 =	vnsel vm0, $0x0, v6  }
0x106: {  	s23 =	sadd.s32 $0xFFFFFF90, s19;
	vm0 =	vlt.u32 v9, v1;
	v5 =	vadd.f32 v6, v5;
	v6 =	vld [tilespmem:s21+$0x0]  }
0x107: {  	v9 =	vmov s23;
	s23 =	sadd.s32 $0xFFFFFFC0, s19;
	v8 =	vnsel vm0, $0x0, v8  }
0x108: {  	s24 =	sadd.s32 $0xFFFFFFA0, s19;
	s22 =	sand.u32 $0x70, s22;
	s25 =	sand.u32 $0x7F80, s23;
	vm0 =	vlt.u32 v9, v1;
	v5 =	vadd.f32 v8, v5;
	v8 =	vld [tilespmem:s21+$0x10]  }
0x109: {  	v9 =	vmov s24;
	s22 =	sor.u32 s22, s25;
	v7 =	vnsel vm0, $0x0, v7  }
0x10a: {  	s24 =	sadd.s32 $0xFFFFFFB0, s19;
	vm0 =	vlt.u32 v9, v1;
	v5 =	vadd.f32 v7, v5;
	v7 =	vld [tilespmem:s22+$0x4500]  }
0x10b: {  	v9 =	vmov s24;
	v6 =	vnsel vm0, $0x0, v6  }
0x10c: {  	vm0 =	vlt.u32 v9, v1;
	v5 =	vadd.f32 v6, v5;
	v6 =	vld [tilespmem:s21+$0x30]  }
0x10d: {  	v9 =	vmov s23;
	v8 =	vnsel vm0, $0x0, v8  }
0x10e: {  	s22 =	sadd.s32 $0xFFFFFFD0, s19;
	vm0 =	vlt.u32 v9, v1;
	v5 =	vadd.f32 v8, v5;
	v9 =	vld [tilespmem:s21+$0x40]  }
.Ltmp2:
0x10f: {  	v8 =	vmov s22;
	v7 =	vnsel vm0, $0x0, v7;
	(pc) =	sbr.rel @p0 .LBB2_5-.Ltmp2, $4  }
0x110: {  	s22 =	sadd.s32 $0xFFFFFFE0, s19;
	vm0 =	vlt.u32 v8, v1;
	v5 =	vadd.f32 v7, v5;
	v7 =	vld [tilespmem:s21+$0x50]  }
0x111: {  	v10 =	vmov s22;
	v6 =	vnsel vm0, $0x0, v6  }
0x112: {  	s22 =	sadd.s32 $0xFFFFFFF0, s19;
	vm0 =	vlt.u32 v10, v1;
	v8 =	vadd.f32 v6, v5;
	v6 =	vld [tilespmem:s21+$0x60]  }
0x113: {  	v5 =	vmov s22;
	s21 =	sadd.s32 $0xD0, s21;
	v9 =	vnsel vm0, $0x0, v9  }
0x114: {  	v8 =	vadd.f32 v9, v8;
	vm0 =	vlt.u32 v5, v1  }
0x115: {  	v5 =	vnsel vm0, $0x0, v7;
	v7 =	vmov s19  }
0x116: {  	v5 =	vadd.f32 v5, v8;
	vm0 =	vlt.u32 v7, v1  }
0x117: {  	v6 =	vnsel vm0, $0x0, v6  }
0x118: {  	v5 =	vadd.f32 v6, v5;
	_ =	sdelay $0x1  }
0x119: {  	(xrf2) =	vadd.scan.msk.f32 $0xffff, v5;
	_ =	sdelay $0x9  }
0x11a: {  	v5, _, _ =	vpop (xrf2)  }
0x11b: {  	(v2sf) =	vpush v5, $0xF;
	_ =	sdelay $0x4  }
0x11c: {  	v5 =	vld [tilespmem:$0x1FF10];
	_ =	sdelay $0x4  }
0x11d: {  	vm2 =	vnez.u8 v5;
	v5 =	vld [tilespmem:$0x1FF20];
	_ =	sdelay $0x4  }
0x11e: {  	vm3 =	vnez.u8 v5;
	v5 =	vld [tilespmem:$0x1FF30];
	s31 =	spop (v2sf)  }
0x11f: {  	s19 =	scvt.f32.s32 s31;
	_ =	sdelay $0x1  }
0x120: {  	p0 =	sgt.s32 s19, $0x1  }
0x121: {  	s21 =	ssub.s32 $0x221C, s19;
	s19 =	simm.s32 @!p0 $0x1  }
0x122: {  	vm4 =	vnez.u8 v5;
	v5 =	vld [tilespmem:$0x1FF40];
	s20 =	smul.u32 $0x3, s19;
	_ =	sdelay $0x1  }
0x123: {  	p0 =	slt.s32 s21, s20  }
0x124: {  	s24 =	simm.s32 $0x0;
	s20 =	smov.u32 @p0 s21  }
0x125: {  	s22 =	simm.s32 $0x0;
	s25 =	simm.s32 $0x0;
	p0 =	sgt.s32 s20, $0x1  }
0x126: {  	s23 =	ssub.s32 $0x221D, s19;
	vm15 =	vnez.u8 v5;
	s21 =	simm.s32 $0x0;
	s20 =	simm.s32 @!p0 $0x1  }
.LBB2_7:
0x127: {  	[tilespmem:$0x8A80] =	vst v2  }
0x128: {  	[tilespmem:$0x8A90] =	vst v2  }
0x129: {  	[tilespmem:$0x8AA0] =	vst v2  }
0x12a: {  	[tilespmem:$0x8AB0] =	vst v2  }
0x12b: {  	[tilespmem:$0x8AC0] =	vst v2  }
0x12c: {  	[tilespmem:$0x8AD0] =	vst v2  }
0x12d: {  	[tilespmem:$0x8AE0] =	vst v2  }
0x12e: {  	[tilespmem:$0x8AF0] =	vst v2  }
0x12f: {  	[tilespmem:$0x8B00] =	vst v2  }
0x130: {  	[tilespmem:$0x8B10] =	vst v2  }
0x131: {  	[tilespmem:$0x8B20] =	vst v2  }
0x132: {  	[tilespmem:$0x8B30] =	vst v2  }
0x133: {  	[tilespmem:$0x8B40] =	vst v2  }
0x134: {  	[tilespmem:$0x8B50] =	vst v2  }
0x135: {  	[tilespmem:$0x8B60] =	vst v2  }
0x136: {  	[tilespmem:$0x8B70] =	vst v2  }
0x137: {  	[tilespmem:$0x8B80] =	vst v2  }
0x138: {  	[tilespmem:$0x8B90] =	vst v2  }
0x139: {  	[tilespmem:$0x8BA0] =	vst v2  }
0x13a: {  	[tilespmem:$0x8BB0] =	vst v2  }
0x13b: {  	[tilespmem:$0x8BC0] =	vst v2  }
0x13c: {  	[tilespmem:$0x8BD0] =	vst v2  }
0x13d: {  	[tilespmem:$0x8BE0] =	vst v2  }
0x13e: {  	[tilespmem:$0x8BF0] =	vst v2  }
0x13f: {  	[tilespmem:$0x8C00] =	vst v2  }
0x140: {  	[tilespmem:$0x8C10] =	vst v2  }
0x141: {  	[tilespmem:$0x8C20] =	vst v2  }
0x142: {  	[tilespmem:$0x8C30] =	vst v2  }
0x143: {  	[tilespmem:$0x8C40] =	vst v2  }
0x144: {  	s26 =	sshll.u32 s25, $0x2;
	[tilespmem:$0x8C50] =	vst v2  }
0x145: {  	[tilespmem:$0x8C60] =	vst v2;
	v6 =	vmov s24;
	s28 =	ssub.s32 $0x1C, s26  }
0x146: {  	[tilespmem:$0x8C70] =	vst v2;
	v7 =	vmov s22;
	v8 =	vmov s21;
	s29 =	simm.s32 $0xFFFFFFF3;
	s30 =	simm.s32 $0x67E0;
	s31 =	simm.s32 $0x0;
	v5 =	vmov s28  }
.LBB2_8:
0x147: {  	v9 =	vld [tilespmem:s30+$0xFFFFFFA0];
	_ =	sdelay $0x4  }
0x148: {  	v10 =	vshrl.u32 v9, v5  }
0x149: {  	v9 =	vand.u32 v6, v9;
	v10 =	vshll.u32 v10, $0x4  }
0x14a: {  	vm0 =	veq.s32 v9, v7;
	v11 =	vor.u32 v0, v10  }
0x14b: {  	vm1 =	veq.s32 v9, v8;
	v10 =	vand.u32 $0xF0, v10;
	v11 =	vand.u32 $0xFF, v11  }
0x14c: {  	v9 =	vor.u32 v4, v10;
	_ =	sdelay $0x3  }
0x14d: {  	[tilespmem:v11+s15+$0x0] =	vst.idx.add.s32.msk vm0, v3  }
0x14e: {  	[tilespmem:v9+s15+$0x0] =	vst.idx.add.s32.msk vm1, v3  }
0x14f: {  	v9 =	vld [tilespmem:s30+$0xFFFFFFB0];
	_ =	sdelay $0x4  }
0x150: {  	v10 =	vshrl.u32 v9, v5  }
0x151: {  	v9 =	vand.u32 v6, v9;
	v10 =	vshll.u32 v10, $0x4  }
0x152: {  	vm0 =	veq.s32 v9, v7;
	v11 =	vor.u32 v0, v10  }
0x153: {  	vm1 =	veq.s32 v9, v8;
	v10 =	vand.u32 $0xF0, v10;
	v11 =	vand.u32 $0xFF, v11  }
0x154: {  	v9 =	vor.u32 v4, v10;
	_ =	sdelay $0x3  }
0x155: {  	[tilespmem:v11+s15+$0x0] =	vst.idx.add.s32.msk vm0, v3  }
0x156: {  	[tilespmem:v9+s15+$0x0] =	vst.idx.add.s32.msk vm1, v3  }
0x157: {  	v9 =	vld [tilespmem:s30+$0xFFFFFFC0];
	_ =	sdelay $0x4  }
0x158: {  	v10 =	vshrl.u32 v9, v5  }
0x159: {  	v9 =	vand.u32 v6, v9;
	v10 =	vshll.u32 v10, $0x4  }
0x15a: {  	vm0 =	veq.s32 v9, v7;
	v11 =	vor.u32 v0, v10  }
0x15b: {  	vm1 =	veq.s32 v9, v8;
	v10 =	vand.u32 $0xF0, v10;
	v11 =	vand.u32 $0xFF, v11  }
0x15c: {  	v9 =	vor.u32 v4, v10;
	_ =	sdelay $0x3  }
0x15d: {  	[tilespmem:v11+s15+$0x0] =	vst.idx.add.s32.msk vm0, v3  }
0x15e: {  	[tilespmem:v9+s15+$0x0] =	vst.idx.add.s32.msk vm1, v3  }
0x15f: {  	v9 =	vld [tilespmem:s30+$0xFFFFFFD0];
	_ =	sdelay $0x4  }
0x160: {  	v10 =	vshrl.u32 v9, v5  }
0x161: {  	v9 =	vand.u32 v6, v9;
	v10 =	vshll.u32 v10, $0x4  }
0x162: {  	vm0 =	veq.s32 v9, v7;
	v11 =	vor.u32 v0, v10  }
0x163: {  	vm1 =	veq.s32 v9, v8;
	v10 =	vand.u32 $0xF0, v10;
	v11 =	vand.u32 $0xFF, v11  }
0x164: {  	v9 =	vor.u32 v4, v10;
	_ =	sdelay $0x3  }
0x165: {  	[tilespmem:v11+s15+$0x0] =	vst.idx.add.s32.msk vm0, v3  }
0x166: {  	[tilespmem:v9+s15+$0x0] =	vst.idx.add.s32.msk vm1, v3  }
0x167: {  	v9 =	vld [tilespmem:s30+$0xFFFFFFE0];
	_ =	sdelay $0x4  }
0x168: {  	v10 =	vshrl.u32 v9, v5  }
0x169: {  	v9 =	vand.u32 v6, v9;
	v10 =	vshll.u32 v10, $0x4  }
0x16a: {  	vm0 =	veq.s32 v9, v7;
	v11 =	vor.u32 v0, v10  }
0x16b: {  	vm1 =	veq.s32 v9, v8;
	v10 =	vand.u32 $0xF0, v10;
	v11 =	vand.u32 $0xFF, v11  }
0x16c: {  	v9 =	vor.u32 v4, v10;
	_ =	sdelay $0x3  }
0x16d: {  	[tilespmem:v11+s15+$0x0] =	vst.idx.add.s32.msk vm0, v3  }
0x16e: {  	[tilespmem:v9+s15+$0x0] =	vst.idx.add.s32.msk vm1, v3  }
0x16f: {  	v9 =	vld [tilespmem:s30+$0xFFFFFFF0];
	_ =	sdelay $0x4  }
0x170: {  	v10 =	vshrl.u32 v9, v5  }
0x171: {  	v9 =	vand.u32 v6, v9;
	v10 =	vshll.u32 v10, $0x4  }
0x172: {  	vm0 =	veq.s32 v9, v7;
	v11 =	vor.u32 v0, v10  }
0x173: {  	vm1 =	veq.s32 v9, v8;
	v10 =	vand.u32 $0xF0, v10;
	v11 =	vand.u32 $0xFF, v11  }
0x174: {  	v9 =	vor.u32 v4, v10;
	_ =	sdelay $0x3  }
0x175: {  	[tilespmem:v11+s15+$0x0] =	vst.idx.add.s32.msk vm0, v3  }
0x176: {  	[tilespmem:v9+s15+$0x0] =	vst.idx.add.s32.msk vm1, v3  }
0x177: {  	v9 =	vld [tilespmem:s30+$0x0];
	_ =	sdelay $0x4  }
0x178: {  	v10 =	vshrl.u32 v9, v5  }
0x179: {  	v9 =	vand.u32 v6, v9;
	v10 =	vshll.u32 v10, $0x4  }
0x17a: {  	vm0 =	veq.s32 v9, v7;
	v11 =	vor.u32 v0, v10  }
0x17b: {  	vm1 =	veq.s32 v9, v8;
	v10 =	vand.u32 $0xF0, v10;
	v11 =	vand.u32 $0xFF, v11  }
0x17c: {  	v9 =	vor.u32 v4, v10;
	_ =	sdelay $0x3  }
0x17d: {  	[tilespmem:v11+s15+$0x0] =	vst.idx.add.s32.msk vm0, v3  }
0x17e: {  	[tilespmem:v9+s15+$0x0] =	vst.idx.add.s32.msk vm1, v3  }
0x17f: {  	v9 =	vld [tilespmem:s30+$0x10];
	_ =	sdelay $0x4  }
0x180: {  	v10 =	vshrl.u32 v9, v5  }
0x181: {  	v9 =	vand.u32 v6, v9;
	v10 =	vshll.u32 v10, $0x4  }
0x182: {  	vm0 =	veq.s32 v9, v7;
	v11 =	vor.u32 v0, v10  }
0x183: {  	vm1 =	veq.s32 v9, v8;
	v10 =	vand.u32 $0xF0, v10;
	v11 =	vand.u32 $0xFF, v11  }
0x184: {  	v9 =	vor.u32 v4, v10;
	_ =	sdelay $0x3  }
0x185: {  	[tilespmem:v11+s15+$0x0] =	vst.idx.add.s32.msk vm0, v3  }
0x186: {  	s0 =	sand.u32 $0x3FF0, s31;
	[tilespmem:v9+s15+$0x0] =	vst.idx.add.s32.msk vm1, v3  }
0x187: {  	v9 =	vld [tilespmem:s0+$0x6800];
	_ =	sdelay $0x4  }
0x188: {  	v10 =	vshrl.u32 v9, v5  }
0x189: {  	v9 =	vand.u32 v6, v9;
	v10 =	vshll.u32 v10, $0x4  }
0x18a: {  	vm0 =	veq.s32 v9, v7;
	v11 =	vor.u32 v0, v10  }
0x18b: {  	vm1 =	veq.s32 v9, v8;
	v10 =	vand.u32 $0xF0, v10;
	v11 =	vand.u32 $0xFF, v11  }
0x18c: {  	v9 =	vor.u32 v4, v10;
	_ =	sdelay $0x3  }
0x18d: {  	[tilespmem:v11+s15+$0x0] =	vst.idx.add.s32.msk vm0, v3  }
0x18e: {  	[tilespmem:v9+s15+$0x0] =	vst.idx.add.s32.msk vm1, v3  }
0x18f: {  	v9 =	vld [tilespmem:s30+$0x30];
	_ =	sdelay $0x4  }
0x190: {  	v10 =	vshrl.u32 v9, v5  }
0x191: {  	v9 =	vand.u32 v6, v9;
	v10 =	vshll.u32 v10, $0x4  }
0x192: {  	vm0 =	veq.s32 v9, v7;
	v11 =	vor.u32 v0, v10  }
0x193: {  	vm1 =	veq.s32 v9, v8;
	v10 =	vand.u32 $0xF0, v10;
	v11 =	vand.u32 $0xFF, v11  }
0x194: {  	v9 =	vor.u32 v4, v10;
	_ =	sdelay $0x3  }
0x195: {  	[tilespmem:v11+s15+$0x0] =	vst.idx.add.s32.msk vm0, v3  }
0x196: {  	[tilespmem:v9+s15+$0x0] =	vst.idx.add.s32.msk vm1, v3  }
0x197: {  	v9 =	vld [tilespmem:s30+$0x40];
	_ =	sdelay $0x4  }
0x198: {  	v10 =	vshrl.u32 v9, v5  }
0x199: {  	v9 =	vand.u32 v6, v9;
	v10 =	vshll.u32 v10, $0x4  }
0x19a: {  	vm0 =	veq.s32 v9, v7;
	v11 =	vor.u32 v0, v10  }
0x19b: {  	vm1 =	veq.s32 v9, v8;
	v10 =	vand.u32 $0xF0, v10;
	v11 =	vand.u32 $0xFF, v11  }
0x19c: {  	v9 =	vor.u32 v4, v10;
	_ =	sdelay $0x3  }
0x19d: {  	[tilespmem:v11+s15+$0x0] =	vst.idx.add.s32.msk vm0, v3  }
0x19e: {  	[tilespmem:v9+s15+$0x0] =	vst.idx.add.s32.msk vm1, v3  }
0x19f: {  	v9 =	vld [tilespmem:s30+$0x50];
	_ =	sdelay $0x4  }
0x1a0: {  	v10 =	vshrl.u32 v9, v5  }
0x1a1: {  	v9 =	vand.u32 v6, v9;
	v10 =	vshll.u32 v10, $0x4  }
0x1a2: {  	vm0 =	veq.s32 v9, v7;
	v11 =	vor.u32 v0, v10  }
0x1a3: {  	vm1 =	veq.s32 v9, v8;
	v10 =	vand.u32 $0xF0, v10;
	v11 =	vand.u32 $0xFF, v11  }
0x1a4: {  	v9 =	vor.u32 v4, v10;
	_ =	sdelay $0x3  }
0x1a5: {  	[tilespmem:v11+s15+$0x0] =	vst.idx.add.s32.msk vm0, v3  }
0x1a6: {  	[tilespmem:v9+s15+$0x0] =	vst.idx.add.s32.msk vm1, v3  }
0x1a7: {  	v9 =	vld [tilespmem:s30+$0x60];
	_ =	sdelay $0x4  }
0x1a8: {  	v10 =	vshrl.u32 v9, v5  }
0x1a9: {  	v9 =	vand.u32 v6, v9;
	v10 =	vshll.u32 v10, $0x4  }
0x1aa: {  	vm0 =	veq.s32 v9, v7;
	v11 =	vor.u32 v0, v10  }
0x1ab: {  	s29 =	sadd.s32 $0xD, s29;
	vm1 =	veq.s32 v9, v8;
	v10 =	vand.u32 $0xF0, v10;
	v11 =	vand.u32 $0xFF, v11  }
0x1ac: {  	p0 =	slt.u32 s29, $0x215;
	v9 =	vor.u32 v4, v10  }
.Ltmp3:
0x1ad: {  	_ = 	snop;
	(pc) =	sbr.rel @p0 .LBB2_8-.Ltmp3, $3  }
0x1ae: {  	_ =	sdelay $0x1  }
0x1af: {  	[tilespmem:v11+s15+$0x0] =	vst.idx.add.s32.msk vm0, v3  }
0x1b0: {  	s31 =	sadd.s32 $0xD0, s31;
	s30 =	sadd.s32 $0xD0, s30;
	[tilespmem:v9+s15+$0x0] =	vst.idx.add.s32.msk vm1, v3  }
0x1b1: {  	v5 =	vld [tilespmem:$0x8A80]  }
0x1b2: {  	v6 =	vld [tilespmem:$0x8A90]  }
0x1b3: {  	v7 =	vld [tilespmem:$0x8AA0]  }
0x1b4: {  	v8 =	vld [tilespmem:$0x8AB0]  }
0x1b5: {  	v9 =	vld [tilespmem:$0x8AC0]  }
0x1b6: {  	(xrf0) =	vadd.scan.msk.s32 $0xffff, v5;
	v5 =	vld [tilespmem:$0x8AD0]  }
0x1b7: {  	(xrf0) =	vadd.scan.msk.s32 $0xffff, v6;
	v6 =	vld [tilespmem:$0x8AE0]  }
0x1b8: {  	(xrf0) =	vadd.scan.msk.s32 $0xffff, v7;
	v7 =	vld [tilespmem:$0x8AF0]  }
0x1b9: {  	v21 =	vld [tilespmem:$0x8B00];
	(xrf0) =	vadd.scan.msk.s32 $0xffff, v8  }
0x1ba: {  	v22 =	vld [tilespmem:$0x8B10];
	(xrf0) =	vadd.scan.msk.s32 $0xffff, v9  }
0x1bb: {  	(xrf0) =	vadd.scan.msk.s32 $0xffff, v5;
	v5 =	vld [tilespmem:$0x8B20]  }
0x1bc: {  	v10, _, _ =	vpop (xrf0);
	(xrf0) =	vadd.scan.msk.s32 $0xffff, v6;
	v6 =	vld [tilespmem:$0x8B30]  }
0x1bd: {  	v11, _, _ =	vpop (xrf0);
	(xrf0) =	vadd.scan.msk.s32 $0xffff, v7;
	v7 =	vld [tilespmem:$0x8B40]  }
0x1be: {  	v23 =	vld [tilespmem:$0x8B50];
	v10 =	vbroadcast v10, $0xF;
	v11 =	vbroadcast v11, $0xF;
	v12, _, _ =	vpop (xrf0);
	(xrf0) =	vadd.scan.msk.s32 $0xffff, v21  }
0x1bf: {  	v24 =	vld [tilespmem:$0x8B60];
	v12 =	vbroadcast v12, $0xF;
	v13, _, _ =	vpop (xrf0);
	(xrf0) =	vadd.scan.msk.s32 $0xffff, v22  }
0x1c0: {  	v10 =	vsel vm5, v10, v11;
	v25 =	vbroadcast v13, $0xF;
	v26, _, _ =	vpop (xrf0);
	(xrf0) =	vadd.scan.msk.s32 $0xffff, v5  }
0x1c1: {  	v5 =	vsel vm6, v10, v12;
	v27 =	vbroadcast v26, $0xF;
	v28, _, _ =	vpop (xrf0);
	(xrf0) =	vadd.scan.msk.s32 $0xffff, v6  }
0x1c2: {  	v5 =	vsel vm7, v5, v25;
	v6 =	vbroadcast v28, $0xF;
	v29, _, _ =	vpop (xrf0);
	(xrf0) =	vadd.scan.msk.s32 $0xffff, v7  }
0x1c3: {  	v7 =	vld [tilespmem:$0x8B70];
	v5 =	vsel vm8, v5, v27;
	v30 =	vbroadcast v29, $0xF;
	v31, _, _ =	vpop (xrf0);
	(xrf0) =	vadd.scan.msk.s32 $0xffff, v23  }
0x1c4: {  	v5 =	vsel vm9, v5, v6;
	v6 =	vbroadcast v31, $0xF;
	v32, _, _ =	vpop (xrf0);
	(xrf0) =	vadd.scan.msk.s32 $0xffff, v24  }
0x1c5: {  	v5 =	vsel vm10, v5, v30;
	v8 =	vbroadcast v32, $0xF;
	v33, _, _ =	vpop (xrf0)  }
0x1c6: {  	v5 =	vsel vm11, v5, v6;
	v6 =	vbroadcast v33, $0xF;
	v34, _, _ =	vpop (xrf0)  }
0x1c7: {  	v5 =	vsel vm12, v5, v8;
	v35 =	vbroadcast v34, $0xF;
	v36, _, _ =	vpop (xrf0)  }
0x1c8: {  	(xrf0) =	vadd.scan.msk.s32 $0xffff, v7;
	v5 =	vsel vm13, v5, v6;
	v6 =	vbroadcast v36, $0xF;
	v7, _, _ =	vpop (xrf0)  }
0x1c9: {  	v5 =	vsel vm14, v5, v35;
	v7 =	vbroadcast v7, $0xF;
	v37, _, _ =	vpop (xrf0)  }
0x1ca: {  	v5 =	vsel vm2, v5, v6;
	v6 =	vbroadcast v37, $0xF;
	v38, _, _ =	vpop (xrf0)  }
0x1cb: {  	v5 =	vsel vm3, v5, v7;
	v7 =	vbroadcast v38, $0xF  }
0x1cc: {  	v5 =	vsel vm4, v5, v6  }
0x1cd: {  	v5 =	vsel vm15, v5, v7;
	v7 =	vld [tilespmem:$0x1FF50];
	_ =	sdelay $0x4  }
0x1ce: {  	v6, _, _ =	vpop (xrf0);
	vm1 =	vnez.u8 v7  }
0x1cf: {  	v5 =	vsel vm1, v5, v6  }
0x1d0: {  	(xrf0) =	vadd.scan.msk.s32 $0xffff, v5;
	_ =	sdelay $0x5  }
0x1d1: {  	v6, _, _ =	vpop (xrf0)  }
0x1d2: {  	vm0 =	vge.s32 v6, s20  }
0x1d3: {  	v7 =	vmctz.xlane vm0;
	_ =	sdelay $0x1  }
0x1d4: {  	v7 =	vxor.u32 $0x80000000, v7  }
0x1d5: {  	(xrf0) =	vmax.scan.msk.u32 $0xffff, v7;
	_ =	sdelay $0x5  }
0x1d6: {  	v7, _, _ =	vpop (xrf0)  }
0x1d7: {  	(v2sf) =	vpush v7, $0xF;
	_ =	sdelay $0xe  }
0x1d8: {  	s0 =	spop (v2sf)  }
0x1d9: {  	v7 =	vld [tilespmem:$0x8B80];
	s29 =	sxor.u32 $0x80000000, s0  }
0x1da: {  	v40 =	vld [tilespmem:$0x8B90];
	v39 =	vmov s29  }
0x1db: {  	v5 =	vsub.s32 v6, v5;
	v6 =	vld [tilespmem:$0x8BA0];
	vm0 =	veq.s32 v39, v0  }
0x1dc: {  	v41 =	vld [tilespmem:$0x8BB0];
	v5 =	vnsel vm0, $0x0, v5  }
0x1dd: {  	(xrf0) =	vadd.scan.msk.s32 $0xffff, v5;
	v5 =	vld [tilespmem:$0x8BC0]  }
0x1de: {  	(xrf0) =	vadd.scan.msk.s32 $0xffff, v7;
	v7 =	vld [tilespmem:$0x8BD0]  }
0x1df: {  	v42 =	vld [tilespmem:$0x8BE0];
	(xrf0) =	vadd.scan.msk.s32 $0xffff, v40  }
0x1e0: {  	(xrf0) =	vadd.scan.msk.s32 $0xffff, v6;
	v6 =	vld [tilespmem:$0x8BF0]  }
0x1e1: {  	v43 =	vld [tilespmem:$0x8C00];
	(xrf0) =	vadd.scan.msk.s32 $0xffff, v41  }
0x1e2: {  	(xrf0) =	vadd.scan.msk.s32 $0xffff, v5;
	v5 =	vld [tilespmem:$0x8C10]  }
0x1e3: {  	v44, _, _ =	vpop (xrf0);
	(xrf0) =	vadd.scan.msk.s32 $0xffff, v7;
	v7 =	vld [tilespmem:$0x8C20]  }
0x1e4: {  	v46 =	vld [tilespmem:$0x8C30];
	v45, _, _ =	vpop (xrf0);
	(xrf0) =	vadd.scan.msk.s32 $0xffff, v42  }
0x1e5: {  	v47, _, _ =	vpop (xrf0);
	(xrf0) =	vadd.scan.msk.s32 $0xffff, v6;
	v6 =	vld [tilespmem:$0x8C40]  }
0x1e6: {  	v49 =	vld [tilespmem:$0x8C50];
	v11 =	vbroadcast v45, $0xF;
	v12 =	vbroadcast v47, $0xF;
	v48, _, _ =	vpop (xrf0);
	(xrf0) =	vadd.scan.msk.s32 $0xffff, v43  }
0x1e7: {  	v13 =	vbroadcast v48, $0xF;
	v14, _, _ =	vpop (xrf0);
	(xrf0) =	vadd.scan.msk.s32 $0xffff, v5;
	v5 =	vld [tilespmem:$0x8C60]  }
0x1e8: {  	v11 =	vsel vm5, v11, v12;
	v50, _, _ =	vpop (xrf0);
	(xrf0) =	vadd.scan.msk.s32 $0xffff, v7;
	v7 =	vbroadcast v14, $0xF  }
0x1e9: {  	v11 =	vsel vm6, v11, v13;
	v51, _, _ =	vpop (xrf0);
	(xrf0) =	vadd.scan.msk.s32 $0xffff, v46;
	v52 =	vbroadcast v50, $0xF  }
0x1ea: {  	v7 =	vsel vm7, v11, v7;
	v53 =	vbroadcast v51, $0xF;
	v54, _, _ =	vpop (xrf0);
	(xrf0) =	vadd.scan.msk.s32 $0xffff, v6  }
0x1eb: {  	v6 =	vld [tilespmem:$0x8C70];
	v7 =	vsel vm8, v7, v52;
	v55, _, _ =	vpop (xrf0);
	(xrf0) =	vadd.scan.msk.s32 $0xffff, v49;
	v56 =	vbroadcast v54, $0xF  }
0x1ec: {  	v7 =	vsel vm9, v7, v53;
	v9 =	vbroadcast v55, $0xF;
	v57, _, _ =	vpop (xrf0);
	(xrf0) =	vadd.scan.msk.s32 $0xffff, v5  }
0x1ed: {  	v5, _, _ =	vpop (xrf0);
	v7 =	vsel vm10, v7, v56;
	v58 =	vbroadcast v57, $0xF  }
0x1ee: {  	v59, _, _ =	vpop (xrf0);
	v7 =	vsel vm11, v7, v9;
	v5 =	vbroadcast v5, $0xF  }
0x1ef: {  	v7 =	vsel vm12, v7, v58;
	v60 =	vbroadcast v59, $0xF;
	v61, _, _ =	vpop (xrf0)  }
0x1f0: {  	(xrf0) =	vadd.scan.msk.s32 $0xffff, v6;
	v6, _, _ =	vpop (xrf0);
	v5 =	vsel vm13, v7, v5;
	v7 =	vbroadcast v61, $0xF  }
0x1f1: {  	v62, _, _ =	vpop (xrf0);
	v5 =	vsel vm14, v5, v60;
	v6 =	vbroadcast v6, $0xF  }
0x1f2: {  	v63, _, _ =	vpop (xrf0);
	v5 =	vsel vm2, v5, v7  }
0x1f3: {  	v5 =	vsel vm3, v5, v6;
	v6 =	vbroadcast v63, $0xF  }
0x1f4: {  	v7 =	vbroadcast v62, $0xF;
	_ =	sdelay $0x1  }
0x1f5: {  	v5 =	vsel vm4, v5, v7  }
0x1f6: {  	v5 =	vsel vm15, v5, v6;
	v6, _, _ =	vpop (xrf0)  }
0x1f7: {  	v5 =	vsel vm1, v5, v6  }
0x1f8: {  	(xrf0) =	vadd.scan.msk.s32 $0xffff, v5;
	_ =	sdelay $0x5  }
0x1f9: {  	v6, _, _ =	vpop (xrf0)  }
0x1fa: {  	vm0 =	vge.s32 v6, s23  }
0x1fb: {  	v7 =	vmctz.xlane vm0;
	_ =	sdelay $0x1  }
0x1fc: {  	v7 =	vxor.u32 $0x80000000, v7  }
0x1fd: {  	(xrf0) =	vmax.scan.msk.u32 $0xffff, v7;
	_ =	sdelay $0x5  }
0x1fe: {  	(v2sf) =	vpush v44, $0xF;
	v7, _, _ =	vpop (xrf0)  }
0x1ff: {  	(v2sf) =	vpush v7, $0xF;
	_ =	sdelay $0xd  }
0x200: {  	s0 =	spop (v2sf)  }
0x201: {  	s30 =	spop (v2sf)  }
0x202: {  	s30 =	sxor.u32 $0x80000000, s30  }
0x203: {  	v7 =	vmov s30  }
0x204: {  	v5 =	vsub.s32 v6, v5;
	vm0 =	veq.s32 v7, v0  }
0x205: {  	v5 =	vnsel vm0, $0x0, v5  }
0x206: {  	(xrf0) =	vadd.scan.msk.s32 $0xffff, v5;
	_ =	sdelay $0x5  }
0x207: {  	v5, _, _ =	vpop (xrf0)  }
0x208: {  	(v2sf) =	vpush v5, $0xF;
	_ =	sdelay $0x9  }
0x209: {  	s25 =	sadd.s32 $0x1, s25  }
0x20a: {  	p0 =	sne.s32 s25, $0x8  }
.Ltmp4:
0x20b: {  	_ = 	snop;
	(pc) =	sbr.rel @p0 .LBB2_7-.Ltmp4, $4  }
0x20c: {  	s26 =	sshrl.u32 s16, s26  }
0x20d: {  	s24 =	sor.u32 s26, s24;
	s29 =	sshll.u32 s29, s28  }
0x20e: {  	s22 =	sor.u32 s22, s29;
	s30 =	sshll.u32 s30, s28;
	s31 =	spop (v2sf)  }
0x20f: {  	s20 =	ssub.s32 s20, s0;
	s21 =	sor.u32 s21, s30;
	s23 =	ssub.s32 s23, s31  }
0x210: {  	v6 =	vld [tilespmem:$0x8A00];
	s25 =	simm.s32 $0x67E0  }
0x211: {  	s20 =	simm.s32 $0x60;
	v8 =	vld [tilespmem:s25+$0x60]  }
0x212: {  	v10 =	vld [tilespmem:s20+$0x60]  }
0x213: {  	v9 =	vld [tilespmem:s25+$0x50]  }
0x214: {  	v11 =	vld [tilespmem:s20+$0x50]  }
0x215: {  	v12 =	vld [tilespmem:s25+$0x40]  }
0x216: {  	s0 =	sxor.u32 $0x80000000, s22;
	v13 =	vld [tilespmem:s20+$0x40]  }
0x217: {  	s21 =	sxor.u32 $0x80000000, s21;
	s29 =	simm.s32 $0xB0;
	v17 =	vimm.f32 $0.0e+00;
	s24 =	simm.s32 $0xA0;
	v14 =	vld [tilespmem:s25+$0x30];
	v7 =	vmov s0  }
0x218: {  	s31 =	simm.s32 $0x60;
	s26 =	simm.s32 $0x70;
	s23 =	simm.s32 $0x80;
	v15 =	vld [tilespmem:s20+$0x30];
	v5 =	vmov s21;
	v20 =	vmov s29;
	v21 =	vmov s24  }
0x219: {  	s22 =	simm.s32 $0x30;
	s28 =	simm.s32 $0x40;
	s21 =	simm.s32 $0xC0;
	v22 =	vld [tilespmem:s25+$0xFFFFFFC0];
	v23 =	vmov s31;
	v24 =	vmov s26;
	v25 =	vmov s23  }
0x21a: {  	s29 =	simm.s32 $0x50;
	v26 =	vld [tilespmem:s20+$0xFFFFFFA0];
	s24 =	simm.s32 $0x0;
	s31 =	simm.s32 $0x20;
	v27 =	vmov s22;
	v28 =	vmov s28;
	v19 =	vmov s21  }
0x21b: {  	v30 =	vld [tilespmem:s25+$0xFFFFFFA0];
	v29 =	vmov s29;
	v31 =	vmov s24;
	v33 =	vmov s31  }
0x21c: {  	v34 =	vld [tilespmem:s25+$0xFFFFFFB0];
	vm11 =	vlt.u32 v21, v1;
	vm10 =	vlt.u32 v20, v1;
	vm14 =	vlt.u32 v23, v1  }
0x21d: {  	s30 =	simm.s32 $0x90;
	v16 =	vld [tilespmem:s25+$0x10];
	vm9 =	vlt.u32 v24, v1;
	vm13 =	vlt.u32 v25, v1;
	vm2 =	vlt.u32 v27, v1  }
0x21e: {  	v18 =	vld [tilespmem:s20+$0x10];
	vm0 =	vlt.u32 v28, v1;
	vm7 =	vlt.u32 v19, v1;
	v19 =	vmov s30;
	s30 =	simm.s32 $0x10  }
0x21f: {  	v20 =	vld [tilespmem:s25+$0x0];
	vm1 =	vlt.u32 v31, v1;
	v32 =	vmov s30;
	vm12 =	vlt.u32 v19, v1  }
0x220: {  	v21 =	vld [tilespmem:s20+$0x0];
	vm5 =	vlt.u32 v32, v1;
	v23 =	vand.u32 $0x7FFFFFFF, v26;
	v25 =	vxor.u32 $0x80000000, v30  }
0x221: {  	s22 =	simm.s32 $0x22E0;
	v24 =	vld [tilespmem:s25+$0xFFFFFFF0];
	v27 =	vxor.u32 $0x80000000, v34;
	v22 =	vxor.u32 $0x80000000, v22;
	v9 =	vxor.u32 $0x80000000, v9  }
0x222: {  	v19 =	vld [tilespmem:s22+$0xFFFFFFA0];
	v8 =	vxor.u32 $0x80000000, v8;
	v61 =	vand.u32 $0x7FFFFFFF, v10;
	v10 =	vxor.u32 $0x80000000, v12  }
0x223: {  	v28 =	vld [tilespmem:s20+$0xFFFFFFC0];
	v13 =	vand.u32 $0x7FFFFFFF, v13;
	v62 =	vand.u32 $0x7FFFFFFF, v11;
	v16 =	vxor.u32 $0x80000000, v16  }
0x224: {  	v26 =	vld [tilespmem:s20+$0xFFFFFFF0];
	v11 =	vxor.u32 $0x80000000, v14;
	vm3 =	vlt.s32 v25, v7;
	vm4 =	vgt.s32 v25, v5  }
0x225: {  	v12 =	vld [tilespmem:s22+$0xFFFFFFB0];
	v63 =	vand.u32 $0x7FFFFFFF, v15;
	v23 =	vmul.f32 v23, v6;
	vm3 =	vmor vm3, vm4  }
0x226: {  	v14 =	vld [tilespmem:s22+$0xFFFFFFC0];
	vm4 =	vgt.s32 v27, v5;
	vm1 =	vmand vm1, vm3;
	vm3 =	vlt.s32 v27, v7  }
0x227: {  	v18 =	vand.u32 $0x7FFFFFFF, v18;
	v25 =	vld [tilespmem:s25+$0xFFFFFFE0];
	v19 =	vadd.f32 v23, v19;
	vm3 =	vmor vm3, vm4  }
0x228: {  	vm4 =	vlt.s32 v22, v7;
	vm3 =	vmand vm5, vm3;
	vm5 =	vgt.s32 v22, v5;
	v22 =	vld [tilespmem:s20+$0xFFFFFFB0]  }
0x229: {  	v15 =	vxor.u32 $0x80000000, v20;
	v19 =	vnsel vm1, $0x0, v19;
	vm1 =	vlt.u32 v29, v1;
	v29 =	vld [tilespmem:s20+$0xFFFFFFD0]  }
0x22a: {  	v20 =	vand.u32 $0x7FFFFFFF, v21;
	v24 =	vxor.u32 $0x80000000, v24;
	vm8 =	vlt.s32 v10, v7;
	v23 =	vld [tilespmem:s20+$0xFFFFFFE0]  }
0x22b: {  	v20 =	vmul.f32 v20, v6;
	v27 =	vld [tilespmem:s25+$0xFFFFFFD0];
	v26 =	vand.u32 $0x7FFFFFFF, v26;
	vm4 =	vmor vm4, vm5  }
0x22c: {  	vm5 =	vlt.u32 v33, v1;
	v21 =	vxor.u32 $0x80000000, v25;
	v25 =	vand.u32 $0x7FFFFFFF, v28  }
0x22d: {  	v17 =	vadd.f32 v19, v17;
	v25 =	vmul.f32 v25, v6;
	v22 =	vand.u32 $0x7FFFFFFF, v22  }
0x22e: {  	v26 =	vmul.f32 v26, v6;
	v28 =	vand.u32 $0x7FFFFFFF, v29;
	v29 =	vld [tilespmem:s22+$0xFFFFFFD0];
	v22 =	vmul.f32 v22, v6  }
0x22f: {  	vm4 =	vmand vm5, vm4;
	vm6 =	vlt.s32 v21, v7;
	v14 =	vadd.f32 v25, v14  }
0x230: {  	v27 =	vxor.u32 $0x80000000, v27;
	v23 =	vand.u32 $0x7FFFFFFF, v23;
	v12 =	vadd.f32 v22, v12  }
0x231: {  	vm5 =	vlt.s32 v27, v7;
	v14 =	vnsel vm4, $0x0, v14;
	v22 =	vmul.f32 v28, v6  }
0x232: {  	vm4 =	vlt.s32 v16, v7;
	v12 =	vnsel vm3, $0x0, v12;
	vm3 =	vgt.s32 v27, v5  }
0x233: {  	v25 =	vld [tilespmem:s22+$0xFFFFFFE0];
	vm3 =	vmor vm5, vm3;
	vm5 =	vgt.s32 v16, v5;
	v16 =	vadd.f32 v22, v29  }
0x234: {  	v17 =	vadd.f32 v12, v17;
	v12 =	vmul.f32 v61, v6;
	vm3 =	vmand vm2, vm3  }
0x235: {  	s31 =	sand.u32 $0x70, s24;
	s30 =	sand.u32 $0x7F80, s23;
	vm2 =	vmor vm4, vm5;
	vm4 =	vgt.s32 v21, v5;
	v21 =	vmul.f32 v23, v6  }
0x236: {  	s0 =	sor.u32 s31, s30;
	v22 =	vld [tilespmem:s22+$0x0];
	vm5 =	vgt.s32 v15, v5;
	v16 =	vnsel vm3, $0x0, v16;
	vm3 =	vlt.s32 v15, v7  }
0x237: {  	v23 =	vld [tilespmem:s0+$0x6780];
	vm4 =	vmor vm6, vm4;
	vm6 =	vlt.s32 v24, v7;
	v17 =	vadd.f32 v14, v17  }
0x238: {  	v14 =	vmul.f32 v13, v6;
	v13 =	vmul.f32 v62, v6;
	v19 =	vadd.f32 v21, v25;
	v25 =	vld [tilespmem:s22+$0xFFFFFFF0]  }
0x239: {  	v15 =	vld [tilespmem:s22+$0x60];
	vm4 =	vmand vm0, vm4;
	vm0 =	vmor vm3, vm5;
	vm3 =	vgt.s32 v24, v5  }
0x23a: {  	vm5 =	vlt.s32 v9, v7;
	v21 =	vld [tilespmem:s22+$0x10];
	vm3 =	vmor vm6, vm3;
	v17 =	vadd.f32 v16, v17  }
0x23b: {  	v24 =	vld [tilespmem:s0+$0x0];
	v16 =	vmul.f32 v63, v6;
	v28 =	vnsel vm4, $0x0, v19;
	vm4 =	vlt.s32 v8, v7  }
0x23c: {  	vm3 =	vmand vm1, vm3;
	vm1 =	vmand vm9, vm2;
	v19 =	vmul.f32 v18, v6;
	v18 =	vld [tilespmem:s22+$0x50]  }
0x23d: {  	s24 =	simm.s32 $0x68B0;
	s23 =	simm.s32 $0x0;
	vm9 =	vlt.s32 v11, v7;
	v27 =	vadd.f32 v26, v25;
	v26 =	vadd.f32 v28, v17;
	v25 =	vld [tilespmem:s0+$0x2280]  }
.LBB2_11:
0x23e: {  	_ =	sdelay $0x1  }
0x23f: {  	vm0 =	vmand vm14, vm0  }
0x240: {  	v27 =	vnsel vm3, $0x0, v27;
	v20 =	vadd.f32 v20, v22;
	v19 =	vadd.f32 v19, v21  }
0x241: {  	v21 =	vadd.f32 v27, v26;
	v22 =	vand.u32 $0x7FFFFFFF, v24;
	v24 =	vld [tilespmem:s22+$0x30];
	v23 =	vxor.u32 $0x80000000, v23  }
0x242: {  	v13 =	vadd.f32 v13, v18;
	v22 =	vmul.f32 v22, v6;
	v20 =	vnsel vm0, $0x0, v20  }
0x243: {  	vm2 =	vgt.s32 v23, v5;
	vm0 =	vlt.s32 v23, v7;
	v20 =	vadd.f32 v20, v21;
	v21 =	vld [tilespmem:s22+$0x40]  }
0x244: {  	v19 =	vnsel vm1, $0x0, v19;
	vm0 =	vmor vm0, vm2;
	v22 =	vadd.f32 v22, v25  }
0x245: {  	vm1 =	vgt.s32 v11, v5;
	vm0 =	vmand vm13, vm0;
	v19 =	vadd.f32 v19, v20  }
0x246: {  	v20 =	vnsel vm0, $0x0, v22;
	vm0 =	vmor vm9, vm1;
	v16 =	vadd.f32 v16, v24  }
0x247: {  	vm1 =	vgt.s32 v10, v5;
	vm0 =	vmand vm12, vm0;
	v19 =	vadd.f32 v20, v19  }
0x248: {  	s21 =	sadd.s32 $0xD0, s21;
	v10 =	vnsel vm0, $0x0, v16;
	vm0 =	vmor vm8, vm1;
	v14 =	vadd.f32 v14, v21  }
0x249: {  	s28 =	sadd.s32 $0xFFFFFFE0, s21;
	vm1 =	vgt.s32 v9, v5;
	vm0 =	vmand vm11, vm0;
	v10 =	vadd.f32 v10, v19  }
0x24a: {  	v27 =	vmov s28;
	v9 =	vnsel vm0, $0x0, v14;
	vm0 =	vmor vm5, vm1  }
0x24b: {  	vm1 =	vgt.s32 v8, v5;
	v9 =	vadd.f32 v9, v10;
	vm0 =	vmand vm10, vm0  }
0x24c: {  	s26 =	sadd.s32 $0xFFFFFFD0, s21;
	v10 =	vadd.f32 v12, v15;
	v8 =	vnsel vm0, $0x0, v13;
	vm0 =	vmor vm4, vm1  }
0x24d: {  	v24 =	vmov s26;
	v8 =	vadd.f32 v8, v9;
	vm0 =	vmand vm7, vm0  }
0x24e: {  	s0 =	sadd.s32 $0xFFFFFFF0, s21;
	v10 =	vnsel vm0, $0x0, v10;
	vm0 =	vlt.u32 v24, v1;
	v24 =	vimm.s32 $0x0  }
0x24f: {  	v9 =	vmov s0;
	s0 =	sadd.s32 $0xFFFFFFA0, s21;
	v15 =	vadd.f32 v10, v8;
	v24 =	vsel vm0, $0xFFFFFFFF, v24  }
0x250: {  	v8 =	vmov s0;
	vm0 =	vlt.u32 v27, v1;
	[tilespmem:$0x1FE30] =	vst v24;
	v24 =	vimm.s32 $0x0  }
0x251: {  	v24 =	vsel vm0, $0xFFFFFFFF, v24;
	vm0 =	vlt.u32 v9, v1;
	v9 =	vimm.s32 $0x0  }
0x252: {  	s29 =	sadd.s32 $0xFFFFFFB0, s21;
	v9 =	vsel vm0, $0xFFFFFFFF, v9;
	vm0 =	vlt.u32 v8, v1;
	v8 =	vimm.s32 $0x0  }
0x253: {  	v10 =	vmov s29;
	v8 =	vsel vm0, $0xFFFFFFFF, v8  }
0x254: {  	s25 =	sadd.s32 $0xFFFFFFC0, s21;
	vm0 =	vlt.u32 v10, v1;
	[tilespmem:$0x1FDE0] =	vst v8;
	v8 =	vimm.s32 $0x0  }
0x255: {  	v29 =	vmov s25;
	v8 =	vsel vm0, $0xFFFFFFFF, v8  }
0x256: {  	s30 =	sadd.s32 $0xFFFFFF80, s21;
	s28 =	sadd.s32 $0xFFFFFF70, s21;
	v23 =	vld [tilespmem:s24+$0x50];
	vm0 =	vlt.u32 v29, v1;
	[tilespmem:$0x1FE90] =	vst v8;
	v8 =	vimm.s32 $0x0  }
0x257: {  	v31 =	vmov s30;
	v30 =	vmov s28;
	v11 =	vld [tilespmem:s24+$0x40];
	v8 =	vsel vm0, $0xFFFFFFFF, v8  }
0x258: {  	s20 =	sadd.s32 $0xD0, s20;
	s31 =	sadd.s32 $0xFFFFFF90, s21;
	v20 =	vld [tilespmem:s24+$0x30];
	v13 =	vmov s21;
	vm0 =	vlt.u32 v30, v1;
	[tilespmem:$0x1FDF0] =	vst v8;
	v8 =	vimm.s32 $0x0  }
0x259: {  	v33 =	vmov s31;
	v12 =	vld [tilespmem:s20+$0x0];
	vm1 =	vlt.u32 v13, v1;
	v8 =	vsel vm0, $0xFFFFFFFF, v8  }
0x25a: {  	v17 =	vld [tilespmem:s24+$0x60];
	v13 =	vimm.s32 $0x0;
	s29 =	sadd.s32 $0xFFFFFF60, s21;
	vm0 =	vlt.u32 v31, v1;
	[tilespmem:$0x1FE20] =	vst v8;
	v8 =	vimm.s32 $0x0  }
0x25b: {  	v26 =	vld [tilespmem:s20+$0x60];
	v13 =	vsel vm1, $0xFFFFFFFF, v13;
	v36 =	vmov s29;
	v8 =	vsel vm0, $0xFFFFFFFF, v8  }
0x25c: {  	v22 =	vld [tilespmem:s20+$0x40];
	vm1 =	vlt.u32 v36, v1;
	vm0 =	vlt.u32 v33, v1;
	[tilespmem:$0x1FE50] =	vst v8;
	v8 =	vimm.s32 $0x0  }
0x25d: {  	v21 =	vld [tilespmem:s24+$0xFFFFFFF0];
	[tilespmem:$0x1FE60] =	vst v9;
	v9 =	vxor.u32 $0x80000000, v23;
	v10 =	vxor.u32 $0x80000000, v11;
	v8 =	vsel vm0, $0xFFFFFFFF, v8  }
0x25e: {  	v14 =	vld [tilespmem:s20+$0x10];
	v11 =	vxor.u32 $0x80000000, v20;
	v20 =	vand.u32 $0x7FFFFFFF, v12;
	[tilespmem:$0x1FE80] =	vst v8;
	v8 =	vimm.s32 $0x0  }
0x25f: {  	v23 =	vld [tilespmem:s24+$0xFFFFFFA0];
	v12 =	vimm.s32 $0x0;
	v8 =	vsel vm1, $0xFFFFFFFF, v8;
	vm1 =	vlt.s32 v9, v7  }
0x260: {  	s26 =	sadd.s32 $0xFFFFFF40, s21;
	[tilespmem:$0x1FE00] =	vst v8;
	v8 =	vxor.u32 $0x80000000, v17;
	v17 =	vand.u32 $0x7FFFFFFF, v26;
	v26 =	vld [tilespmem:s20+$0xFFFFFFA0];
	v12 =	vsel vm1, $0xFFFFFFFF, v12  }
0x261: {  	v59 =	vld [tilespmem:s20+$0xFFFFFFB0];
	v34 =	vmov s26;
	[tilespmem:$0x1FEA0] =	vst v12;
	vm1 =	vlt.s32 v8, v7;
	v12 =	vimm.s32 $0x0  }
0x262: {  	s22 =	sadd.s32 $0xD0, s22;
	vm15 =	vlt.u32 v34, v1;
	v21 =	vxor.u32 $0x80000000, v21;
	v29 =	vld [tilespmem:s24+$0xFFFFFFB0];
	v12 =	vsel vm1, $0xFFFFFFFF, v12  }
0x263: {  	v22 =	vand.u32 $0x7FFFFFFF, v22;
	vm2 =	vlt.s32 v21, v7;
	[tilespmem:$0x1FE70] =	vst v12;
	v12 =	vmul.f32 v17, v6;
	v17 =	vld [tilespmem:s22+$0xFFFFFFA0]  }
0x264: {  	vm4 =	vgt.s32 v21, v5;
	s0 =	sadd.s32 $0xFFFFFF50, s21;
	v60 =	vand.u32 $0x7FFFFFFF, v14;
	v14 =	vmul.f32 v22, v6  }
0x265: {  	v21 =	vld [tilespmem:s22+$0xFFFFFFB0];
	v35 =	vmov s0;
	v23 =	vxor.u32 $0x80000000, v23;
	v26 =	vand.u32 $0x7FFFFFFF, v26  }
0x266: {  	vm7 =	vlt.s32 v23, v7;
	vm14 =	vgt.s32 v23, v5;
	v22 =	vmul.f32 v26, v6  }
0x267: {  	v30 =	vand.u32 $0x7FFFFFFF, v59;
	v29 =	vxor.u32 $0x80000000, v29;
	vm7 =	vmor vm7, vm14  }
0x268: {  	vm7 =	vmand vm15, vm7;
	v17 =	vadd.f32 v22, v17;
	v22 =	vmul.f32 v30, v6  }
0x269: {  	v28 =	vld [tilespmem:s24+$0xFFFFFFE0];
	vm14 =	vlt.s32 v29, v7;
	vm15 =	vgt.s32 v29, v5;
	vm0 =	vlt.u32 v35, v1  }
0x26a: {  	v27 =	vld [tilespmem:s20+$0xFFFFFFC0];
	v17 =	vnsel vm7, $0x0, v17;
	vm7 =	vmor vm14, vm15;
	v21 =	vadd.f32 v22, v21  }
0x26b: {  	[tilespmem:$0x1FE40] =	vst v24;
	v24 =	vld [tilespmem:s24+$0xFFFFFFC0];
	v17 =	vadd.f32 v17, v15;
	vm0 =	vmand vm0, vm7  }
0x26c: {  	v23 =	vld [tilespmem:s22+$0xFFFFFFC0];
	v21 =	vnsel vm0, $0x0, v21  }
0x26d: {  	v17 =	vadd.f32 v21, v17;
	v21 =	vld [tilespmem:$0x1FE00];
	_ =	sdelay $0x1  }
0x26e: {  	v38 =	vld [tilespmem:s20+$0xFFFFFFD0];
	v28 =	vxor.u32 $0x80000000, v28;
	v27 =	vand.u32 $0x7FFFFFFF, v27  }
0x26f: {  	vm12 =	vgt.s32 v28, v5;
	v27 =	vmul.f32 v27, v6;
	v24 =	vxor.u32 $0x80000000, v24  }
0x270: {  	vm11 =	vlt.s32 v28, v7;
	vm13 =	vlt.s32 v24, v7;
	vm7 =	vgt.s32 v24, v5  }
0x271: {  	v28 =	vld [tilespmem:s22+$0xFFFFFFD0];
	v22 =	vadd.f32 v27, v23;
	vm0 =	vmor vm13, vm7;
	vm7 =	vnez.u8 v21  }
0x272: {  	v37 =	vld [tilespmem:s24+$0xFFFFFFD0];
	vm0 =	vmand vm7, vm0  }
0x273: {  	v63 =	vand.u32 $0x7FFFFFFF, v38;
	v22 =	vnsel vm0, $0x0, v22  }
0x274: {  	v26 =	vmul.f32 v63, v6;
	v17 =	vadd.f32 v22, v17;
	v22 =	vld [tilespmem:$0x1FE20]  }
0x275: {  	v32 =	vld [tilespmem:s20+$0xFFFFFFE0]  }
0x276: {  	v23 =	vadd.f32 v26, v28;
	v26 =	vld [tilespmem:$0x1FE30]  }
0x277: {  	v18 =	vld [tilespmem:s24+$0x0];
	v62 =	vxor.u32 $0x80000000, v37  }
0x278: {  	vm6 =	vlt.s32 v62, v7;
	v25 =	vld [tilespmem:s20+$0x50];
	vm7 =	vgt.s32 v62, v5  }
0x279: {  	v19 =	vld [tilespmem:s24+$0x10];
	vm0 =	vmor vm6, vm7;
	vm6 =	vnez.u8 v22  }
0x27a: {  	[tilespmem:$0x1FE10] =	vst v13;
	v13 =	vld [tilespmem:s20+$0xFFFFFFF0];
	vm0 =	vmand vm6, vm0  }
0x27b: {  	v23 =	vnsel vm0, $0x0, v23;
	vm0 =	vmor vm11, vm12;
	vm12 =	vnez.u8 v26;
	v26 =	vld [tilespmem:$0x1FE40]  }
0x27c: {  	v24 =	vld [tilespmem:s22+$0xFFFFFFE0]  }
0x27d: {  	v17 =	vadd.f32 v23, v17;
	v23 =	vld [tilespmem:$0x1FE50]  }
0x27e: {  	v32 =	vand.u32 $0x7FFFFFFF, v32  }
0x27f: {  	v25 =	vand.u32 $0x7FFFFFFF, v25;
	v19 =	vxor.u32 $0x80000000, v19;
	v61 =	vand.u32 $0x7FFFFFFF, v13  }
0x280: {  	v13 =	vmul.f32 v25, v6;
	v25 =	vmul.f32 v32, v6;
	vm11 =	vnez.u8 v26;
	v26 =	vld [tilespmem:$0x1FE70]  }
0x281: {  	v18 =	vxor.u32 $0x80000000, v18;
	vm3 =	vlt.s32 v19, v7;
	vm5 =	vgt.s32 v19, v5  }
0x282: {  	vm5 =	vmor vm3, vm5;
	v25 =	vadd.f32 v25, v24;
	vm3 =	vnez.u8 v23  }
0x283: {  	vm10 =	vgt.s32 v18, v5;
	vm1 =	vlt.s32 v18, v7;
	vm3 =	vmand vm3, vm0  }
0x284: {  	vm0 =	vmor vm1, vm10;
	v25 =	vnsel vm3, $0x0, v25  }
0x285: {  	vm1 =	vmor vm2, vm4;
	vm4 =	vnez.u8 v26;
	v26 =	vadd.f32 v25, v17;
	v17 =	vld [tilespmem:$0x1FE80]  }
0x286: {  	v27 =	vld [tilespmem:s22+$0xFFFFFFF0]  }
0x287: {  	v16 =	vld [tilespmem:s20+$0x30]  }
0x288: {  	v15 =	vld [tilespmem:$0x1FDF0]  }
0x289: {  	v29 =	vld [tilespmem:$0x1FDE0];
	v18 =	vmul.f32 v61, v6  }
0x28a: {  	vm2 =	vnez.u8 v17;
	v17 =	vld [tilespmem:$0x1FE90]  }
0x28b: {  	v27 =	vadd.f32 v18, v27;
	v18 =	vld [tilespmem:s22+$0x50]  }
0x28c: {  	v21 =	vld [tilespmem:$0x1FE10]  }
0x28d: {  	vm13 =	vnez.u8 v15;
	v15 =	vld [tilespmem:s22+$0x60]  }
0x28e: {  	s23 =	sadd.s32 $0xD, s23;
	s30 =	sand.u32 $0x7F80, s25;
	s31 =	sand.u32 $0x70, s26;
	v23 =	vld [tilespmem:$0x1FE60]  }
0x28f: {  	p0 =	slt.u32 s23, $0x215;
	s0 =	sor.u32 s31, s30;
	vm3 =	vmand vm2, vm1;
	vm1 =	vnez.u8 v17;
	v17 =	vld [tilespmem:$0x1FEA0]  }
.Ltmp5:
0x290: {  	v24 =	vld [tilespmem:s0+$0x0];
	(pc) =	sbr.rel @p0 .LBB2_11-.Ltmp5, $4  }
0x291: {  	v16 =	vand.u32 $0x7FFFFFFF, v16;
	vm7 =	vnez.u8 v21;
	v21 =	vld [tilespmem:s22+$0x10]  }
0x292: {  	v16 =	vmul.f32 v16, v6;
	v19 =	vmul.f32 v60, v6;
	vm8 =	vlt.s32 v10, v7;
	v22 =	vld [tilespmem:s22+$0x0]  }
0x293: {  	vm9 =	vlt.s32 v11, v7;
	v20 =	vmul.f32 v20, v6;
	vm14 =	vnez.u8 v29;
	v25 =	vld [tilespmem:s0+$0x2280]  }
0x294: {  	s24 =	sadd.s32 $0xD0, s24;
	vm10 =	vnez.u8 v23;
	v23 =	vld [tilespmem:s0+$0x6780];
	vm1 =	vmand vm1, vm5;
	vm5 =	vnez.u8 v17  }
0x295: {  	_ =	sdelay $0x1  }
0x296: {  	v17 =	vnsel vm3, $0x0, v27;
	vm0 =	vmand vm14, vm0;
	v20 =	vadd.f32 v20, v22  }
0x297: {  	v59 =	vand.u32 $0x7FFFFFFF, v24;
	v60 =	vld [tilespmem:s22+$0x30];
	v19 =	vadd.f32 v19, v21;
	v17 =	vadd.f32 v17, v26  }
0x298: {  	v6 =	vmul.f32 v59, v6;
	v20 =	vnsel vm0, $0x0, v20;
	v23 =	vxor.u32 $0x80000000, v23  }
0x299: {  	v17 =	vadd.f32 v20, v17;
	vm0 =	vlt.s32 v23, v7;
	vm2 =	vgt.s32 v23, v5;
	v7 =	vld [tilespmem:s22+$0x40]  }
0x29a: {  	v19 =	vnsel vm1, $0x0, v19;
	v6 =	vadd.f32 v6, v25;
	vm0 =	vmor vm0, vm2  }
0x29b: {  	vm1 =	vgt.s32 v11, v5;
	v17 =	vadd.f32 v19, v17;
	vm0 =	vmand vm13, vm0  }
0x29c: {  	v61 =	vadd.f32 v16, v60;
	v6 =	vnsel vm0, $0x0, v6;
	vm0 =	vmor vm9, vm1  }
0x29d: {  	vm1 =	vgt.s32 v10, v5;
	v6 =	vadd.f32 v6, v17;
	vm0 =	vmand vm12, vm0  }
0x29e: {  	v62 =	vnsel vm0, $0x0, v61;
	vm0 =	vmor vm8, vm1;
	v7 =	vadd.f32 v14, v7  }
0x29f: {  	vm1 =	vgt.s32 v9, v5;
	v6 =	vadd.f32 v62, v6;
	vm0 =	vmand vm11, vm0  }
0x2a0: {  	v63 =	vadd.f32 v13, v18;
	v7 =	vnsel vm0, $0x0, v7;
	vm0 =	vmor vm5, vm1  }
0x2a1: {  	vm1 =	vgt.s32 v8, v5;
	v6 =	vadd.f32 v7, v6;
	vm0 =	vmand vm10, vm0  }
0x2a2: {  	v7 =	vadd.f32 v12, v15;
	v5 =	vnsel vm0, $0x0, v63;
	vm0 =	vmor vm4, vm1  }
0x2a3: {  	v5 =	vadd.f32 v5, v6;
	vm0 =	vmand vm7, vm0  }
0x2a4: {  	v6 =	vnsel vm0, $0x0, v7  }
0x2a5: {  	v5 =	vadd.f32 v6, v5;
	_ =	sdelay $0x1  }
0x2a6: {  	(xrf2) =	vadd.scan.msk.f32 $0xffff, v5  }
0x2a7: {  	s0 =	scvt.s32.f32 s19;
	_ =	sdelay $0x1  }
0x2a8: {  	v5 =	vmov s0  }
0x2a9: {  	(erf) = vrcp.f32 v5;
	_ =	sdelay $0x2  }
0x2aa: {  	v6 =	vld [tilespmem:$0x1FF60];
	_ =	sdelay $0x2  }
0x2ab: {  	v5, _, _ =	vpop (xrf2)  }
0x2ac: {  	v5 =	vbroadcast v5, $0xF  }
0x2ad: {  	vm5 =	vnez.u8 v6  }
0x2ae: {  	v6 =	vpop (erf);
	v5 =	vnsel vm5, $0x0, v5  }
0x2af: {  	v5 =	vmul.f32 v5, v6;
	_ =	sdelay $0x1  }
0x2b0: {  	[tilespmem:$0x8C80] =	vst v5  }
0x2b1: {  	[hbm4b:s6+s3] =	stream.linear.scatter [tilespmem:s17], [sflag:$0x1], $0x80, $0x38;
	[tilespmem:$0x8D00] =	vst v63  }
0x2b2: {  	_ =	swait.ge [sflag:s11], $0x80  }
0x2b3: {  	v5 =	vld [tilespmem:$0x1FF70];
	_ =	sdelay $0x4  }
0x2b4: {  	vm6 =	vnez.u8 v5;
	v5 =	vld [tilespmem:$0x1FF80];
	_ =	sdelay $0x4  }
0x2b5: {  	vm7 =	vnez.u8 v5;
	v5 =	vld [tilespmem:$0x1FF90];
	_ =	sdelay $0x4  }
0x2b6: {  	vm8 =	vnez.u8 v5;
	v5 =	vld [tilespmem:$0x1FFA0];
	_ =	sdelay $0x4  }
0x2b7: {  	vm9 =	vnez.u8 v5;
	v5 =	vld [tilespmem:$0x1FFB0];
	_ =	sdelay $0x4  }
0x2b8: {  	vm10 =	vnez.u8 v5;
	v5 =	vld [tilespmem:$0x1FFC0];
	_ =	sdelay $0x4  }
0x2b9: {  	vm11 =	vnez.u8 v5;
	v5 =	vld [tilespmem:$0x1FFD0];
	_ =	sdelay $0x4  }
0x2ba: {  	vm12 =	vnez.u8 v5;
	v5 =	vld [tilespmem:$0x1FFE0];
	_ =	sdelay $0x3  }
0x2bb: {  	s18 =	sadd.s32 $0x1, s18  }
0x2bc: {  	p0 =	sne.s32 s18, s8;
	vm13 =	vnez.u8 v5;
	v5 =	vld [tilespmem:$0x1FFF0]  }
.Ltmp6:
0x2bd: {  	_ = 	snop;
	(pc) =	sbr.rel @p0 .LBB2_2-.Ltmp6, $3  }
0x2be: {  	_ =	sdelay $0x1  }
0x2bf: {  	[sflag:s11] =	ssyncset.done $0x0  }
0x2c0: {  	[sflag:s11] =	ssyncadd.s32 $0xFFFFFF80;
	vm14 =	vnez.u8 v5  }
.LBB2_13:
0x2c1: {  	_ =	sfence.sel $0x180000  }
0x2c2: {  	[bflag:$0x0] =	sbarrier.arrive $0xFFFF  }
0x2c3: {  	_ =	strace $0x90000047  }
0x2c4: {  	[bflag:$0x2] =	sbarrier.arrive $0xFFFF  }
0x2c5: {  	p0 =	sne.s32 s1, $0x0;
	s0 =	rddreg [dreg:$0x2]  }
0x2c6: {  	s0 =	sadd.s32 @!p0 $0x100000, s0  }
0x2c7: {  	[sflag:s0] =	ssyncadd.tile.s32 @!p0 $0x1;
	_ =	shalt  }
.Lfunc_end2:
_tile_overlayer_lowered:
.L_overlay_start_2:
0x2c8: {  	(tag) =	ssettag $0x2  }
0x2c9: {  	s0 =	rddreg [dreg:$0x0];
	s2 =	stileid.u32  }
0x2ca: {  	s1 =	rddreg [dreg:$0x1];
	p0 =	sne.s32 s2, $0x0  }
0x2cb: {  	s3 =	rddreg [dreg:$0x2];
	[bflag:$0x3] =	sbarrier.arrive $0xFFFF;
	s2 =	simm.s32 @!p0 $0x1C01  }
0x2cc: {  	[timem:s3], [sflag:s2] =	dma.local @!p0 [hbm:s0], s1  }
0x2cd: {  	s0 =	simm.s32 @!p0 $0x1  }
0x2ce: {  	_ =	swait.ge @!p0 [sflag:s0], s1  }
0x2cf: {  	s1 =	ssub.s32 @!p0 $0x0, s1;
	[sflag:s0] =	ssyncset.done @!p0 $0x0  }
0x2d0: {  	[sflag:s0] =	ssyncadd.s32 @!p0 s1  }
0x2d1: {  	[bflag:$0x3] =	sbarrier.arrive $0xFFFF  }
0x2d2: {  	_ =	shalt  }

</sc_bundles>
